<compile_context>
chip_gen: v7x
topology: tpu7x:2x2x1
jax: 0.10.2.dev20260603
libtpu: 0.0.44.dev20260713+nightly
codegen_flags: <defaults>
</compile_context>

<pallas_src>
import functools

import jax
import jax.numpy as jnp
from jax import lax
from jax.experimental import pallas as pl
from jax.experimental.pallas import tpu as pltpu
from jax.experimental.pallas import tpu_sc as plsc

N = 10000
NP = 10240
E = 320000
CHUNK = 128
NC = 2
NS = 16
NCH32 = 80
NCH16 = 160
SUB = 2
NBIG = NCH16 // SUB
NBIG32 = NCH32 // SUB
EP = 32 * NCH32 * CHUNK
ROWS_PER_TILE = NP // NS
STAGE = 160
DUMP_STEPS = ROWS_PER_TILE // STAGE


def _zero_acc(zeros_hbm, stage_v, acc_sh, sid):
  pltpu.sync_copy(zeros_hbm, stage_v)

  @pl.loop(0, DUMP_STEPS)
  def _(k):
    pltpu.sync_copy(stage_v,
                    acc_sh.at[pl.ds(sid * ROWS_PER_TILE + k * STAGE, STAGE)])


def _dump_acc(acc_sh, stage_v, out_slice_fn, sid):
  @pl.loop(0, DUMP_STEPS)
  def _(k):
    r0 = sid * ROWS_PER_TILE + k * STAGE
    pltpu.sync_copy(acc_sh.at[pl.ds(r0, STAGE)], stage_v)
    pltpu.sync_copy(stage_v, out_slice_fn(r0))


def _pipelined_loop(nch, gd, rows_a, rows_b, scatter):
  @pl.loop(0, nch - 2, step=2)
  def _(j):
    gd(j + 1, rows_b).start()
    gd(j, rows_a).wait()
    scatter(j, rows_a)
    gd(j + 2, rows_a).start()
    gd(j + 1, rows_b).wait()
    scatter(j + 1, rows_b)

  gd(nch - 1, rows_b).start()
  gd(nch - 2, rows_a).wait()
  scatter(nch - 2, rows_a)
  gd(nch - 1, rows_b).wait()
  scatter(nch - 1, rows_b)


@functools.lru_cache(maxsize=None)
def _make_prop_split():
  mesh = plsc.VectorSubcoreMesh(core_axis_name="c", subcore_axis_name="s")

  @functools.partial(
      pl.kernel,
      out_type=jax.ShapeDtypeStruct((NC, NP, 64), jnp.float32),
      mesh=mesh,
      scratch_types=[
          pltpu.VMEM((NBIG, SUB * CHUNK), jnp.int32),
          pltpu.VMEM((NBIG, SUB * CHUNK), jnp.int32),
          pltpu.VMEM((SUB * CHUNK, 64), jnp.float32),
          pltpu.VMEM((SUB * CHUNK, 64), jnp.float32),
          pltpu.VMEM((STAGE, 64), jnp.float32),
          pltpu.VMEM_SHARED((NP, 64), jnp.float32),
          pltpu.SemaphoreType.DMA,
          pltpu.SemaphoreType.DMA,
      ],
      compiler_params=pltpu.CompilerParams(use_tc_tiling_on_sc=False),
  )
  def prop(src_hbm, dst_hbm, table_hbm, zeros_hbm, out_hbm,
           src_v, dst_v, rows_a, rows_b, stage_v, acc_sh, sem_a, sem_b):
    cid = lax.axis_index("c")
    sid = lax.axis_index("s")

    pltpu.sync_copy(src_hbm.at[sid], src_v)
    pltpu.sync_copy(dst_hbm.at[sid], dst_v)

    def gd(j, rows):
      sem = sem_a if rows is rows_a else sem_b
      return pltpu.make_async_copy(table_hbm.at[cid].at[src_v.at[j]],
                                   rows, sem)

    def scatter(j, rows):
      pltpu.sync_copy(rows, acc_sh.at[dst_v.at[j]], add=True)

    _zero_acc(zeros_hbm, stage_v, acc_sh, sid)
    plsc.subcore_barrier()

    gd(0, rows_a).start()
    _pipelined_loop(NBIG, gd, rows_a, rows_b, scatter)

    plsc.subcore_barrier()
    _dump_acc(acc_sh, stage_v,
              lambda r0: out_hbm.at[cid, pl.ds(r0, STAGE)], sid)

  return prop


@functools.lru_cache(maxsize=None)
def _make_prop16():
  mesh = plsc.VectorSubcoreMesh(core_axis_name="c", subcore_axis_name="s")

  @functools.partial(
      pl.kernel,
      out_type=jax.ShapeDtypeStruct((NC, NP, 16), jnp.float32),
      mesh=mesh,
      scratch_types=[
          pltpu.VMEM((NBIG32, SUB * CHUNK), jnp.int32),
          pltpu.VMEM((NBIG32, SUB * CHUNK), jnp.int32),
          pltpu.VMEM((SUB * CHUNK, 16), jnp.float32),
          pltpu.VMEM((SUB * CHUNK, 16), jnp.float32),
          pltpu.VMEM((STAGE, 16), jnp.float32),
          pltpu.VMEM_SHARED((NP, 16), jnp.float32),
          pltpu.SemaphoreType.DMA,
          pltpu.SemaphoreType.DMA,
      ],
      compiler_params=pltpu.CompilerParams(use_tc_tiling_on_sc=False),
  )
  def prop(src_hbm, dst_hbm, table_hbm, zeros_hbm, out_hbm,
           src_v, dst_v, rows_a, rows_b, stage_v, acc_sh, sem_a, sem_b):
    cid = lax.axis_index("c")
    sid = lax.axis_index("s")
    wid = cid * NS + sid

    pltpu.sync_copy(src_hbm.at[wid], src_v)
    pltpu.sync_copy(dst_hbm.at[wid], dst_v)

    def gd(j, rows):
      sem = sem_a if rows is rows_a else sem_b
      return pltpu.make_async_copy(table_hbm.at[src_v.at[j]], rows, sem)

    def scatter(j, rows):
      pltpu.sync_copy(rows, acc_sh.at[dst_v.at[j]], add=True)

    _zero_acc(zeros_hbm, stage_v, acc_sh, sid)
    plsc.subcore_barrier()

    gd(0, rows_a).start()
    _pipelined_loop(NBIG32, gd, rows_a, rows_b, scatter)

    plsc.subcore_barrier()
    _dump_acc(acc_sh, stage_v,
              lambda r0: out_hbm.at[cid, pl.ds(r0, STAGE)], sid)

  return prop


def _tc_mm1(x_ref, w_ref, z_ref):
  z_ref[...] = jnp.dot(x_ref[...], w_ref[...],
                       preferred_element_type=jnp.float32)


def _tc_first(p16_ref, mask_ref, z_ref, dinv_ref, h_ref):
  deg = p16_ref[0][:, 0:1] + p16_ref[1][:, 0:1] + 1.0
  dinv = lax.rsqrt(deg) * mask_ref[...]
  dinv_ref[...] = dinv
  z = dinv * z_ref[...]
  h_ref[0] = z[:, :64]
  h_ref[1] = z[:, 64:]


def _tc_mid(s_ref, h_ref, dinv_ref, b_ref, w_ref, o_ref):
  dinv = dinv_ref[...]
  full = jnp.concatenate([s_ref[0] + h_ref[0], s_ref[1] + h_ref[1]], axis=1)
  u = dinv * full + b_ref[...]
  a = jnp.maximum(u, 0.0)
  z = dinv * jnp.dot(a, w_ref[...], preferred_element_type=jnp.float32)
  o_ref[0] = z[:, :64]
  o_ref[1] = z[:, 64:]


def _tc_last(s_ref, h_ref, dinv_ref, b_ref, w_ref, o_ref):
  dinv = dinv_ref[...]
  full = jnp.concatenate([s_ref[0] + h_ref[0], s_ref[1] + h_ref[1]], axis=1)
  u = dinv * full + b_ref[...]
  a = jnp.maximum(u, 0.0)
  o_ref[...] = dinv * jnp.dot(a, w_ref[...],
                              preferred_element_type=jnp.float32)


def _tc_out(p_ref, h_ref, dinv_ref, b_ref, o_ref):
  o_ref[...] = (dinv_ref[...] * (p_ref[0] + p_ref[1] + h_ref[...])
                + b_ref[...])


def kernel(x, edge_index, W1, b1, W2, b2, W3, b3, W4, b4, W5, b5, W9, b9):
  f32 = jnp.float32

  src = edge_index[0].astype(jnp.int32)
  dst = edge_index[1].astype(jnp.int32)
  padlen = EP - E
  src = jnp.concatenate([src, jnp.full((padlen,), N, jnp.int32)])
  dst = jnp.concatenate([dst, jnp.full((padlen,), N, jnp.int32)])
  src32 = src.reshape(NC * NS, NBIG32, SUB * CHUNK)
  dst32 = dst.reshape(NC * NS, NBIG32, SUB * CHUNK)
  src16 = src.reshape(NS, NBIG, SUB * CHUNK)
  dst16 = dst.reshape(NS, NBIG, SUB * CHUNK)

  xp = jnp.zeros((NP, 128), f32).at[:N].set(x)
  mask = (jnp.arange(NP) < N).astype(f32)[:, None]
  ones16 = jnp.zeros((NP, 16), f32).at[:N].set(1.0)
  zeros64 = jnp.zeros((STAGE, 64), f32)
  zeros16 = jnp.zeros((STAGE, 16), f32)
  W9p = jnp.zeros((128, 16), f32).at[:, :5].set(W9)
  b9p = jnp.zeros((16,), f32).at[:5].set(b9)

  prop_split = _make_prop_split()
  prop16 = _make_prop16()

  p_deg = prop16(src32, dst32, ones16, zeros16)
  z1 = pl.pallas_call(
      _tc_mm1,
      out_shape=jax.ShapeDtypeStruct((NP, 128), f32),
  )(xp, W1)

  dinv, h = pl.pallas_call(
      _tc_first,
      out_shape=(jax.ShapeDtypeStruct((NP, 1), f32),
                 jax.ShapeDtypeStruct((NC, NP, 64), f32)),
  )(p_deg, mask, z1)

  for W_next, b_prev in ((W2, b1), (W3, b2), (W4, b3), (W5, b4)):
    s = prop_split(src16, dst16, h, zeros64)
    h = pl.pallas_call(
        _tc_mid,
        out_shape=jax.ShapeDtypeStruct((NC, NP, 64), f32),
    )(s, h, dinv, b_prev.reshape(1, 128), W_next)

  s = prop_split(src16, dst16, h, zeros64)
  h6 = pl.pallas_call(
      _tc_last,
      out_shape=jax.ShapeDtypeStruct((NP, 16), f32),
  )(s, h, dinv, b5.reshape(1, 128), W9p)

  p6 = prop16(src32, dst32, h6, zeros16)
  out = pl.pallas_call(
      _tc_out,
      out_shape=jax.ShapeDtypeStruct((NP, 16), f32),
  )(p6, h6, dinv, b9p.reshape(1, 16))
  return out[:N, :5]

# --- scband reference (transcript-rebuilt; emitter-appended) ---
"""Pipeline reference for scband-gcnnet-28698971471906 (READ-ONLY COPY).

The authoritative reference and input builder live on the scoring server;
editing this copy changes nothing except your own understanding.
"""

import jax, jax.numpy as jnp
import numpy as np

N = 10000
E = 320000
D = 128
C = 128
OUT = 5


def gcn_conv(x, edge_index, W, b):
    # PyG GCNConv: add self-loops, symmetric normalization D^-1/2 (A+I) D^-1/2 (x W) + b
    n = x.shape[0]
    loops = jnp.arange(n, dtype=edge_index.dtype)
    src = jnp.concatenate([edge_index[0], loops])
    dst = jnp.concatenate([edge_index[1], loops])
    ones = jnp.ones(src.shape[0], dtype=x.dtype)
    deg = jax.ops.segment_sum(ones, dst, num_segments=n)
    dinv = jnp.where(deg > 0, jax.lax.rsqrt(deg), jnp.zeros_like(deg))
    norm = dinv[src] * dinv[dst]
    h = x @ W
    msg = jnp.take(h, src, axis=0) * norm[:, None]
    out = jax.ops.segment_sum(msg, dst, num_segments=n)
    return out + b


def setup_inputs(seed: int = 0) -> dict:
    key = jax.random.key(seed)
    ks = jax.random.split(key, 16)
    x = jax.random.normal(ks[0], (N, D), dtype=jnp.float32)
    edge_index = jax.random.randint(ks[1], (2, E), 0, N, dtype=jnp.int64)
    def glorot(k, fan_in, fan_out):
        s = (6.0 / (fan_in + fan_out)) ** 0.5
        return jax.random.uniform(k, (fan_in, fan_out), dtype=jnp.float32, minval=-s, maxval=s)
    inp = {
        "x": x,
        "edge_index": edge_index,
        "W1": glorot(ks[2], D, C), "b1": jnp.zeros((C,), jnp.float32),
        "W2": glorot(ks[3], C, C), "b2": jnp.zeros((C,), jnp.float32),
        "W3": glorot(ks[4], C, C), "b3": jnp.zeros((C,), jnp.float32),
        "W4": glorot(ks[5], C, C), "b4": jnp.zeros((C,), jnp.float32),
        "W5": glorot(ks[6], C, C), "b5": jnp.zeros((C,), jnp.float32),
        "W9": glorot(ks[7], C, OUT), "b9": jnp.zeros((OUT,), jnp.float32),
    }
    return inp


def reference(x, edge_index, W1, b1, W2, b2, W3, b3, W4, b4, W5, b5, W9, b9):
    # GCNNet.forward (eval mode: dropout is identity)
    h = jax.nn.relu(gcn_conv(x, edge_index, W1, b1))
    h = jax.nn.relu(gcn_conv(h, edge_index, W2, b2))
    h = jax.nn.relu(gcn_conv(h, edge_index, W3, b3))
    h = jax.nn.relu(gcn_conv(h, edge_index, W4, b4))
    h = jax.nn.relu(gcn_conv(h, edge_index, W5, b5))
    out = gcn_conv(h, edge_index, W9, b9)
    return out

if __name__ == "__main__":
    import jax
    _d = setup_inputs()
    print(jax.jit(kernel)(*tuple(_d.values())))

</pallas_src>

<mosaic_0001>
#map = affine_map<(d0, d1) -> (0, 0, 0)>
#map1 = affine_map<(d0, d1) -> (0, 0)>
module attributes {stable_mosaic.version = 14 : i64} {
  func.func @prop(%arg0: i32, %arg1: i32, %arg2: memref<32x40x256xi32, #tpu.memory_space<hbm>>, %arg3: memref<32x40x256xi32, #tpu.memory_space<hbm>>, %arg4: memref<10240x16xf32, #tpu.memory_space<hbm>>, %arg5: memref<160x16xf32, #tpu.memory_space<hbm>>, %arg6: memref<2x10240x16xf32, #tpu.memory_space<hbm>>, %arg7: memref<40x256xi32, #tpu.memory_space<vmem>>, %arg8: memref<40x256xi32, #tpu.memory_space<vmem>>, %arg9: memref<256x16xf32, #tpu.memory_space<vmem>>, %arg10: memref<256x16xf32, #tpu.memory_space<vmem>>, %arg11: memref<160x16xf32, #tpu.memory_space<vmem>>, %arg12: memref<10240x16xf32, #tpu.memory_space<vmem_shared>>, %arg13: memref<!tpu.dma_semaphore, #tpu.memory_space<semaphore_mem>>, %arg14: memref<!tpu.dma_semaphore, #tpu.memory_space<semaphore_mem>>) attributes {dimension_semantics = [#tpu.dimension_semantics<core_parallel>, #tpu.dimension_semantics<subcore_parallel>], iteration_bounds = array<i64: 2, 16>, scalar_prefetch = 0 : i64, scratch_operands = 8 : i64, tpu.core_type = #tpu.core_type<sc_vector_subcore>, window_params = [{transform_indices = #map}, {transform_indices = #map}, {transform_indices = #map1}, {transform_indices = #map1}, {transform_indices = #map}]} {
    %mul3A = arith.constant 16 : i32
    %mul3A_0 = arith.muli %arg0, %mul3A : i32
    %add3A = arith.addi %mul3A_0, %arg1 : i32
    "tpu.region"() ({
      %run_scoped3A_43 = tpu.sem_alloc : memref<!tpu.dma_semaphore, #tpu.memory_space<semaphore_mem>>
      %dma_start3A_44 = arith.constant 0 : i32
      %dma_start3A_45 = arith.constant 0 : i32
      %dma_start3A_46 = tpu.memref_slice %arg2[%add3A, %dma_start3A_44, %dma_start3A_45] : memref<32x40x256xi32, #tpu.memory_space<hbm>> -> memref<1x40x256xi32, #tpu.memory_space<hbm>>
      %dma_start3A_47 = tpu.memref_squeeze %dma_start3A_46 : memref<1x40x256xi32, #tpu.memory_space<hbm>> -> memref<40x256xi32, #tpu.memory_space<hbm>>
      %dma_start3A_48 = arith.constant 0 : i32
      %dma_start3A_49 = arith.constant 0 : i32
      %dma_start3A_50 = tpu.memref_slice %arg2[%add3A, %dma_start3A_48, %dma_start3A_49] : memref<32x40x256xi32, #tpu.memory_space<hbm>> -> memref<1x40x256xi32, #tpu.memory_space<hbm>>
      %dma_start3A_51 = tpu.memref_squeeze %dma_start3A_50 : memref<1x40x256xi32, #tpu.memory_space<hbm>> -> memref<40x256xi32, #tpu.memory_space<hbm>>
      tpu.enqueue_dma source(%dma_start3A_51 : memref<40x256xi32, #tpu.memory_space<hbm>>) target(%arg7 : memref<40x256xi32, #tpu.memory_space<vmem>>) target_semaphore(%run_scoped3A_43 : memref<!tpu.dma_semaphore, #tpu.memory_space<semaphore_mem>>)
      %dma_wait3A_52 = arith.constant 0 : i32
      %dma_wait3A_53 = arith.constant 0 : i32
      %dma_wait3A_54 = tpu.memref_slice %arg2[%add3A, %dma_wait3A_52, %dma_wait3A_53] : memref<32x40x256xi32, #tpu.memory_space<hbm>> -> memref<1x40x256xi32, #tpu.memory_space<hbm>>
      %dma_wait3A_55 = tpu.memref_squeeze %dma_wait3A_54 : memref<1x40x256xi32, #tpu.memory_space<hbm>> -> memref<40x256xi32, #tpu.memory_space<hbm>>
      %dma_wait3A_56 = arith.constant 0 : i32
      %dma_wait3A_57 = arith.constant 0 : i32
      %dma_wait3A_58 = tpu.memref_slice %arg2[%add3A, %dma_wait3A_56, %dma_wait3A_57] : memref<32x40x256xi32, #tpu.memory_space<hbm>> -> memref<1x40x256xi32, #tpu.memory_space<hbm>>
      %dma_wait3A_59 = tpu.memref_squeeze %dma_wait3A_58 : memref<1x40x256xi32, #tpu.memory_space<hbm>> -> memref<40x256xi32, #tpu.memory_space<hbm>>
      tpu.wait_dma2 semaphore(%run_scoped3A_43 : memref<!tpu.dma_semaphore, #tpu.memory_space<semaphore_mem>>) src(%dma_wait3A_59 : memref<40x256xi32, #tpu.memory_space<hbm>>) dst(%arg7 : memref<40x256xi32, #tpu.memory_space<vmem>>)
      tpu.yield
    }) : () -> ()
    "tpu.region"() ({
      %run_scoped3A_43 = tpu.sem_alloc : memref<!tpu.dma_semaphore, #tpu.memory_space<semaphore_mem>>
      %dma_start3A_44 = arith.constant 0 : i32
      %dma_start3A_45 = arith.constant 0 : i32
      %dma_start3A_46 = tpu.memref_slice %arg3[%add3A, %dma_start3A_44, %dma_start3A_45] : memref<32x40x256xi32, #tpu.memory_space<hbm>> -> memref<1x40x256xi32, #tpu.memory_space<hbm>>
      %dma_start3A_47 = tpu.memref_squeeze %dma_start3A_46 : memref<1x40x256xi32, #tpu.memory_space<hbm>> -> memref<40x256xi32, #tpu.memory_space<hbm>>
      %dma_start3A_48 = arith.constant 0 : i32
      %dma_start3A_49 = arith.constant 0 : i32
      %dma_start3A_50 = tpu.memref_slice %arg3[%add3A, %dma_start3A_48, %dma_start3A_49] : memref<32x40x256xi32, #tpu.memory_space<hbm>> -> memref<1x40x256xi32, #tpu.memory_space<hbm>>
      %dma_start3A_51 = tpu.memref_squeeze %dma_start3A_50 : memref<1x40x256xi32, #tpu.memory_space<hbm>> -> memref<40x256xi32, #tpu.memory_space<hbm>>
      tpu.enqueue_dma source(%dma_start3A_51 : memref<40x256xi32, #tpu.memory_space<hbm>>) target(%arg8 : memref<40x256xi32, #tpu.memory_space<vmem>>) target_semaphore(%run_scoped3A_43 : memref<!tpu.dma_semaphore, #tpu.memory_space<semaphore_mem>>)
      %dma_wait3A_52 = arith.constant 0 : i32
      %dma_wait3A_53 = arith.constant 0 : i32
      %dma_wait3A_54 = tpu.memref_slice %arg3[%add3A, %dma_wait3A_52, %dma_wait3A_53] : memref<32x40x256xi32, #tpu.memory_space<hbm>> -> memref<1x40x256xi32, #tpu.memory_space<hbm>>
      %dma_wait3A_55 = tpu.memref_squeeze %dma_wait3A_54 : memref<1x40x256xi32, #tpu.memory_space<hbm>> -> memref<40x256xi32, #tpu.memory_space<hbm>>
      %dma_wait3A_56 = arith.constant 0 : i32
      %dma_wait3A_57 = arith.constant 0 : i32
      %dma_wait3A_58 = tpu.memref_slice %arg3[%add3A, %dma_wait3A_56, %dma_wait3A_57] : memref<32x40x256xi32, #tpu.memory_space<hbm>> -> memref<1x40x256xi32, #tpu.memory_space<hbm>>
      %dma_wait3A_59 = tpu.memref_squeeze %dma_wait3A_58 : memref<1x40x256xi32, #tpu.memory_space<hbm>> -> memref<40x256xi32, #tpu.memory_space<hbm>>
      tpu.wait_dma2 semaphore(%run_scoped3A_43 : memref<!tpu.dma_semaphore, #tpu.memory_space<semaphore_mem>>) src(%dma_wait3A_59 : memref<40x256xi32, #tpu.memory_space<hbm>>) dst(%arg8 : memref<40x256xi32, #tpu.memory_space<vmem>>)
      tpu.yield
    }) : () -> ()
    "tpu.region"() ({
      %run_scoped3A_43 = tpu.sem_alloc : memref<!tpu.dma_semaphore, #tpu.memory_space<semaphore_mem>>
      tpu.enqueue_dma source(%arg5 : memref<160x16xf32, #tpu.memory_space<hbm>>) target(%arg11 : memref<160x16xf32, #tpu.memory_space<vmem>>) target_semaphore(%run_scoped3A_43 : memref<!tpu.dma_semaphore, #tpu.memory_space<semaphore_mem>>)
      tpu.wait_dma2 semaphore(%run_scoped3A_43 : memref<!tpu.dma_semaphore, #tpu.memory_space<semaphore_mem>>) src(%arg5 : memref<160x16xf32, #tpu.memory_space<hbm>>) dst(%arg11 : memref<160x16xf32, #tpu.memory_space<vmem>>)
      tpu.yield
    }) : () -> ()
    %scan3A = arith.constant 0 : i32
    %scan3A_1 = arith.constant 4 : i32
    %scan3A_2 = arith.addi %scan3A, %scan3A_1 : i32
    %scan3A_3 = arith.constant 1 : i32
    scf.for %scan3A_43 = %scan3A to %scan3A_2 step %scan3A_3  : i32 {
      %mul3A_44 = arith.constant 1 : i32
      %mul3A_45 = arith.muli %scan3A_43, %mul3A_44 : i32
      %add3A_46 = arith.constant 0 : i32
      %add3A_47 = arith.addi %add3A_46, %mul3A_45 : i32
      %mul3A_48 = arith.constant 640 : i32
      %mul3A_49 = arith.muli %arg1, %mul3A_48 : i32
      %mul3A_50 = arith.constant 160 : i32
      %mul3A_51 = arith.muli %add3A_47, %mul3A_50 : i32
      %add3A_52 = arith.addi %mul3A_49, %mul3A_51 : i32
      "tpu.region"() ({
        %run_scoped3A_53 = tpu.sem_alloc : memref<!tpu.dma_semaphore, #tpu.memory_space<semaphore_mem>>
        %dma_start3A_54 = arith.constant 0 : i32
        %dma_start3A_55 = tpu.memref_slice %arg12[%add3A_52, %dma_start3A_54] : memref<10240x16xf32, #tpu.memory_space<vmem_shared>> -> memref<160x16xf32, #tpu.memory_space<vmem_shared>>
        %dma_start3A_56 = arith.constant 0 : i32
        %dma_start3A_57 = tpu.memref_slice %arg12[%add3A_52, %dma_start3A_56] : memref<10240x16xf32, #tpu.memory_space<vmem_shared>> -> memref<160x16xf32, #tpu.memory_space<vmem_shared>>
        tpu.enqueue_dma source(%arg11 : memref<160x16xf32, #tpu.memory_space<vmem>>) target(%dma_start3A_57 : memref<160x16xf32, #tpu.memory_space<vmem_shared>>) target_semaphore(%run_scoped3A_53 : memref<!tpu.dma_semaphore, #tpu.memory_space<semaphore_mem>>)
        %dma_wait3A_58 = arith.constant 0 : i32
        %dma_wait3A_59 = tpu.memref_slice %arg12[%add3A_52, %dma_wait3A_58] : memref<10240x16xf32, #tpu.memory_space<vmem_shared>> -> memref<160x16xf32, #tpu.memory_space<vmem_shared>>
        %dma_wait3A_60 = arith.constant 0 : i32
        %dma_wait3A_61 = tpu.memref_slice %arg12[%add3A_52, %dma_wait3A_60] : memref<10240x16xf32, #tpu.memory_space<vmem_shared>> -> memref<160x16xf32, #tpu.memory_space<vmem_shared>>
        tpu.wait_dma2 semaphore(%run_scoped3A_53 : memref<!tpu.dma_semaphore, #tpu.memory_space<semaphore_mem>>) src(%arg11 : memref<160x16xf32, #tpu.memory_space<vmem>>) dst(%dma_wait3A_61 : memref<160x16xf32, #tpu.memory_space<vmem_shared>>)
        tpu.yield
      }) : () -> ()
    }
    %scan3A_4 = arith.constant 4 : i32
    %barrier3A = arith.constant 0 : index
    tpu.barrier barrier_id(%barrier3A)
    %dma_start3A = arith.constant 0 : i32
    %dma_start3A_5 = arith.constant 0 : i32
    %dma_start3A_6 = tpu.memref_slice %arg7[%dma_start3A, %dma_start3A_5] : memref<40x256xi32, #tpu.memory_space<vmem>> -> memref<1x256xi32, #tpu.memory_space<vmem>>
    %dma_start3A_7 = tpu.memref_squeeze %dma_start3A_6 : memref<1x256xi32, #tpu.memory_space<vmem>> -> memref<256xi32, #tpu.memory_space<vmem>>
    %dma_start3A_8 = arith.constant 0 : i32
    %dma_start3A_9 = arith.constant 0 : i32
    %dma_start3A_10 = tpu.memref_slice %arg4[%dma_start3A_8, %dma_start3A_9] : memref<10240x16xf32, #tpu.memory_space<hbm>> -> memref<10240x16xf32, #tpu.memory_space<hbm>>
    tpu.enqueue_indirect_dma source(%dma_start3A_10 : memref<10240x16xf32, #tpu.memory_space<hbm>>) target(%arg9 : memref<256x16xf32, #tpu.memory_space<vmem>>) offsets(%dma_start3A_7 : memref<256xi32, #tpu.memory_space<vmem>>) semaphore(%arg13 : memref<!tpu.dma_semaphore, #tpu.memory_space<semaphore_mem>>)
    %scan3A_11 = arith.constant 0 : i32
    %scan3A_12 = arith.constant 19 : i32
    %scan3A_13 = arith.addi %scan3A_11, %scan3A_12 : i32
    %scan3A_14 = arith.constant 1 : i32
    scf.for %scan3A_43 = %scan3A_11 to %scan3A_13 step %scan3A_14  : i32 {
      %mul3A_44 = arith.constant 2 : i32
      %mul3A_45 = arith.muli %scan3A_43, %mul3A_44 : i32
      %add3A_46 = arith.constant 0 : i32
      %add3A_47 = arith.addi %add3A_46, %mul3A_45 : i32
      %add3A_48 = arith.constant 1 : i32
      %add3A_49 = arith.addi %add3A_47, %add3A_48 : i32
      %dma_start3A_50 = arith.constant 0 : i32
      %dma_start3A_51 = tpu.memref_slice %arg7[%add3A_49, %dma_start3A_50] : memref<40x256xi32, #tpu.memory_space<vmem>> -> memref<1x256xi32, #tpu.memory_space<vmem>>
      %dma_start3A_52 = tpu.memref_squeeze %dma_start3A_51 : memref<1x256xi32, #tpu.memory_space<vmem>> -> memref<256xi32, #tpu.memory_space<vmem>>
      %dma_start3A_53 = arith.constant 0 : i32
      %dma_start3A_54 = arith.constant 0 : i32
      %dma_start3A_55 = tpu.memref_slice %arg4[%dma_start3A_53, %dma_start3A_54] : memref<10240x16xf32, #tpu.memory_space<hbm>> -> memref<10240x16xf32, #tpu.memory_space<hbm>>
      tpu.enqueue_indirect_dma source(%dma_start3A_55 : memref<10240x16xf32, #tpu.memory_space<hbm>>) target(%arg10 : memref<256x16xf32, #tpu.memory_space<vmem>>) offsets(%dma_start3A_52 : memref<256xi32, #tpu.memory_space<vmem>>) semaphore(%arg14 : memref<!tpu.dma_semaphore, #tpu.memory_space<semaphore_mem>>)
      %dma_wait3A_56 = arith.constant 0 : i32
      %dma_wait3A_57 = tpu.memref_slice %arg7[%add3A_47, %dma_wait3A_56] : memref<40x256xi32, #tpu.memory_space<vmem>> -> memref<1x256xi32, #tpu.memory_space<vmem>>
      %dma_wait3A_58 = tpu.memref_squeeze %dma_wait3A_57 : memref<1x256xi32, #tpu.memory_space<vmem>> -> memref<256xi32, #tpu.memory_space<vmem>>
      %dma_wait3A_59 = arith.constant 0 : i32
      %dma_wait3A_60 = arith.constant 0 : i32
      %dma_wait3A_61 = tpu.memref_slice %arg4[%dma_wait3A_59, %dma_wait3A_60] : memref<10240x16xf32, #tpu.memory_space<hbm>> -> memref<10240x16xf32, #tpu.memory_space<hbm>>
      tpu.wait_indirect_dma semaphore(%arg13 : memref<!tpu.dma_semaphore, #tpu.memory_space<semaphore_mem>>) src(%dma_wait3A_61 : memref<10240x16xf32, #tpu.memory_space<hbm>>) dst(%arg9 : memref<256x16xf32, #tpu.memory_space<vmem>>)
      "tpu.region"() ({
        %run_scoped3A_80 = tpu.sem_alloc : memref<!tpu.dma_semaphore, #tpu.memory_space<semaphore_mem>>
        %dma_start3A_81 = arith.constant 0 : i32
        %dma_start3A_82 = tpu.memref_slice %arg8[%add3A_47, %dma_start3A_81] : memref<40x256xi32, #tpu.memory_space<vmem>> -> memref<1x256xi32, #tpu.memory_space<vmem>>
        %dma_start3A_83 = tpu.memref_squeeze %dma_start3A_82 : memref<1x256xi32, #tpu.memory_space<vmem>> -> memref<256xi32, #tpu.memory_space<vmem>>
        %dma_start3A_84 = arith.constant 0 : i32
        %dma_start3A_85 = arith.constant 0 : i32
        %dma_start3A_86 = tpu.memref_slice %arg12[%dma_start3A_84, %dma_start3A_85] : memref<10240x16xf32, #tpu.memory_space<vmem_shared>> -> memref<10240x16xf32, #tpu.memory_space<vmem_shared>>
        tpu.enqueue_indirect_dma source(%arg9 : memref<256x16xf32, #tpu.memory_space<vmem>>) target(%dma_start3A_86 : memref<10240x16xf32, #tpu.memory_space<vmem_shared>>) offsets(%dma_start3A_83 : memref<256xi32, #tpu.memory_space<vmem>>) semaphore(%run_scoped3A_80 : memref<!tpu.dma_semaphore, #tpu.memory_space<semaphore_mem>>) {add = true}
        %dma_wait3A_87 = arith.constant 0 : i32
        %dma_wait3A_88 = tpu.memref_slice %arg8[%add3A_47, %dma_wait3A_87] : memref<40x256xi32, #tpu.memory_space<vmem>> -> memref<1x256xi32, #tpu.memory_space<vmem>>
        %dma_wait3A_89 = tpu.memref_squeeze %dma_wait3A_88 : memref<1x256xi32, #tpu.memory_space<vmem>> -> memref<256xi32, #tpu.memory_space<vmem>>
        %dma_wait3A_90 = arith.constant 0 : i32
        %dma_wait3A_91 = arith.constant 0 : i32
        %dma_wait3A_92 = tpu.memref_slice %arg12[%dma_wait3A_90, %dma_wait3A_91] : memref<10240x16xf32, #tpu.memory_space<vmem_shared>> -> memref<10240x16xf32, #tpu.memory_space<vmem_shared>>
        tpu.wait_indirect_dma semaphore(%run_scoped3A_80 : memref<!tpu.dma_semaphore, #tpu.memory_space<semaphore_mem>>) src(%arg9 : memref<256x16xf32, #tpu.memory_space<vmem>>) dst(%dma_wait3A_92 : memref<10240x16xf32, #tpu.memory_space<vmem_shared>>)
        tpu.yield
      }) : () -> ()
      %add3A_62 = arith.constant 2 : i32
      %add3A_63 = arith.addi %add3A_47, %add3A_62 : i32
      %dma_start3A_64 = arith.constant 0 : i32
      %dma_start3A_65 = tpu.memref_slice %arg7[%add3A_63, %dma_start3A_64] : memref<40x256xi32, #tpu.memory_space<vmem>> -> memref<1x256xi32, #tpu.memory_space<vmem>>
      %dma_start3A_66 = tpu.memref_squeeze %dma_start3A_65 : memref<1x256xi32, #tpu.memory_space<vmem>> -> memref<256xi32, #tpu.memory_space<vmem>>
      %dma_start3A_67 = arith.constant 0 : i32
      %dma_start3A_68 = arith.constant 0 : i32
      %dma_start3A_69 = tpu.memref_slice %arg4[%dma_start3A_67, %dma_start3A_68] : memref<10240x16xf32, #tpu.memory_space<hbm>> -> memref<10240x16xf32, #tpu.memory_space<hbm>>
      tpu.enqueue_indirect_dma source(%dma_start3A_69 : memref<10240x16xf32, #tpu.memory_space<hbm>>) target(%arg9 : memref<256x16xf32, #tpu.memory_space<vmem>>) offsets(%dma_start3A_66 : memref<256xi32, #tpu.memory_space<vmem>>) semaphore(%arg13 : memref<!tpu.dma_semaphore, #tpu.memory_space<semaphore_mem>>)
      %add3A_70 = arith.constant 1 : i32
      %add3A_71 = arith.addi %add3A_47, %add3A_70 : i32
      %dma_wait3A_72 = arith.constant 0 : i32
      %dma_wait3A_73 = tpu.memref_slice %arg7[%add3A_71, %dma_wait3A_72] : memref<40x256xi32, #tpu.memory_space<vmem>> -> memref<1x256xi32, #tpu.memory_space<vmem>>
      %dma_wait3A_74 = tpu.memref_squeeze %dma_wait3A_73 : memref<1x256xi32, #tpu.memory_space<vmem>> -> memref<256xi32, #tpu.memory_space<vmem>>
      %dma_wait3A_75 = arith.constant 0 : i32
      %dma_wait3A_76 = arith.constant 0 : i32
      %dma_wait3A_77 = tpu.memref_slice %arg4[%dma_wait3A_75, %dma_wait3A_76] : memref<10240x16xf32, #tpu.memory_space<hbm>> -> memref<10240x16xf32, #tpu.memory_space<hbm>>
      tpu.wait_indirect_dma semaphore(%arg14 : memref<!tpu.dma_semaphore, #tpu.memory_space<semaphore_mem>>) src(%dma_wait3A_77 : memref<10240x16xf32, #tpu.memory_space<hbm>>) dst(%arg10 : memref<256x16xf32, #tpu.memory_space<vmem>>)
      %add3A_78 = arith.constant 1 : i32
      %add3A_79 = arith.addi %add3A_47, %add3A_78 : i32
      "tpu.region"() ({
        %run_scoped3A_80 = tpu.sem_alloc : memref<!tpu.dma_semaphore, #tpu.memory_space<semaphore_mem>>
        %dma_start3A_81 = arith.constant 0 : i32
        %dma_start3A_82 = tpu.memref_slice %arg8[%add3A_79, %dma_start3A_81] : memref<40x256xi32, #tpu.memory_space<vmem>> -> memref<1x256xi32, #tpu.memory_space<vmem>>
        %dma_start3A_83 = tpu.memref_squeeze %dma_start3A_82 : memref<1x256xi32, #tpu.memory_space<vmem>> -> memref<256xi32, #tpu.memory_space<vmem>>
        %dma_start3A_84 = arith.constant 0 : i32
        %dma_start3A_85 = arith.constant 0 : i32
        %dma_start3A_86 = tpu.memref_slice %arg12[%dma_start3A_84, %dma_start3A_85] : memref<10240x16xf32, #tpu.memory_space<vmem_shared>> -> memref<10240x16xf32, #tpu.memory_space<vmem_shared>>
        tpu.enqueue_indirect_dma source(%arg10 : memref<256x16xf32, #tpu.memory_space<vmem>>) target(%dma_start3A_86 : memref<10240x16xf32, #tpu.memory_space<vmem_shared>>) offsets(%dma_start3A_83 : memref<256xi32, #tpu.memory_space<vmem>>) semaphore(%run_scoped3A_80 : memref<!tpu.dma_semaphore, #tpu.memory_space<semaphore_mem>>) {add = true}
        %dma_wait3A_87 = arith.constant 0 : i32
        %dma_wait3A_88 = tpu.memref_slice %arg8[%add3A_79, %dma_wait3A_87] : memref<40x256xi32, #tpu.memory_space<vmem>> -> memref<1x256xi32, #tpu.memory_space<vmem>>
        %dma_wait3A_89 = tpu.memref_squeeze %dma_wait3A_88 : memref<1x256xi32, #tpu.memory_space<vmem>> -> memref<256xi32, #tpu.memory_space<vmem>>
        %dma_wait3A_90 = arith.constant 0 : i32
        %dma_wait3A_91 = arith.constant 0 : i32
        %dma_wait3A_92 = tpu.memref_slice %arg12[%dma_wait3A_90, %dma_wait3A_91] : memref<10240x16xf32, #tpu.memory_space<vmem_shared>> -> memref<10240x16xf32, #tpu.memory_space<vmem_shared>>
        tpu.wait_indirect_dma semaphore(%run_scoped3A_80 : memref<!tpu.dma_semaphore, #tpu.memory_space<semaphore_mem>>) src(%arg10 : memref<256x16xf32, #tpu.memory_space<vmem>>) dst(%dma_wait3A_92 : memref<10240x16xf32, #tpu.memory_space<vmem_shared>>)
        tpu.yield
      }) : () -> ()
    }
    %scan3A_15 = arith.constant 19 : i32
    %dma_start3A_16 = arith.constant 39 : i32
    %dma_start3A_17 = arith.constant 0 : i32
    %dma_start3A_18 = tpu.memref_slice %arg7[%dma_start3A_16, %dma_start3A_17] : memref<40x256xi32, #tpu.memory_space<vmem>> -> memref<1x256xi32, #tpu.memory_space<vmem>>
    %dma_start3A_19 = tpu.memref_squeeze %dma_start3A_18 : memref<1x256xi32, #tpu.memory_space<vmem>> -> memref<256xi32, #tpu.memory_space<vmem>>
    %dma_start3A_20 = arith.constant 0 : i32
    %dma_start3A_21 = arith.constant 0 : i32
    %dma_start3A_22 = tpu.memref_slice %arg4[%dma_start3A_20, %dma_start3A_21] : memref<10240x16xf32, #tpu.memory_space<hbm>> -> memref<10240x16xf32, #tpu.memory_space<hbm>>
    tpu.enqueue_indirect_dma source(%dma_start3A_22 : memref<10240x16xf32, #tpu.memory_space<hbm>>) target(%arg10 : memref<256x16xf32, #tpu.memory_space<vmem>>) offsets(%dma_start3A_19 : memref<256xi32, #tpu.memory_space<vmem>>) semaphore(%arg14 : memref<!tpu.dma_semaphore, #tpu.memory_space<semaphore_mem>>)
    %dma_wait3A = arith.constant 38 : i32
    %dma_wait3A_23 = arith.constant 0 : i32
    %dma_wait3A_24 = tpu.memref_slice %arg7[%dma_wait3A, %dma_wait3A_23] : memref<40x256xi32, #tpu.memory_space<vmem>> -> memref<1x256xi32, #tpu.memory_space<vmem>>
    %dma_wait3A_25 = tpu.memref_squeeze %dma_wait3A_24 : memref<1x256xi32, #tpu.memory_space<vmem>> -> memref<256xi32, #tpu.memory_space<vmem>>
    %dma_wait3A_26 = arith.constant 0 : i32
    %dma_wait3A_27 = arith.constant 0 : i32
    %dma_wait3A_28 = tpu.memref_slice %arg4[%dma_wait3A_26, %dma_wait3A_27] : memref<10240x16xf32, #tpu.memory_space<hbm>> -> memref<10240x16xf32, #tpu.memory_space<hbm>>
    tpu.wait_indirect_dma semaphore(%arg13 : memref<!tpu.dma_semaphore, #tpu.memory_space<semaphore_mem>>) src(%dma_wait3A_28 : memref<10240x16xf32, #tpu.memory_space<hbm>>) dst(%arg9 : memref<256x16xf32, #tpu.memory_space<vmem>>)
    %run_scoped3A = arith.constant 38 : i32
    "tpu.region"() ({
      %run_scoped3A_43 = tpu.sem_alloc : memref<!tpu.dma_semaphore, #tpu.memory_space<semaphore_mem>>
      %dma_start3A_44 = arith.constant 0 : i32
      %dma_start3A_45 = tpu.memref_slice %arg8[%run_scoped3A, %dma_start3A_44] : memref<40x256xi32, #tpu.memory_space<vmem>> -> memref<1x256xi32, #tpu.memory_space<vmem>>
      %dma_start3A_46 = tpu.memref_squeeze %dma_start3A_45 : memref<1x256xi32, #tpu.memory_space<vmem>> -> memref<256xi32, #tpu.memory_space<vmem>>
      %dma_start3A_47 = arith.constant 0 : i32
      %dma_start3A_48 = arith.constant 0 : i32
      %dma_start3A_49 = tpu.memref_slice %arg12[%dma_start3A_47, %dma_start3A_48] : memref<10240x16xf32, #tpu.memory_space<vmem_shared>> -> memref<10240x16xf32, #tpu.memory_space<vmem_shared>>
      tpu.enqueue_indirect_dma source(%arg9 : memref<256x16xf32, #tpu.memory_space<vmem>>) target(%dma_start3A_49 : memref<10240x16xf32, #tpu.memory_space<vmem_shared>>) offsets(%dma_start3A_46 : memref<256xi32, #tpu.memory_space<vmem>>) semaphore(%run_scoped3A_43 : memref<!tpu.dma_semaphore, #tpu.memory_space<semaphore_mem>>) {add = true}
      %dma_wait3A_50 = arith.constant 0 : i32
      %dma_wait3A_51 = tpu.memref_slice %arg8[%run_scoped3A, %dma_wait3A_50] : memref<40x256xi32, #tpu.memory_space<vmem>> -> memref<1x256xi32, #tpu.memory_space<vmem>>
      %dma_wait3A_52 = tpu.memref_squeeze %dma_wait3A_51 : memref<1x256xi32, #tpu.memory_space<vmem>> -> memref<256xi32, #tpu.memory_space<vmem>>
      %dma_wait3A_53 = arith.constant 0 : i32
      %dma_wait3A_54 = arith.constant 0 : i32
      %dma_wait3A_55 = tpu.memref_slice %arg12[%dma_wait3A_53, %dma_wait3A_54] : memref<10240x16xf32, #tpu.memory_space<vmem_shared>> -> memref<10240x16xf32, #tpu.memory_space<vmem_shared>>
      tpu.wait_indirect_dma semaphore(%run_scoped3A_43 : memref<!tpu.dma_semaphore, #tpu.memory_space<semaphore_mem>>) src(%arg9 : memref<256x16xf32, #tpu.memory_space<vmem>>) dst(%dma_wait3A_55 : memref<10240x16xf32, #tpu.memory_space<vmem_shared>>)
      tpu.yield
    }) : () -> ()
    %dma_wait3A_29 = arith.constant 39 : i32
    %dma_wait3A_30 = arith.constant 0 : i32
    %dma_wait3A_31 = tpu.memref_slice %arg7[%dma_wait3A_29, %dma_wait3A_30] : memref<40x256xi32, #tpu.memory_space<vmem>> -> memref<1x256xi32, #tpu.memory_space<vmem>>
    %dma_wait3A_32 = tpu.memref_squeeze %dma_wait3A_31 : memref<1x256xi32, #tpu.memory_space<vmem>> -> memref<256xi32, #tpu.memory_space<vmem>>
    %dma_wait3A_33 = arith.constant 0 : i32
    %dma_wait3A_34 = arith.constant 0 : i32
    %dma_wait3A_35 = tpu.memref_slice %arg4[%dma_wait3A_33, %dma_wait3A_34] : memref<10240x16xf32, #tpu.memory_space<hbm>> -> memref<10240x16xf32, #tpu.memory_space<hbm>>
    tpu.wait_indirect_dma semaphore(%arg14 : memref<!tpu.dma_semaphore, #tpu.memory_space<semaphore_mem>>) src(%dma_wait3A_35 : memref<10240x16xf32, #tpu.memory_space<hbm>>) dst(%arg10 : memref<256x16xf32, #tpu.memory_space<vmem>>)
    %run_scoped3A_36 = arith.constant 39 : i32
    "tpu.region"() ({
      %run_scoped3A_43 = tpu.sem_alloc : memref<!tpu.dma_semaphore, #tpu.memory_space<semaphore_mem>>
      %dma_start3A_44 = arith.constant 0 : i32
      %dma_start3A_45 = tpu.memref_slice %arg8[%run_scoped3A_36, %dma_start3A_44] : memref<40x256xi32, #tpu.memory_space<vmem>> -> memref<1x256xi32, #tpu.memory_space<vmem>>
      %dma_start3A_46 = tpu.memref_squeeze %dma_start3A_45 : memref<1x256xi32, #tpu.memory_space<vmem>> -> memref<256xi32, #tpu.memory_space<vmem>>
      %dma_start3A_47 = arith.constant 0 : i32
      %dma_start3A_48 = arith.constant 0 : i32
      %dma_start3A_49 = tpu.memref_slice %arg12[%dma_start3A_47, %dma_start3A_48] : memref<10240x16xf32, #tpu.memory_space<vmem_shared>> -> memref<10240x16xf32, #tpu.memory_space<vmem_shared>>
      tpu.enqueue_indirect_dma source(%arg10 : memref<256x16xf32, #tpu.memory_space<vmem>>) target(%dma_start3A_49 : memref<10240x16xf32, #tpu.memory_space<vmem_shared>>) offsets(%dma_start3A_46 : memref<256xi32, #tpu.memory_space<vmem>>) semaphore(%run_scoped3A_43 : memref<!tpu.dma_semaphore, #tpu.memory_space<semaphore_mem>>) {add = true}
      %dma_wait3A_50 = arith.constant 0 : i32
      %dma_wait3A_51 = tpu.memref_slice %arg8[%run_scoped3A_36, %dma_wait3A_50] : memref<40x256xi32, #tpu.memory_space<vmem>> -> memref<1x256xi32, #tpu.memory_space<vmem>>
      %dma_wait3A_52 = tpu.memref_squeeze %dma_wait3A_51 : memref<1x256xi32, #tpu.memory_space<vmem>> -> memref<256xi32, #tpu.memory_space<vmem>>
      %dma_wait3A_53 = arith.constant 0 : i32
      %dma_wait3A_54 = arith.constant 0 : i32
      %dma_wait3A_55 = tpu.memref_slice %arg12[%dma_wait3A_53, %dma_wait3A_54] : memref<10240x16xf32, #tpu.memory_space<vmem_shared>> -> memref<10240x16xf32, #tpu.memory_space<vmem_shared>>
      tpu.wait_indirect_dma semaphore(%run_scoped3A_43 : memref<!tpu.dma_semaphore, #tpu.memory_space<semaphore_mem>>) src(%arg10 : memref<256x16xf32, #tpu.memory_space<vmem>>) dst(%dma_wait3A_55 : memref<10240x16xf32, #tpu.memory_space<vmem_shared>>)
      tpu.yield
    }) : () -> ()
    %barrier3A_37 = arith.constant 0 : index
    tpu.barrier barrier_id(%barrier3A_37)
    %scan3A_38 = arith.constant 0 : i32
    %scan3A_39 = arith.constant 4 : i32
    %scan3A_40 = arith.addi %scan3A_38, %scan3A_39 : i32
    %scan3A_41 = arith.constant 1 : i32
    scf.for %scan3A_43 = %scan3A_38 to %scan3A_40 step %scan3A_41  : i32 {
      %mul3A_44 = arith.constant 1 : i32
      %mul3A_45 = arith.muli %scan3A_43, %mul3A_44 : i32
      %add3A_46 = arith.constant 0 : i32
      %add3A_47 = arith.addi %add3A_46, %mul3A_45 : i32
      %mul3A_48 = arith.constant 640 : i32
      %mul3A_49 = arith.muli %arg1, %mul3A_48 : i32
      %mul3A_50 = arith.constant 160 : i32
      %mul3A_51 = arith.muli %add3A_47, %mul3A_50 : i32
      %add3A_52 = arith.addi %mul3A_49, %mul3A_51 : i32
      "tpu.region"() ({
        %run_scoped3A_53 = tpu.sem_alloc : memref<!tpu.dma_semaphore, #tpu.memory_space<semaphore_mem>>
        %dma_start3A_54 = arith.constant 0 : i32
        %dma_start3A_55 = tpu.memref_slice %arg12[%add3A_52, %dma_start3A_54] : memref<10240x16xf32, #tpu.memory_space<vmem_shared>> -> memref<160x16xf32, #tpu.memory_space<vmem_shared>>
        %dma_start3A_56 = arith.constant 0 : i32
        %dma_start3A_57 = tpu.memref_slice %arg12[%add3A_52, %dma_start3A_56] : memref<10240x16xf32, #tpu.memory_space<vmem_shared>> -> memref<160x16xf32, #tpu.memory_space<vmem_shared>>
        tpu.enqueue_dma source(%dma_start3A_57 : memref<160x16xf32, #tpu.memory_space<vmem_shared>>) target(%arg11 : memref<160x16xf32, #tpu.memory_space<vmem>>) target_semaphore(%run_scoped3A_53 : memref<!tpu.dma_semaphore, #tpu.memory_space<semaphore_mem>>)
        %dma_wait3A_58 = arith.constant 0 : i32
        %dma_wait3A_59 = tpu.memref_slice %arg12[%add3A_52, %dma_wait3A_58] : memref<10240x16xf32, #tpu.memory_space<vmem_shared>> -> memref<160x16xf32, #tpu.memory_space<vmem_shared>>
        %dma_wait3A_60 = arith.constant 0 : i32
        %dma_wait3A_61 = tpu.memref_slice %arg12[%add3A_52, %dma_wait3A_60] : memref<10240x16xf32, #tpu.memory_space<vmem_shared>> -> memref<160x16xf32, #tpu.memory_space<vmem_shared>>
        tpu.wait_dma2 semaphore(%run_scoped3A_53 : memref<!tpu.dma_semaphore, #tpu.memory_space<semaphore_mem>>) src(%dma_wait3A_61 : memref<160x16xf32, #tpu.memory_space<vmem_shared>>) dst(%arg11 : memref<160x16xf32, #tpu.memory_space<vmem>>)
        tpu.yield
      }) : () -> ()
      "tpu.region"() ({
        %run_scoped3A_53 = tpu.sem_alloc : memref<!tpu.dma_semaphore, #tpu.memory_space<semaphore_mem>>
        %dma_start3A_54 = arith.constant 0 : i32
        %dma_start3A_55 = tpu.memref_slice %arg6[%arg0, %add3A_52, %dma_start3A_54] : memref<2x10240x16xf32, #tpu.memory_space<hbm>> -> memref<1x160x16xf32, #tpu.memory_space<hbm>>
        %dma_start3A_56 = tpu.memref_squeeze %dma_start3A_55 : memref<1x160x16xf32, #tpu.memory_space<hbm>> -> memref<160x16xf32, #tpu.memory_space<hbm>>
        %dma_start3A_57 = arith.constant 0 : i32
        %dma_start3A_58 = tpu.memref_slice %arg6[%arg0, %add3A_52, %dma_start3A_57] : memref<2x10240x16xf32, #tpu.memory_space<hbm>> -> memref<1x160x16xf32, #tpu.memory_space<hbm>>
        %dma_start3A_59 = tpu.memref_squeeze %dma_start3A_58 : memref<1x160x16xf32, #tpu.memory_space<hbm>> -> memref<160x16xf32, #tpu.memory_space<hbm>>
        tpu.enqueue_dma source(%arg11 : memref<160x16xf32, #tpu.memory_space<vmem>>) target(%dma_start3A_59 : memref<160x16xf32, #tpu.memory_space<hbm>>) target_semaphore(%run_scoped3A_53 : memref<!tpu.dma_semaphore, #tpu.memory_space<semaphore_mem>>)
        %dma_wait3A_60 = arith.constant 0 : i32
        %dma_wait3A_61 = tpu.memref_slice %arg6[%arg0, %add3A_52, %dma_wait3A_60] : memref<2x10240x16xf32, #tpu.memory_space<hbm>> -> memref<1x160x16xf32, #tpu.memory_space<hbm>>
        %dma_wait3A_62 = tpu.memref_squeeze %dma_wait3A_61 : memref<1x160x16xf32, #tpu.memory_space<hbm>> -> memref<160x16xf32, #tpu.memory_space<hbm>>
        %dma_wait3A_63 = arith.constant 0 : i32
        %dma_wait3A_64 = tpu.memref_slice %arg6[%arg0, %add3A_52, %dma_wait3A_63] : memref<2x10240x16xf32, #tpu.memory_space<hbm>> -> memref<1x160x16xf32, #tpu.memory_space<hbm>>
        %dma_wait3A_65 = tpu.memref_squeeze %dma_wait3A_64 : memref<1x160x16xf32, #tpu.memory_space<hbm>> -> memref<160x16xf32, #tpu.memory_space<hbm>>
        tpu.wait_dma2 semaphore(%run_scoped3A_53 : memref<!tpu.dma_semaphore, #tpu.memory_space<semaphore_mem>>) src(%arg11 : memref<160x16xf32, #tpu.memory_space<vmem>>) dst(%dma_wait3A_65 : memref<160x16xf32, #tpu.memory_space<hbm>>)
        tpu.yield
      }) : () -> ()
    }
    %scan3A_42 = arith.constant 4 : i32
    return
  }
}

#map = affine_map<(d0, d1) -> (0, 0, 0)>
#map1 = affine_map<(d0, d1) -> (0, 0)>
module attributes {stable_mosaic.version = 14 : i64} {
  func.func @prop(%arg0: i32, %arg1: i32, %arg2: memref<16x80x256xi32, #tpu.memory_space<hbm>>, %arg3: memref<16x80x256xi32, #tpu.memory_space<hbm>>, %arg4: memref<2x10240x64xf32, #tpu.memory_space<hbm>>, %arg5: memref<160x64xf32, #tpu.memory_space<hbm>>, %arg6: memref<2x10240x64xf32, #tpu.memory_space<hbm>>, %arg7: memref<80x256xi32, #tpu.memory_space<vmem>>, %arg8: memref<80x256xi32, #tpu.memory_space<vmem>>, %arg9: memref<256x64xf32, #tpu.memory_space<vmem>>, %arg10: memref<256x64xf32, #tpu.memory_space<vmem>>, %arg11: memref<160x64xf32, #tpu.memory_space<vmem>>, %arg12: memref<10240x64xf32, #tpu.memory_space<vmem_shared>>, %arg13: memref<!tpu.dma_semaphore, #tpu.memory_space<semaphore_mem>>, %arg14: memref<!tpu.dma_semaphore, #tpu.memory_space<semaphore_mem>>) attributes {dimension_semantics = [#tpu.dimension_semantics<core_parallel>, #tpu.dimension_semantics<subcore_parallel>], iteration_bounds = array<i64: 2, 16>, scalar_prefetch = 0 : i64, scratch_operands = 8 : i64, tpu.core_type = #tpu.core_type<sc_vector_subcore>, window_params = [{transform_indices = #map}, {transform_indices = #map}, {transform_indices = #map}, {transform_indices = #map1}, {transform_indices = #map}]} {
    "tpu.region"() ({
      %run_scoped3A_58 = tpu.sem_alloc : memref<!tpu.dma_semaphore, #tpu.memory_space<semaphore_mem>>
      %dma_start3A_59 = arith.constant 0 : i32
      %dma_start3A_60 = arith.constant 0 : i32
      %dma_start3A_61 = tpu.memref_slice %arg2[%arg1, %dma_start3A_59, %dma_start3A_60] : memref<16x80x256xi32, #tpu.memory_space<hbm>> -> memref<1x80x256xi32, #tpu.memory_space<hbm>>
      %dma_start3A_62 = tpu.memref_squeeze %dma_start3A_61 : memref<1x80x256xi32, #tpu.memory_space<hbm>> -> memref<80x256xi32, #tpu.memory_space<hbm>>
      %dma_start3A_63 = arith.constant 0 : i32
      %dma_start3A_64 = arith.constant 0 : i32
      %dma_start3A_65 = tpu.memref_slice %arg2[%arg1, %dma_start3A_63, %dma_start3A_64] : memref<16x80x256xi32, #tpu.memory_space<hbm>> -> memref<1x80x256xi32, #tpu.memory_space<hbm>>
      %dma_start3A_66 = tpu.memref_squeeze %dma_start3A_65 : memref<1x80x256xi32, #tpu.memory_space<hbm>> -> memref<80x256xi32, #tpu.memory_space<hbm>>
      tpu.enqueue_dma source(%dma_start3A_66 : memref<80x256xi32, #tpu.memory_space<hbm>>) target(%arg7 : memref<80x256xi32, #tpu.memory_space<vmem>>) target_semaphore(%run_scoped3A_58 : memref<!tpu.dma_semaphore, #tpu.memory_space<semaphore_mem>>)
      %dma_wait3A_67 = arith.constant 0 : i32
      %dma_wait3A_68 = arith.constant 0 : i32
      %dma_wait3A_69 = tpu.memref_slice %arg2[%arg1, %dma_wait3A_67, %dma_wait3A_68] : memref<16x80x256xi32, #tpu.memory_space<hbm>> -> memref<1x80x256xi32, #tpu.memory_space<hbm>>
      %dma_wait3A_70 = tpu.memref_squeeze %dma_wait3A_69 : memref<1x80x256xi32, #tpu.memory_space<hbm>> -> memref<80x256xi32, #tpu.memory_space<hbm>>
      %dma_wait3A_71 = arith.constant 0 : i32
      %dma_wait3A_72 = arith.constant 0 : i32
      %dma_wait3A_73 = tpu.memref_slice %arg2[%arg1, %dma_wait3A_71, %dma_wait3A_72] : memref<16x80x256xi32, #tpu.memory_space<hbm>> -> memref<1x80x256xi32, #tpu.memory_space<hbm>>
      %dma_wait3A_74 = tpu.memref_squeeze %dma_wait3A_73 : memref<1x80x256xi32, #tpu.memory_space<hbm>> -> memref<80x256xi32, #tpu.memory_space<hbm>>
      tpu.wait_dma2 semaphore(%run_scoped3A_58 : memref<!tpu.dma_semaphore, #tpu.memory_space<semaphore_mem>>) src(%dma_wait3A_74 : memref<80x256xi32, #tpu.memory_space<hbm>>) dst(%arg7 : memref<80x256xi32, #tpu.memory_space<vmem>>)
      tpu.yield
    }) : () -> ()
    "tpu.region"() ({
      %run_scoped3A_58 = tpu.sem_alloc : memref<!tpu.dma_semaphore, #tpu.memory_space<semaphore_mem>>
      %dma_start3A_59 = arith.constant 0 : i32
      %dma_start3A_60 = arith.constant 0 : i32
      %dma_start3A_61 = tpu.memref_slice %arg3[%arg1, %dma_start3A_59, %dma_start3A_60] : memref<16x80x256xi32, #tpu.memory_space<hbm>> -> memref<1x80x256xi32, #tpu.memory_space<hbm>>
      %dma_start3A_62 = tpu.memref_squeeze %dma_start3A_61 : memref<1x80x256xi32, #tpu.memory_space<hbm>> -> memref<80x256xi32, #tpu.memory_space<hbm>>
      %dma_start3A_63 = arith.constant 0 : i32
      %dma_start3A_64 = arith.constant 0 : i32
      %dma_start3A_65 = tpu.memref_slice %arg3[%arg1, %dma_start3A_63, %dma_start3A_64] : memref<16x80x256xi32, #tpu.memory_space<hbm>> -> memref<1x80x256xi32, #tpu.memory_space<hbm>>
      %dma_start3A_66 = tpu.memref_squeeze %dma_start3A_65 : memref<1x80x256xi32, #tpu.memory_space<hbm>> -> memref<80x256xi32, #tpu.memory_space<hbm>>
      tpu.enqueue_dma source(%dma_start3A_66 : memref<80x256xi32, #tpu.memory_space<hbm>>) target(%arg8 : memref<80x256xi32, #tpu.memory_space<vmem>>) target_semaphore(%run_scoped3A_58 : memref<!tpu.dma_semaphore, #tpu.memory_space<semaphore_mem>>)
      %dma_wait3A_67 = arith.constant 0 : i32
      %dma_wait3A_68 = arith.constant 0 : i32
      %dma_wait3A_69 = tpu.memref_slice %arg3[%arg1, %dma_wait3A_67, %dma_wait3A_68] : memref<16x80x256xi32, #tpu.memory_space<hbm>> -> memref<1x80x256xi32, #tpu.memory_space<hbm>>
      %dma_wait3A_70 = tpu.memref_squeeze %dma_wait3A_69 : memref<1x80x256xi32, #tpu.memory_space<hbm>> -> memref<80x256xi32, #tpu.memory_space<hbm>>
      %dma_wait3A_71 = arith.constant 0 : i32
      %dma_wait3A_72 = arith.constant 0 : i32
      %dma_wait3A_73 = tpu.memref_slice %arg3[%arg1, %dma_wait3A_71, %dma_wait3A_72] : memref<16x80x256xi32, #tpu.memory_space<hbm>> -> memref<1x80x256xi32, #tpu.memory_space<hbm>>
      %dma_wait3A_74 = tpu.memref_squeeze %dma_wait3A_73 : memref<1x80x256xi32, #tpu.memory_space<hbm>> -> memref<80x256xi32, #tpu.memory_space<hbm>>
      tpu.wait_dma2 semaphore(%run_scoped3A_58 : memref<!tpu.dma_semaphore, #tpu.memory_space<semaphore_mem>>) src(%dma_wait3A_74 : memref<80x256xi32, #tpu.memory_space<hbm>>) dst(%arg8 : memref<80x256xi32, #tpu.memory_space<vmem>>)
      tpu.yield
    }) : () -> ()
    "tpu.region"() ({
      %run_scoped3A_58 = tpu.sem_alloc : memref<!tpu.dma_semaphore, #tpu.memory_space<semaphore_mem>>
      tpu.enqueue_dma source(%arg5 : memref<160x64xf32, #tpu.memory_space<hbm>>) target(%arg11 : memref<160x64xf32, #tpu.memory_space<vmem>>) target_semaphore(%run_scoped3A_58 : memref<!tpu.dma_semaphore, #tpu.memory_space<semaphore_mem>>)
      tpu.wait_dma2 semaphore(%run_scoped3A_58 : memref<!tpu.dma_semaphore, #tpu.memory_space<semaphore_mem>>) src(%arg5 : memref<160x64xf32, #tpu.memory_space<hbm>>) dst(%arg11 : memref<160x64xf32, #tpu.memory_space<vmem>>)
      tpu.yield
    }) : () -> ()
    %scan3A = arith.constant 0 : i32
    %scan3A_0 = arith.constant 4 : i32
    %scan3A_1 = arith.addi %scan3A, %scan3A_0 : i32
    %scan3A_2 = arith.constant 1 : i32
    scf.for %scan3A_58 = %scan3A to %scan3A_1 step %scan3A_2  : i32 {
      %mul3A = arith.constant 1 : i32
      %mul3A_59 = arith.muli %scan3A_58, %mul3A : i32
      %add3A = arith.constant 0 : i32
      %add3A_60 = arith.addi %add3A, %mul3A_59 : i32
      %mul3A_61 = arith.constant 640 : i32
      %mul3A_62 = arith.muli %arg1, %mul3A_61 : i32
      %mul3A_63 = arith.constant 160 : i32
      %mul3A_64 = arith.muli %add3A_60, %mul3A_63 : i32
      %add3A_65 = arith.addi %mul3A_62, %mul3A_64 : i32
      "tpu.region"() ({
        %run_scoped3A_66 = tpu.sem_alloc : memref<!tpu.dma_semaphore, #tpu.memory_space<semaphore_mem>>
        %dma_start3A_67 = arith.constant 0 : i32
        %dma_start3A_68 = tpu.memref_slice %arg12[%add3A_65, %dma_start3A_67] : memref<10240x64xf32, #tpu.memory_space<vmem_shared>> -> memref<160x64xf32, #tpu.memory_space<vmem_shared>>
        %dma_start3A_69 = arith.constant 0 : i32
        %dma_start3A_70 = tpu.memref_slice %arg12[%add3A_65, %dma_start3A_69] : memref<10240x64xf32, #tpu.memory_space<vmem_shared>> -> memref<160x64xf32, #tpu.memory_space<vmem_shared>>
        tpu.enqueue_dma source(%arg11 : memref<160x64xf32, #tpu.memory_space<vmem>>) target(%dma_start3A_70 : memref<160x64xf32, #tpu.memory_space<vmem_shared>>) target_semaphore(%run_scoped3A_66 : memref<!tpu.dma_semaphore, #tpu.memory_space<semaphore_mem>>)
        %dma_wait3A_71 = arith.constant 0 : i32
        %dma_wait3A_72 = tpu.memref_slice %arg12[%add3A_65, %dma_wait3A_71] : memref<10240x64xf32, #tpu.memory_space<vmem_shared>> -> memref<160x64xf32, #tpu.memory_space<vmem_shared>>
        %dma_wait3A_73 = arith.constant 0 : i32
        %dma_wait3A_74 = tpu.memref_slice %arg12[%add3A_65, %dma_wait3A_73] : memref<10240x64xf32, #tpu.memory_space<vmem_shared>> -> memref<160x64xf32, #tpu.memory_space<vmem_shared>>
        tpu.wait_dma2 semaphore(%run_scoped3A_66 : memref<!tpu.dma_semaphore, #tpu.memory_space<semaphore_mem>>) src(%arg11 : memref<160x64xf32, #tpu.memory_space<vmem>>) dst(%dma_wait3A_74 : memref<160x64xf32, #tpu.memory_space<vmem_shared>>)
        tpu.yield
      }) : () -> ()
    }
    %scan3A_3 = arith.constant 4 : i32
    %barrier3A = arith.constant 0 : index
    tpu.barrier barrier_id(%barrier3A)
    %dma_start3A = arith.constant 0 : i32
    %dma_start3A_4 = arith.constant 0 : i32
    %dma_start3A_5 = tpu.memref_slice %arg7[%dma_start3A, %dma_start3A_4] : memref<80x256xi32, #tpu.memory_space<vmem>> -> memref<1x256xi32, #tpu.memory_space<vmem>>
    %dma_start3A_6 = tpu.memref_squeeze %dma_start3A_5 : memref<1x256xi32, #tpu.memory_space<vmem>> -> memref<256xi32, #tpu.memory_space<vmem>>
    %dma_start3A_7 = arith.constant 0 : i32
    %dma_start3A_8 = arith.constant 0 : i32
    %dma_start3A_9 = tpu.memref_slice %arg4[%arg0, %dma_start3A_7, %dma_start3A_8] : memref<2x10240x64xf32, #tpu.memory_space<hbm>> -> memref<1x10240x64xf32, #tpu.memory_space<hbm>>
    %dma_start3A_10 = tpu.memref_squeeze %dma_start3A_9 : memref<1x10240x64xf32, #tpu.memory_space<hbm>> -> memref<10240x64xf32, #tpu.memory_space<hbm>>
    %dma_start3A_11 = arith.constant 0 : i32
    %dma_start3A_12 = arith.constant 0 : i32
    %dma_start3A_13 = tpu.memref_slice %dma_start3A_10[%dma_start3A_11, %dma_start3A_12] : memref<10240x64xf32, #tpu.memory_space<hbm>> -> memref<10240x64xf32, #tpu.memory_space<hbm>>
    tpu.enqueue_indirect_dma source(%dma_start3A_13 : memref<10240x64xf32, #tpu.memory_space<hbm>>) target(%arg9 : memref<256x64xf32, #tpu.memory_space<vmem>>) offsets(%dma_start3A_6 : memref<256xi32, #tpu.memory_space<vmem>>) semaphore(%arg13 : memref<!tpu.dma_semaphore, #tpu.memory_space<semaphore_mem>>)
    %scan3A_14 = arith.constant 0 : i32
    %scan3A_15 = arith.constant 39 : i32
    %scan3A_16 = arith.addi %scan3A_14, %scan3A_15 : i32
    %scan3A_17 = arith.constant 1 : i32
    scf.for %scan3A_58 = %scan3A_14 to %scan3A_16 step %scan3A_17  : i32 {
      %mul3A = arith.constant 2 : i32
      %mul3A_59 = arith.muli %scan3A_58, %mul3A : i32
      %add3A = arith.constant 0 : i32
      %add3A_60 = arith.addi %add3A, %mul3A_59 : i32
      %add3A_61 = arith.constant 1 : i32
      %add3A_62 = arith.addi %add3A_60, %add3A_61 : i32
      %dma_start3A_63 = arith.constant 0 : i32
      %dma_start3A_64 = tpu.memref_slice %arg7[%add3A_62, %dma_start3A_63] : memref<80x256xi32, #tpu.memory_space<vmem>> -> memref<1x256xi32, #tpu.memory_space<vmem>>
      %dma_start3A_65 = tpu.memref_squeeze %dma_start3A_64 : memref<1x256xi32, #tpu.memory_space<vmem>> -> memref<256xi32, #tpu.memory_space<vmem>>
      %dma_start3A_66 = arith.constant 0 : i32
      %dma_start3A_67 = arith.constant 0 : i32
      %dma_start3A_68 = tpu.memref_slice %arg4[%arg0, %dma_start3A_66, %dma_start3A_67] : memref<2x10240x64xf32, #tpu.memory_space<hbm>> -> memref<1x10240x64xf32, #tpu.memory_space<hbm>>
      %dma_start3A_69 = tpu.memref_squeeze %dma_start3A_68 : memref<1x10240x64xf32, #tpu.memory_space<hbm>> -> memref<10240x64xf32, #tpu.memory_space<hbm>>
      %dma_start3A_70 = arith.constant 0 : i32
      %dma_start3A_71 = arith.constant 0 : i32
      %dma_start3A_72 = tpu.memref_slice %dma_start3A_69[%dma_start3A_70, %dma_start3A_71] : memref<10240x64xf32, #tpu.memory_space<hbm>> -> memref<10240x64xf32, #tpu.memory_space<hbm>>
      tpu.enqueue_indirect_dma source(%dma_start3A_72 : memref<10240x64xf32, #tpu.memory_space<hbm>>) target(%arg10 : memref<256x64xf32, #tpu.memory_space<vmem>>) offsets(%dma_start3A_65 : memref<256xi32, #tpu.memory_space<vmem>>) semaphore(%arg14 : memref<!tpu.dma_semaphore, #tpu.memory_space<semaphore_mem>>)
      %dma_wait3A_73 = arith.constant 0 : i32
      %dma_wait3A_74 = tpu.memref_slice %arg7[%add3A_60, %dma_wait3A_73] : memref<80x256xi32, #tpu.memory_space<vmem>> -> memref<1x256xi32, #tpu.memory_space<vmem>>
      %dma_wait3A_75 = tpu.memref_squeeze %dma_wait3A_74 : memref<1x256xi32, #tpu.memory_space<vmem>> -> memref<256xi32, #tpu.memory_space<vmem>>
      %dma_wait3A_76 = arith.constant 0 : i32
      %dma_wait3A_77 = arith.constant 0 : i32
      %dma_wait3A_78 = tpu.memref_slice %arg4[%arg0, %dma_wait3A_76, %dma_wait3A_77] : memref<2x10240x64xf32, #tpu.memory_space<hbm>> -> memref<1x10240x64xf32, #tpu.memory_space<hbm>>
      %dma_wait3A_79 = tpu.memref_squeeze %dma_wait3A_78 : memref<1x10240x64xf32, #tpu.memory_space<hbm>> -> memref<10240x64xf32, #tpu.memory_space<hbm>>
      %dma_wait3A_80 = arith.constant 0 : i32
      %dma_wait3A_81 = arith.constant 0 : i32
      %dma_wait3A_82 = tpu.memref_slice %dma_wait3A_79[%dma_wait3A_80, %dma_wait3A_81] : memref<10240x64xf32, #tpu.memory_space<hbm>> -> memref<10240x64xf32, #tpu.memory_space<hbm>>
      tpu.wait_indirect_dma semaphore(%arg13 : memref<!tpu.dma_semaphore, #tpu.memory_space<semaphore_mem>>) src(%dma_wait3A_82 : memref<10240x64xf32, #tpu.memory_space<hbm>>) dst(%arg9 : memref<256x64xf32, #tpu.memory_space<vmem>>)
      "tpu.region"() ({
        %run_scoped3A_109 = tpu.sem_alloc : memref<!tpu.dma_semaphore, #tpu.memory_space<semaphore_mem>>
        %dma_start3A_110 = arith.constant 0 : i32
        %dma_start3A_111 = tpu.memref_slice %arg8[%add3A_60, %dma_start3A_110] : memref<80x256xi32, #tpu.memory_space<vmem>> -> memref<1x256xi32, #tpu.memory_space<vmem>>
        %dma_start3A_112 = tpu.memref_squeeze %dma_start3A_111 : memref<1x256xi32, #tpu.memory_space<vmem>> -> memref<256xi32, #tpu.memory_space<vmem>>
        %dma_start3A_113 = arith.constant 0 : i32
        %dma_start3A_114 = arith.constant 0 : i32
        %dma_start3A_115 = tpu.memref_slice %arg12[%dma_start3A_113, %dma_start3A_114] : memref<10240x64xf32, #tpu.memory_space<vmem_shared>> -> memref<10240x64xf32, #tpu.memory_space<vmem_shared>>
        tpu.enqueue_indirect_dma source(%arg9 : memref<256x64xf32, #tpu.memory_space<vmem>>) target(%dma_start3A_115 : memref<10240x64xf32, #tpu.memory_space<vmem_shared>>) offsets(%dma_start3A_112 : memref<256xi32, #tpu.memory_space<vmem>>) semaphore(%run_scoped3A_109 : memref<!tpu.dma_semaphore, #tpu.memory_space<semaphore_mem>>) {add = true}
        %dma_wait3A_116 = arith.constant 0 : i32
        %dma_wait3A_117 = tpu.memref_slice %arg8[%add3A_60, %dma_wait3A_116] : memref<80x256xi32, #tpu.memory_space<vmem>> -> memref<1x256xi32, #tpu.memory_space<vmem>>
        %dma_wait3A_118 = tpu.memref_squeeze %dma_wait3A_117 : memref<1x256xi32, #tpu.memory_space<vmem>> -> memref<256xi32, #tpu.memory_space<vmem>>
        %dma_wait3A_119 = arith.constant 0 : i32
        %dma_wait3A_120 = arith.constant 0 : i32
        %dma_wait3A_121 = tpu.memref_slice %arg12[%dma_wait3A_119, %dma_wait3A_120] : memref<10240x64xf32, #tpu.memory_space<vmem_shared>> -> memref<10240x64xf32, #tpu.memory_space<vmem_shared>>
        tpu.wait_indirect_dma semaphore(%run_scoped3A_109 : memref<!tpu.dma_semaphore, #tpu.memory_space<semaphore_mem>>) src(%arg9 : memref<256x64xf32, #tpu.memory_space<vmem>>) dst(%dma_wait3A_121 : memref<10240x64xf32, #tpu.memory_space<vmem_shared>>)
        tpu.yield
      }) : () -> ()
      %add3A_83 = arith.constant 2 : i32
      %add3A_84 = arith.addi %add3A_60, %add3A_83 : i32
      %dma_start3A_85 = arith.constant 0 : i32
      %dma_start3A_86 = tpu.memref_slice %arg7[%add3A_84, %dma_start3A_85] : memref<80x256xi32, #tpu.memory_space<vmem>> -> memref<1x256xi32, #tpu.memory_space<vmem>>
      %dma_start3A_87 = tpu.memref_squeeze %dma_start3A_86 : memref<1x256xi32, #tpu.memory_space<vmem>> -> memref<256xi32, #tpu.memory_space<vmem>>
      %dma_start3A_88 = arith.constant 0 : i32
      %dma_start3A_89 = arith.constant 0 : i32
      %dma_start3A_90 = tpu.memref_slice %arg4[%arg0, %dma_start3A_88, %dma_start3A_89] : memref<2x10240x64xf32, #tpu.memory_space<hbm>> -> memref<1x10240x64xf32, #tpu.memory_space<hbm>>
      %dma_start3A_91 = tpu.memref_squeeze %dma_start3A_90 : memref<1x10240x64xf32, #tpu.memory_space<hbm>> -> memref<10240x64xf32, #tpu.memory_space<hbm>>
      %dma_start3A_92 = arith.constant 0 : i32
      %dma_start3A_93 = arith.constant 0 : i32
      %dma_start3A_94 = tpu.memref_slice %dma_start3A_91[%dma_start3A_92, %dma_start3A_93] : memref<10240x64xf32, #tpu.memory_space<hbm>> -> memref<10240x64xf32, #tpu.memory_space<hbm>>
      tpu.enqueue_indirect_dma source(%dma_start3A_94 : memref<10240x64xf32, #tpu.memory_space<hbm>>) target(%arg9 : memref<256x64xf32, #tpu.memory_space<vmem>>) offsets(%dma_start3A_87 : memref<256xi32, #tpu.memory_space<vmem>>) semaphore(%arg13 : memref<!tpu.dma_semaphore, #tpu.memory_space<semaphore_mem>>)
      %add3A_95 = arith.constant 1 : i32
      %add3A_96 = arith.addi %add3A_60, %add3A_95 : i32
      %dma_wait3A_97 = arith.constant 0 : i32
      %dma_wait3A_98 = tpu.memref_slice %arg7[%add3A_96, %dma_wait3A_97] : memref<80x256xi32, #tpu.memory_space<vmem>> -> memref<1x256xi32, #tpu.memory_space<vmem>>
      %dma_wait3A_99 = tpu.memref_squeeze %dma_wait3A_98 : memref<1x256xi32, #tpu.memory_space<vmem>> -> memref<256xi32, #tpu.memory_space<vmem>>
      %dma_wait3A_100 = arith.constant 0 : i32
      %dma_wait3A_101 = arith.constant 0 : i32
      %dma_wait3A_102 = tpu.memref_slice %arg4[%arg0, %dma_wait3A_100, %dma_wait3A_101] : memref<2x10240x64xf32, #tpu.memory_space<hbm>> -> memref<1x10240x64xf32, #tpu.memory_space<hbm>>
      %dma_wait3A_103 = tpu.memref_squeeze %dma_wait3A_102 : memref<1x10240x64xf32, #tpu.memory_space<hbm>> -> memref<10240x64xf32, #tpu.memory_space<hbm>>
      %dma_wait3A_104 = arith.constant 0 : i32
      %dma_wait3A_105 = arith.constant 0 : i32
      %dma_wait3A_106 = tpu.memref_slice %dma_wait3A_103[%dma_wait3A_104, %dma_wait3A_105] : memref<10240x64xf32, #tpu.memory_space<hbm>> -> memref<10240x64xf32, #tpu.memory_space<hbm>>
      tpu.wait_indirect_dma semaphore(%arg14 : memref<!tpu.dma_semaphore, #tpu.memory_space<semaphore_mem>>) src(%dma_wait3A_106 : memref<10240x64xf32, #tpu.memory_space<hbm>>) dst(%arg10 : memref<256x64xf32, #tpu.memory_space<vmem>>)
      %add3A_107 = arith.constant 1 : i32
      %add3A_108 = arith.addi %add3A_60, %add3A_107 : i32
      "tpu.region"() ({
        %run_scoped3A_109 = tpu.sem_alloc : memref<!tpu.dma_semaphore, #tpu.memory_space<semaphore_mem>>
        %dma_start3A_110 = arith.constant 0 : i32
        %dma_start3A_111 = tpu.memref_slice %arg8[%add3A_108, %dma_start3A_110] : memref<80x256xi32, #tpu.memory_space<vmem>> -> memref<1x256xi32, #tpu.memory_space<vmem>>
        %dma_start3A_112 = tpu.memref_squeeze %dma_start3A_111 : memref<1x256xi32, #tpu.memory_space<vmem>> -> memref<256xi32, #tpu.memory_space<vmem>>
        %dma_start3A_113 = arith.constant 0 : i32
        %dma_start3A_114 = arith.constant 0 : i32
        %dma_start3A_115 = tpu.memref_slice %arg12[%dma_start3A_113, %dma_start3A_114] : memref<10240x64xf32, #tpu.memory_space<vmem_shared>> -> memref<10240x64xf32, #tpu.memory_space<vmem_shared>>
        tpu.enqueue_indirect_dma source(%arg10 : memref<256x64xf32, #tpu.memory_space<vmem>>) target(%dma_start3A_115 : memref<10240x64xf32, #tpu.memory_space<vmem_shared>>) offsets(%dma_start3A_112 : memref<256xi32, #tpu.memory_space<vmem>>) semaphore(%run_scoped3A_109 : memref<!tpu.dma_semaphore, #tpu.memory_space<semaphore_mem>>) {add = true}
        %dma_wait3A_116 = arith.constant 0 : i32
        %dma_wait3A_117 = tpu.memref_slice %arg8[%add3A_108, %dma_wait3A_116] : memref<80x256xi32, #tpu.memory_space<vmem>> -> memref<1x256xi32, #tpu.memory_space<vmem>>
        %dma_wait3A_118 = tpu.memref_squeeze %dma_wait3A_117 : memref<1x256xi32, #tpu.memory_space<vmem>> -> memref<256xi32, #tpu.memory_space<vmem>>
        %dma_wait3A_119 = arith.constant 0 : i32
        %dma_wait3A_120 = arith.constant 0 : i32
        %dma_wait3A_121 = tpu.memref_slice %arg12[%dma_wait3A_119, %dma_wait3A_120] : memref<10240x64xf32, #tpu.memory_space<vmem_shared>> -> memref<10240x64xf32, #tpu.memory_space<vmem_shared>>
        tpu.wait_indirect_dma semaphore(%run_scoped3A_109 : memref<!tpu.dma_semaphore, #tpu.memory_space<semaphore_mem>>) src(%arg10 : memref<256x64xf32, #tpu.memory_space<vmem>>) dst(%dma_wait3A_121 : memref<10240x64xf32, #tpu.memory_space<vmem_shared>>)
        tpu.yield
      }) : () -> ()
    }
    %scan3A_18 = arith.constant 39 : i32
    %dma_start3A_19 = arith.constant 79 : i32
    %dma_start3A_20 = arith.constant 0 : i32
    %dma_start3A_21 = tpu.memref_slice %arg7[%dma_start3A_19, %dma_start3A_20] : memref<80x256xi32, #tpu.memory_space<vmem>> -> memref<1x256xi32, #tpu.memory_space<vmem>>
    %dma_start3A_22 = tpu.memref_squeeze %dma_start3A_21 : memref<1x256xi32, #tpu.memory_space<vmem>> -> memref<256xi32, #tpu.memory_space<vmem>>
    %dma_start3A_23 = arith.constant 0 : i32
    %dma_start3A_24 = arith.constant 0 : i32
    %dma_start3A_25 = tpu.memref_slice %arg4[%arg0, %dma_start3A_23, %dma_start3A_24] : memref<2x10240x64xf32, #tpu.memory_space<hbm>> -> memref<1x10240x64xf32, #tpu.memory_space<hbm>>
    %dma_start3A_26 = tpu.memref_squeeze %dma_start3A_25 : memref<1x10240x64xf32, #tpu.memory_space<hbm>> -> memref<10240x64xf32, #tpu.memory_space<hbm>>
    %dma_start3A_27 = arith.constant 0 : i32
    %dma_start3A_28 = arith.constant 0 : i32
    %dma_start3A_29 = tpu.memref_slice %dma_start3A_26[%dma_start3A_27, %dma_start3A_28] : memref<10240x64xf32, #tpu.memory_space<hbm>> -> memref<10240x64xf32, #tpu.memory_space<hbm>>
    tpu.enqueue_indirect_dma source(%dma_start3A_29 : memref<10240x64xf32, #tpu.memory_space<hbm>>) target(%arg10 : memref<256x64xf32, #tpu.memory_space<vmem>>) offsets(%dma_start3A_22 : memref<256xi32, #tpu.memory_space<vmem>>) semaphore(%arg14 : memref<!tpu.dma_semaphore, #tpu.memory_space<semaphore_mem>>)
    %dma_wait3A = arith.constant 78 : i32
    %dma_wait3A_30 = arith.constant 0 : i32
    %dma_wait3A_31 = tpu.memref_slice %arg7[%dma_wait3A, %dma_wait3A_30] : memref<80x256xi32, #tpu.memory_space<vmem>> -> memref<1x256xi32, #tpu.memory_space<vmem>>
    %dma_wait3A_32 = tpu.memref_squeeze %dma_wait3A_31 : memref<1x256xi32, #tpu.memory_space<vmem>> -> memref<256xi32, #tpu.memory_space<vmem>>
    %dma_wait3A_33 = arith.constant 0 : i32
    %dma_wait3A_34 = arith.constant 0 : i32
    %dma_wait3A_35 = tpu.memref_slice %arg4[%arg0, %dma_wait3A_33, %dma_wait3A_34] : memref<2x10240x64xf32, #tpu.memory_space<hbm>> -> memref<1x10240x64xf32, #tpu.memory_space<hbm>>
    %dma_wait3A_36 = tpu.memref_squeeze %dma_wait3A_35 : memref<1x10240x64xf32, #tpu.memory_space<hbm>> -> memref<10240x64xf32, #tpu.memory_space<hbm>>
    %dma_wait3A_37 = arith.constant 0 : i32
    %dma_wait3A_38 = arith.constant 0 : i32
    %dma_wait3A_39 = tpu.memref_slice %dma_wait3A_36[%dma_wait3A_37, %dma_wait3A_38] : memref<10240x64xf32, #tpu.memory_space<hbm>> -> memref<10240x64xf32, #tpu.memory_space<hbm>>
    tpu.wait_indirect_dma semaphore(%arg13 : memref<!tpu.dma_semaphore, #tpu.memory_space<semaphore_mem>>) src(%dma_wait3A_39 : memref<10240x64xf32, #tpu.memory_space<hbm>>) dst(%arg9 : memref<256x64xf32, #tpu.memory_space<vmem>>)
    %run_scoped3A = arith.constant 78 : i32
    "tpu.region"() ({
      %run_scoped3A_58 = tpu.sem_alloc : memref<!tpu.dma_semaphore, #tpu.memory_space<semaphore_mem>>
      %dma_start3A_59 = arith.constant 0 : i32
      %dma_start3A_60 = tpu.memref_slice %arg8[%run_scoped3A, %dma_start3A_59] : memref<80x256xi32, #tpu.memory_space<vmem>> -> memref<1x256xi32, #tpu.memory_space<vmem>>
      %dma_start3A_61 = tpu.memref_squeeze %dma_start3A_60 : memref<1x256xi32, #tpu.memory_space<vmem>> -> memref<256xi32, #tpu.memory_space<vmem>>
      %dma_start3A_62 = arith.constant 0 : i32
      %dma_start3A_63 = arith.constant 0 : i32
      %dma_start3A_64 = tpu.memref_slice %arg12[%dma_start3A_62, %dma_start3A_63] : memref<10240x64xf32, #tpu.memory_space<vmem_shared>> -> memref<10240x64xf32, #tpu.memory_space<vmem_shared>>
      tpu.enqueue_indirect_dma source(%arg9 : memref<256x64xf32, #tpu.memory_space<vmem>>) target(%dma_start3A_64 : memref<10240x64xf32, #tpu.memory_space<vmem_shared>>) offsets(%dma_start3A_61 : memref<256xi32, #tpu.memory_space<vmem>>) semaphore(%run_scoped3A_58 : memref<!tpu.dma_semaphore, #tpu.memory_space<semaphore_mem>>) {add = true}
      %dma_wait3A_65 = arith.constant 0 : i32
      %dma_wait3A_66 = tpu.memref_slice %arg8[%run_scoped3A, %dma_wait3A_65] : memref<80x256xi32, #tpu.memory_space<vmem>> -> memref<1x256xi32, #tpu.memory_space<vmem>>
      %dma_wait3A_67 = tpu.memref_squeeze %dma_wait3A_66 : memref<1x256xi32, #tpu.memory_space<vmem>> -> memref<256xi32, #tpu.memory_space<vmem>>
      %dma_wait3A_68 = arith.constant 0 : i32
      %dma_wait3A_69 = arith.constant 0 : i32
      %dma_wait3A_70 = tpu.memref_slice %arg12[%dma_wait3A_68, %dma_wait3A_69] : memref<10240x64xf32, #tpu.memory_space<vmem_shared>> -> memref<10240x64xf32, #tpu.memory_space<vmem_shared>>
      tpu.wait_indirect_dma semaphore(%run_scoped3A_58 : memref<!tpu.dma_semaphore, #tpu.memory_space<semaphore_mem>>) src(%arg9 : memref<256x64xf32, #tpu.memory_space<vmem>>) dst(%dma_wait3A_70 : memref<10240x64xf32, #tpu.memory_space<vmem_shared>>)
      tpu.yield
    }) : () -> ()
    %dma_wait3A_40 = arith.constant 79 : i32
    %dma_wait3A_41 = arith.constant 0 : i32
    %dma_wait3A_42 = tpu.memref_slice %arg7[%dma_wait3A_40, %dma_wait3A_41] : memref<80x256xi32, #tpu.memory_space<vmem>> -> memref<1x256xi32, #tpu.memory_space<vmem>>
    %dma_wait3A_43 = tpu.memref_squeeze %dma_wait3A_42 : memref<1x256xi32, #tpu.memory_space<vmem>> -> memref<256xi32, #tpu.memory_space<vmem>>
    %dma_wait3A_44 = arith.constant 0 : i32
    %dma_wait3A_45 = arith.constant 0 : i32
    %dma_wait3A_46 = tpu.memref_slice %arg4[%arg0, %dma_wait3A_44, %dma_wait3A_45] : memref<2x10240x64xf32, #tpu.memory_space<hbm>> -> memref<1x10240x64xf32, #tpu.memory_space<hbm>>
    %dma_wait3A_47 = tpu.memref_squeeze %dma_wait3A_46 : memref<1x10240x64xf32, #tpu.memory_space<hbm>> -> memref<10240x64xf32, #tpu.memory_space<hbm>>
    %dma_wait3A_48 = arith.constant 0 : i32
    %dma_wait3A_49 = arith.constant 0 : i32
    %dma_wait3A_50 = tpu.memref_slice %dma_wait3A_47[%dma_wait3A_48, %dma_wait3A_49] : memref<10240x64xf32, #tpu.memory_space<hbm>> -> memref<10240x64xf32, #tpu.memory_space<hbm>>
    tpu.wait_indirect_dma semaphore(%arg14 : memref<!tpu.dma_semaphore, #tpu.memory_space<semaphore_mem>>) src(%dma_wait3A_50 : memref<10240x64xf32, #tpu.memory_space<hbm>>) dst(%arg10 : memref<256x64xf32, #tpu.memory_space<vmem>>)
    %run_scoped3A_51 = arith.constant 79 : i32
    "tpu.region"() ({
      %run_scoped3A_58 = tpu.sem_alloc : memref<!tpu.dma_semaphore, #tpu.memory_space<semaphore_mem>>
      %dma_start3A_59 = arith.constant 0 : i32
      %dma_start3A_60 = tpu.memref_slice %arg8[%run_scoped3A_51, %dma_start3A_59] : memref<80x256xi32, #tpu.memory_space<vmem>> -> memref<1x256xi32, #tpu.memory_space<vmem>>
      %dma_start3A_61 = tpu.memref_squeeze %dma_start3A_60 : memref<1x256xi32, #tpu.memory_space<vmem>> -> memref<256xi32, #tpu.memory_space<vmem>>
      %dma_start3A_62 = arith.constant 0 : i32
      %dma_start3A_63 = arith.constant 0 : i32
      %dma_start3A_64 = tpu.memref_slice %arg12[%dma_start3A_62, %dma_start3A_63] : memref<10240x64xf32, #tpu.memory_space<vmem_shared>> -> memref<10240x64xf32, #tpu.memory_space<vmem_shared>>
      tpu.enqueue_indirect_dma source(%arg10 : memref<256x64xf32, #tpu.memory_space<vmem>>) target(%dma_start3A_64 : memref<10240x64xf32, #tpu.memory_space<vmem_shared>>) offsets(%dma_start3A_61 : memref<256xi32, #tpu.memory_space<vmem>>) semaphore(%run_scoped3A_58 : memref<!tpu.dma_semaphore, #tpu.memory_space<semaphore_mem>>) {add = true}
      %dma_wait3A_65 = arith.constant 0 : i32
      %dma_wait3A_66 = tpu.memref_slice %arg8[%run_scoped3A_51, %dma_wait3A_65] : memref<80x256xi32, #tpu.memory_space<vmem>> -> memref<1x256xi32, #tpu.memory_space<vmem>>
      %dma_wait3A_67 = tpu.memref_squeeze %dma_wait3A_66 : memref<1x256xi32, #tpu.memory_space<vmem>> -> memref<256xi32, #tpu.memory_space<vmem>>
      %dma_wait3A_68 = arith.constant 0 : i32
      %dma_wait3A_69 = arith.constant 0 : i32
      %dma_wait3A_70 = tpu.memref_slice %arg12[%dma_wait3A_68, %dma_wait3A_69] : memref<10240x64xf32, #tpu.memory_space<vmem_shared>> -> memref<10240x64xf32, #tpu.memory_space<vmem_shared>>
      tpu.wait_indirect_dma semaphore(%run_scoped3A_58 : memref<!tpu.dma_semaphore, #tpu.memory_space<semaphore_mem>>) src(%arg10 : memref<256x64xf32, #tpu.memory_space<vmem>>) dst(%dma_wait3A_70 : memref<10240x64xf32, #tpu.memory_space<vmem_shared>>)
      tpu.yield
    }) : () -> ()
    %barrier3A_52 = arith.constant 0 : index
    tpu.barrier barrier_id(%barrier3A_52)
    %scan3A_53 = arith.constant 0 : i32
    %scan3A_54 = arith.constant 4 : i32
    %scan3A_55 = arith.addi %scan3A_53, %scan3A_54 : i32
    %scan3A_56 = arith.constant 1 : i32
    scf.for %scan3A_58 = %scan3A_53 to %scan3A_55 step %scan3A_56  : i32 {
      %mul3A = arith.constant 1 : i32
      %mul3A_59 = arith.muli %scan3A_58, %mul3A : i32
      %add3A = arith.constant 0 : i32
      %add3A_60 = arith.addi %add3A, %mul3A_59 : i32
      %mul3A_61 = arith.constant 640 : i32
      %mul3A_62 = arith.muli %arg1, %mul3A_61 : i32
      %mul3A_63 = arith.constant 160 : i32
      %mul3A_64 = arith.muli %add3A_60, %mul3A_63 : i32
      %add3A_65 = arith.addi %mul3A_62, %mul3A_64 : i32
      "tpu.region"() ({
        %run_scoped3A_66 = tpu.sem_alloc : memref<!tpu.dma_semaphore, #tpu.memory_space<semaphore_mem>>
        %dma_start3A_67 = arith.constant 0 : i32
        %dma_start3A_68 = tpu.memref_slice %arg12[%add3A_65, %dma_start3A_67] : memref<10240x64xf32, #tpu.memory_space<vmem_shared>> -> memref<160x64xf32, #tpu.memory_space<vmem_shared>>
        %dma_start3A_69 = arith.constant 0 : i32
        %dma_start3A_70 = tpu.memref_slice %arg12[%add3A_65, %dma_start3A_69] : memref<10240x64xf32, #tpu.memory_space<vmem_shared>> -> memref<160x64xf32, #tpu.memory_space<vmem_shared>>
        tpu.enqueue_dma source(%dma_start3A_70 : memref<160x64xf32, #tpu.memory_space<vmem_shared>>) target(%arg11 : memref<160x64xf32, #tpu.memory_space<vmem>>) target_semaphore(%run_scoped3A_66 : memref<!tpu.dma_semaphore, #tpu.memory_space<semaphore_mem>>)
        %dma_wait3A_71 = arith.constant 0 : i32
        %dma_wait3A_72 = tpu.memref_slice %arg12[%add3A_65, %dma_wait3A_71] : memref<10240x64xf32, #tpu.memory_space<vmem_shared>> -> memref<160x64xf32, #tpu.memory_space<vmem_shared>>
        %dma_wait3A_73 = arith.constant 0 : i32
        %dma_wait3A_74 = tpu.memref_slice %arg12[%add3A_65, %dma_wait3A_73] : memref<10240x64xf32, #tpu.memory_space<vmem_shared>> -> memref<160x64xf32, #tpu.memory_space<vmem_shared>>
        tpu.wait_dma2 semaphore(%run_scoped3A_66 : memref<!tpu.dma_semaphore, #tpu.memory_space<semaphore_mem>>) src(%dma_wait3A_74 : memref<160x64xf32, #tpu.memory_space<vmem_shared>>) dst(%arg11 : memref<160x64xf32, #tpu.memory_space<vmem>>)
        tpu.yield
      }) : () -> ()
      "tpu.region"() ({
        %run_scoped3A_66 = tpu.sem_alloc : memref<!tpu.dma_semaphore, #tpu.memory_space<semaphore_mem>>
        %dma_start3A_67 = arith.constant 0 : i32
        %dma_start3A_68 = tpu.memref_slice %arg6[%arg0, %add3A_65, %dma_start3A_67] : memref<2x10240x64xf32, #tpu.memory_space<hbm>> -> memref<1x160x64xf32, #tpu.memory_space<hbm>>
        %dma_start3A_69 = tpu.memref_squeeze %dma_start3A_68 : memref<1x160x64xf32, #tpu.memory_space<hbm>> -> memref<160x64xf32, #tpu.memory_space<hbm>>
        %dma_start3A_70 = arith.constant 0 : i32
        %dma_start3A_71 = tpu.memref_slice %arg6[%arg0, %add3A_65, %dma_start3A_70] : memref<2x10240x64xf32, #tpu.memory_space<hbm>> -> memref<1x160x64xf32, #tpu.memory_space<hbm>>
        %dma_start3A_72 = tpu.memref_squeeze %dma_start3A_71 : memref<1x160x64xf32, #tpu.memory_space<hbm>> -> memref<160x64xf32, #tpu.memory_space<hbm>>
        tpu.enqueue_dma source(%arg11 : memref<160x64xf32, #tpu.memory_space<vmem>>) target(%dma_start3A_72 : memref<160x64xf32, #tpu.memory_space<hbm>>) target_semaphore(%run_scoped3A_66 : memref<!tpu.dma_semaphore, #tpu.memory_space<semaphore_mem>>)
        %dma_wait3A_73 = arith.constant 0 : i32
        %dma_wait3A_74 = tpu.memref_slice %arg6[%arg0, %add3A_65, %dma_wait3A_73] : memref<2x10240x64xf32, #tpu.memory_space<hbm>> -> memref<1x160x64xf32, #tpu.memory_space<hbm>>
        %dma_wait3A_75 = tpu.memref_squeeze %dma_wait3A_74 : memref<1x160x64xf32, #tpu.memory_space<hbm>> -> memref<160x64xf32, #tpu.memory_space<hbm>>
        %dma_wait3A_76 = arith.constant 0 : i32
        %dma_wait3A_77 = tpu.memref_slice %arg6[%arg0, %add3A_65, %dma_wait3A_76] : memref<2x10240x64xf32, #tpu.memory_space<hbm>> -> memref<1x160x64xf32, #tpu.memory_space<hbm>>
        %dma_wait3A_78 = tpu.memref_squeeze %dma_wait3A_77 : memref<1x160x64xf32, #tpu.memory_space<hbm>> -> memref<160x64xf32, #tpu.memory_space<hbm>>
        tpu.wait_dma2 semaphore(%run_scoped3A_66 : memref<!tpu.dma_semaphore, #tpu.memory_space<semaphore_mem>>) src(%arg11 : memref<160x64xf32, #tpu.memory_space<vmem>>) dst(%dma_wait3A_78 : memref<160x64xf32, #tpu.memory_space<hbm>>)
        tpu.yield
      }) : () -> ()
    }
    %scan3A_57 = arith.constant 4 : i32
    return
  }
}

#map = affine_map<(d0, d1) -> (0, 0, 0)>
#map1 = affine_map<(d0, d1) -> (0, 0)>
module attributes {stable_mosaic.version = 14 : i64} {
  func.func @prop(%arg0: i32, %arg1: i32, %arg2: memref<16x80x256xi32, #tpu.memory_space<hbm>>, %arg3: memref<16x80x256xi32, #tpu.memory_space<hbm>>, %arg4: memref<2x10240x64xf32, #tpu.memory_space<hbm>>, %arg5: memref<160x64xf32, #tpu.memory_space<hbm>>, %arg6: memref<2x10240x64xf32, #tpu.memory_space<hbm>>, %arg7: memref<80x256xi32, #tpu.memory_space<vmem>>, %arg8: memref<80x256xi32, #tpu.memory_space<vmem>>, %arg9: memref<256x64xf32, #tpu.memory_space<vmem>>, %arg10: memref<256x64xf32, #tpu.memory_space<vmem>>, %arg11: memref<160x64xf32, #tpu.memory_space<vmem>>, %arg12: memref<10240x64xf32, #tpu.memory_space<vmem_shared>>, %arg13: memref<!tpu.dma_semaphore, #tpu.memory_space<semaphore_mem>>, %arg14: memref<!tpu.dma_semaphore, #tpu.memory_space<semaphore_mem>>) attributes {dimension_semantics = [#tpu.dimension_semantics<core_parallel>, #tpu.dimension_semantics<subcore_parallel>], iteration_bounds = array<i64: 2, 16>, scalar_prefetch = 0 : i64, scratch_operands = 8 : i64, tpu.core_type = #tpu.core_type<sc_vector_subcore>, window_params = [{transform_indices = #map}, {transform_indices = #map}, {transform_indices = #map}, {transform_indices = #map1}, {transform_indices = #map}]} {
    "tpu.region"() ({
      %run_scoped3A_58 = tpu.sem_alloc : memref<!tpu.dma_semaphore, #tpu.memory_space<semaphore_mem>>
      %dma_start3A_59 = arith.constant 0 : i32
      %dma_start3A_60 = arith.constant 0 : i32
      %dma_start3A_61 = tpu.memref_slice %arg2[%arg1, %dma_start3A_59, %dma_start3A_60] : memref<16x80x256xi32, #tpu.memory_space<hbm>> -> memref<1x80x256xi32, #tpu.memory_space<hbm>>
      %dma_start3A_62 = tpu.memref_squeeze %dma_start3A_61 : memref<1x80x256xi32, #tpu.memory_space<hbm>> -> memref<80x256xi32, #tpu.memory_space<hbm>>
      %dma_start3A_63 = arith.constant 0 : i32
      %dma_start3A_64 = arith.constant 0 : i32
      %dma_start3A_65 = tpu.memref_slice %arg2[%arg1, %dma_start3A_63, %dma_start3A_64] : memref<16x80x256xi32, #tpu.memory_space<hbm>> -> memref<1x80x256xi32, #tpu.memory_space<hbm>>
      %dma_start3A_66 = tpu.memref_squeeze %dma_start3A_65 : memref<1x80x256xi32, #tpu.memory_space<hbm>> -> memref<80x256xi32, #tpu.memory_space<hbm>>
      tpu.enqueue_dma source(%dma_start3A_66 : memref<80x256xi32, #tpu.memory_space<hbm>>) target(%arg7 : memref<80x256xi32, #tpu.memory_space<vmem>>) target_semaphore(%run_scoped3A_58 : memref<!tpu.dma_semaphore, #tpu.memory_space<semaphore_mem>>)
      %dma_wait3A_67 = arith.constant 0 : i32
      %dma_wait3A_68 = arith.constant 0 : i32
      %dma_wait3A_69 = tpu.memref_slice %arg2[%arg1, %dma_wait3A_67, %dma_wait3A_68] : memref<16x80x256xi32, #tpu.memory_space<hbm>> -> memref<1x80x256xi32, #tpu.memory_space<hbm>>
      %dma_wait3A_70 = tpu.memref_squeeze %dma_wait3A_69 : memref<1x80x256xi32, #tpu.memory_space<hbm>> -> memref<80x256xi32, #tpu.memory_space<hbm>>
      %dma_wait3A_71 = arith.constant 0 : i32
      %dma_wait3A_72 = arith.constant 0 : i32
      %dma_wait3A_73 = tpu.memref_slice %arg2[%arg1, %dma_wait3A_71, %dma_wait3A_72] : memref<16x80x256xi32, #tpu.memory_space<hbm>> -> memref<1x80x256xi32, #tpu.memory_space<hbm>>
      %dma_wait3A_74 = tpu.memref_squeeze %dma_wait3A_73 : memref<1x80x256xi32, #tpu.memory_space<hbm>> -> memref<80x256xi32, #tpu.memory_space<hbm>>
      tpu.wait_dma2 semaphore(%run_scoped3A_58 : memref<!tpu.dma_semaphore, #tpu.memory_space<semaphore_mem>>) src(%dma_wait3A_74 : memref<80x256xi32, #tpu.memory_space<hbm>>) dst(%arg7 : memref<80x256xi32, #tpu.memory_space<vmem>>)
      tpu.yield
    }) : () -> ()
    "tpu.region"() ({
      %run_scoped3A_58 = tpu.sem_alloc : memref<!tpu.dma_semaphore, #tpu.memory_space<semaphore_mem>>
      %dma_start3A_59 = arith.constant 0 : i32
      %dma_start3A_60 = arith.constant 0 : i32
      %dma_start3A_61 = tpu.memref_slice %arg3[%arg1, %dma_start3A_59, %dma_start3A_60] : memref<16x80x256xi32, #tpu.memory_space<hbm>> -> memref<1x80x256xi32, #tpu.memory_space<hbm>>
      %dma_start3A_62 = tpu.memref_squeeze %dma_start3A_61 : memref<1x80x256xi32, #tpu.memory_space<hbm>> -> memref<80x256xi32, #tpu.memory_space<hbm>>
      %dma_start3A_63 = arith.constant 0 : i32
      %dma_start3A_64 = arith.constant 0 : i32
      %dma_start3A_65 = tpu.memref_slice %arg3[%arg1, %dma_start3A_63, %dma_start3A_64] : memref<16x80x256xi32, #tpu.memory_space<hbm>> -> memref<1x80x256xi32, #tpu.memory_space<hbm>>
      %dma_start3A_66 = tpu.memref_squeeze %dma_start3A_65 : memref<1x80x256xi32, #tpu.memory_space<hbm>> -> memref<80x256xi32, #tpu.memory_space<hbm>>
      tpu.enqueue_dma source(%dma_start3A_66 : memref<80x256xi32, #tpu.memory_space<hbm>>) target(%arg8 : memref<80x256xi32, #tpu.memory_space<vmem>>) target_semaphore(%run_scoped3A_58 : memref<!tpu.dma_semaphore, #tpu.memory_space<semaphore_mem>>)
      %dma_wait3A_67 = arith.constant 0 : i32
      %dma_wait3A_68 = arith.constant 0 : i32
      %dma_wait3A_69 = tpu.memref_slice %arg3[%arg1, %dma_wait3A_67, %dma_wait3A_68] : memref<16x80x256xi32, #tpu.memory_space<hbm>> -> memref<1x80x256xi32, #tpu.memory_space<hbm>>
      %dma_wait3A_70 = tpu.memref_squeeze %dma_wait3A_69 : memref<1x80x256xi32, #tpu.memory_space<hbm>> -> memref<80x256xi32, #tpu.memory_space<hbm>>
      %dma_wait3A_71 = arith.constant 0 : i32
      %dma_wait3A_72 = arith.constant 0 : i32
      %dma_wait3A_73 = tpu.memref_slice %arg3[%arg1, %dma_wait3A_71, %dma_wait3A_72] : memref<16x80x256xi32, #tpu.memory_space<hbm>> -> memref<1x80x256xi32, #tpu.memory_space<hbm>>
      %dma_wait3A_74 = tpu.memref_squeeze %dma_wait3A_73 : memref<1x80x256xi32, #tpu.memory_space<hbm>> -> memref<80x256xi32, #tpu.memory_space<hbm>>
      tpu.wait_dma2 semaphore(%run_scoped3A_58 : memref<!tpu.dma_semaphore, #tpu.memory_space<semaphore_mem>>) src(%dma_wait3A_74 : memref<80x256xi32, #tpu.memory_space<hbm>>) dst(%arg8 : memref<80x256xi32, #tpu.memory_space<vmem>>)
      tpu.yield
    }) : () -> ()
    "tpu.region"() ({
      %run_scoped3A_58 = tpu.sem_alloc : memref<!tpu.dma_semaphore, #tpu.memory_space<semaphore_mem>>
      tpu.enqueue_dma source(%arg5 : memref<160x64xf32, #tpu.memory_space<hbm>>) target(%arg11 : memref<160x64xf32, #tpu.memory_space<vmem>>) target_semaphore(%run_scoped3A_58 : memref<!tpu.dma_semaphore, #tpu.memory_space<semaphore_mem>>)
      tpu.wait_dma2 semaphore(%run_scoped3A_58 : memref<!tpu.dma_semaphore, #tpu.memory_space<semaphore_mem>>) src(%arg5 : memref<160x64xf32, #tpu.memory_space<hbm>>) dst(%arg11 : memref<160x64xf32, #tpu.memory_space<vmem>>)
      tpu.yield
    }) : () -> ()
    %scan3A = arith.constant 0 : i32
    %scan3A_0 = arith.constant 4 : i32
    %scan3A_1 = arith.addi %scan3A, %scan3A_0 : i32
    %scan3A_2 = arith.constant 1 : i32
    scf.for %scan3A_58 = %scan3A to %scan3A_1 step %scan3A_2  : i32 {
      %mul3A = arith.constant 1 : i32
      %mul3A_59 = arith.muli %scan3A_58, %mul3A : i32
      %add3A = arith.constant 0 : i32
      %add3A_60 = arith.addi %add3A, %mul3A_59 : i32
      %mul3A_61 = arith.constant 640 : i32
      %mul3A_62 = arith.muli %arg1, %mul3A_61 : i32
      %mul3A_63 = arith.constant 160 : i32
      %mul3A_64 = arith.muli %add3A_60, %mul3A_63 : i32
      %add3A_65 = arith.addi %mul3A_62, %mul3A_64 : i32
      "tpu.region"() ({
        %run_scoped3A_66 = tpu.sem_alloc : memref<!tpu.dma_semaphore, #tpu.memory_space<semaphore_mem>>
        %dma_start3A_67 = arith.constant 0 : i32
        %dma_start3A_68 = tpu.memref_slice %arg12[%add3A_65, %dma_start3A_67] : memref<10240x64xf32, #tpu.memory_space<vmem_shared>> -> memref<160x64xf32, #tpu.memory_space<vmem_shared>>
        %dma_start3A_69 = arith.constant 0 : i32
        %dma_start3A_70 = tpu.memref_slice %arg12[%add3A_65, %dma_start3A_69] : memref<10240x64xf32, #tpu.memory_space<vmem_shared>> -> memref<160x64xf32, #tpu.memory_space<vmem_shared>>
        tpu.enqueue_dma source(%arg11 : memref<160x64xf32, #tpu.memory_space<vmem>>) target(%dma_start3A_70 : memref<160x64xf32, #tpu.memory_space<vmem_shared>>) target_semaphore(%run_scoped3A_66 : memref<!tpu.dma_semaphore, #tpu.memory_space<semaphore_mem>>)
        %dma_wait3A_71 = arith.constant 0 : i32
        %dma_wait3A_72 = tpu.memref_slice %arg12[%add3A_65, %dma_wait3A_71] : memref<10240x64xf32, #tpu.memory_space<vmem_shared>> -> memref<160x64xf32, #tpu.memory_space<vmem_shared>>
        %dma_wait3A_73 = arith.constant 0 : i32
        %dma_wait3A_74 = tpu.memref_slice %arg12[%add3A_65, %dma_wait3A_73] : memref<10240x64xf32, #tpu.memory_space<vmem_shared>> -> memref<160x64xf32, #tpu.memory_space<vmem_shared>>
        tpu.wait_dma2 semaphore(%run_scoped3A_66 : memref<!tpu.dma_semaphore, #tpu.memory_space<semaphore_mem>>) src(%arg11 : memref<160x64xf32, #tpu.memory_space<vmem>>) dst(%dma_wait3A_74 : memref<160x64xf32, #tpu.memory_space<vmem_shared>>)
        tpu.yield
      }) : () -> ()
    }
    %scan3A_3 = arith.constant 4 : i32
    %barrier3A = arith.constant 0 : index
    tpu.barrier barrier_id(%barrier3A)
    %dma_start3A = arith.constant 0 : i32
    %dma_start3A_4 = arith.constant 0 : i32
    %dma_start3A_5 = tpu.memref_slice %arg7[%dma_start3A, %dma_start3A_4] : memref<80x256xi32, #tpu.memory_space<vmem>> -> memref<1x256xi32, #tpu.memory_space<vmem>>
    %dma_start3A_6 = tpu.memref_squeeze %dma_start3A_5 : memref<1x256xi32, #tpu.memory_space<vmem>> -> memref<256xi32, #tpu.memory_space<vmem>>
    %dma_start3A_7 = arith.constant 0 : i32
    %dma_start3A_8 = arith.constant 0 : i32
    %dma_start3A_9 = tpu.memref_slice %arg4[%arg0, %dma_start3A_7, %dma_start3A_8] : memref<2x10240x64xf32, #tpu.memory_space<hbm>> -> memref<1x10240x64xf32, #tpu.memory_space<hbm>>
    %dma_start3A_10 = tpu.memref_squeeze %dma_start3A_9 : memref<1x10240x64xf32, #tpu.memory_space<hbm>> -> memref<10240x64xf32, #tpu.memory_space<hbm>>
    %dma_start3A_11 = arith.constant 0 : i32
    %dma_start3A_12 = arith.constant 0 : i32
    %dma_start3A_13 = tpu.memref_slice %dma_start3A_10[%dma_start3A_11, %dma_start3A_12] : memref<10240x64xf32, #tpu.memory_space<hbm>> -> memref<10240x64xf32, #tpu.memory_space<hbm>>
    tpu.enqueue_indirect_dma source(%dma_start3A_13 : memref<10240x64xf32, #tpu.memory_space<hbm>>) target(%arg9 : memref<256x64xf32, #tpu.memory_space<vmem>>) offsets(%dma_start3A_6 : memref<256xi32, #tpu.memory_space<vmem>>) semaphore(%arg13 : memref<!tpu.dma_semaphore, #tpu.memory_space<semaphore_mem>>)
    %scan3A_14 = arith.constant 0 : i32
    %scan3A_15 = arith.constant 39 : i32
    %scan3A_16 = arith.addi %scan3A_14, %scan3A_15 : i32
    %scan3A_17 = arith.constant 1 : i32
    scf.for %scan3A_58 = %scan3A_14 to %scan3A_16 step %scan3A_17  : i32 {
      %mul3A = arith.constant 2 : i32
      %mul3A_59 = arith.muli %scan3A_58, %mul3A : i32
      %add3A = arith.constant 0 : i32
      %add3A_60 = arith.addi %add3A, %mul3A_59 : i32
      %add3A_61 = arith.constant 1 : i32
      %add3A_62 = arith.addi %add3A_60, %add3A_61 : i32
      %dma_start3A_63 = arith.constant 0 : i32
      %dma_start3A_64 = tpu.memref_slice %arg7[%add3A_62, %dma_start3A_63] : memref<80x256xi32, #tpu.memory_space<vmem>> -> memref<1x256xi32, #tpu.memory_space<vmem>>
      %dma_start3A_65 = tpu.memref_squeeze %dma_start3A_64 : memref<1x256xi32, #tpu.memory_space<vmem>> -> memref<256xi32, #tpu.memory_space<vmem>>
      %dma_start3A_66 = arith.constant 0 : i32
      %dma_start3A_67 = arith.constant 0 : i32
      %dma_start3A_68 = tpu.memref_slice %arg4[%arg0, %dma_start3A_66, %dma_start3A_67] : memref<2x10240x64xf32, #tpu.memory_space<hbm>> -> memref<1x10240x64xf32, #tpu.memory_space<hbm>>
      %dma_start3A_69 = tpu.memref_squeeze %dma_start3A_68 : memref<1x10240x64xf32, #tpu.memory_space<hbm>> -> memref<10240x64xf32, #tpu.memory_space<hbm>>
      %dma_start3A_70 = arith.constant 0 : i32
      %dma_start3A_71 = arith.constant 0 : i32
      %dma_start3A_72 = tpu.memref_slice %dma_start3A_69[%dma_start3A_70, %dma_start3A_71] : memref<10240x64xf32, #tpu.memory_space<hbm>> -> memref<10240x64xf32, #tpu.memory_space<hbm>>
      tpu.enqueue_indirect_dma source(%dma_start3A_72 : memref<10240x64xf32, #tpu.memory_space<hbm>>) target(%arg10 : memref<256x64xf32, #tpu.memory_space<vmem>>) offsets(%dma_start3A_65 : memref<256xi32, #tpu.memory_space<vmem>>) semaphore(%arg14 : memref<!tpu.dma_semaphore, #tpu.memory_space<semaphore_mem>>)
      %dma_wait3A_73 = arith.constant 0 : i32
      %dma_wait3A_74 = tpu.memref_slice %arg7[%add3A_60, %dma_wait3A_73] : memref<80x256xi32, #tpu.memory_space<vmem>> -> memref<1x256xi32, #tpu.memory_space<vmem>>
      %dma_wait3A_75 = tpu.memref_squeeze %dma_wait3A_74 : memref<1x256xi32, #tpu.memory_space<vmem>> -> memref<256xi32, #tpu.memory_space<vmem>>
      %dma_wait3A_76 = arith.constant 0 : i32
      %dma_wait3A_77 = arith.constant 0 : i32
      %dma_wait3A_78 = tpu.memref_slice %arg4[%arg0, %dma_wait3A_76, %dma_wait3A_77] : memref<2x10240x64xf32, #tpu.memory_space<hbm>> -> memref<1x10240x64xf32, #tpu.memory_space<hbm>>
      %dma_wait3A_79 = tpu.memref_squeeze %dma_wait3A_78 : memref<1x10240x64xf32, #tpu.memory_space<hbm>> -> memref<10240x64xf32, #tpu.memory_space<hbm>>
      %dma_wait3A_80 = arith.constant 0 : i32
      %dma_wait3A_81 = arith.constant 0 : i32
      %dma_wait3A_82 = tpu.memref_slice %dma_wait3A_79[%dma_wait3A_80, %dma_wait3A_81] : memref<10240x64xf32, #tpu.memory_space<hbm>> -> memref<10240x64xf32, #tpu.memory_space<hbm>>
      tpu.wait_indirect_dma semaphore(%arg13 : memref<!tpu.dma_semaphore, #tpu.memory_space<semaphore_mem>>) src(%dma_wait3A_82 : memref<10240x64xf32, #tpu.memory_space<hbm>>) dst(%arg9 : memref<256x64xf32, #tpu.memory_space<vmem>>)
      "tpu.region"() ({
        %run_scoped3A_109 = tpu.sem_alloc : memref<!tpu.dma_semaphore, #tpu.memory_space<semaphore_mem>>
        %dma_start3A_110 = arith.constant 0 : i32
        %dma_start3A_111 = tpu.memref_slice %arg8[%add3A_60, %dma_start3A_110] : memref<80x256xi32, #tpu.memory_space<vmem>> -> memref<1x256xi32, #tpu.memory_space<vmem>>
        %dma_start3A_112 = tpu.memref_squeeze %dma_start3A_111 : memref<1x256xi32, #tpu.memory_space<vmem>> -> memref<256xi32, #tpu.memory_space<vmem>>
        %dma_start3A_113 = arith.constant 0 : i32
        %dma_start3A_114 = arith.constant 0 : i32
        %dma_start3A_115 = tpu.memref_slice %arg12[%dma_start3A_113, %dma_start3A_114] : memref<10240x64xf32, #tpu.memory_space<vmem_shared>> -> memref<10240x64xf32, #tpu.memory_space<vmem_shared>>
        tpu.enqueue_indirect_dma source(%arg9 : memref<256x64xf32, #tpu.memory_space<vmem>>) target(%dma_start3A_115 : memref<10240x64xf32, #tpu.memory_space<vmem_shared>>) offsets(%dma_start3A_112 : memref<256xi32, #tpu.memory_space<vmem>>) semaphore(%run_scoped3A_109 : memref<!tpu.dma_semaphore, #tpu.memory_space<semaphore_mem>>) {add = true}
        %dma_wait3A_116 = arith.constant 0 : i32
        %dma_wait3A_117 = tpu.memref_slice %arg8[%add3A_60, %dma_wait3A_116] : memref<80x256xi32, #tpu.memory_space<vmem>> -> memref<1x256xi32, #tpu.memory_space<vmem>>
        %dma_wait3A_118 = tpu.memref_squeeze %dma_wait3A_117 : memref<1x256xi32, #tpu.memory_space<vmem>> -> memref<256xi32, #tpu.memory_space<vmem>>
        %dma_wait3A_119 = arith.constant 0 : i32
        %dma_wait3A_120 = arith.constant 0 : i32
        %dma_wait3A_121 = tpu.memref_slice %arg12[%dma_wait3A_119, %dma_wait3A_120] : memref<10240x64xf32, #tpu.memory_space<vmem_shared>> -> memref<10240x64xf32, #tpu.memory_space<vmem_shared>>
        tpu.wait_indirect_dma semaphore(%run_scoped3A_109 : memref<!tpu.dma_semaphore, #tpu.memory_space<semaphore_mem>>) src(%arg9 : memref<256x64xf32, #tpu.memory_space<vmem>>) dst(%dma_wait3A_121 : memref<10240x64xf32, #tpu.memory_space<vmem_shared>>)
        tpu.yield
      }) : () -> ()
      %add3A_83 = arith.constant 2 : i32
      %add3A_84 = arith.addi %add3A_60, %add3A_83 : i32
      %dma_start3A_85 = arith.constant 0 : i32
      %dma_start3A_86 = tpu.memref_slice %arg7[%add3A_84, %dma_start3A_85] : memref<80x256xi32, #tpu.memory_space<vmem>> -> memref<1x256xi32, #tpu.memory_space<vmem>>
      %dma_start3A_87 = tpu.memref_squeeze %dma_start3A_86 : memref<1x256xi32, #tpu.memory_space<vmem>> -> memref<256xi32, #tpu.memory_space<vmem>>
      %dma_start3A_88 = arith.constant 0 : i32
      %dma_start3A_89 = arith.constant 0 : i32
      %dma_start3A_90 = tpu.memref_slice %arg4[%arg0, %dma_start3A_88, %dma_start3A_89] : memref<2x10240x64xf32, #tpu.memory_space<hbm>> -> memref<1x10240x64xf32, #tpu.memory_space<hbm>>
      %dma_start3A_91 = tpu.memref_squeeze %dma_start3A_90 : memref<1x10240x64xf32, #tpu.memory_space<hbm>> -> memref<10240x64xf32, #tpu.memory_space<hbm>>
      %dma_start3A_92 = arith.constant 0 : i32
      %dma_start3A_93 = arith.constant 0 : i32
      %dma_start3A_94 = tpu.memref_slice %dma_start3A_91[%dma_start3A_92, %dma_start3A_93] : memref<10240x64xf32, #tpu.memory_space<hbm>> -> memref<10240x64xf32, #tpu.memory_space<hbm>>
      tpu.enqueue_indirect_dma source(%dma_start3A_94 : memref<10240x64xf32, #tpu.memory_space<hbm>>) target(%arg9 : memref<256x64xf32, #tpu.memory_space<vmem>>) offsets(%dma_start3A_87 : memref<256xi32, #tpu.memory_space<vmem>>) semaphore(%arg13 : memref<!tpu.dma_semaphore, #tpu.memory_space<semaphore_mem>>)
      %add3A_95 = arith.constant 1 : i32
      %add3A_96 = arith.addi %add3A_60, %add3A_95 : i32
      %dma_wait3A_97 = arith.constant 0 : i32
      %dma_wait3A_98 = tpu.memref_slice %arg7[%add3A_96, %dma_wait3A_97] : memref<80x256xi32, #tpu.memory_space<vmem>> -> memref<1x256xi32, #tpu.memory_space<vmem>>
      %dma_wait3A_99 = tpu.memref_squeeze %dma_wait3A_98 : memref<1x256xi32, #tpu.memory_space<vmem>> -> memref<256xi32, #tpu.memory_space<vmem>>
      %dma_wait3A_100 = arith.constant 0 : i32
      %dma_wait3A_101 = arith.constant 0 : i32
      %dma_wait3A_102 = tpu.memref_slice %arg4[%arg0, %dma_wait3A_100, %dma_wait3A_101] : memref<2x10240x64xf32, #tpu.memory_space<hbm>> -> memref<1x10240x64xf32, #tpu.memory_space<hbm>>
      %dma_wait3A_103 = tpu.memref_squeeze %dma_wait3A_102 : memref<1x10240x64xf32, #tpu.memory_space<hbm>> -> memref<10240x64xf32, #tpu.memory_space<hbm>>
      %dma_wait3A_104 = arith.constant 0 : i32
      %dma_wait3A_105 = arith.constant 0 : i32
      %dma_wait3A_106 = tpu.memref_slice %dma_wait3A_103[%dma_wait3A_104, %dma_wait3A_105] : memref<10240x64xf32, #tpu.memory_space<hbm>> -> memref<10240x64xf32, #tpu.memory_space<hbm>>
      tpu.wait_indirect_dma semaphore(%arg14 : memref<!tpu.dma_semaphore, #tpu.memory_space<semaphore_mem>>) src(%dma_wait3A_106 : memref<10240x64xf32, #tpu.memory_space<hbm>>) dst(%arg10 : memref<256x64xf32, #tpu.memory_space<vmem>>)
      %add3A_107 = arith.constant 1 : i32
      %add3A_108 = arith.addi %add3A_60, %add3A_107 : i32
      "tpu.region"() ({
        %run_scoped3A_109 = tpu.sem_alloc : memref<!tpu.dma_semaphore, #tpu.memory_space<semaphore_mem>>
        %dma_start3A_110 = arith.constant 0 : i32
        %dma_start3A_111 = tpu.memref_slice %arg8[%add3A_108, %dma_start3A_110] : memref<80x256xi32, #tpu.memory_space<vmem>> -> memref<1x256xi32, #tpu.memory_space<vmem>>
        %dma_start3A_112 = tpu.memref_squeeze %dma_start3A_111 : memref<1x256xi32, #tpu.memory_space<vmem>> -> memref<256xi32, #tpu.memory_space<vmem>>
        %dma_start3A_113 = arith.constant 0 : i32
        %dma_start3A_114 = arith.constant 0 : i32
        %dma_start3A_115 = tpu.memref_slice %arg12[%dma_start3A_113, %dma_start3A_114] : memref<10240x64xf32, #tpu.memory_space<vmem_shared>> -> memref<10240x64xf32, #tpu.memory_space<vmem_shared>>
        tpu.enqueue_indirect_dma source(%arg10 : memref<256x64xf32, #tpu.memory_space<vmem>>) target(%dma_start3A_115 : memref<10240x64xf32, #tpu.memory_space<vmem_shared>>) offsets(%dma_start3A_112 : memref<256xi32, #tpu.memory_space<vmem>>) semaphore(%run_scoped3A_109 : memref<!tpu.dma_semaphore, #tpu.memory_space<semaphore_mem>>) {add = true}
        %dma_wait3A_116 = arith.constant 0 : i32
        %dma_wait3A_117 = tpu.memref_slice %arg8[%add3A_108, %dma_wait3A_116] : memref<80x256xi32, #tpu.memory_space<vmem>> -> memref<1x256xi32, #tpu.memory_space<vmem>>
        %dma_wait3A_118 = tpu.memref_squeeze %dma_wait3A_117 : memref<1x256xi32, #tpu.memory_space<vmem>> -> memref<256xi32, #tpu.memory_space<vmem>>
        %dma_wait3A_119 = arith.constant 0 : i32
        %dma_wait3A_120 = arith.constant 0 : i32
        %dma_wait3A_121 = tpu.memref_slice %arg12[%dma_wait3A_119, %dma_wait3A_120] : memref<10240x64xf32, #tpu.memory_space<vmem_shared>> -> memref<10240x64xf32, #tpu.memory_space<vmem_shared>>
        tpu.wait_indirect_dma semaphore(%run_scoped3A_109 : memref<!tpu.dma_semaphore, #tpu.memory_space<semaphore_mem>>) src(%arg10 : memref<256x64xf32, #tpu.memory_space<vmem>>) dst(%dma_wait3A_121 : memref<10240x64xf32, #tpu.memory_space<vmem_shared>>)
        tpu.yield
      }) : () -> ()
    }
    %scan3A_18 = arith.constant 39 : i32
    %dma_start3A_19 = arith.constant 79 : i32
    %dma_start3A_20 = arith.constant 0 : i32
    %dma_start3A_21 = tpu.memref_slice %arg7[%dma_start3A_19, %dma_start3A_20] : memref<80x256xi32, #tpu.memory_space<vmem>> -> memref<1x256xi32, #tpu.memory_space<vmem>>
    %dma_start3A_22 = tpu.memref_squeeze %dma_start3A_21 : memref<1x256xi32, #tpu.memory_space<vmem>> -> memref<256xi32, #tpu.memory_space<vmem>>
    %dma_start3A_23 = arith.constant 0 : i32
    %dma_start3A_24 = arith.constant 0 : i32
    %dma_start3A_25 = tpu.memref_slice %arg4[%arg0, %dma_start3A_23, %dma_start3A_24] : memref<2x10240x64xf32, #tpu.memory_space<hbm>> -> memref<1x10240x64xf32, #tpu.memory_space<hbm>>
    %dma_start3A_26 = tpu.memref_squeeze %dma_start3A_25 : memref<1x10240x64xf32, #tpu.memory_space<hbm>> -> memref<10240x64xf32, #tpu.memory_space<hbm>>
    %dma_start3A_27 = arith.constant 0 : i32
    %dma_start3A_28 = arith.constant 0 : i32
    %dma_start3A_29 = tpu.memref_slice %dma_start3A_26[%dma_start3A_27, %dma_start3A_28] : memref<10240x64xf32, #tpu.memory_space<hbm>> -> memref<10240x64xf32, #tpu.memory_space<hbm>>
    tpu.enqueue_indirect_dma source(%dma_start3A_29 : memref<10240x64xf32, #tpu.memory_space<hbm>>) target(%arg10 : memref<256x64xf32, #tpu.memory_space<vmem>>) offsets(%dma_start3A_22 : memref<256xi32, #tpu.memory_space<vmem>>) semaphore(%arg14 : memref<!tpu.dma_semaphore, #tpu.memory_space<semaphore_mem>>)
    %dma_wait3A = arith.constant 78 : i32
    %dma_wait3A_30 = arith.constant 0 : i32
    %dma_wait3A_31 = tpu.memref_slice %arg7[%dma_wait3A, %dma_wait3A_30] : memref<80x256xi32, #tpu.memory_space<vmem>> -> memref<1x256xi32, #tpu.memory_space<vmem>>
    %dma_wait3A_32 = tpu.memref_squeeze %dma_wait3A_31 : memref<1x256xi32, #tpu.memory_space<vmem>> -> memref<256xi32, #tpu.memory_space<vmem>>
    %dma_wait3A_33 = arith.constant 0 : i32
    %dma_wait3A_34 = arith.constant 0 : i32
    %dma_wait3A_35 = tpu.memref_slice %arg4[%arg0, %dma_wait3A_33, %dma_wait3A_34] : memref<2x10240x64xf32, #tpu.memory_space<hbm>> -> memref<1x10240x64xf32, #tpu.memory_space<hbm>>
    %dma_wait3A_36 = tpu.memref_squeeze %dma_wait3A_35 : memref<1x10240x64xf32, #tpu.memory_space<hbm>> -> memref<10240x64xf32, #tpu.memory_space<hbm>>
    %dma_wait3A_37 = arith.constant 0 : i32
    %dma_wait3A_38 = arith.constant 0 : i32
    %dma_wait3A_39 = tpu.memref_slice %dma_wait3A_36[%dma_wait3A_37, %dma_wait3A_38] : memref<10240x64xf32, #tpu.memory_space<hbm>> -> memref<10240x64xf32, #tpu.memory_space<hbm>>
    tpu.wait_indirect_dma semaphore(%arg13 : memref<!tpu.dma_semaphore, #tpu.memory_space<semaphore_mem>>) src(%dma_wait3A_39 : memref<10240x64xf32, #tpu.memory_space<hbm>>) dst(%arg9 : memref<256x64xf32, #tpu.memory_space<vmem>>)
    %run_scoped3A = arith.constant 78 : i32
    "tpu.region"() ({
      %run_scoped3A_58 = tpu.sem_alloc : memref<!tpu.dma_semaphore, #tpu.memory_space<semaphore_mem>>
      %dma_start3A_59 = arith.constant 0 : i32
      %dma_start3A_60 = tpu.memref_slice %arg8[%run_scoped3A, %dma_start3A_59] : memref<80x256xi32, #tpu.memory_space<vmem>> -> memref<1x256xi32, #tpu.memory_space<vmem>>
      %dma_start3A_61 = tpu.memref_squeeze %dma_start3A_60 : memref<1x256xi32, #tpu.memory_space<vmem>> -> memref<256xi32, #tpu.memory_space<vmem>>
      %dma_start3A_62 = arith.constant 0 : i32
      %dma_start3A_63 = arith.constant 0 : i32
      %dma_start3A_64 = tpu.memref_slice %arg12[%dma_start3A_62, %dma_start3A_63] : memref<10240x64xf32, #tpu.memory_space<vmem_shared>> -> memref<10240x64xf32, #tpu.memory_space<vmem_shared>>
      tpu.enqueue_indirect_dma source(%arg9 : memref<256x64xf32, #tpu.memory_space<vmem>>) target(%dma_start3A_64 : memref<10240x64xf32, #tpu.memory_space<vmem_shared>>) offsets(%dma_start3A_61 : memref<256xi32, #tpu.memory_space<vmem>>) semaphore(%run_scoped3A_58 : memref<!tpu.dma_semaphore, #tpu.memory_space<semaphore_mem>>) {add = true}
      %dma_wait3A_65 = arith.constant 0 : i32
      %dma_wait3A_66 = tpu.memref_slice %arg8[%run_scoped3A, %dma_wait3A_65] : memref<80x256xi32, #tpu.memory_space<vmem>> -> memref<1x256xi32, #tpu.memory_space<vmem>>
      %dma_wait3A_67 = tpu.memref_squeeze %dma_wait3A_66 : memref<1x256xi32, #tpu.memory_space<vmem>> -> memref<256xi32, #tpu.memory_space<vmem>>
      %dma_wait3A_68 = arith.constant 0 : i32
      %dma_wait3A_69 = arith.constant 0 : i32
      %dma_wait3A_70 = tpu.memref_slice %arg12[%dma_wait3A_68, %dma_wait3A_69] : memref<10240x64xf32, #tpu.memory_space<vmem_shared>> -> memref<10240x64xf32, #tpu.memory_space<vmem_shared>>
      tpu.wait_indirect_dma semaphore(%run_scoped3A_58 : memref<!tpu.dma_semaphore, #tpu.memory_space<semaphore_mem>>) src(%arg9 : memref<256x64xf32, #tpu.memory_space<vmem>>) dst(%dma_wait3A_70 : memref<10240x64xf32, #tpu.memory_space<vmem_shared>>)
      tpu.yield
    }) : () -> ()
    %dma_wait3A_40 = arith.constant 79 : i32
    %dma_wait3A_41 = arith.constant 0 : i32
    %dma_wait3A_42 = tpu.memref_slice %arg7[%dma_wait3A_40, %dma_wait3A_41] : memref<80x256xi32, #tpu.memory_space<vmem>> -> memref<1x256xi32, #tpu.memory_space<vmem>>
    %dma_wait3A_43 = tpu.memref_squeeze %dma_wait3A_42 : memref<1x256xi32, #tpu.memory_space<vmem>> -> memref<256xi32, #tpu.memory_space<vmem>>
    %dma_wait3A_44 = arith.constant 0 : i32
    %dma_wait3A_45 = arith.constant 0 : i32
    %dma_wait3A_46 = tpu.memref_slice %arg4[%arg0, %dma_wait3A_44, %dma_wait3A_45] : memref<2x10240x64xf32, #tpu.memory_space<hbm>> -> memref<1x10240x64xf32, #tpu.memory_space<hbm>>
    %dma_wait3A_47 = tpu.memref_squeeze %dma_wait3A_46 : memref<1x10240x64xf32, #tpu.memory_space<hbm>> -> memref<10240x64xf32, #tpu.memory_space<hbm>>
    %dma_wait3A_48 = arith.constant 0 : i32
    %dma_wait3A_49 = arith.constant 0 : i32
    %dma_wait3A_50 = tpu.memref_slice %dma_wait3A_47[%dma_wait3A_48, %dma_wait3A_49] : memref<10240x64xf32, #tpu.memory_space<hbm>> -> memref<10240x64xf32, #tpu.memory_space<hbm>>
    tpu.wait_indirect_dma semaphore(%arg14 : memref<!tpu.dma_semaphore, #tpu.memory_space<semaphore_mem>>) src(%dma_wait3A_50 : memref<10240x64xf32, #tpu.memory_space<hbm>>) dst(%arg10 : memref<256x64xf32, #tpu.memory_space<vmem>>)
    %run_scoped3A_51 = arith.constant 79 : i32
    "tpu.region"() ({
      %run_scoped3A_58 = tpu.sem_alloc : memref<!tpu.dma_semaphore, #tpu.memory_space<semaphore_mem>>
      %dma_start3A_59 = arith.constant 0 : i32
      %dma_start3A_60 = tpu.memref_slice %arg8[%run_scoped3A_51, %dma_start3A_59] : memref<80x256xi32, #tpu.memory_space<vmem>> -> memref<1x256xi32, #tpu.memory_space<vmem>>
      %dma_start3A_61 = tpu.memref_squeeze %dma_start3A_60 : memref<1x256xi32, #tpu.memory_space<vmem>> -> memref<256xi32, #tpu.memory_space<vmem>>
      %dma_start3A_62 = arith.constant 0 : i32
      %dma_start3A_63 = arith.constant 0 : i32
      %dma_start3A_64 = tpu.memref_slice %arg12[%dma_start3A_62, %dma_start3A_63] : memref<10240x64xf32, #tpu.memory_space<vmem_shared>> -> memref<10240x64xf32, #tpu.memory_space<vmem_shared>>
      tpu.enqueue_indirect_dma source(%arg10 : memref<256x64xf32, #tpu.memory_space<vmem>>) target(%dma_start3A_64 : memref<10240x64xf32, #tpu.memory_space<vmem_shared>>) offsets(%dma_start3A_61 : memref<256xi32, #tpu.memory_space<vmem>>) semaphore(%run_scoped3A_58 : memref<!tpu.dma_semaphore, #tpu.memory_space<semaphore_mem>>) {add = true}
      %dma_wait3A_65 = arith.constant 0 : i32
      %dma_wait3A_66 = tpu.memref_slice %arg8[%run_scoped3A_51, %dma_wait3A_65] : memref<80x256xi32, #tpu.memory_space<vmem>> -> memref<1x256xi32, #tpu.memory_space<vmem>>
      %dma_wait3A_67 = tpu.memref_squeeze %dma_wait3A_66 : memref<1x256xi32, #tpu.memory_space<vmem>> -> memref<256xi32, #tpu.memory_space<vmem>>
      %dma_wait3A_68 = arith.constant 0 : i32
      %dma_wait3A_69 = arith.constant 0 : i32
      %dma_wait3A_70 = tpu.memref_slice %arg12[%dma_wait3A_68, %dma_wait3A_69] : memref<10240x64xf32, #tpu.memory_space<vmem_shared>> -> memref<10240x64xf32, #tpu.memory_space<vmem_shared>>
      tpu.wait_indirect_dma semaphore(%run_scoped3A_58 : memref<!tpu.dma_semaphore, #tpu.memory_space<semaphore_mem>>) src(%arg10 : memref<256x64xf32, #tpu.memory_space<vmem>>) dst(%dma_wait3A_70 : memref<10240x64xf32, #tpu.memory_space<vmem_shared>>)
      tpu.yield
    }) : () -> ()
    %barrier3A_52 = arith.constant 0 : index
    tpu.barrier barrier_id(%barrier3A_52)
    %scan3A_53 = arith.constant 0 : i32
    %scan3A_54 = arith.constant 4 : i32
    %scan3A_55 = arith.addi %scan3A_53, %scan3A_54 : i32
    %scan3A_56 = arith.constant 1 : i32
    scf.for %scan3A_58 = %scan3A_53 to %scan3A_55 step %scan3A_56  : i32 {
      %mul3A = arith.constant 1 : i32
      %mul3A_59 = arith.muli %scan3A_58, %mul3A : i32
      %add3A = arith.constant 0 : i32
      %add3A_60 = arith.addi %add3A, %mul3A_59 : i32
      %mul3A_61 = arith.constant 640 : i32
      %mul3A_62 = arith.muli %arg1, %mul3A_61 : i32
      %mul3A_63 = arith.constant 160 : i32
      %mul3A_64 = arith.muli %add3A_60, %mul3A_63 : i32
      %add3A_65 = arith.addi %mul3A_62, %mul3A_64 : i32
      "tpu.region"() ({
        %run_scoped3A_66 = tpu.sem_alloc : memref<!tpu.dma_semaphore, #tpu.memory_space<semaphore_mem>>
        %dma_start3A_67 = arith.constant 0 : i32
        %dma_start3A_68 = tpu.memref_slice %arg12[%add3A_65, %dma_start3A_67] : memref<10240x64xf32, #tpu.memory_space<vmem_shared>> -> memref<160x64xf32, #tpu.memory_space<vmem_shared>>
        %dma_start3A_69 = arith.constant 0 : i32
        %dma_start3A_70 = tpu.memref_slice %arg12[%add3A_65, %dma_start3A_69] : memref<10240x64xf32, #tpu.memory_space<vmem_shared>> -> memref<160x64xf32, #tpu.memory_space<vmem_shared>>
        tpu.enqueue_dma source(%dma_start3A_70 : memref<160x64xf32, #tpu.memory_space<vmem_shared>>) target(%arg11 : memref<160x64xf32, #tpu.memory_space<vmem>>) target_semaphore(%run_scoped3A_66 : memref<!tpu.dma_semaphore, #tpu.memory_space<semaphore_mem>>)
        %dma_wait3A_71 = arith.constant 0 : i32
        %dma_wait3A_72 = tpu.memref_slice %arg12[%add3A_65, %dma_wait3A_71] : memref<10240x64xf32, #tpu.memory_space<vmem_shared>> -> memref<160x64xf32, #tpu.memory_space<vmem_shared>>
        %dma_wait3A_73 = arith.constant 0 : i32
        %dma_wait3A_74 = tpu.memref_slice %arg12[%add3A_65, %dma_wait3A_73] : memref<10240x64xf32, #tpu.memory_space<vmem_shared>> -> memref<160x64xf32, #tpu.memory_space<vmem_shared>>
        tpu.wait_dma2 semaphore(%run_scoped3A_66 : memref<!tpu.dma_semaphore, #tpu.memory_space<semaphore_mem>>) src(%dma_wait3A_74 : memref<160x64xf32, #tpu.memory_space<vmem_shared>>) dst(%arg11 : memref<160x64xf32, #tpu.memory_space<vmem>>)
        tpu.yield
      }) : () -> ()
      "tpu.region"() ({
        %run_scoped3A_66 = tpu.sem_alloc : memref<!tpu.dma_semaphore, #tpu.memory_space<semaphore_mem>>
        %dma_start3A_67 = arith.constant 0 : i32
        %dma_start3A_68 = tpu.memref_slice %arg6[%arg0, %add3A_65, %dma_start3A_67] : memref<2x10240x64xf32, #tpu.memory_space<hbm>> -> memref<1x160x64xf32, #tpu.memory_space<hbm>>
        %dma_start3A_69 = tpu.memref_squeeze %dma_start3A_68 : memref<1x160x64xf32, #tpu.memory_space<hbm>> -> memref<160x64xf32, #tpu.memory_space<hbm>>
        %dma_start3A_70 = arith.constant 0 : i32
        %dma_start3A_71 = tpu.memref_slice %arg6[%arg0, %add3A_65, %dma_start3A_70] : memref<2x10240x64xf32, #tpu.memory_space<hbm>> -> memref<1x160x64xf32, #tpu.memory_space<hbm>>
        %dma_start3A_72 = tpu.memref_squeeze %dma_start3A_71 : memref<1x160x64xf32, #tpu.memory_space<hbm>> -> memref<160x64xf32, #tpu.memory_space<hbm>>
        tpu.enqueue_dma source(%arg11 : memref<160x64xf32, #tpu.memory_space<vmem>>) target(%dma_start3A_72 : memref<160x64xf32, #tpu.memory_space<hbm>>) target_semaphore(%run_scoped3A_66 : memref<!tpu.dma_semaphore, #tpu.memory_space<semaphore_mem>>)
        %dma_wait3A_73 = arith.constant 0 : i32
        %dma_wait3A_74 = tpu.memref_slice %arg6[%arg0, %add3A_65, %dma_wait3A_73] : memref<2x10240x64xf32, #tpu.memory_space<hbm>> -> memref<1x160x64xf32, #tpu.memory_space<hbm>>
        %dma_wait3A_75 = tpu.memref_squeeze %dma_wait3A_74 : memref<1x160x64xf32, #tpu.memory_space<hbm>> -> memref<160x64xf32, #tpu.memory_space<hbm>>
        %dma_wait3A_76 = arith.constant 0 : i32
        %dma_wait3A_77 = tpu.memref_slice %arg6[%arg0, %add3A_65, %dma_wait3A_76] : memref<2x10240x64xf32, #tpu.memory_space<hbm>> -> memref<1x160x64xf32, #tpu.memory_space<hbm>>
        %dma_wait3A_78 = tpu.memref_squeeze %dma_wait3A_77 : memref<1x160x64xf32, #tpu.memory_space<hbm>> -> memref<160x64xf32, #tpu.memory_space<hbm>>
        tpu.wait_dma2 semaphore(%run_scoped3A_66 : memref<!tpu.dma_semaphore, #tpu.memory_space<semaphore_mem>>) src(%arg11 : memref<160x64xf32, #tpu.memory_space<vmem>>) dst(%dma_wait3A_78 : memref<160x64xf32, #tpu.memory_space<hbm>>)
        tpu.yield
      }) : () -> ()
    }
    %scan3A_57 = arith.constant 4 : i32
    return
  }
}

#map = affine_map<(d0, d1) -> (0, 0, 0)>
#map1 = affine_map<(d0, d1) -> (0, 0)>
module attributes {stable_mosaic.version = 14 : i64} {
  func.func @prop(%arg0: i32, %arg1: i32, %arg2: memref<16x80x256xi32, #tpu.memory_space<hbm>>, %arg3: memref<16x80x256xi32, #tpu.memory_space<hbm>>, %arg4: memref<2x10240x64xf32, #tpu.memory_space<hbm>>, %arg5: memref<160x64xf32, #tpu.memory_space<hbm>>, %arg6: memref<2x10240x64xf32, #tpu.memory_space<hbm>>, %arg7: memref<80x256xi32, #tpu.memory_space<vmem>>, %arg8: memref<80x256xi32, #tpu.memory_space<vmem>>, %arg9: memref<256x64xf32, #tpu.memory_space<vmem>>, %arg10: memref<256x64xf32, #tpu.memory_space<vmem>>, %arg11: memref<160x64xf32, #tpu.memory_space<vmem>>, %arg12: memref<10240x64xf32, #tpu.memory_space<vmem_shared>>, %arg13: memref<!tpu.dma_semaphore, #tpu.memory_space<semaphore_mem>>, %arg14: memref<!tpu.dma_semaphore, #tpu.memory_space<semaphore_mem>>) attributes {dimension_semantics = [#tpu.dimension_semantics<core_parallel>, #tpu.dimension_semantics<subcore_parallel>], iteration_bounds = array<i64: 2, 16>, scalar_prefetch = 0 : i64, scratch_operands = 8 : i64, tpu.core_type = #tpu.core_type<sc_vector_subcore>, window_params = [{transform_indices = #map}, {transform_indices = #map}, {transform_indices = #map}, {transform_indices = #map1}, {transform_indices = #map}]} {
    "tpu.region"() ({
      %run_scoped3A_58 = tpu.sem_alloc : memref<!tpu.dma_semaphore, #tpu.memory_space<semaphore_mem>>
      %dma_start3A_59 = arith.constant 0 : i32
      %dma_start3A_60 = arith.constant 0 : i32
      %dma_start3A_61 = tpu.memref_slice %arg2[%arg1, %dma_start3A_59, %dma_start3A_60] : memref<16x80x256xi32, #tpu.memory_space<hbm>> -> memref<1x80x256xi32, #tpu.memory_space<hbm>>
      %dma_start3A_62 = tpu.memref_squeeze %dma_start3A_61 : memref<1x80x256xi32, #tpu.memory_space<hbm>> -> memref<80x256xi32, #tpu.memory_space<hbm>>
      %dma_start3A_63 = arith.constant 0 : i32
      %dma_start3A_64 = arith.constant 0 : i32
      %dma_start3A_65 = tpu.memref_slice %arg2[%arg1, %dma_start3A_63, %dma_start3A_64] : memref<16x80x256xi32, #tpu.memory_space<hbm>> -> memref<1x80x256xi32, #tpu.memory_space<hbm>>
      %dma_start3A_66 = tpu.memref_squeeze %dma_start3A_65 : memref<1x80x256xi32, #tpu.memory_space<hbm>> -> memref<80x256xi32, #tpu.memory_space<hbm>>
      tpu.enqueue_dma source(%dma_start3A_66 : memref<80x256xi32, #tpu.memory_space<hbm>>) target(%arg7 : memref<80x256xi32, #tpu.memory_space<vmem>>) target_semaphore(%run_scoped3A_58 : memref<!tpu.dma_semaphore, #tpu.memory_space<semaphore_mem>>)
      %dma_wait3A_67 = arith.constant 0 : i32
      %dma_wait3A_68 = arith.constant 0 : i32
      %dma_wait3A_69 = tpu.memref_slice %arg2[%arg1, %dma_wait3A_67, %dma_wait3A_68] : memref<16x80x256xi32, #tpu.memory_space<hbm>> -> memref<1x80x256xi32, #tpu.memory_space<hbm>>
      %dma_wait3A_70 = tpu.memref_squeeze %dma_wait3A_69 : memref<1x80x256xi32, #tpu.memory_space<hbm>> -> memref<80x256xi32, #tpu.memory_space<hbm>>
      %dma_wait3A_71 = arith.constant 0 : i32
      %dma_wait3A_72 = arith.constant 0 : i32
      %dma_wait3A_73 = tpu.memref_slice %arg2[%arg1, %dma_wait3A_71, %dma_wait3A_72] : memref<16x80x256xi32, #tpu.memory_space<hbm>> -> memref<1x80x256xi32, #tpu.memory_space<hbm>>
      %dma_wait3A_74 = tpu.memref_squeeze %dma_wait3A_73 : memref<1x80x256xi32, #tpu.memory_space<hbm>> -> memref<80x256xi32, #tpu.memory_space<hbm>>
      tpu.wait_dma2 semaphore(%run_scoped3A_58 : memref<!tpu.dma_semaphore, #tpu.memory_space<semaphore_mem>>) src(%dma_wait3A_74 : memref<80x256xi32, #tpu.memory_space<hbm>>) dst(%arg7 : memref<80x256xi32, #tpu.memory_space<vmem>>)
      tpu.yield
    }) : () -> ()
    "tpu.region"() ({
      %run_scoped3A_58 = tpu.sem_alloc : memref<!tpu.dma_semaphore, #tpu.memory_space<semaphore_mem>>
      %dma_start3A_59 = arith.constant 0 : i32
      %dma_start3A_60 = arith.constant 0 : i32
      %dma_start3A_61 = tpu.memref_slice %arg3[%arg1, %dma_start3A_59, %dma_start3A_60] : memref<16x80x256xi32, #tpu.memory_space<hbm>> -> memref<1x80x256xi32, #tpu.memory_space<hbm>>
      %dma_start3A_62 = tpu.memref_squeeze %dma_start3A_61 : memref<1x80x256xi32, #tpu.memory_space<hbm>> -> memref<80x256xi32, #tpu.memory_space<hbm>>
      %dma_start3A_63 = arith.constant 0 : i32
      %dma_start3A_64 = arith.constant 0 : i32
      %dma_start3A_65 = tpu.memref_slice %arg3[%arg1, %dma_start3A_63, %dma_start3A_64] : memref<16x80x256xi32, #tpu.memory_space<hbm>> -> memref<1x80x256xi32, #tpu.memory_space<hbm>>
      %dma_start3A_66 = tpu.memref_squeeze %dma_start3A_65 : memref<1x80x256xi32, #tpu.memory_space<hbm>> -> memref<80x256xi32, #tpu.memory_space<hbm>>
      tpu.enqueue_dma source(%dma_start3A_66 : memref<80x256xi32, #tpu.memory_space<hbm>>) target(%arg8 : memref<80x256xi32, #tpu.memory_space<vmem>>) target_semaphore(%run_scoped3A_58 : memref<!tpu.dma_semaphore, #tpu.memory_space<semaphore_mem>>)
      %dma_wait3A_67 = arith.constant 0 : i32
      %dma_wait3A_68 = arith.constant 0 : i32
      %dma_wait3A_69 = tpu.memref_slice %arg3[%arg1, %dma_wait3A_67, %dma_wait3A_68] : memref<16x80x256xi32, #tpu.memory_space<hbm>> -> memref<1x80x256xi32, #tpu.memory_space<hbm>>
      %dma_wait3A_70 = tpu.memref_squeeze %dma_wait3A_69 : memref<1x80x256xi32, #tpu.memory_space<hbm>> -> memref<80x256xi32, #tpu.memory_space<hbm>>
      %dma_wait3A_71 = arith.constant 0 : i32
      %dma_wait3A_72 = arith.constant 0 : i32
      %dma_wait3A_73 = tpu.memref_slice %arg3[%arg1, %dma_wait3A_71, %dma_wait3A_72] : memref<16x80x256xi32, #tpu.memory_space<hbm>> -> memref<1x80x256xi32, #tpu.memory_space<hbm>>
      %dma_wait3A_74 = tpu.memref_squeeze %dma_wait3A_73 : memref<1x80x256xi32, #tpu.memory_space<hbm>> -> memref<80x256xi32, #tpu.memory_space<hbm>>
      tpu.wait_dma2 semaphore(%run_scoped3A_58 : memref<!tpu.dma_semaphore, #tpu.memory_space<semaphore_mem>>) src(%dma_wait3A_74 : memref<80x256xi32, #tpu.memory_space<hbm>>) dst(%arg8 : memref<80x256xi32, #tpu.memory_space<vmem>>)
      tpu.yield
    }) : () -> ()
    "tpu.region"() ({
      %run_scoped3A_58 = tpu.sem_alloc : memref<!tpu.dma_semaphore, #tpu.memory_space<semaphore_mem>>
      tpu.enqueue_dma source(%arg5 : memref<160x64xf32, #tpu.memory_space<hbm>>) target(%arg11 : memref<160x64xf32, #tpu.memory_space<vmem>>) target_semaphore(%run_scoped3A_58 : memref<!tpu.dma_semaphore, #tpu.memory_space<semaphore_mem>>)
      tpu.wait_dma2 semaphore(%run_scoped3A_58 : memref<!tpu.dma_semaphore, #tpu.memory_space<semaphore_mem>>) src(%arg5 : memref<160x64xf32, #tpu.memory_space<hbm>>) dst(%arg11 : memref<160x64xf32, #tpu.memory_space<vmem>>)
      tpu.yield
    }) : () -> ()
    %scan3A = arith.constant 0 : i32
    %scan3A_0 = arith.constant 4 : i32
    %scan3A_1 = arith.addi %scan3A, %scan3A_0 : i32
    %scan3A_2 = arith.constant 1 : i32
    scf.for %scan3A_58 = %scan3A to %scan3A_1 step %scan3A_2  : i32 {
      %mul3A = arith.constant 1 : i32
      %mul3A_59 = arith.muli %scan3A_58, %mul3A : i32
      %add3A = arith.constant 0 : i32
      %add3A_60 = arith.addi %add3A, %mul3A_59 : i32
      %mul3A_61 = arith.constant 640 : i32
      %mul3A_62 = arith.muli %arg1, %mul3A_61 : i32
      %mul3A_63 = arith.constant 160 : i32
      %mul3A_64 = arith.muli %add3A_60, %mul3A_63 : i32
      %add3A_65 = arith.addi %mul3A_62, %mul3A_64 : i32
      "tpu.region"() ({
        %run_scoped3A_66 = tpu.sem_alloc : memref<!tpu.dma_semaphore, #tpu.memory_space<semaphore_mem>>
        %dma_start3A_67 = arith.constant 0 : i32
        %dma_start3A_68 = tpu.memref_slice %arg12[%add3A_65, %dma_start3A_67] : memref<10240x64xf32, #tpu.memory_space<vmem_shared>> -> memref<160x64xf32, #tpu.memory_space<vmem_shared>>
        %dma_start3A_69 = arith.constant 0 : i32
        %dma_start3A_70 = tpu.memref_slice %arg12[%add3A_65, %dma_start3A_69] : memref<10240x64xf32, #tpu.memory_space<vmem_shared>> -> memref<160x64xf32, #tpu.memory_space<vmem_shared>>
        tpu.enqueue_dma source(%arg11 : memref<160x64xf32, #tpu.memory_space<vmem>>) target(%dma_start3A_70 : memref<160x64xf32, #tpu.memory_space<vmem_shared>>) target_semaphore(%run_scoped3A_66 : memref<!tpu.dma_semaphore, #tpu.memory_space<semaphore_mem>>)
        %dma_wait3A_71 = arith.constant 0 : i32
        %dma_wait3A_72 = tpu.memref_slice %arg12[%add3A_65, %dma_wait3A_71] : memref<10240x64xf32, #tpu.memory_space<vmem_shared>> -> memref<160x64xf32, #tpu.memory_space<vmem_shared>>
        %dma_wait3A_73 = arith.constant 0 : i32
        %dma_wait3A_74 = tpu.memref_slice %arg12[%add3A_65, %dma_wait3A_73] : memref<10240x64xf32, #tpu.memory_space<vmem_shared>> -> memref<160x64xf32, #tpu.memory_space<vmem_shared>>
        tpu.wait_dma2 semaphore(%run_scoped3A_66 : memref<!tpu.dma_semaphore, #tpu.memory_space<semaphore_mem>>) src(%arg11 : memref<160x64xf32, #tpu.memory_space<vmem>>) dst(%dma_wait3A_74 : memref<160x64xf32, #tpu.memory_space<vmem_shared>>)
        tpu.yield
      }) : () -> ()
    }
    %scan3A_3 = arith.constant 4 : i32
    %barrier3A = arith.constant 0 : index
    tpu.barrier barrier_id(%barrier3A)
    %dma_start3A = arith.constant 0 : i32
    %dma_start3A_4 = arith.constant 0 : i32
    %dma_start3A_5 = tpu.memref_slice %arg7[%dma_start3A, %dma_start3A_4] : memref<80x256xi32, #tpu.memory_space<vmem>> -> memref<1x256xi32, #tpu.memory_space<vmem>>
    %dma_start3A_6 = tpu.memref_squeeze %dma_start3A_5 : memref<1x256xi32, #tpu.memory_space<vmem>> -> memref<256xi32, #tpu.memory_space<vmem>>
    %dma_start3A_7 = arith.constant 0 : i32
    %dma_start3A_8 = arith.constant 0 : i32
    %dma_start3A_9 = tpu.memref_slice %arg4[%arg0, %dma_start3A_7, %dma_start3A_8] : memref<2x10240x64xf32, #tpu.memory_space<hbm>> -> memref<1x10240x64xf32, #tpu.memory_space<hbm>>
    %dma_start3A_10 = tpu.memref_squeeze %dma_start3A_9 : memref<1x10240x64xf32, #tpu.memory_space<hbm>> -> memref<10240x64xf32, #tpu.memory_space<hbm>>
    %dma_start3A_11 = arith.constant 0 : i32
    %dma_start3A_12 = arith.constant 0 : i32
    %dma_start3A_13 = tpu.memref_slice %dma_start3A_10[%dma_start3A_11, %dma_start3A_12] : memref<10240x64xf32, #tpu.memory_space<hbm>> -> memref<10240x64xf32, #tpu.memory_space<hbm>>
    tpu.enqueue_indirect_dma source(%dma_start3A_13 : memref<10240x64xf32, #tpu.memory_space<hbm>>) target(%arg9 : memref<256x64xf32, #tpu.memory_space<vmem>>) offsets(%dma_start3A_6 : memref<256xi32, #tpu.memory_space<vmem>>) semaphore(%arg13 : memref<!tpu.dma_semaphore, #tpu.memory_space<semaphore_mem>>)
    %scan3A_14 = arith.constant 0 : i32
    %scan3A_15 = arith.constant 39 : i32
    %scan3A_16 = arith.addi %scan3A_14, %scan3A_15 : i32
    %scan3A_17 = arith.constant 1 : i32
    scf.for %scan3A_58 = %scan3A_14 to %scan3A_16 step %scan3A_17  : i32 {
      %mul3A = arith.constant 2 : i32
      %mul3A_59 = arith.muli %scan3A_58, %mul3A : i32
      %add3A = arith.constant 0 : i32
      %add3A_60 = arith.addi %add3A, %mul3A_59 : i32
      %add3A_61 = arith.constant 1 : i32
      %add3A_62 = arith.addi %add3A_60, %add3A_61 : i32
      %dma_start3A_63 = arith.constant 0 : i32
      %dma_start3A_64 = tpu.memref_slice %arg7[%add3A_62, %dma_start3A_63] : memref<80x256xi32, #tpu.memory_space<vmem>> -> memref<1x256xi32, #tpu.memory_space<vmem>>
      %dma_start3A_65 = tpu.memref_squeeze %dma_start3A_64 : memref<1x256xi32, #tpu.memory_space<vmem>> -> memref<256xi32, #tpu.memory_space<vmem>>
      %dma_start3A_66 = arith.constant 0 : i32
      %dma_start3A_67 = arith.constant 0 : i32
      %dma_start3A_68 = tpu.memref_slice %arg4[%arg0, %dma_start3A_66, %dma_start3A_67] : memref<2x10240x64xf32, #tpu.memory_space<hbm>> -> memref<1x10240x64xf32, #tpu.memory_space<hbm>>
      %dma_start3A_69 = tpu.memref_squeeze %dma_start3A_68 : memref<1x10240x64xf32, #tpu.memory_space<hbm>> -> memref<10240x64xf32, #tpu.memory_space<hbm>>
      %dma_start3A_70 = arith.constant 0 : i32
      %dma_start3A_71 = arith.constant 0 : i32
      %dma_start3A_72 = tpu.memref_slice %dma_start3A_69[%dma_start3A_70, %dma_start3A_71] : memref<10240x64xf32, #tpu.memory_space<hbm>> -> memref<10240x64xf32, #tpu.memory_space<hbm>>
      tpu.enqueue_indirect_dma source(%dma_start3A_72 : memref<10240x64xf32, #tpu.memory_space<hbm>>) target(%arg10 : memref<256x64xf32, #tpu.memory_space<vmem>>) offsets(%dma_start3A_65 : memref<256xi32, #tpu.memory_space<vmem>>) semaphore(%arg14 : memref<!tpu.dma_semaphore, #tpu.memory_space<semaphore_mem>>)
      %dma_wait3A_73 = arith.constant 0 : i32
      %dma_wait3A_74 = tpu.memref_slice %arg7[%add3A_60, %dma_wait3A_73] : memref<80x256xi32, #tpu.memory_space<vmem>> -> memref<1x256xi32, #tpu.memory_space<vmem>>
      %dma_wait3A_75 = tpu.memref_squeeze %dma_wait3A_74 : memref<1x256xi32, #tpu.memory_space<vmem>> -> memref<256xi32, #tpu.memory_space<vmem>>
      %dma_wait3A_76 = arith.constant 0 : i32
      %dma_wait3A_77 = arith.constant 0 : i32
      %dma_wait3A_78 = tpu.memref_slice %arg4[%arg0, %dma_wait3A_76, %dma_wait3A_77] : memref<2x10240x64xf32, #tpu.memory_space<hbm>> -> memref<1x10240x64xf32, #tpu.memory_space<hbm>>
      %dma_wait3A_79 = tpu.memref_squeeze %dma_wait3A_78 : memref<1x10240x64xf32, #tpu.memory_space<hbm>> -> memref<10240x64xf32, #tpu.memory_space<hbm>>
      %dma_wait3A_80 = arith.constant 0 : i32
      %dma_wait3A_81 = arith.constant 0 : i32
      %dma_wait3A_82 = tpu.memref_slice %dma_wait3A_79[%dma_wait3A_80, %dma_wait3A_81] : memref<10240x64xf32, #tpu.memory_space<hbm>> -> memref<10240x64xf32, #tpu.memory_space<hbm>>
      tpu.wait_indirect_dma semaphore(%arg13 : memref<!tpu.dma_semaphore, #tpu.memory_space<semaphore_mem>>) src(%dma_wait3A_82 : memref<10240x64xf32, #tpu.memory_space<hbm>>) dst(%arg9 : memref<256x64xf32, #tpu.memory_space<vmem>>)
      "tpu.region"() ({
        %run_scoped3A_109 = tpu.sem_alloc : memref<!tpu.dma_semaphore, #tpu.memory_space<semaphore_mem>>
        %dma_start3A_110 = arith.constant 0 : i32
        %dma_start3A_111 = tpu.memref_slice %arg8[%add3A_60, %dma_start3A_110] : memref<80x256xi32, #tpu.memory_space<vmem>> -> memref<1x256xi32, #tpu.memory_space<vmem>>
        %dma_start3A_112 = tpu.memref_squeeze %dma_start3A_111 : memref<1x256xi32, #tpu.memory_space<vmem>> -> memref<256xi32, #tpu.memory_space<vmem>>
        %dma_start3A_113 = arith.constant 0 : i32
        %dma_start3A_114 = arith.constant 0 : i32
        %dma_start3A_115 = tpu.memref_slice %arg12[%dma_start3A_113, %dma_start3A_114] : memref<10240x64xf32, #tpu.memory_space<vmem_shared>> -> memref<10240x64xf32, #tpu.memory_space<vmem_shared>>
        tpu.enqueue_indirect_dma source(%arg9 : memref<256x64xf32, #tpu.memory_space<vmem>>) target(%dma_start3A_115 : memref<10240x64xf32, #tpu.memory_space<vmem_shared>>) offsets(%dma_start3A_112 : memref<256xi32, #tpu.memory_space<vmem>>) semaphore(%run_scoped3A_109 : memref<!tpu.dma_semaphore, #tpu.memory_space<semaphore_mem>>) {add = true}
        %dma_wait3A_116 = arith.constant 0 : i32
        %dma_wait3A_117 = tpu.memref_slice %arg8[%add3A_60, %dma_wait3A_116] : memref<80x256xi32, #tpu.memory_space<vmem>> -> memref<1x256xi32, #tpu.memory_space<vmem>>
        %dma_wait3A_118 = tpu.memref_squeeze %dma_wait3A_117 : memref<1x256xi32, #tpu.memory_space<vmem>> -> memref<256xi32, #tpu.memory_space<vmem>>
        %dma_wait3A_119 = arith.constant 0 : i32
        %dma_wait3A_120 = arith.constant 0 : i32
        %dma_wait3A_121 = tpu.memref_slice %arg12[%dma_wait3A_119, %dma_wait3A_120] : memref<10240x64xf32, #tpu.memory_space<vmem_shared>> -> memref<10240x64xf32, #tpu.memory_space<vmem_shared>>
        tpu.wait_indirect_dma semaphore(%run_scoped3A_109 : memref<!tpu.dma_semaphore, #tpu.memory_space<semaphore_mem>>) src(%arg9 : memref<256x64xf32, #tpu.memory_space<vmem>>) dst(%dma_wait3A_121 : memref<10240x64xf32, #tpu.memory_space<vmem_shared>>)
        tpu.yield
      }) : () -> ()
      %add3A_83 = arith.constant 2 : i32
      %add3A_84 = arith.addi %add3A_60, %add3A_83 : i32
      %dma_start3A_85 = arith.constant 0 : i32
      %dma_start3A_86 = tpu.memref_slice %arg7[%add3A_84, %dma_start3A_85] : memref<80x256xi32, #tpu.memory_space<vmem>> -> memref<1x256xi32, #tpu.memory_space<vmem>>
      %dma_start3A_87 = tpu.memref_squeeze %dma_start3A_86 : memref<1x256xi32, #tpu.memory_space<vmem>> -> memref<256xi32, #tpu.memory_space<vmem>>
      %dma_start3A_88 = arith.constant 0 : i32
      %dma_start3A_89 = arith.constant 0 : i32
      %dma_start3A_90 = tpu.memref_slice %arg4[%arg0, %dma_start3A_88, %dma_start3A_89] : memref<2x10240x64xf32, #tpu.memory_space<hbm>> -> memref<1x10240x64xf32, #tpu.memory_space<hbm>>
      %dma_start3A_91 = tpu.memref_squeeze %dma_start3A_90 : memref<1x10240x64xf32, #tpu.memory_space<hbm>> -> memref<10240x64xf32, #tpu.memory_space<hbm>>
      %dma_start3A_92 = arith.constant 0 : i32
      %dma_start3A_93 = arith.constant 0 : i32
      %dma_start3A_94 = tpu.memref_slice %dma_start3A_91[%dma_start3A_92, %dma_start3A_93] : memref<10240x64xf32, #tpu.memory_space<hbm>> -> memref<10240x64xf32, #tpu.memory_space<hbm>>
      tpu.enqueue_indirect_dma source(%dma_start3A_94 : memref<10240x64xf32, #tpu.memory_space<hbm>>) target(%arg9 : memref<256x64xf32, #tpu.memory_space<vmem>>) offsets(%dma_start3A_87 : memref<256xi32, #tpu.memory_space<vmem>>) semaphore(%arg13 : memref<!tpu.dma_semaphore, #tpu.memory_space<semaphore_mem>>)
      %add3A_95 = arith.constant 1 : i32
      %add3A_96 = arith.addi %add3A_60, %add3A_95 : i32
      %dma_wait3A_97 = arith.constant 0 : i32
      %dma_wait3A_98 = tpu.memref_slice %arg7[%add3A_96, %dma_wait3A_97] : memref<80x256xi32, #tpu.memory_space<vmem>> -> memref<1x256xi32, #tpu.memory_space<vmem>>
      %dma_wait3A_99 = tpu.memref_squeeze %dma_wait3A_98 : memref<1x256xi32, #tpu.memory_space<vmem>> -> memref<256xi32, #tpu.memory_space<vmem>>
      %dma_wait3A_100 = arith.constant 0 : i32
      %dma_wait3A_101 = arith.constant 0 : i32
      %dma_wait3A_102 = tpu.memref_slice %arg4[%arg0, %dma_wait3A_100, %dma_wait3A_101] : memref<2x10240x64xf32, #tpu.memory_space<hbm>> -> memref<1x10240x64xf32, #tpu.memory_space<hbm>>
      %dma_wait3A_103 = tpu.memref_squeeze %dma_wait3A_102 : memref<1x10240x64xf32, #tpu.memory_space<hbm>> -> memref<10240x64xf32, #tpu.memory_space<hbm>>
      %dma_wait3A_104 = arith.constant 0 : i32
      %dma_wait3A_105 = arith.constant 0 : i32
      %dma_wait3A_106 = tpu.memref_slice %dma_wait3A_103[%dma_wait3A_104, %dma_wait3A_105] : memref<10240x64xf32, #tpu.memory_space<hbm>> -> memref<10240x64xf32, #tpu.memory_space<hbm>>
      tpu.wait_indirect_dma semaphore(%arg14 : memref<!tpu.dma_semaphore, #tpu.memory_space<semaphore_mem>>) src(%dma_wait3A_106 : memref<10240x64xf32, #tpu.memory_space<hbm>>) dst(%arg10 : memref<256x64xf32, #tpu.memory_space<vmem>>)
      %add3A_107 = arith.constant 1 : i32
      %add3A_108 = arith.addi %add3A_60, %add3A_107 : i32
      "tpu.region"() ({
        %run_scoped3A_109 = tpu.sem_alloc : memref<!tpu.dma_semaphore, #tpu.memory_space<semaphore_mem>>
        %dma_start3A_110 = arith.constant 0 : i32
        %dma_start3A_111 = tpu.memref_slice %arg8[%add3A_108, %dma_start3A_110] : memref<80x256xi32, #tpu.memory_space<vmem>> -> memref<1x256xi32, #tpu.memory_space<vmem>>
        %dma_start3A_112 = tpu.memref_squeeze %dma_start3A_111 : memref<1x256xi32, #tpu.memory_space<vmem>> -> memref<256xi32, #tpu.memory_space<vmem>>
        %dma_start3A_113 = arith.constant 0 : i32
        %dma_start3A_114 = arith.constant 0 : i32
        %dma_start3A_115 = tpu.memref_slice %arg12[%dma_start3A_113, %dma_start3A_114] : memref<10240x64xf32, #tpu.memory_space<vmem_shared>> -> memref<10240x64xf32, #tpu.memory_space<vmem_shared>>
        tpu.enqueue_indirect_dma source(%arg10 : memref<256x64xf32, #tpu.memory_space<vmem>>) target(%dma_start3A_115 : memref<10240x64xf32, #tpu.memory_space<vmem_shared>>) offsets(%dma_start3A_112 : memref<256xi32, #tpu.memory_space<vmem>>) semaphore(%run_scoped3A_109 : memref<!tpu.dma_semaphore, #tpu.memory_space<semaphore_mem>>) {add = true}
        %dma_wait3A_116 = arith.constant 0 : i32
        %dma_wait3A_117 = tpu.memref_slice %arg8[%add3A_108, %dma_wait3A_116] : memref<80x256xi32, #tpu.memory_space<vmem>> -> memref<1x256xi32, #tpu.memory_space<vmem>>
        %dma_wait3A_118 = tpu.memref_squeeze %dma_wait3A_117 : memref<1x256xi32, #tpu.memory_space<vmem>> -> memref<256xi32, #tpu.memory_space<vmem>>
        %dma_wait3A_119 = arith.constant 0 : i32
        %dma_wait3A_120 = arith.constant 0 : i32
        %dma_wait3A_121 = tpu.memref_slice %arg12[%dma_wait3A_119, %dma_wait3A_120] : memref<10240x64xf32, #tpu.memory_space<vmem_shared>> -> memref<10240x64xf32, #tpu.memory_space<vmem_shared>>
        tpu.wait_indirect_dma semaphore(%run_scoped3A_109 : memref<!tpu.dma_semaphore, #tpu.memory_space<semaphore_mem>>) src(%arg10 : memref<256x64xf32, #tpu.memory_space<vmem>>) dst(%dma_wait3A_121 : memref<10240x64xf32, #tpu.memory_space<vmem_shared>>)
        tpu.yield
      }) : () -> ()
    }
    %scan3A_18 = arith.constant 39 : i32
    %dma_start3A_19 = arith.constant 79 : i32
    %dma_start3A_20 = arith.constant 0 : i32
    %dma_start3A_21 = tpu.memref_slice %arg7[%dma_start3A_19, %dma_start3A_20] : memref<80x256xi32, #tpu.memory_space<vmem>> -> memref<1x256xi32, #tpu.memory_space<vmem>>
    %dma_start3A_22 = tpu.memref_squeeze %dma_start3A_21 : memref<1x256xi32, #tpu.memory_space<vmem>> -> memref<256xi32, #tpu.memory_space<vmem>>
    %dma_start3A_23 = arith.constant 0 : i32
    %dma_start3A_24 = arith.constant 0 : i32
    %dma_start3A_25 = tpu.memref_slice %arg4[%arg0, %dma_start3A_23, %dma_start3A_24] : memref<2x10240x64xf32, #tpu.memory_space<hbm>> -> memref<1x10240x64xf32, #tpu.memory_space<hbm>>
    %dma_start3A_26 = tpu.memref_squeeze %dma_start3A_25 : memref<1x10240x64xf32, #tpu.memory_space<hbm>> -> memref<10240x64xf32, #tpu.memory_space<hbm>>
    %dma_start3A_27 = arith.constant 0 : i32
    %dma_start3A_28 = arith.constant 0 : i32
    %dma_start3A_29 = tpu.memref_slice %dma_start3A_26[%dma_start3A_27, %dma_start3A_28] : memref<10240x64xf32, #tpu.memory_space<hbm>> -> memref<10240x64xf32, #tpu.memory_space<hbm>>
    tpu.enqueue_indirect_dma source(%dma_start3A_29 : memref<10240x64xf32, #tpu.memory_space<hbm>>) target(%arg10 : memref<256x64xf32, #tpu.memory_space<vmem>>) offsets(%dma_start3A_22 : memref<256xi32, #tpu.memory_space<vmem>>) semaphore(%arg14 : memref<!tpu.dma_semaphore, #tpu.memory_space<semaphore_mem>>)
    %dma_wait3A = arith.constant 78 : i32
    %dma_wait3A_30 = arith.constant 0 : i32
    %dma_wait3A_31 = tpu.memref_slice %arg7[%dma_wait3A, %dma_wait3A_30] : memref<80x256xi32, #tpu.memory_space<vmem>> -> memref<1x256xi32, #tpu.memory_space<vmem>>
    %dma_wait3A_32 = tpu.memref_squeeze %dma_wait3A_31 : memref<1x256xi32, #tpu.memory_space<vmem>> -> memref<256xi32, #tpu.memory_space<vmem>>
    %dma_wait3A_33 = arith.constant 0 : i32
    %dma_wait3A_34 = arith.constant 0 : i32
    %dma_wait3A_35 = tpu.memref_slice %arg4[%arg0, %dma_wait3A_33, %dma_wait3A_34] : memref<2x10240x64xf32, #tpu.memory_space<hbm>> -> memref<1x10240x64xf32, #tpu.memory_space<hbm>>
    %dma_wait3A_36 = tpu.memref_squeeze %dma_wait3A_35 : memref<1x10240x64xf32, #tpu.memory_space<hbm>> -> memref<10240x64xf32, #tpu.memory_space<hbm>>
    %dma_wait3A_37 = arith.constant 0 : i32
    %dma_wait3A_38 = arith.constant 0 : i32
    %dma_wait3A_39 = tpu.memref_slice %dma_wait3A_36[%dma_wait3A_37, %dma_wait3A_38] : memref<10240x64xf32, #tpu.memory_space<hbm>> -> memref<10240x64xf32, #tpu.memory_space<hbm>>
    tpu.wait_indirect_dma semaphore(%arg13 : memref<!tpu.dma_semaphore, #tpu.memory_space<semaphore_mem>>) src(%dma_wait3A_39 : memref<10240x64xf32, #tpu.memory_space<hbm>>) dst(%arg9 : memref<256x64xf32, #tpu.memory_space<vmem>>)
    %run_scoped3A = arith.constant 78 : i32
    "tpu.region"() ({
      %run_scoped3A_58 = tpu.sem_alloc : memref<!tpu.dma_semaphore, #tpu.memory_space<semaphore_mem>>
      %dma_start3A_59 = arith.constant 0 : i32
      %dma_start3A_60 = tpu.memref_slice %arg8[%run_scoped3A, %dma_start3A_59] : memref<80x256xi32, #tpu.memory_space<vmem>> -> memref<1x256xi32, #tpu.memory_space<vmem>>
      %dma_start3A_61 = tpu.memref_squeeze %dma_start3A_60 : memref<1x256xi32, #tpu.memory_space<vmem>> -> memref<256xi32, #tpu.memory_space<vmem>>
      %dma_start3A_62 = arith.constant 0 : i32
      %dma_start3A_63 = arith.constant 0 : i32
      %dma_start3A_64 = tpu.memref_slice %arg12[%dma_start3A_62, %dma_start3A_63] : memref<10240x64xf32, #tpu.memory_space<vmem_shared>> -> memref<10240x64xf32, #tpu.memory_space<vmem_shared>>
      tpu.enqueue_indirect_dma source(%arg9 : memref<256x64xf32, #tpu.memory_space<vmem>>) target(%dma_start3A_64 : memref<10240x64xf32, #tpu.memory_space<vmem_shared>>) offsets(%dma_start3A_61 : memref<256xi32, #tpu.memory_space<vmem>>) semaphore(%run_scoped3A_58 : memref<!tpu.dma_semaphore, #tpu.memory_space<semaphore_mem>>) {add = true}
      %dma_wait3A_65 = arith.constant 0 : i32
      %dma_wait3A_66 = tpu.memref_slice %arg8[%run_scoped3A, %dma_wait3A_65] : memref<80x256xi32, #tpu.memory_space<vmem>> -> memref<1x256xi32, #tpu.memory_space<vmem>>
      %dma_wait3A_67 = tpu.memref_squeeze %dma_wait3A_66 : memref<1x256xi32, #tpu.memory_space<vmem>> -> memref<256xi32, #tpu.memory_space<vmem>>
      %dma_wait3A_68 = arith.constant 0 : i32
      %dma_wait3A_69 = arith.constant 0 : i32
      %dma_wait3A_70 = tpu.memref_slice %arg12[%dma_wait3A_68, %dma_wait3A_69] : memref<10240x64xf32, #tpu.memory_space<vmem_shared>> -> memref<10240x64xf32, #tpu.memory_space<vmem_shared>>
      tpu.wait_indirect_dma semaphore(%run_scoped3A_58 : memref<!tpu.dma_semaphore, #tpu.memory_space<semaphore_mem>>) src(%arg9 : memref<256x64xf32, #tpu.memory_space<vmem>>) dst(%dma_wait3A_70 : memref<10240x64xf32, #tpu.memory_space<vmem_shared>>)
      tpu.yield
    }) : () -> ()
    %dma_wait3A_40 = arith.constant 79 : i32
    %dma_wait3A_41 = arith.constant 0 : i32
    %dma_wait3A_42 = tpu.memref_slice %arg7[%dma_wait3A_40, %dma_wait3A_41] : memref<80x256xi32, #tpu.memory_space<vmem>> -> memref<1x256xi32, #tpu.memory_space<vmem>>
    %dma_wait3A_43 = tpu.memref_squeeze %dma_wait3A_42 : memref<1x256xi32, #tpu.memory_space<vmem>> -> memref<256xi32, #tpu.memory_space<vmem>>
    %dma_wait3A_44 = arith.constant 0 : i32
    %dma_wait3A_45 = arith.constant 0 : i32
    %dma_wait3A_46 = tpu.memref_slice %arg4[%arg0, %dma_wait3A_44, %dma_wait3A_45] : memref<2x10240x64xf32, #tpu.memory_space<hbm>> -> memref<1x10240x64xf32, #tpu.memory_space<hbm>>
    %dma_wait3A_47 = tpu.memref_squeeze %dma_wait3A_46 : memref<1x10240x64xf32, #tpu.memory_space<hbm>> -> memref<10240x64xf32, #tpu.memory_space<hbm>>
    %dma_wait3A_48 = arith.constant 0 : i32
    %dma_wait3A_49 = arith.constant 0 : i32
    %dma_wait3A_50 = tpu.memref_slice %dma_wait3A_47[%dma_wait3A_48, %dma_wait3A_49] : memref<10240x64xf32, #tpu.memory_space<hbm>> -> memref<10240x64xf32, #tpu.memory_space<hbm>>
    tpu.wait_indirect_dma semaphore(%arg14 : memref<!tpu.dma_semaphore, #tpu.memory_space<semaphore_mem>>) src(%dma_wait3A_50 : memref<10240x64xf32, #tpu.memory_space<hbm>>) dst(%arg10 : memref<256x64xf32, #tpu.memory_space<vmem>>)
    %run_scoped3A_51 = arith.constant 79 : i32
    "tpu.region"() ({
      %run_scoped3A_58 = tpu.sem_alloc : memref<!tpu.dma_semaphore, #tpu.memory_space<semaphore_mem>>
      %dma_start3A_59 = arith.constant 0 : i32
      %dma_start3A_60 = tpu.memref_slice %arg8[%run_scoped3A_51, %dma_start3A_59] : memref<80x256xi32, #tpu.memory_space<vmem>> -> memref<1x256xi32, #tpu.memory_space<vmem>>
      %dma_start3A_61 = tpu.memref_squeeze %dma_start3A_60 : memref<1x256xi32, #tpu.memory_space<vmem>> -> memref<256xi32, #tpu.memory_space<vmem>>
      %dma_start3A_62 = arith.constant 0 : i32
      %dma_start3A_63 = arith.constant 0 : i32
      %dma_start3A_64 = tpu.memref_slice %arg12[%dma_start3A_62, %dma_start3A_63] : memref<10240x64xf32, #tpu.memory_space<vmem_shared>> -> memref<10240x64xf32, #tpu.memory_space<vmem_shared>>
      tpu.enqueue_indirect_dma source(%arg10 : memref<256x64xf32, #tpu.memory_space<vmem>>) target(%dma_start3A_64 : memref<10240x64xf32, #tpu.memory_space<vmem_shared>>) offsets(%dma_start3A_61 : memref<256xi32, #tpu.memory_space<vmem>>) semaphore(%run_scoped3A_58 : memref<!tpu.dma_semaphore, #tpu.memory_space<semaphore_mem>>) {add = true}
      %dma_wait3A_65 = arith.constant 0 : i32
      %dma_wait3A_66 = tpu.memref_slice %arg8[%run_scoped3A_51, %dma_wait3A_65] : memref<80x256xi32, #tpu.memory_space<vmem>> -> memref<1x256xi32, #tpu.memory_space<vmem>>
      %dma_wait3A_67 = tpu.memref_squeeze %dma_wait3A_66 : memref<1x256xi32, #tpu.memory_space<vmem>> -> memref<256xi32, #tpu.memory_space<vmem>>
      %dma_wait3A_68 = arith.constant 0 : i32
      %dma_wait3A_69 = arith.constant 0 : i32
      %dma_wait3A_70 = tpu.memref_slice %arg12[%dma_wait3A_68, %dma_wait3A_69] : memref<10240x64xf32, #tpu.memory_space<vmem_shared>> -> memref<10240x64xf32, #tpu.memory_space<vmem_shared>>
      tpu.wait_indirect_dma semaphore(%run_scoped3A_58 : memref<!tpu.dma_semaphore, #tpu.memory_space<semaphore_mem>>) src(%arg10 : memref<256x64xf32, #tpu.memory_space<vmem>>) dst(%dma_wait3A_70 : memref<10240x64xf32, #tpu.memory_space<vmem_shared>>)
      tpu.yield
    }) : () -> ()
    %barrier3A_52 = arith.constant 0 : index
    tpu.barrier barrier_id(%barrier3A_52)
    %scan3A_53 = arith.constant 0 : i32
    %scan3A_54 = arith.constant 4 : i32
    %scan3A_55 = arith.addi %scan3A_53, %scan3A_54 : i32
    %scan3A_56 = arith.constant 1 : i32
    scf.for %scan3A_58 = %scan3A_53 to %scan3A_55 step %scan3A_56  : i32 {
      %mul3A = arith.constant 1 : i32
      %mul3A_59 = arith.muli %scan3A_58, %mul3A : i32
      %add3A = arith.constant 0 : i32
      %add3A_60 = arith.addi %add3A, %mul3A_59 : i32
      %mul3A_61 = arith.constant 640 : i32
      %mul3A_62 = arith.muli %arg1, %mul3A_61 : i32
      %mul3A_63 = arith.constant 160 : i32
      %mul3A_64 = arith.muli %add3A_60, %mul3A_63 : i32
      %add3A_65 = arith.addi %mul3A_62, %mul3A_64 : i32
      "tpu.region"() ({
        %run_scoped3A_66 = tpu.sem_alloc : memref<!tpu.dma_semaphore, #tpu.memory_space<semaphore_mem>>
        %dma_start3A_67 = arith.constant 0 : i32
        %dma_start3A_68 = tpu.memref_slice %arg12[%add3A_65, %dma_start3A_67] : memref<10240x64xf32, #tpu.memory_space<vmem_shared>> -> memref<160x64xf32, #tpu.memory_space<vmem_shared>>
        %dma_start3A_69 = arith.constant 0 : i32
        %dma_start3A_70 = tpu.memref_slice %arg12[%add3A_65, %dma_start3A_69] : memref<10240x64xf32, #tpu.memory_space<vmem_shared>> -> memref<160x64xf32, #tpu.memory_space<vmem_shared>>
        tpu.enqueue_dma source(%dma_start3A_70 : memref<160x64xf32, #tpu.memory_space<vmem_shared>>) target(%arg11 : memref<160x64xf32, #tpu.memory_space<vmem>>) target_semaphore(%run_scoped3A_66 : memref<!tpu.dma_semaphore, #tpu.memory_space<semaphore_mem>>)
        %dma_wait3A_71 = arith.constant 0 : i32
        %dma_wait3A_72 = tpu.memref_slice %arg12[%add3A_65, %dma_wait3A_71] : memref<10240x64xf32, #tpu.memory_space<vmem_shared>> -> memref<160x64xf32, #tpu.memory_space<vmem_shared>>
        %dma_wait3A_73 = arith.constant 0 : i32
        %dma_wait3A_74 = tpu.memref_slice %arg12[%add3A_65, %dma_wait3A_73] : memref<10240x64xf32, #tpu.memory_space<vmem_shared>> -> memref<160x64xf32, #tpu.memory_space<vmem_shared>>
        tpu.wait_dma2 semaphore(%run_scoped3A_66 : memref<!tpu.dma_semaphore, #tpu.memory_space<semaphore_mem>>) src(%dma_wait3A_74 : memref<160x64xf32, #tpu.memory_space<vmem_shared>>) dst(%arg11 : memref<160x64xf32, #tpu.memory_space<vmem>>)
        tpu.yield
      }) : () -> ()
      "tpu.region"() ({
        %run_scoped3A_66 = tpu.sem_alloc : memref<!tpu.dma_semaphore, #tpu.memory_space<semaphore_mem>>
        %dma_start3A_67 = arith.constant 0 : i32
        %dma_start3A_68 = tpu.memref_slice %arg6[%arg0, %add3A_65, %dma_start3A_67] : memref<2x10240x64xf32, #tpu.memory_space<hbm>> -> memref<1x160x64xf32, #tpu.memory_space<hbm>>
        %dma_start3A_69 = tpu.memref_squeeze %dma_start3A_68 : memref<1x160x64xf32, #tpu.memory_space<hbm>> -> memref<160x64xf32, #tpu.memory_space<hbm>>
        %dma_start3A_70 = arith.constant 0 : i32
        %dma_start3A_71 = tpu.memref_slice %arg6[%arg0, %add3A_65, %dma_start3A_70] : memref<2x10240x64xf32, #tpu.memory_space<hbm>> -> memref<1x160x64xf32, #tpu.memory_space<hbm>>
        %dma_start3A_72 = tpu.memref_squeeze %dma_start3A_71 : memref<1x160x64xf32, #tpu.memory_space<hbm>> -> memref<160x64xf32, #tpu.memory_space<hbm>>
        tpu.enqueue_dma source(%arg11 : memref<160x64xf32, #tpu.memory_space<vmem>>) target(%dma_start3A_72 : memref<160x64xf32, #tpu.memory_space<hbm>>) target_semaphore(%run_scoped3A_66 : memref<!tpu.dma_semaphore, #tpu.memory_space<semaphore_mem>>)
        %dma_wait3A_73 = arith.constant 0 : i32
        %dma_wait3A_74 = tpu.memref_slice %arg6[%arg0, %add3A_65, %dma_wait3A_73] : memref<2x10240x64xf32, #tpu.memory_space<hbm>> -> memref<1x160x64xf32, #tpu.memory_space<hbm>>
        %dma_wait3A_75 = tpu.memref_squeeze %dma_wait3A_74 : memref<1x160x64xf32, #tpu.memory_space<hbm>> -> memref<160x64xf32, #tpu.memory_space<hbm>>
        %dma_wait3A_76 = arith.constant 0 : i32
        %dma_wait3A_77 = tpu.memref_slice %arg6[%arg0, %add3A_65, %dma_wait3A_76] : memref<2x10240x64xf32, #tpu.memory_space<hbm>> -> memref<1x160x64xf32, #tpu.memory_space<hbm>>
        %dma_wait3A_78 = tpu.memref_squeeze %dma_wait3A_77 : memref<1x160x64xf32, #tpu.memory_space<hbm>> -> memref<160x64xf32, #tpu.memory_space<hbm>>
        tpu.wait_dma2 semaphore(%run_scoped3A_66 : memref<!tpu.dma_semaphore, #tpu.memory_space<semaphore_mem>>) src(%arg11 : memref<160x64xf32, #tpu.memory_space<vmem>>) dst(%dma_wait3A_78 : memref<160x64xf32, #tpu.memory_space<hbm>>)
        tpu.yield
      }) : () -> ()
    }
    %scan3A_57 = arith.constant 4 : i32
    return
  }
}

#map = affine_map<(d0, d1) -> (0, 0, 0)>
#map1 = affine_map<(d0, d1) -> (0, 0)>
module attributes {stable_mosaic.version = 14 : i64} {
  func.func @prop(%arg0: i32, %arg1: i32, %arg2: memref<16x80x256xi32, #tpu.memory_space<hbm>>, %arg3: memref<16x80x256xi32, #tpu.memory_space<hbm>>, %arg4: memref<2x10240x64xf32, #tpu.memory_space<hbm>>, %arg5: memref<160x64xf32, #tpu.memory_space<hbm>>, %arg6: memref<2x10240x64xf32, #tpu.memory_space<hbm>>, %arg7: memref<80x256xi32, #tpu.memory_space<vmem>>, %arg8: memref<80x256xi32, #tpu.memory_space<vmem>>, %arg9: memref<256x64xf32, #tpu.memory_space<vmem>>, %arg10: memref<256x64xf32, #tpu.memory_space<vmem>>, %arg11: memref<160x64xf32, #tpu.memory_space<vmem>>, %arg12: memref<10240x64xf32, #tpu.memory_space<vmem_shared>>, %arg13: memref<!tpu.dma_semaphore, #tpu.memory_space<semaphore_mem>>, %arg14: memref<!tpu.dma_semaphore, #tpu.memory_space<semaphore_mem>>) attributes {dimension_semantics = [#tpu.dimension_semantics<core_parallel>, #tpu.dimension_semantics<subcore_parallel>], iteration_bounds = array<i64: 2, 16>, scalar_prefetch = 0 : i64, scratch_operands = 8 : i64, tpu.core_type = #tpu.core_type<sc_vector_subcore>, window_params = [{transform_indices = #map}, {transform_indices = #map}, {transform_indices = #map}, {transform_indices = #map1}, {transform_indices = #map}]} {
    "tpu.region"() ({
      %run_scoped3A_58 = tpu.sem_alloc : memref<!tpu.dma_semaphore, #tpu.memory_space<semaphore_mem>>
      %dma_start3A_59 = arith.constant 0 : i32
      %dma_start3A_60 = arith.constant 0 : i32
      %dma_start3A_61 = tpu.memref_slice %arg2[%arg1, %dma_start3A_59, %dma_start3A_60] : memref<16x80x256xi32, #tpu.memory_space<hbm>> -> memref<1x80x256xi32, #tpu.memory_space<hbm>>
      %dma_start3A_62 = tpu.memref_squeeze %dma_start3A_61 : memref<1x80x256xi32, #tpu.memory_space<hbm>> -> memref<80x256xi32, #tpu.memory_space<hbm>>
      %dma_start3A_63 = arith.constant 0 : i32
      %dma_start3A_64 = arith.constant 0 : i32
      %dma_start3A_65 = tpu.memref_slice %arg2[%arg1, %dma_start3A_63, %dma_start3A_64] : memref<16x80x256xi32, #tpu.memory_space<hbm>> -> memref<1x80x256xi32, #tpu.memory_space<hbm>>
      %dma_start3A_66 = tpu.memref_squeeze %dma_start3A_65 : memref<1x80x256xi32, #tpu.memory_space<hbm>> -> memref<80x256xi32, #tpu.memory_space<hbm>>
      tpu.enqueue_dma source(%dma_start3A_66 : memref<80x256xi32, #tpu.memory_space<hbm>>) target(%arg7 : memref<80x256xi32, #tpu.memory_space<vmem>>) target_semaphore(%run_scoped3A_58 : memref<!tpu.dma_semaphore, #tpu.memory_space<semaphore_mem>>)
      %dma_wait3A_67 = arith.constant 0 : i32
      %dma_wait3A_68 = arith.constant 0 : i32
      %dma_wait3A_69 = tpu.memref_slice %arg2[%arg1, %dma_wait3A_67, %dma_wait3A_68] : memref<16x80x256xi32, #tpu.memory_space<hbm>> -> memref<1x80x256xi32, #tpu.memory_space<hbm>>
      %dma_wait3A_70 = tpu.memref_squeeze %dma_wait3A_69 : memref<1x80x256xi32, #tpu.memory_space<hbm>> -> memref<80x256xi32, #tpu.memory_space<hbm>>
      %dma_wait3A_71 = arith.constant 0 : i32
      %dma_wait3A_72 = arith.constant 0 : i32
      %dma_wait3A_73 = tpu.memref_slice %arg2[%arg1, %dma_wait3A_71, %dma_wait3A_72] : memref<16x80x256xi32, #tpu.memory_space<hbm>> -> memref<1x80x256xi32, #tpu.memory_space<hbm>>
      %dma_wait3A_74 = tpu.memref_squeeze %dma_wait3A_73 : memref<1x80x256xi32, #tpu.memory_space<hbm>> -> memref<80x256xi32, #tpu.memory_space<hbm>>
      tpu.wait_dma2 semaphore(%run_scoped3A_58 : memref<!tpu.dma_semaphore, #tpu.memory_space<semaphore_mem>>) src(%dma_wait3A_74 : memref<80x256xi32, #tpu.memory_space<hbm>>) dst(%arg7 : memref<80x256xi32, #tpu.memory_space<vmem>>)
      tpu.yield
    }) : () -> ()
    "tpu.region"() ({
      %run_scoped3A_58 = tpu.sem_alloc : memref<!tpu.dma_semaphore, #tpu.memory_space<semaphore_mem>>
      %dma_start3A_59 = arith.constant 0 : i32
      %dma_start3A_60 = arith.constant 0 : i32
      %dma_start3A_61 = tpu.memref_slice %arg3[%arg1, %dma_start3A_59, %dma_start3A_60] : memref<16x80x256xi32, #tpu.memory_space<hbm>> -> memref<1x80x256xi32, #tpu.memory_space<hbm>>
      %dma_start3A_62 = tpu.memref_squeeze %dma_start3A_61 : memref<1x80x256xi32, #tpu.memory_space<hbm>> -> memref<80x256xi32, #tpu.memory_space<hbm>>
      %dma_start3A_63 = arith.constant 0 : i32
      %dma_start3A_64 = arith.constant 0 : i32
      %dma_start3A_65 = tpu.memref_slice %arg3[%arg1, %dma_start3A_63, %dma_start3A_64] : memref<16x80x256xi32, #tpu.memory_space<hbm>> -> memref<1x80x256xi32, #tpu.memory_space<hbm>>
      %dma_start3A_66 = tpu.memref_squeeze %dma_start3A_65 : memref<1x80x256xi32, #tpu.memory_space<hbm>> -> memref<80x256xi32, #tpu.memory_space<hbm>>
      tpu.enqueue_dma source(%dma_start3A_66 : memref<80x256xi32, #tpu.memory_space<hbm>>) target(%arg8 : memref<80x256xi32, #tpu.memory_space<vmem>>) target_semaphore(%run_scoped3A_58 : memref<!tpu.dma_semaphore, #tpu.memory_space<semaphore_mem>>)
      %dma_wait3A_67 = arith.constant 0 : i32
      %dma_wait3A_68 = arith.constant 0 : i32
      %dma_wait3A_69 = tpu.memref_slice %arg3[%arg1, %dma_wait3A_67, %dma_wait3A_68] : memref<16x80x256xi32, #tpu.memory_space<hbm>> -> memref<1x80x256xi32, #tpu.memory_space<hbm>>
      %dma_wait3A_70 = tpu.memref_squeeze %dma_wait3A_69 : memref<1x80x256xi32, #tpu.memory_space<hbm>> -> memref<80x256xi32, #tpu.memory_space<hbm>>
      %dma_wait3A_71 = arith.constant 0 : i32
      %dma_wait3A_72 = arith.constant 0 : i32
      %dma_wait3A_73 = tpu.memref_slice %arg3[%arg1, %dma_wait3A_71, %dma_wait3A_72] : memref<16x80x256xi32, #tpu.memory_space<hbm>> -> memref<1x80x256xi32, #tpu.memory_space<hbm>>
      %dma_wait3A_74 = tpu.memref_squeeze %dma_wait3A_73 : memref<1x80x256xi32, #tpu.memory_space<hbm>> -> memref<80x256xi32, #tpu.memory_space<hbm>>
      tpu.wait_dma2 semaphore(%run_scoped3A_58 : memref<!tpu.dma_semaphore, #tpu.memory_space<semaphore_mem>>) src(%dma_wait3A_74 : memref<80x256xi32, #tpu.memory_space<hbm>>) dst(%arg8 : memref<80x256xi32, #tpu.memory_space<vmem>>)
      tpu.yield
    }) : () -> ()
    "tpu.region"() ({
      %run_scoped3A_58 = tpu.sem_alloc : memref<!tpu.dma_semaphore, #tpu.memory_space<semaphore_mem>>
      tpu.enqueue_dma source(%arg5 : memref<160x64xf32, #tpu.memory_space<hbm>>) target(%arg11 : memref<160x64xf32, #tpu.memory_space<vmem>>) target_semaphore(%run_scoped3A_58 : memref<!tpu.dma_semaphore, #tpu.memory_space<semaphore_mem>>)
      tpu.wait_dma2 semaphore(%run_scoped3A_58 : memref<!tpu.dma_semaphore, #tpu.memory_space<semaphore_mem>>) src(%arg5 : memref<160x64xf32, #tpu.memory_space<hbm>>) dst(%arg11 : memref<160x64xf32, #tpu.memory_space<vmem>>)
      tpu.yield
    }) : () -> ()
    %scan3A = arith.constant 0 : i32
    %scan3A_0 = arith.constant 4 : i32
    %scan3A_1 = arith.addi %scan3A, %scan3A_0 : i32
    %scan3A_2 = arith.constant 1 : i32
    scf.for %scan3A_58 = %scan3A to %scan3A_1 step %scan3A_2  : i32 {
      %mul3A = arith.constant 1 : i32
      %mul3A_59 = arith.muli %scan3A_58, %mul3A : i32
      %add3A = arith.constant 0 : i32
      %add3A_60 = arith.addi %add3A, %mul3A_59 : i32
      %mul3A_61 = arith.constant 640 : i32
      %mul3A_62 = arith.muli %arg1, %mul3A_61 : i32
      %mul3A_63 = arith.constant 160 : i32
      %mul3A_64 = arith.muli %add3A_60, %mul3A_63 : i32
      %add3A_65 = arith.addi %mul3A_62, %mul3A_64 : i32
      "tpu.region"() ({
        %run_scoped3A_66 = tpu.sem_alloc : memref<!tpu.dma_semaphore, #tpu.memory_space<semaphore_mem>>
        %dma_start3A_67 = arith.constant 0 : i32
        %dma_start3A_68 = tpu.memref_slice %arg12[%add3A_65, %dma_start3A_67] : memref<10240x64xf32, #tpu.memory_space<vmem_shared>> -> memref<160x64xf32, #tpu.memory_space<vmem_shared>>
        %dma_start3A_69 = arith.constant 0 : i32
        %dma_start3A_70 = tpu.memref_slice %arg12[%add3A_65, %dma_start3A_69] : memref<10240x64xf32, #tpu.memory_space<vmem_shared>> -> memref<160x64xf32, #tpu.memory_space<vmem_shared>>
        tpu.enqueue_dma source(%arg11 : memref<160x64xf32, #tpu.memory_space<vmem>>) target(%dma_start3A_70 : memref<160x64xf32, #tpu.memory_space<vmem_shared>>) target_semaphore(%run_scoped3A_66 : memref<!tpu.dma_semaphore, #tpu.memory_space<semaphore_mem>>)
        %dma_wait3A_71 = arith.constant 0 : i32
        %dma_wait3A_72 = tpu.memref_slice %arg12[%add3A_65, %dma_wait3A_71] : memref<10240x64xf32, #tpu.memory_space<vmem_shared>> -> memref<160x64xf32, #tpu.memory_space<vmem_shared>>
        %dma_wait3A_73 = arith.constant 0 : i32
        %dma_wait3A_74 = tpu.memref_slice %arg12[%add3A_65, %dma_wait3A_73] : memref<10240x64xf32, #tpu.memory_space<vmem_shared>> -> memref<160x64xf32, #tpu.memory_space<vmem_shared>>
        tpu.wait_dma2 semaphore(%run_scoped3A_66 : memref<!tpu.dma_semaphore, #tpu.memory_space<semaphore_mem>>) src(%arg11 : memref<160x64xf32, #tpu.memory_space<vmem>>) dst(%dma_wait3A_74 : memref<160x64xf32, #tpu.memory_space<vmem_shared>>)
        tpu.yield
      }) : () -> ()
    }
    %scan3A_3 = arith.constant 4 : i32
    %barrier3A = arith.constant 0 : index
    tpu.barrier barrier_id(%barrier3A)
    %dma_start3A = arith.constant 0 : i32
    %dma_start3A_4 = arith.constant 0 : i32
    %dma_start3A_5 = tpu.memref_slice %arg7[%dma_start3A, %dma_start3A_4] : memref<80x256xi32, #tpu.memory_space<vmem>> -> memref<1x256xi32, #tpu.memory_space<vmem>>
    %dma_start3A_6 = tpu.memref_squeeze %dma_start3A_5 : memref<1x256xi32, #tpu.memory_space<vmem>> -> memref<256xi32, #tpu.memory_space<vmem>>
    %dma_start3A_7 = arith.constant 0 : i32
    %dma_start3A_8 = arith.constant 0 : i32
    %dma_start3A_9 = tpu.memref_slice %arg4[%arg0, %dma_start3A_7, %dma_start3A_8] : memref<2x10240x64xf32, #tpu.memory_space<hbm>> -> memref<1x10240x64xf32, #tpu.memory_space<hbm>>
    %dma_start3A_10 = tpu.memref_squeeze %dma_start3A_9 : memref<1x10240x64xf32, #tpu.memory_space<hbm>> -> memref<10240x64xf32, #tpu.memory_space<hbm>>
    %dma_start3A_11 = arith.constant 0 : i32
    %dma_start3A_12 = arith.constant 0 : i32
    %dma_start3A_13 = tpu.memref_slice %dma_start3A_10[%dma_start3A_11, %dma_start3A_12] : memref<10240x64xf32, #tpu.memory_space<hbm>> -> memref<10240x64xf32, #tpu.memory_space<hbm>>
    tpu.enqueue_indirect_dma source(%dma_start3A_13 : memref<10240x64xf32, #tpu.memory_space<hbm>>) target(%arg9 : memref<256x64xf32, #tpu.memory_space<vmem>>) offsets(%dma_start3A_6 : memref<256xi32, #tpu.memory_space<vmem>>) semaphore(%arg13 : memref<!tpu.dma_semaphore, #tpu.memory_space<semaphore_mem>>)
    %scan3A_14 = arith.constant 0 : i32
    %scan3A_15 = arith.constant 39 : i32
    %scan3A_16 = arith.addi %scan3A_14, %scan3A_15 : i32
    %scan3A_17 = arith.constant 1 : i32
    scf.for %scan3A_58 = %scan3A_14 to %scan3A_16 step %scan3A_17  : i32 {
      %mul3A = arith.constant 2 : i32
      %mul3A_59 = arith.muli %scan3A_58, %mul3A : i32
      %add3A = arith.constant 0 : i32
      %add3A_60 = arith.addi %add3A, %mul3A_59 : i32
      %add3A_61 = arith.constant 1 : i32
      %add3A_62 = arith.addi %add3A_60, %add3A_61 : i32
      %dma_start3A_63 = arith.constant 0 : i32
      %dma_start3A_64 = tpu.memref_slice %arg7[%add3A_62, %dma_start3A_63] : memref<80x256xi32, #tpu.memory_space<vmem>> -> memref<1x256xi32, #tpu.memory_space<vmem>>
      %dma_start3A_65 = tpu.memref_squeeze %dma_start3A_64 : memref<1x256xi32, #tpu.memory_space<vmem>> -> memref<256xi32, #tpu.memory_space<vmem>>
      %dma_start3A_66 = arith.constant 0 : i32
      %dma_start3A_67 = arith.constant 0 : i32
      %dma_start3A_68 = tpu.memref_slice %arg4[%arg0, %dma_start3A_66, %dma_start3A_67] : memref<2x10240x64xf32, #tpu.memory_space<hbm>> -> memref<1x10240x64xf32, #tpu.memory_space<hbm>>
      %dma_start3A_69 = tpu.memref_squeeze %dma_start3A_68 : memref<1x10240x64xf32, #tpu.memory_space<hbm>> -> memref<10240x64xf32, #tpu.memory_space<hbm>>
      %dma_start3A_70 = arith.constant 0 : i32
      %dma_start3A_71 = arith.constant 0 : i32
      %dma_start3A_72 = tpu.memref_slice %dma_start3A_69[%dma_start3A_70, %dma_start3A_71] : memref<10240x64xf32, #tpu.memory_space<hbm>> -> memref<10240x64xf32, #tpu.memory_space<hbm>>
      tpu.enqueue_indirect_dma source(%dma_start3A_72 : memref<10240x64xf32, #tpu.memory_space<hbm>>) target(%arg10 : memref<256x64xf32, #tpu.memory_space<vmem>>) offsets(%dma_start3A_65 : memref<256xi32, #tpu.memory_space<vmem>>) semaphore(%arg14 : memref<!tpu.dma_semaphore, #tpu.memory_space<semaphore_mem>>)
      %dma_wait3A_73 = arith.constant 0 : i32
      %dma_wait3A_74 = tpu.memref_slice %arg7[%add3A_60, %dma_wait3A_73] : memref<80x256xi32, #tpu.memory_space<vmem>> -> memref<1x256xi32, #tpu.memory_space<vmem>>
      %dma_wait3A_75 = tpu.memref_squeeze %dma_wait3A_74 : memref<1x256xi32, #tpu.memory_space<vmem>> -> memref<256xi32, #tpu.memory_space<vmem>>
      %dma_wait3A_76 = arith.constant 0 : i32
      %dma_wait3A_77 = arith.constant 0 : i32
      %dma_wait3A_78 = tpu.memref_slice %arg4[%arg0, %dma_wait3A_76, %dma_wait3A_77] : memref<2x10240x64xf32, #tpu.memory_space<hbm>> -> memref<1x10240x64xf32, #tpu.memory_space<hbm>>
      %dma_wait3A_79 = tpu.memref_squeeze %dma_wait3A_78 : memref<1x10240x64xf32, #tpu.memory_space<hbm>> -> memref<10240x64xf32, #tpu.memory_space<hbm>>
      %dma_wait3A_80 = arith.constant 0 : i32
      %dma_wait3A_81 = arith.constant 0 : i32
      %dma_wait3A_82 = tpu.memref_slice %dma_wait3A_79[%dma_wait3A_80, %dma_wait3A_81] : memref<10240x64xf32, #tpu.memory_space<hbm>> -> memref<10240x64xf32, #tpu.memory_space<hbm>>
      tpu.wait_indirect_dma semaphore(%arg13 : memref<!tpu.dma_semaphore, #tpu.memory_space<semaphore_mem>>) src(%dma_wait3A_82 : memref<10240x64xf32, #tpu.memory_space<hbm>>) dst(%arg9 : memref<256x64xf32, #tpu.memory_space<vmem>>)
      "tpu.region"() ({
        %run_scoped3A_109 = tpu.sem_alloc : memref<!tpu.dma_semaphore, #tpu.memory_space<semaphore_mem>>
        %dma_start3A_110 = arith.constant 0 : i32
        %dma_start3A_111 = tpu.memref_slice %arg8[%add3A_60, %dma_start3A_110] : memref<80x256xi32, #tpu.memory_space<vmem>> -> memref<1x256xi32, #tpu.memory_space<vmem>>
        %dma_start3A_112 = tpu.memref_squeeze %dma_start3A_111 : memref<1x256xi32, #tpu.memory_space<vmem>> -> memref<256xi32, #tpu.memory_space<vmem>>
        %dma_start3A_113 = arith.constant 0 : i32
        %dma_start3A_114 = arith.constant 0 : i32
        %dma_start3A_115 = tpu.memref_slice %arg12[%dma_start3A_113, %dma_start3A_114] : memref<10240x64xf32, #tpu.memory_space<vmem_shared>> -> memref<10240x64xf32, #tpu.memory_space<vmem_shared>>
        tpu.enqueue_indirect_dma source(%arg9 : memref<256x64xf32, #tpu.memory_space<vmem>>) target(%dma_start3A_115 : memref<10240x64xf32, #tpu.memory_space<vmem_shared>>) offsets(%dma_start3A_112 : memref<256xi32, #tpu.memory_space<vmem>>) semaphore(%run_scoped3A_109 : memref<!tpu.dma_semaphore, #tpu.memory_space<semaphore_mem>>) {add = true}
        %dma_wait3A_116 = arith.constant 0 : i32
        %dma_wait3A_117 = tpu.memref_slice %arg8[%add3A_60, %dma_wait3A_116] : memref<80x256xi32, #tpu.memory_space<vmem>> -> memref<1x256xi32, #tpu.memory_space<vmem>>
        %dma_wait3A_118 = tpu.memref_squeeze %dma_wait3A_117 : memref<1x256xi32, #tpu.memory_space<vmem>> -> memref<256xi32, #tpu.memory_space<vmem>>
        %dma_wait3A_119 = arith.constant 0 : i32
        %dma_wait3A_120 = arith.constant 0 : i32
        %dma_wait3A_121 = tpu.memref_slice %arg12[%dma_wait3A_119, %dma_wait3A_120] : memref<10240x64xf32, #tpu.memory_space<vmem_shared>> -> memref<10240x64xf32, #tpu.memory_space<vmem_shared>>
        tpu.wait_indirect_dma semaphore(%run_scoped3A_109 : memref<!tpu.dma_semaphore, #tpu.memory_space<semaphore_mem>>) src(%arg9 : memref<256x64xf32, #tpu.memory_space<vmem>>) dst(%dma_wait3A_121 : memref<10240x64xf32, #tpu.memory_space<vmem_shared>>)
        tpu.yield
      }) : () -> ()
      %add3A_83 = arith.constant 2 : i32
      %add3A_84 = arith.addi %add3A_60, %add3A_83 : i32
      %dma_start3A_85 = arith.constant 0 : i32
      %dma_start3A_86 = tpu.memref_slice %arg7[%add3A_84, %dma_start3A_85] : memref<80x256xi32, #tpu.memory_space<vmem>> -> memref<1x256xi32, #tpu.memory_space<vmem>>
      %dma_start3A_87 = tpu.memref_squeeze %dma_start3A_86 : memref<1x256xi32, #tpu.memory_space<vmem>> -> memref<256xi32, #tpu.memory_space<vmem>>
      %dma_start3A_88 = arith.constant 0 : i32
      %dma_start3A_89 = arith.constant 0 : i32
      %dma_start3A_90 = tpu.memref_slice %arg4[%arg0, %dma_start3A_88, %dma_start3A_89] : memref<2x10240x64xf32, #tpu.memory_space<hbm>> -> memref<1x10240x64xf32, #tpu.memory_space<hbm>>
      %dma_start3A_91 = tpu.memref_squeeze %dma_start3A_90 : memref<1x10240x64xf32, #tpu.memory_space<hbm>> -> memref<10240x64xf32, #tpu.memory_space<hbm>>
      %dma_start3A_92 = arith.constant 0 : i32
      %dma_start3A_93 = arith.constant 0 : i32
      %dma_start3A_94 = tpu.memref_slice %dma_start3A_91[%dma_start3A_92, %dma_start3A_93] : memref<10240x64xf32, #tpu.memory_space<hbm>> -> memref<10240x64xf32, #tpu.memory_space<hbm>>
      tpu.enqueue_indirect_dma source(%dma_start3A_94 : memref<10240x64xf32, #tpu.memory_space<hbm>>) target(%arg9 : memref<256x64xf32, #tpu.memory_space<vmem>>) offsets(%dma_start3A_87 : memref<256xi32, #tpu.memory_space<vmem>>) semaphore(%arg13 : memref<!tpu.dma_semaphore, #tpu.memory_space<semaphore_mem>>)
      %add3A_95 = arith.constant 1 : i32
      %add3A_96 = arith.addi %add3A_60, %add3A_95 : i32
      %dma_wait3A_97 = arith.constant 0 : i32
      %dma_wait3A_98 = tpu.memref_slice %arg7[%add3A_96, %dma_wait3A_97] : memref<80x256xi32, #tpu.memory_space<vmem>> -> memref<1x256xi32, #tpu.memory_space<vmem>>
      %dma_wait3A_99 = tpu.memref_squeeze %dma_wait3A_98 : memref<1x256xi32, #tpu.memory_space<vmem>> -> memref<256xi32, #tpu.memory_space<vmem>>
      %dma_wait3A_100 = arith.constant 0 : i32
      %dma_wait3A_101 = arith.constant 0 : i32
      %dma_wait3A_102 = tpu.memref_slice %arg4[%arg0, %dma_wait3A_100, %dma_wait3A_101] : memref<2x10240x64xf32, #tpu.memory_space<hbm>> -> memref<1x10240x64xf32, #tpu.memory_space<hbm>>
      %dma_wait3A_103 = tpu.memref_squeeze %dma_wait3A_102 : memref<1x10240x64xf32, #tpu.memory_space<hbm>> -> memref<10240x64xf32, #tpu.memory_space<hbm>>
      %dma_wait3A_104 = arith.constant 0 : i32
      %dma_wait3A_105 = arith.constant 0 : i32
      %dma_wait3A_106 = tpu.memref_slice %dma_wait3A_103[%dma_wait3A_104, %dma_wait3A_105] : memref<10240x64xf32, #tpu.memory_space<hbm>> -> memref<10240x64xf32, #tpu.memory_space<hbm>>
      tpu.wait_indirect_dma semaphore(%arg14 : memref<!tpu.dma_semaphore, #tpu.memory_space<semaphore_mem>>) src(%dma_wait3A_106 : memref<10240x64xf32, #tpu.memory_space<hbm>>) dst(%arg10 : memref<256x64xf32, #tpu.memory_space<vmem>>)
      %add3A_107 = arith.constant 1 : i32
      %add3A_108 = arith.addi %add3A_60, %add3A_107 : i32
      "tpu.region"() ({
        %run_scoped3A_109 = tpu.sem_alloc : memref<!tpu.dma_semaphore, #tpu.memory_space<semaphore_mem>>
        %dma_start3A_110 = arith.constant 0 : i32
        %dma_start3A_111 = tpu.memref_slice %arg8[%add3A_108, %dma_start3A_110] : memref<80x256xi32, #tpu.memory_space<vmem>> -> memref<1x256xi32, #tpu.memory_space<vmem>>
        %dma_start3A_112 = tpu.memref_squeeze %dma_start3A_111 : memref<1x256xi32, #tpu.memory_space<vmem>> -> memref<256xi32, #tpu.memory_space<vmem>>
        %dma_start3A_113 = arith.constant 0 : i32
        %dma_start3A_114 = arith.constant 0 : i32
        %dma_start3A_115 = tpu.memref_slice %arg12[%dma_start3A_113, %dma_start3A_114] : memref<10240x64xf32, #tpu.memory_space<vmem_shared>> -> memref<10240x64xf32, #tpu.memory_space<vmem_shared>>
        tpu.enqueue_indirect_dma source(%arg10 : memref<256x64xf32, #tpu.memory_space<vmem>>) target(%dma_start3A_115 : memref<10240x64xf32, #tpu.memory_space<vmem_shared>>) offsets(%dma_start3A_112 : memref<256xi32, #tpu.memory_space<vmem>>) semaphore(%run_scoped3A_109 : memref<!tpu.dma_semaphore, #tpu.memory_space<semaphore_mem>>) {add = true}
        %dma_wait3A_116 = arith.constant 0 : i32
        %dma_wait3A_117 = tpu.memref_slice %arg8[%add3A_108, %dma_wait3A_116] : memref<80x256xi32, #tpu.memory_space<vmem>> -> memref<1x256xi32, #tpu.memory_space<vmem>>
        %dma_wait3A_118 = tpu.memref_squeeze %dma_wait3A_117 : memref<1x256xi32, #tpu.memory_space<vmem>> -> memref<256xi32, #tpu.memory_space<vmem>>
        %dma_wait3A_119 = arith.constant 0 : i32
        %dma_wait3A_120 = arith.constant 0 : i32
        %dma_wait3A_121 = tpu.memref_slice %arg12[%dma_wait3A_119, %dma_wait3A_120] : memref<10240x64xf32, #tpu.memory_space<vmem_shared>> -> memref<10240x64xf32, #tpu.memory_space<vmem_shared>>
        tpu.wait_indirect_dma semaphore(%run_scoped3A_109 : memref<!tpu.dma_semaphore, #tpu.memory_space<semaphore_mem>>) src(%arg10 : memref<256x64xf32, #tpu.memory_space<vmem>>) dst(%dma_wait3A_121 : memref<10240x64xf32, #tpu.memory_space<vmem_shared>>)
        tpu.yield
      }) : () -> ()
    }
    %scan3A_18 = arith.constant 39 : i32
    %dma_start3A_19 = arith.constant 79 : i32
    %dma_start3A_20 = arith.constant 0 : i32
    %dma_start3A_21 = tpu.memref_slice %arg7[%dma_start3A_19, %dma_start3A_20] : memref<80x256xi32, #tpu.memory_space<vmem>> -> memref<1x256xi32, #tpu.memory_space<vmem>>
    %dma_start3A_22 = tpu.memref_squeeze %dma_start3A_21 : memref<1x256xi32, #tpu.memory_space<vmem>> -> memref<256xi32, #tpu.memory_space<vmem>>
    %dma_start3A_23 = arith.constant 0 : i32
    %dma_start3A_24 = arith.constant 0 : i32
    %dma_start3A_25 = tpu.memref_slice %arg4[%arg0, %dma_start3A_23, %dma_start3A_24] : memref<2x10240x64xf32, #tpu.memory_space<hbm>> -> memref<1x10240x64xf32, #tpu.memory_space<hbm>>
    %dma_start3A_26 = tpu.memref_squeeze %dma_start3A_25 : memref<1x10240x64xf32, #tpu.memory_space<hbm>> -> memref<10240x64xf32, #tpu.memory_space<hbm>>
    %dma_start3A_27 = arith.constant 0 : i32
    %dma_start3A_28 = arith.constant 0 : i32
    %dma_start3A_29 = tpu.memref_slice %dma_start3A_26[%dma_start3A_27, %dma_start3A_28] : memref<10240x64xf32, #tpu.memory_space<hbm>> -> memref<10240x64xf32, #tpu.memory_space<hbm>>
    tpu.enqueue_indirect_dma source(%dma_start3A_29 : memref<10240x64xf32, #tpu.memory_space<hbm>>) target(%arg10 : memref<256x64xf32, #tpu.memory_space<vmem>>) offsets(%dma_start3A_22 : memref<256xi32, #tpu.memory_space<vmem>>) semaphore(%arg14 : memref<!tpu.dma_semaphore, #tpu.memory_space<semaphore_mem>>)
    %dma_wait3A = arith.constant 78 : i32
    %dma_wait3A_30 = arith.constant 0 : i32
    %dma_wait3A_31 = tpu.memref_slice %arg7[%dma_wait3A, %dma_wait3A_30] : memref<80x256xi32, #tpu.memory_space<vmem>> -> memref<1x256xi32, #tpu.memory_space<vmem>>
    %dma_wait3A_32 = tpu.memref_squeeze %dma_wait3A_31 : memref<1x256xi32, #tpu.memory_space<vmem>> -> memref<256xi32, #tpu.memory_space<vmem>>
    %dma_wait3A_33 = arith.constant 0 : i32
    %dma_wait3A_34 = arith.constant 0 : i32
    %dma_wait3A_35 = tpu.memref_slice %arg4[%arg0, %dma_wait3A_33, %dma_wait3A_34] : memref<2x10240x64xf32, #tpu.memory_space<hbm>> -> memref<1x10240x64xf32, #tpu.memory_space<hbm>>
    %dma_wait3A_36 = tpu.memref_squeeze %dma_wait3A_35 : memref<1x10240x64xf32, #tpu.memory_space<hbm>> -> memref<10240x64xf32, #tpu.memory_space<hbm>>
    %dma_wait3A_37 = arith.constant 0 : i32
    %dma_wait3A_38 = arith.constant 0 : i32
    %dma_wait3A_39 = tpu.memref_slice %dma_wait3A_36[%dma_wait3A_37, %dma_wait3A_38] : memref<10240x64xf32, #tpu.memory_space<hbm>> -> memref<10240x64xf32, #tpu.memory_space<hbm>>
    tpu.wait_indirect_dma semaphore(%arg13 : memref<!tpu.dma_semaphore, #tpu.memory_space<semaphore_mem>>) src(%dma_wait3A_39 : memref<10240x64xf32, #tpu.memory_space<hbm>>) dst(%arg9 : memref<256x64xf32, #tpu.memory_space<vmem>>)
    %run_scoped3A = arith.constant 78 : i32
    "tpu.region"() ({
      %run_scoped3A_58 = tpu.sem_alloc : memref<!tpu.dma_semaphore, #tpu.memory_space<semaphore_mem>>
      %dma_start3A_59 = arith.constant 0 : i32
      %dma_start3A_60 = tpu.memref_slice %arg8[%run_scoped3A, %dma_start3A_59] : memref<80x256xi32, #tpu.memory_space<vmem>> -> memref<1x256xi32, #tpu.memory_space<vmem>>
      %dma_start3A_61 = tpu.memref_squeeze %dma_start3A_60 : memref<1x256xi32, #tpu.memory_space<vmem>> -> memref<256xi32, #tpu.memory_space<vmem>>
      %dma_start3A_62 = arith.constant 0 : i32
      %dma_start3A_63 = arith.constant 0 : i32
      %dma_start3A_64 = tpu.memref_slice %arg12[%dma_start3A_62, %dma_start3A_63] : memref<10240x64xf32, #tpu.memory_space<vmem_shared>> -> memref<10240x64xf32, #tpu.memory_space<vmem_shared>>
      tpu.enqueue_indirect_dma source(%arg9 : memref<256x64xf32, #tpu.memory_space<vmem>>) target(%dma_start3A_64 : memref<10240x64xf32, #tpu.memory_space<vmem_shared>>) offsets(%dma_start3A_61 : memref<256xi32, #tpu.memory_space<vmem>>) semaphore(%run_scoped3A_58 : memref<!tpu.dma_semaphore, #tpu.memory_space<semaphore_mem>>) {add = true}
      %dma_wait3A_65 = arith.constant 0 : i32
      %dma_wait3A_66 = tpu.memref_slice %arg8[%run_scoped3A, %dma_wait3A_65] : memref<80x256xi32, #tpu.memory_space<vmem>> -> memref<1x256xi32, #tpu.memory_space<vmem>>
      %dma_wait3A_67 = tpu.memref_squeeze %dma_wait3A_66 : memref<1x256xi32, #tpu.memory_space<vmem>> -> memref<256xi32, #tpu.memory_space<vmem>>
      %dma_wait3A_68 = arith.constant 0 : i32
      %dma_wait3A_69 = arith.constant 0 : i32
      %dma_wait3A_70 = tpu.memref_slice %arg12[%dma_wait3A_68, %dma_wait3A_69] : memref<10240x64xf32, #tpu.memory_space<vmem_shared>> -> memref<10240x64xf32, #tpu.memory_space<vmem_shared>>
      tpu.wait_indirect_dma semaphore(%run_scoped3A_58 : memref<!tpu.dma_semaphore, #tpu.memory_space<semaphore_mem>>) src(%arg9 : memref<256x64xf32, #tpu.memory_space<vmem>>) dst(%dma_wait3A_70 : memref<10240x64xf32, #tpu.memory_space<vmem_shared>>)
      tpu.yield
    }) : () -> ()
    %dma_wait3A_40 = arith.constant 79 : i32
    %dma_wait3A_41 = arith.constant 0 : i32
    %dma_wait3A_42 = tpu.memref_slice %arg7[%dma_wait3A_40, %dma_wait3A_41] : memref<80x256xi32, #tpu.memory_space<vmem>> -> memref<1x256xi32, #tpu.memory_space<vmem>>
    %dma_wait3A_43 = tpu.memref_squeeze %dma_wait3A_42 : memref<1x256xi32, #tpu.memory_space<vmem>> -> memref<256xi32, #tpu.memory_space<vmem>>
    %dma_wait3A_44 = arith.constant 0 : i32
    %dma_wait3A_45 = arith.constant 0 : i32
    %dma_wait3A_46 = tpu.memref_slice %arg4[%arg0, %dma_wait3A_44, %dma_wait3A_45] : memref<2x10240x64xf32, #tpu.memory_space<hbm>> -> memref<1x10240x64xf32, #tpu.memory_space<hbm>>
    %dma_wait3A_47 = tpu.memref_squeeze %dma_wait3A_46 : memref<1x10240x64xf32, #tpu.memory_space<hbm>> -> memref<10240x64xf32, #tpu.memory_space<hbm>>
    %dma_wait3A_48 = arith.constant 0 : i32
    %dma_wait3A_49 = arith.constant 0 : i32
    %dma_wait3A_50 = tpu.memref_slice %dma_wait3A_47[%dma_wait3A_48, %dma_wait3A_49] : memref<10240x64xf32, #tpu.memory_space<hbm>> -> memref<10240x64xf32, #tpu.memory_space<hbm>>
    tpu.wait_indirect_dma semaphore(%arg14 : memref<!tpu.dma_semaphore, #tpu.memory_space<semaphore_mem>>) src(%dma_wait3A_50 : memref<10240x64xf32, #tpu.memory_space<hbm>>) dst(%arg10 : memref<256x64xf32, #tpu.memory_space<vmem>>)
    %run_scoped3A_51 = arith.constant 79 : i32
    "tpu.region"() ({
      %run_scoped3A_58 = tpu.sem_alloc : memref<!tpu.dma_semaphore, #tpu.memory_space<semaphore_mem>>
      %dma_start3A_59 = arith.constant 0 : i32
      %dma_start3A_60 = tpu.memref_slice %arg8[%run_scoped3A_51, %dma_start3A_59] : memref<80x256xi32, #tpu.memory_space<vmem>> -> memref<1x256xi32, #tpu.memory_space<vmem>>
      %dma_start3A_61 = tpu.memref_squeeze %dma_start3A_60 : memref<1x256xi32, #tpu.memory_space<vmem>> -> memref<256xi32, #tpu.memory_space<vmem>>
      %dma_start3A_62 = arith.constant 0 : i32
      %dma_start3A_63 = arith.constant 0 : i32
      %dma_start3A_64 = tpu.memref_slice %arg12[%dma_start3A_62, %dma_start3A_63] : memref<10240x64xf32, #tpu.memory_space<vmem_shared>> -> memref<10240x64xf32, #tpu.memory_space<vmem_shared>>
      tpu.enqueue_indirect_dma source(%arg10 : memref<256x64xf32, #tpu.memory_space<vmem>>) target(%dma_start3A_64 : memref<10240x64xf32, #tpu.memory_space<vmem_shared>>) offsets(%dma_start3A_61 : memref<256xi32, #tpu.memory_space<vmem>>) semaphore(%run_scoped3A_58 : memref<!tpu.dma_semaphore, #tpu.memory_space<semaphore_mem>>) {add = true}
      %dma_wait3A_65 = arith.constant 0 : i32
      %dma_wait3A_66 = tpu.memref_slice %arg8[%run_scoped3A_51, %dma_wait3A_65] : memref<80x256xi32, #tpu.memory_space<vmem>> -> memref<1x256xi32, #tpu.memory_space<vmem>>
      %dma_wait3A_67 = tpu.memref_squeeze %dma_wait3A_66 : memref<1x256xi32, #tpu.memory_space<vmem>> -> memref<256xi32, #tpu.memory_space<vmem>>
      %dma_wait3A_68 = arith.constant 0 : i32
      %dma_wait3A_69 = arith.constant 0 : i32
      %dma_wait3A_70 = tpu.memref_slice %arg12[%dma_wait3A_68, %dma_wait3A_69] : memref<10240x64xf32, #tpu.memory_space<vmem_shared>> -> memref<10240x64xf32, #tpu.memory_space<vmem_shared>>
      tpu.wait_indirect_dma semaphore(%run_scoped3A_58 : memref<!tpu.dma_semaphore, #tpu.memory_space<semaphore_mem>>) src(%arg10 : memref<256x64xf32, #tpu.memory_space<vmem>>) dst(%dma_wait3A_70 : memref<10240x64xf32, #tpu.memory_space<vmem_shared>>)
      tpu.yield
    }) : () -> ()
    %barrier3A_52 = arith.constant 0 : index
    tpu.barrier barrier_id(%barrier3A_52)
    %scan3A_53 = arith.constant 0 : i32
    %scan3A_54 = arith.constant 4 : i32
    %scan3A_55 = arith.addi %scan3A_53, %scan3A_54 : i32
    %scan3A_56 = arith.constant 1 : i32
    scf.for %scan3A_58 = %scan3A_53 to %scan3A_55 step %scan3A_56  : i32 {
      %mul3A = arith.constant 1 : i32
      %mul3A_59 = arith.muli %scan3A_58, %mul3A : i32
      %add3A = arith.constant 0 : i32
      %add3A_60 = arith.addi %add3A, %mul3A_59 : i32
      %mul3A_61 = arith.constant 640 : i32
      %mul3A_62 = arith.muli %arg1, %mul3A_61 : i32
      %mul3A_63 = arith.constant 160 : i32
      %mul3A_64 = arith.muli %add3A_60, %mul3A_63 : i32
      %add3A_65 = arith.addi %mul3A_62, %mul3A_64 : i32
      "tpu.region"() ({
        %run_scoped3A_66 = tpu.sem_alloc : memref<!tpu.dma_semaphore, #tpu.memory_space<semaphore_mem>>
        %dma_start3A_67 = arith.constant 0 : i32
        %dma_start3A_68 = tpu.memref_slice %arg12[%add3A_65, %dma_start3A_67] : memref<10240x64xf32, #tpu.memory_space<vmem_shared>> -> memref<160x64xf32, #tpu.memory_space<vmem_shared>>
        %dma_start3A_69 = arith.constant 0 : i32
        %dma_start3A_70 = tpu.memref_slice %arg12[%add3A_65, %dma_start3A_69] : memref<10240x64xf32, #tpu.memory_space<vmem_shared>> -> memref<160x64xf32, #tpu.memory_space<vmem_shared>>
        tpu.enqueue_dma source(%dma_start3A_70 : memref<160x64xf32, #tpu.memory_space<vmem_shared>>) target(%arg11 : memref<160x64xf32, #tpu.memory_space<vmem>>) target_semaphore(%run_scoped3A_66 : memref<!tpu.dma_semaphore, #tpu.memory_space<semaphore_mem>>)
        %dma_wait3A_71 = arith.constant 0 : i32
        %dma_wait3A_72 = tpu.memref_slice %arg12[%add3A_65, %dma_wait3A_71] : memref<10240x64xf32, #tpu.memory_space<vmem_shared>> -> memref<160x64xf32, #tpu.memory_space<vmem_shared>>
        %dma_wait3A_73 = arith.constant 0 : i32
        %dma_wait3A_74 = tpu.memref_slice %arg12[%add3A_65, %dma_wait3A_73] : memref<10240x64xf32, #tpu.memory_space<vmem_shared>> -> memref<160x64xf32, #tpu.memory_space<vmem_shared>>
        tpu.wait_dma2 semaphore(%run_scoped3A_66 : memref<!tpu.dma_semaphore, #tpu.memory_space<semaphore_mem>>) src(%dma_wait3A_74 : memref<160x64xf32, #tpu.memory_space<vmem_shared>>) dst(%arg11 : memref<160x64xf32, #tpu.memory_space<vmem>>)
        tpu.yield
      }) : () -> ()
      "tpu.region"() ({
        %run_scoped3A_66 = tpu.sem_alloc : memref<!tpu.dma_semaphore, #tpu.memory_space<semaphore_mem>>
        %dma_start3A_67 = arith.constant 0 : i32
        %dma_start3A_68 = tpu.memref_slice %arg6[%arg0, %add3A_65, %dma_start3A_67] : memref<2x10240x64xf32, #tpu.memory_space<hbm>> -> memref<1x160x64xf32, #tpu.memory_space<hbm>>
        %dma_start3A_69 = tpu.memref_squeeze %dma_start3A_68 : memref<1x160x64xf32, #tpu.memory_space<hbm>> -> memref<160x64xf32, #tpu.memory_space<hbm>>
        %dma_start3A_70 = arith.constant 0 : i32
        %dma_start3A_71 = tpu.memref_slice %arg6[%arg0, %add3A_65, %dma_start3A_70] : memref<2x10240x64xf32, #tpu.memory_space<hbm>> -> memref<1x160x64xf32, #tpu.memory_space<hbm>>
        %dma_start3A_72 = tpu.memref_squeeze %dma_start3A_71 : memref<1x160x64xf32, #tpu.memory_space<hbm>> -> memref<160x64xf32, #tpu.memory_space<hbm>>
        tpu.enqueue_dma source(%arg11 : memref<160x64xf32, #tpu.memory_space<vmem>>) target(%dma_start3A_72 : memref<160x64xf32, #tpu.memory_space<hbm>>) target_semaphore(%run_scoped3A_66 : memref<!tpu.dma_semaphore, #tpu.memory_space<semaphore_mem>>)
        %dma_wait3A_73 = arith.constant 0 : i32
        %dma_wait3A_74 = tpu.memref_slice %arg6[%arg0, %add3A_65, %dma_wait3A_73] : memref<2x10240x64xf32, #tpu.memory_space<hbm>> -> memref<1x160x64xf32, #tpu.memory_space<hbm>>
        %dma_wait3A_75 = tpu.memref_squeeze %dma_wait3A_74 : memref<1x160x64xf32, #tpu.memory_space<hbm>> -> memref<160x64xf32, #tpu.memory_space<hbm>>
        %dma_wait3A_76 = arith.constant 0 : i32
        %dma_wait3A_77 = tpu.memref_slice %arg6[%arg0, %add3A_65, %dma_wait3A_76] : memref<2x10240x64xf32, #tpu.memory_space<hbm>> -> memref<1x160x64xf32, #tpu.memory_space<hbm>>
        %dma_wait3A_78 = tpu.memref_squeeze %dma_wait3A_77 : memref<1x160x64xf32, #tpu.memory_space<hbm>> -> memref<160x64xf32, #tpu.memory_space<hbm>>
        tpu.wait_dma2 semaphore(%run_scoped3A_66 : memref<!tpu.dma_semaphore, #tpu.memory_space<semaphore_mem>>) src(%arg11 : memref<160x64xf32, #tpu.memory_space<vmem>>) dst(%dma_wait3A_78 : memref<160x64xf32, #tpu.memory_space<hbm>>)
        tpu.yield
      }) : () -> ()
    }
    %scan3A_57 = arith.constant 4 : i32
    return
  }
}

#map = affine_map<(d0, d1) -> (0, 0, 0)>
#map1 = affine_map<(d0, d1) -> (0, 0)>
module attributes {stable_mosaic.version = 14 : i64} {
  func.func @prop(%arg0: i32, %arg1: i32, %arg2: memref<16x80x256xi32, #tpu.memory_space<hbm>>, %arg3: memref<16x80x256xi32, #tpu.memory_space<hbm>>, %arg4: memref<2x10240x64xf32, #tpu.memory_space<hbm>>, %arg5: memref<160x64xf32, #tpu.memory_space<hbm>>, %arg6: memref<2x10240x64xf32, #tpu.memory_space<hbm>>, %arg7: memref<80x256xi32, #tpu.memory_space<vmem>>, %arg8: memref<80x256xi32, #tpu.memory_space<vmem>>, %arg9: memref<256x64xf32, #tpu.memory_space<vmem>>, %arg10: memref<256x64xf32, #tpu.memory_space<vmem>>, %arg11: memref<160x64xf32, #tpu.memory_space<vmem>>, %arg12: memref<10240x64xf32, #tpu.memory_space<vmem_shared>>, %arg13: memref<!tpu.dma_semaphore, #tpu.memory_space<semaphore_mem>>, %arg14: memref<!tpu.dma_semaphore, #tpu.memory_space<semaphore_mem>>) attributes {dimension_semantics = [#tpu.dimension_semantics<core_parallel>, #tpu.dimension_semantics<subcore_parallel>], iteration_bounds = array<i64: 2, 16>, scalar_prefetch = 0 : i64, scratch_operands = 8 : i64, tpu.core_type = #tpu.core_type<sc_vector_subcore>, window_params = [{transform_indices = #map}, {transform_indices = #map}, {transform_indices = #map}, {transform_indices = #map1}, {transform_indices = #map}]} {
    "tpu.region"() ({
      %run_scoped3A_58 = tpu.sem_alloc : memref<!tpu.dma_semaphore, #tpu.memory_space<semaphore_mem>>
      %dma_start3A_59 = arith.constant 0 : i32
      %dma_start3A_60 = arith.constant 0 : i32
      %dma_start3A_61 = tpu.memref_slice %arg2[%arg1, %dma_start3A_59, %dma_start3A_60] : memref<16x80x256xi32, #tpu.memory_space<hbm>> -> memref<1x80x256xi32, #tpu.memory_space<hbm>>
      %dma_start3A_62 = tpu.memref_squeeze %dma_start3A_61 : memref<1x80x256xi32, #tpu.memory_space<hbm>> -> memref<80x256xi32, #tpu.memory_space<hbm>>
      %dma_start3A_63 = arith.constant 0 : i32
      %dma_start3A_64 = arith.constant 0 : i32
      %dma_start3A_65 = tpu.memref_slice %arg2[%arg1, %dma_start3A_63, %dma_start3A_64] : memref<16x80x256xi32, #tpu.memory_space<hbm>> -> memref<1x80x256xi32, #tpu.memory_space<hbm>>
      %dma_start3A_66 = tpu.memref_squeeze %dma_start3A_65 : memref<1x80x256xi32, #tpu.memory_space<hbm>> -> memref<80x256xi32, #tpu.memory_space<hbm>>
      tpu.enqueue_dma source(%dma_start3A_66 : memref<80x256xi32, #tpu.memory_space<hbm>>) target(%arg7 : memref<80x256xi32, #tpu.memory_space<vmem>>) target_semaphore(%run_scoped3A_58 : memref<!tpu.dma_semaphore, #tpu.memory_space<semaphore_mem>>)
      %dma_wait3A_67 = arith.constant 0 : i32
      %dma_wait3A_68 = arith.constant 0 : i32
      %dma_wait3A_69 = tpu.memref_slice %arg2[%arg1, %dma_wait3A_67, %dma_wait3A_68] : memref<16x80x256xi32, #tpu.memory_space<hbm>> -> memref<1x80x256xi32, #tpu.memory_space<hbm>>
      %dma_wait3A_70 = tpu.memref_squeeze %dma_wait3A_69 : memref<1x80x256xi32, #tpu.memory_space<hbm>> -> memref<80x256xi32, #tpu.memory_space<hbm>>
      %dma_wait3A_71 = arith.constant 0 : i32
      %dma_wait3A_72 = arith.constant 0 : i32
      %dma_wait3A_73 = tpu.memref_slice %arg2[%arg1, %dma_wait3A_71, %dma_wait3A_72] : memref<16x80x256xi32, #tpu.memory_space<hbm>> -> memref<1x80x256xi32, #tpu.memory_space<hbm>>
      %dma_wait3A_74 = tpu.memref_squeeze %dma_wait3A_73 : memref<1x80x256xi32, #tpu.memory_space<hbm>> -> memref<80x256xi32, #tpu.memory_space<hbm>>
      tpu.wait_dma2 semaphore(%run_scoped3A_58 : memref<!tpu.dma_semaphore, #tpu.memory_space<semaphore_mem>>) src(%dma_wait3A_74 : memref<80x256xi32, #tpu.memory_space<hbm>>) dst(%arg7 : memref<80x256xi32, #tpu.memory_space<vmem>>)
      tpu.yield
    }) : () -> ()
    "tpu.region"() ({
      %run_scoped3A_58 = tpu.sem_alloc : memref<!tpu.dma_semaphore, #tpu.memory_space<semaphore_mem>>
      %dma_start3A_59 = arith.constant 0 : i32
      %dma_start3A_60 = arith.constant 0 : i32
      %dma_start3A_61 = tpu.memref_slice %arg3[%arg1, %dma_start3A_59, %dma_start3A_60] : memref<16x80x256xi32, #tpu.memory_space<hbm>> -> memref<1x80x256xi32, #tpu.memory_space<hbm>>
      %dma_start3A_62 = tpu.memref_squeeze %dma_start3A_61 : memref<1x80x256xi32, #tpu.memory_space<hbm>> -> memref<80x256xi32, #tpu.memory_space<hbm>>
      %dma_start3A_63 = arith.constant 0 : i32
      %dma_start3A_64 = arith.constant 0 : i32
      %dma_start3A_65 = tpu.memref_slice %arg3[%arg1, %dma_start3A_63, %dma_start3A_64] : memref<16x80x256xi32, #tpu.memory_space<hbm>> -> memref<1x80x256xi32, #tpu.memory_space<hbm>>
      %dma_start3A_66 = tpu.memref_squeeze %dma_start3A_65 : memref<1x80x256xi32, #tpu.memory_space<hbm>> -> memref<80x256xi32, #tpu.memory_space<hbm>>
      tpu.enqueue_dma source(%dma_start3A_66 : memref<80x256xi32, #tpu.memory_space<hbm>>) target(%arg8 : memref<80x256xi32, #tpu.memory_space<vmem>>) target_semaphore(%run_scoped3A_58 : memref<!tpu.dma_semaphore, #tpu.memory_space<semaphore_mem>>)
      %dma_wait3A_67 = arith.constant 0 : i32
      %dma_wait3A_68 = arith.constant 0 : i32
      %dma_wait3A_69 = tpu.memref_slice %arg3[%arg1, %dma_wait3A_67, %dma_wait3A_68] : memref<16x80x256xi32, #tpu.memory_space<hbm>> -> memref<1x80x256xi32, #tpu.memory_space<hbm>>
      %dma_wait3A_70 = tpu.memref_squeeze %dma_wait3A_69 : memref<1x80x256xi32, #tpu.memory_space<hbm>> -> memref<80x256xi32, #tpu.memory_space<hbm>>
      %dma_wait3A_71 = arith.constant 0 : i32
      %dma_wait3A_72 = arith.constant 0 : i32
      %dma_wait3A_73 = tpu.memref_slice %arg3[%arg1, %dma_wait3A_71, %dma_wait3A_72] : memref<16x80x256xi32, #tpu.memory_space<hbm>> -> memref<1x80x256xi32, #tpu.memory_space<hbm>>
      %dma_wait3A_74 = tpu.memref_squeeze %dma_wait3A_73 : memref<1x80x256xi32, #tpu.memory_space<hbm>> -> memref<80x256xi32, #tpu.memory_space<hbm>>
      tpu.wait_dma2 semaphore(%run_scoped3A_58 : memref<!tpu.dma_semaphore, #tpu.memory_space<semaphore_mem>>) src(%dma_wait3A_74 : memref<80x256xi32, #tpu.memory_space<hbm>>) dst(%arg8 : memref<80x256xi32, #tpu.memory_space<vmem>>)
      tpu.yield
    }) : () -> ()
    "tpu.region"() ({
      %run_scoped3A_58 = tpu.sem_alloc : memref<!tpu.dma_semaphore, #tpu.memory_space<semaphore_mem>>
      tpu.enqueue_dma source(%arg5 : memref<160x64xf32, #tpu.memory_space<hbm>>) target(%arg11 : memref<160x64xf32, #tpu.memory_space<vmem>>) target_semaphore(%run_scoped3A_58 : memref<!tpu.dma_semaphore, #tpu.memory_space<semaphore_mem>>)
      tpu.wait_dma2 semaphore(%run_scoped3A_58 : memref<!tpu.dma_semaphore, #tpu.memory_space<semaphore_mem>>) src(%arg5 : memref<160x64xf32, #tpu.memory_space<hbm>>) dst(%arg11 : memref<160x64xf32, #tpu.memory_space<vmem>>)
      tpu.yield
    }) : () -> ()
    %scan3A = arith.constant 0 : i32
    %scan3A_0 = arith.constant 4 : i32
    %scan3A_1 = arith.addi %scan3A, %scan3A_0 : i32
    %scan3A_2 = arith.constant 1 : i32
    scf.for %scan3A_58 = %scan3A to %scan3A_1 step %scan3A_2  : i32 {
      %mul3A = arith.constant 1 : i32
      %mul3A_59 = arith.muli %scan3A_58, %mul3A : i32
      %add3A = arith.constant 0 : i32
      %add3A_60 = arith.addi %add3A, %mul3A_59 : i32
      %mul3A_61 = arith.constant 640 : i32
      %mul3A_62 = arith.muli %arg1, %mul3A_61 : i32
      %mul3A_63 = arith.constant 160 : i32
      %mul3A_64 = arith.muli %add3A_60, %mul3A_63 : i32
      %add3A_65 = arith.addi %mul3A_62, %mul3A_64 : i32
      "tpu.region"() ({
        %run_scoped3A_66 = tpu.sem_alloc : memref<!tpu.dma_semaphore, #tpu.memory_space<semaphore_mem>>
        %dma_start3A_67 = arith.constant 0 : i32
        %dma_start3A_68 = tpu.memref_slice %arg12[%add3A_65, %dma_start3A_67] : memref<10240x64xf32, #tpu.memory_space<vmem_shared>> -> memref<160x64xf32, #tpu.memory_space<vmem_shared>>
        %dma_start3A_69 = arith.constant 0 : i32
        %dma_start3A_70 = tpu.memref_slice %arg12[%add3A_65, %dma_start3A_69] : memref<10240x64xf32, #tpu.memory_space<vmem_shared>> -> memref<160x64xf32, #tpu.memory_space<vmem_shared>>
        tpu.enqueue_dma source(%arg11 : memref<160x64xf32, #tpu.memory_space<vmem>>) target(%dma_start3A_70 : memref<160x64xf32, #tpu.memory_space<vmem_shared>>) target_semaphore(%run_scoped3A_66 : memref<!tpu.dma_semaphore, #tpu.memory_space<semaphore_mem>>)
        %dma_wait3A_71 = arith.constant 0 : i32
        %dma_wait3A_72 = tpu.memref_slice %arg12[%add3A_65, %dma_wait3A_71] : memref<10240x64xf32, #tpu.memory_space<vmem_shared>> -> memref<160x64xf32, #tpu.memory_space<vmem_shared>>
        %dma_wait3A_73 = arith.constant 0 : i32
        %dma_wait3A_74 = tpu.memref_slice %arg12[%add3A_65, %dma_wait3A_73] : memref<10240x64xf32, #tpu.memory_space<vmem_shared>> -> memref<160x64xf32, #tpu.memory_space<vmem_shared>>
        tpu.wait_dma2 semaphore(%run_scoped3A_66 : memref<!tpu.dma_semaphore, #tpu.memory_space<semaphore_mem>>) src(%arg11 : memref<160x64xf32, #tpu.memory_space<vmem>>) dst(%dma_wait3A_74 : memref<160x64xf32, #tpu.memory_space<vmem_shared>>)
        tpu.yield
      }) : () -> ()
    }
    %scan3A_3 = arith.constant 4 : i32
    %barrier3A = arith.constant 0 : index
    tpu.barrier barrier_id(%barrier3A)
    %dma_start3A = arith.constant 0 : i32
    %dma_start3A_4 = arith.constant 0 : i32
    %dma_start3A_5 = tpu.memref_slice %arg7[%dma_start3A, %dma_start3A_4] : memref<80x256xi32, #tpu.memory_space<vmem>> -> memref<1x256xi32, #tpu.memory_space<vmem>>
    %dma_start3A_6 = tpu.memref_squeeze %dma_start3A_5 : memref<1x256xi32, #tpu.memory_space<vmem>> -> memref<256xi32, #tpu.memory_space<vmem>>
    %dma_start3A_7 = arith.constant 0 : i32
    %dma_start3A_8 = arith.constant 0 : i32
    %dma_start3A_9 = tpu.memref_slice %arg4[%arg0, %dma_start3A_7, %dma_start3A_8] : memref<2x10240x64xf32, #tpu.memory_space<hbm>> -> memref<1x10240x64xf32, #tpu.memory_space<hbm>>
    %dma_start3A_10 = tpu.memref_squeeze %dma_start3A_9 : memref<1x10240x64xf32, #tpu.memory_space<hbm>> -> memref<10240x64xf32, #tpu.memory_space<hbm>>
    %dma_start3A_11 = arith.constant 0 : i32
    %dma_start3A_12 = arith.constant 0 : i32
    %dma_start3A_13 = tpu.memref_slice %dma_start3A_10[%dma_start3A_11, %dma_start3A_12] : memref<10240x64xf32, #tpu.memory_space<hbm>> -> memref<10240x64xf32, #tpu.memory_space<hbm>>
    tpu.enqueue_indirect_dma source(%dma_start3A_13 : memref<10240x64xf32, #tpu.memory_space<hbm>>) target(%arg9 : memref<256x64xf32, #tpu.memory_space<vmem>>) offsets(%dma_start3A_6 : memref<256xi32, #tpu.memory_space<vmem>>) semaphore(%arg13 : memref<!tpu.dma_semaphore, #tpu.memory_space<semaphore_mem>>)
    %scan3A_14 = arith.constant 0 : i32
    %scan3A_15 = arith.constant 39 : i32
    %scan3A_16 = arith.addi %scan3A_14, %scan3A_15 : i32
    %scan3A_17 = arith.constant 1 : i32
    scf.for %scan3A_58 = %scan3A_14 to %scan3A_16 step %scan3A_17  : i32 {
      %mul3A = arith.constant 2 : i32
      %mul3A_59 = arith.muli %scan3A_58, %mul3A : i32
      %add3A = arith.constant 0 : i32
      %add3A_60 = arith.addi %add3A, %mul3A_59 : i32
      %add3A_61 = arith.constant 1 : i32
      %add3A_62 = arith.addi %add3A_60, %add3A_61 : i32
      %dma_start3A_63 = arith.constant 0 : i32
      %dma_start3A_64 = tpu.memref_slice %arg7[%add3A_62, %dma_start3A_63] : memref<80x256xi32, #tpu.memory_space<vmem>> -> memref<1x256xi32, #tpu.memory_space<vmem>>
      %dma_start3A_65 = tpu.memref_squeeze %dma_start3A_64 : memref<1x256xi32, #tpu.memory_space<vmem>> -> memref<256xi32, #tpu.memory_space<vmem>>
      %dma_start3A_66 = arith.constant 0 : i32
      %dma_start3A_67 = arith.constant 0 : i32
      %dma_start3A_68 = tpu.memref_slice %arg4[%arg0, %dma_start3A_66, %dma_start3A_67] : memref<2x10240x64xf32, #tpu.memory_space<hbm>> -> memref<1x10240x64xf32, #tpu.memory_space<hbm>>
      %dma_start3A_69 = tpu.memref_squeeze %dma_start3A_68 : memref<1x10240x64xf32, #tpu.memory_space<hbm>> -> memref<10240x64xf32, #tpu.memory_space<hbm>>
      %dma_start3A_70 = arith.constant 0 : i32
      %dma_start3A_71 = arith.constant 0 : i32
      %dma_start3A_72 = tpu.memref_slice %dma_start3A_69[%dma_start3A_70, %dma_start3A_71] : memref<10240x64xf32, #tpu.memory_space<hbm>> -> memref<10240x64xf32, #tpu.memory_space<hbm>>
      tpu.enqueue_indirect_dma source(%dma_start3A_72 : memref<10240x64xf32, #tpu.memory_space<hbm>>) target(%arg10 : memref<256x64xf32, #tpu.memory_space<vmem>>) offsets(%dma_start3A_65 : memref<256xi32, #tpu.memory_space<vmem>>) semaphore(%arg14 : memref<!tpu.dma_semaphore, #tpu.memory_space<semaphore_mem>>)
      %dma_wait3A_73 = arith.constant 0 : i32
      %dma_wait3A_74 = tpu.memref_slice %arg7[%add3A_60, %dma_wait3A_73] : memref<80x256xi32, #tpu.memory_space<vmem>> -> memref<1x256xi32, #tpu.memory_space<vmem>>
      %dma_wait3A_75 = tpu.memref_squeeze %dma_wait3A_74 : memref<1x256xi32, #tpu.memory_space<vmem>> -> memref<256xi32, #tpu.memory_space<vmem>>
      %dma_wait3A_76 = arith.constant 0 : i32
      %dma_wait3A_77 = arith.constant 0 : i32
      %dma_wait3A_78 = tpu.memref_slice %arg4[%arg0, %dma_wait3A_76, %dma_wait3A_77] : memref<2x10240x64xf32, #tpu.memory_space<hbm>> -> memref<1x10240x64xf32, #tpu.memory_space<hbm>>
      %dma_wait3A_79 = tpu.memref_squeeze %dma_wait3A_78 : memref<1x10240x64xf32, #tpu.memory_space<hbm>> -> memref<10240x64xf32, #tpu.memory_space<hbm>>
      %dma_wait3A_80 = arith.constant 0 : i32
      %dma_wait3A_81 = arith.constant 0 : i32
      %dma_wait3A_82 = tpu.memref_slice %dma_wait3A_79[%dma_wait3A_80, %dma_wait3A_81] : memref<10240x64xf32, #tpu.memory_space<hbm>> -> memref<10240x64xf32, #tpu.memory_space<hbm>>
      tpu.wait_indirect_dma semaphore(%arg13 : memref<!tpu.dma_semaphore, #tpu.memory_space<semaphore_mem>>) src(%dma_wait3A_82 : memref<10240x64xf32, #tpu.memory_space<hbm>>) dst(%arg9 : memref<256x64xf32, #tpu.memory_space<vmem>>)
      "tpu.region"() ({
        %run_scoped3A_109 = tpu.sem_alloc : memref<!tpu.dma_semaphore, #tpu.memory_space<semaphore_mem>>
        %dma_start3A_110 = arith.constant 0 : i32
        %dma_start3A_111 = tpu.memref_slice %arg8[%add3A_60, %dma_start3A_110] : memref<80x256xi32, #tpu.memory_space<vmem>> -> memref<1x256xi32, #tpu.memory_space<vmem>>
        %dma_start3A_112 = tpu.memref_squeeze %dma_start3A_111 : memref<1x256xi32, #tpu.memory_space<vmem>> -> memref<256xi32, #tpu.memory_space<vmem>>
        %dma_start3A_113 = arith.constant 0 : i32
        %dma_start3A_114 = arith.constant 0 : i32
        %dma_start3A_115 = tpu.memref_slice %arg12[%dma_start3A_113, %dma_start3A_114] : memref<10240x64xf32, #tpu.memory_space<vmem_shared>> -> memref<10240x64xf32, #tpu.memory_space<vmem_shared>>
        tpu.enqueue_indirect_dma source(%arg9 : memref<256x64xf32, #tpu.memory_space<vmem>>) target(%dma_start3A_115 : memref<10240x64xf32, #tpu.memory_space<vmem_shared>>) offsets(%dma_start3A_112 : memref<256xi32, #tpu.memory_space<vmem>>) semaphore(%run_scoped3A_109 : memref<!tpu.dma_semaphore, #tpu.memory_space<semaphore_mem>>) {add = true}
        %dma_wait3A_116 = arith.constant 0 : i32
        %dma_wait3A_117 = tpu.memref_slice %arg8[%add3A_60, %dma_wait3A_116] : memref<80x256xi32, #tpu.memory_space<vmem>> -> memref<1x256xi32, #tpu.memory_space<vmem>>
        %dma_wait3A_118 = tpu.memref_squeeze %dma_wait3A_117 : memref<1x256xi32, #tpu.memory_space<vmem>> -> memref<256xi32, #tpu.memory_space<vmem>>
        %dma_wait3A_119 = arith.constant 0 : i32
        %dma_wait3A_120 = arith.constant 0 : i32
        %dma_wait3A_121 = tpu.memref_slice %arg12[%dma_wait3A_119, %dma_wait3A_120] : memref<10240x64xf32, #tpu.memory_space<vmem_shared>> -> memref<10240x64xf32, #tpu.memory_space<vmem_shared>>
        tpu.wait_indirect_dma semaphore(%run_scoped3A_109 : memref<!tpu.dma_semaphore, #tpu.memory_space<semaphore_mem>>) src(%arg9 : memref<256x64xf32, #tpu.memory_space<vmem>>) dst(%dma_wait3A_121 : memref<10240x64xf32, #tpu.memory_space<vmem_shared>>)
        tpu.yield
      }) : () -> ()
      %add3A_83 = arith.constant 2 : i32
      %add3A_84 = arith.addi %add3A_60, %add3A_83 : i32
      %dma_start3A_85 = arith.constant 0 : i32
      %dma_start3A_86 = tpu.memref_slice %arg7[%add3A_84, %dma_start3A_85] : memref<80x256xi32, #tpu.memory_space<vmem>> -> memref<1x256xi32, #tpu.memory_space<vmem>>
      %dma_start3A_87 = tpu.memref_squeeze %dma_start3A_86 : memref<1x256xi32, #tpu.memory_space<vmem>> -> memref<256xi32, #tpu.memory_space<vmem>>
      %dma_start3A_88 = arith.constant 0 : i32
      %dma_start3A_89 = arith.constant 0 : i32
      %dma_start3A_90 = tpu.memref_slice %arg4[%arg0, %dma_start3A_88, %dma_start3A_89] : memref<2x10240x64xf32, #tpu.memory_space<hbm>> -> memref<1x10240x64xf32, #tpu.memory_space<hbm>>
      %dma_start3A_91 = tpu.memref_squeeze %dma_start3A_90 : memref<1x10240x64xf32, #tpu.memory_space<hbm>> -> memref<10240x64xf32, #tpu.memory_space<hbm>>
      %dma_start3A_92 = arith.constant 0 : i32
      %dma_start3A_93 = arith.constant 0 : i32
      %dma_start3A_94 = tpu.memref_slice %dma_start3A_91[%dma_start3A_92, %dma_start3A_93] : memref<10240x64xf32, #tpu.memory_space<hbm>> -> memref<10240x64xf32, #tpu.memory_space<hbm>>
      tpu.enqueue_indirect_dma source(%dma_start3A_94 : memref<10240x64xf32, #tpu.memory_space<hbm>>) target(%arg9 : memref<256x64xf32, #tpu.memory_space<vmem>>) offsets(%dma_start3A_87 : memref<256xi32, #tpu.memory_space<vmem>>) semaphore(%arg13 : memref<!tpu.dma_semaphore, #tpu.memory_space<semaphore_mem>>)
      %add3A_95 = arith.constant 1 : i32
      %add3A_96 = arith.addi %add3A_60, %add3A_95 : i32
      %dma_wait3A_97 = arith.constant 0 : i32
      %dma_wait3A_98 = tpu.memref_slice %arg7[%add3A_96, %dma_wait3A_97] : memref<80x256xi32, #tpu.memory_space<vmem>> -> memref<1x256xi32, #tpu.memory_space<vmem>>
      %dma_wait3A_99 = tpu.memref_squeeze %dma_wait3A_98 : memref<1x256xi32, #tpu.memory_space<vmem>> -> memref<256xi32, #tpu.memory_space<vmem>>
      %dma_wait3A_100 = arith.constant 0 : i32
      %dma_wait3A_101 = arith.constant 0 : i32
      %dma_wait3A_102 = tpu.memref_slice %arg4[%arg0, %dma_wait3A_100, %dma_wait3A_101] : memref<2x10240x64xf32, #tpu.memory_space<hbm>> -> memref<1x10240x64xf32, #tpu.memory_space<hbm>>
      %dma_wait3A_103 = tpu.memref_squeeze %dma_wait3A_102 : memref<1x10240x64xf32, #tpu.memory_space<hbm>> -> memref<10240x64xf32, #tpu.memory_space<hbm>>
      %dma_wait3A_104 = arith.constant 0 : i32
      %dma_wait3A_105 = arith.constant 0 : i32
      %dma_wait3A_106 = tpu.memref_slice %dma_wait3A_103[%dma_wait3A_104, %dma_wait3A_105] : memref<10240x64xf32, #tpu.memory_space<hbm>> -> memref<10240x64xf32, #tpu.memory_space<hbm>>
      tpu.wait_indirect_dma semaphore(%arg14 : memref<!tpu.dma_semaphore, #tpu.memory_space<semaphore_mem>>) src(%dma_wait3A_106 : memref<10240x64xf32, #tpu.memory_space<hbm>>) dst(%arg10 : memref<256x64xf32, #tpu.memory_space<vmem>>)
      %add3A_107 = arith.constant 1 : i32
      %add3A_108 = arith.addi %add3A_60, %add3A_107 : i32
      "tpu.region"() ({
        %run_scoped3A_109 = tpu.sem_alloc : memref<!tpu.dma_semaphore, #tpu.memory_space<semaphore_mem>>
        %dma_start3A_110 = arith.constant 0 : i32
        %dma_start3A_111 = tpu.memref_slice %arg8[%add3A_108, %dma_start3A_110] : memref<80x256xi32, #tpu.memory_space<vmem>> -> memref<1x256xi32, #tpu.memory_space<vmem>>
        %dma_start3A_112 = tpu.memref_squeeze %dma_start3A_111 : memref<1x256xi32, #tpu.memory_space<vmem>> -> memref<256xi32, #tpu.memory_space<vmem>>
        %dma_start3A_113 = arith.constant 0 : i32
        %dma_start3A_114 = arith.constant 0 : i32
        %dma_start3A_115 = tpu.memref_slice %arg12[%dma_start3A_113, %dma_start3A_114] : memref<10240x64xf32, #tpu.memory_space<vmem_shared>> -> memref<10240x64xf32, #tpu.memory_space<vmem_shared>>
        tpu.enqueue_indirect_dma source(%arg10 : memref<256x64xf32, #tpu.memory_space<vmem>>) target(%dma_start3A_115 : memref<10240x64xf32, #tpu.memory_space<vmem_shared>>) offsets(%dma_start3A_112 : memref<256xi32, #tpu.memory_space<vmem>>) semaphore(%run_scoped3A_109 : memref<!tpu.dma_semaphore, #tpu.memory_space<semaphore_mem>>) {add = true}
        %dma_wait3A_116 = arith.constant 0 : i32
        %dma_wait3A_117 = tpu.memref_slice %arg8[%add3A_108, %dma_wait3A_116] : memref<80x256xi32, #tpu.memory_space<vmem>> -> memref<1x256xi32, #tpu.memory_space<vmem>>
        %dma_wait3A_118 = tpu.memref_squeeze %dma_wait3A_117 : memref<1x256xi32, #tpu.memory_space<vmem>> -> memref<256xi32, #tpu.memory_space<vmem>>
        %dma_wait3A_119 = arith.constant 0 : i32
        %dma_wait3A_120 = arith.constant 0 : i32
        %dma_wait3A_121 = tpu.memref_slice %arg12[%dma_wait3A_119, %dma_wait3A_120] : memref<10240x64xf32, #tpu.memory_space<vmem_shared>> -> memref<10240x64xf32, #tpu.memory_space<vmem_shared>>
        tpu.wait_indirect_dma semaphore(%run_scoped3A_109 : memref<!tpu.dma_semaphore, #tpu.memory_space<semaphore_mem>>) src(%arg10 : memref<256x64xf32, #tpu.memory_space<vmem>>) dst(%dma_wait3A_121 : memref<10240x64xf32, #tpu.memory_space<vmem_shared>>)
        tpu.yield
      }) : () -> ()
    }
    %scan3A_18 = arith.constant 39 : i32
    %dma_start3A_19 = arith.constant 79 : i32
    %dma_start3A_20 = arith.constant 0 : i32
    %dma_start3A_21 = tpu.memref_slice %arg7[%dma_start3A_19, %dma_start3A_20] : memref<80x256xi32, #tpu.memory_space<vmem>> -> memref<1x256xi32, #tpu.memory_space<vmem>>
    %dma_start3A_22 = tpu.memref_squeeze %dma_start3A_21 : memref<1x256xi32, #tpu.memory_space<vmem>> -> memref<256xi32, #tpu.memory_space<vmem>>
    %dma_start3A_23 = arith.constant 0 : i32
    %dma_start3A_24 = arith.constant 0 : i32
    %dma_start3A_25 = tpu.memref_slice %arg4[%arg0, %dma_start3A_23, %dma_start3A_24] : memref<2x10240x64xf32, #tpu.memory_space<hbm>> -> memref<1x10240x64xf32, #tpu.memory_space<hbm>>
    %dma_start3A_26 = tpu.memref_squeeze %dma_start3A_25 : memref<1x10240x64xf32, #tpu.memory_space<hbm>> -> memref<10240x64xf32, #tpu.memory_space<hbm>>
    %dma_start3A_27 = arith.constant 0 : i32
    %dma_start3A_28 = arith.constant 0 : i32
    %dma_start3A_29 = tpu.memref_slice %dma_start3A_26[%dma_start3A_27, %dma_start3A_28] : memref<10240x64xf32, #tpu.memory_space<hbm>> -> memref<10240x64xf32, #tpu.memory_space<hbm>>
    tpu.enqueue_indirect_dma source(%dma_start3A_29 : memref<10240x64xf32, #tpu.memory_space<hbm>>) target(%arg10 : memref<256x64xf32, #tpu.memory_space<vmem>>) offsets(%dma_start3A_22 : memref<256xi32, #tpu.memory_space<vmem>>) semaphore(%arg14 : memref<!tpu.dma_semaphore, #tpu.memory_space<semaphore_mem>>)
    %dma_wait3A = arith.constant 78 : i32
    %dma_wait3A_30 = arith.constant 0 : i32
    %dma_wait3A_31 = tpu.memref_slice %arg7[%dma_wait3A, %dma_wait3A_30] : memref<80x256xi32, #tpu.memory_space<vmem>> -> memref<1x256xi32, #tpu.memory_space<vmem>>
    %dma_wait3A_32 = tpu.memref_squeeze %dma_wait3A_31 : memref<1x256xi32, #tpu.memory_space<vmem>> -> memref<256xi32, #tpu.memory_space<vmem>>
    %dma_wait3A_33 = arith.constant 0 : i32
    %dma_wait3A_34 = arith.constant 0 : i32
    %dma_wait3A_35 = tpu.memref_slice %arg4[%arg0, %dma_wait3A_33, %dma_wait3A_34] : memref<2x10240x64xf32, #tpu.memory_space<hbm>> -> memref<1x10240x64xf32, #tpu.memory_space<hbm>>
    %dma_wait3A_36 = tpu.memref_squeeze %dma_wait3A_35 : memref<1x10240x64xf32, #tpu.memory_space<hbm>> -> memref<10240x64xf32, #tpu.memory_space<hbm>>
    %dma_wait3A_37 = arith.constant 0 : i32
    %dma_wait3A_38 = arith.constant 0 : i32
    %dma_wait3A_39 = tpu.memref_slice %dma_wait3A_36[%dma_wait3A_37, %dma_wait3A_38] : memref<10240x64xf32, #tpu.memory_space<hbm>> -> memref<10240x64xf32, #tpu.memory_space<hbm>>
    tpu.wait_indirect_dma semaphore(%arg13 : memref<!tpu.dma_semaphore, #tpu.memory_space<semaphore_mem>>) src(%dma_wait3A_39 : memref<10240x64xf32, #tpu.memory_space<hbm>>) dst(%arg9 : memref<256x64xf32, #tpu.memory_space<vmem>>)
    %run_scoped3A = arith.constant 78 : i32
    "tpu.region"() ({
      %run_scoped3A_58 = tpu.sem_alloc : memref<!tpu.dma_semaphore, #tpu.memory_space<semaphore_mem>>
      %dma_start3A_59 = arith.constant 0 : i32
      %dma_start3A_60 = tpu.memref_slice %arg8[%run_scoped3A, %dma_start3A_59] : memref<80x256xi32, #tpu.memory_space<vmem>> -> memref<1x256xi32, #tpu.memory_space<vmem>>
      %dma_start3A_61 = tpu.memref_squeeze %dma_start3A_60 : memref<1x256xi32, #tpu.memory_space<vmem>> -> memref<256xi32, #tpu.memory_space<vmem>>
      %dma_start3A_62 = arith.constant 0 : i32
      %dma_start3A_63 = arith.constant 0 : i32
      %dma_start3A_64 = tpu.memref_slice %arg12[%dma_start3A_62, %dma_start3A_63] : memref<10240x64xf32, #tpu.memory_space<vmem_shared>> -> memref<10240x64xf32, #tpu.memory_space<vmem_shared>>
      tpu.enqueue_indirect_dma source(%arg9 : memref<256x64xf32, #tpu.memory_space<vmem>>) target(%dma_start3A_64 : memref<10240x64xf32, #tpu.memory_space<vmem_shared>>) offsets(%dma_start3A_61 : memref<256xi32, #tpu.memory_space<vmem>>) semaphore(%run_scoped3A_58 : memref<!tpu.dma_semaphore, #tpu.memory_space<semaphore_mem>>) {add = true}
      %dma_wait3A_65 = arith.constant 0 : i32
      %dma_wait3A_66 = tpu.memref_slice %arg8[%run_scoped3A, %dma_wait3A_65] : memref<80x256xi32, #tpu.memory_space<vmem>> -> memref<1x256xi32, #tpu.memory_space<vmem>>
      %dma_wait3A_67 = tpu.memref_squeeze %dma_wait3A_66 : memref<1x256xi32, #tpu.memory_space<vmem>> -> memref<256xi32, #tpu.memory_space<vmem>>
      %dma_wait3A_68 = arith.constant 0 : i32
      %dma_wait3A_69 = arith.constant 0 : i32
      %dma_wait3A_70 = tpu.memref_slice %arg12[%dma_wait3A_68, %dma_wait3A_69] : memref<10240x64xf32, #tpu.memory_space<vmem_shared>> -> memref<10240x64xf32, #tpu.memory_space<vmem_shared>>
      tpu.wait_indirect_dma semaphore(%run_scoped3A_58 : memref<!tpu.dma_semaphore, #tpu.memory_space<semaphore_mem>>) src(%arg9 : memref<256x64xf32, #tpu.memory_space<vmem>>) dst(%dma_wait3A_70 : memref<10240x64xf32, #tpu.memory_space<vmem_shared>>)
      tpu.yield
    }) : () -> ()
    %dma_wait3A_40 = arith.constant 79 : i32
    %dma_wait3A_41 = arith.constant 0 : i32
    %dma_wait3A_42 = tpu.memref_slice %arg7[%dma_wait3A_40, %dma_wait3A_41] : memref<80x256xi32, #tpu.memory_space<vmem>> -> memref<1x256xi32, #tpu.memory_space<vmem>>
    %dma_wait3A_43 = tpu.memref_squeeze %dma_wait3A_42 : memref<1x256xi32, #tpu.memory_space<vmem>> -> memref<256xi32, #tpu.memory_space<vmem>>
    %dma_wait3A_44 = arith.constant 0 : i32
    %dma_wait3A_45 = arith.constant 0 : i32
    %dma_wait3A_46 = tpu.memref_slice %arg4[%arg0, %dma_wait3A_44, %dma_wait3A_45] : memref<2x10240x64xf32, #tpu.memory_space<hbm>> -> memref<1x10240x64xf32, #tpu.memory_space<hbm>>
    %dma_wait3A_47 = tpu.memref_squeeze %dma_wait3A_46 : memref<1x10240x64xf32, #tpu.memory_space<hbm>> -> memref<10240x64xf32, #tpu.memory_space<hbm>>
    %dma_wait3A_48 = arith.constant 0 : i32
    %dma_wait3A_49 = arith.constant 0 : i32
    %dma_wait3A_50 = tpu.memref_slice %dma_wait3A_47[%dma_wait3A_48, %dma_wait3A_49] : memref<10240x64xf32, #tpu.memory_space<hbm>> -> memref<10240x64xf32, #tpu.memory_space<hbm>>
    tpu.wait_indirect_dma semaphore(%arg14 : memref<!tpu.dma_semaphore, #tpu.memory_space<semaphore_mem>>) src(%dma_wait3A_50 : memref<10240x64xf32, #tpu.memory_space<hbm>>) dst(%arg10 : memref<256x64xf32, #tpu.memory_space<vmem>>)
    %run_scoped3A_51 = arith.constant 79 : i32
    "tpu.region"() ({
      %run_scoped3A_58 = tpu.sem_alloc : memref<!tpu.dma_semaphore, #tpu.memory_space<semaphore_mem>>
      %dma_start3A_59 = arith.constant 0 : i32
      %dma_start3A_60 = tpu.memref_slice %arg8[%run_scoped3A_51, %dma_start3A_59] : memref<80x256xi32, #tpu.memory_space<vmem>> -> memref<1x256xi32, #tpu.memory_space<vmem>>
      %dma_start3A_61 = tpu.memref_squeeze %dma_start3A_60 : memref<1x256xi32, #tpu.memory_space<vmem>> -> memref<256xi32, #tpu.memory_space<vmem>>
      %dma_start3A_62 = arith.constant 0 : i32
      %dma_start3A_63 = arith.constant 0 : i32
      %dma_start3A_64 = tpu.memref_slice %arg12[%dma_start3A_62, %dma_start3A_63] : memref<10240x64xf32, #tpu.memory_space<vmem_shared>> -> memref<10240x64xf32, #tpu.memory_space<vmem_shared>>
      tpu.enqueue_indirect_dma source(%arg10 : memref<256x64xf32, #tpu.memory_space<vmem>>) target(%dma_start3A_64 : memref<10240x64xf32, #tpu.memory_space<vmem_shared>>) offsets(%dma_start3A_61 : memref<256xi32, #tpu.memory_space<vmem>>) semaphore(%run_scoped3A_58 : memref<!tpu.dma_semaphore, #tpu.memory_space<semaphore_mem>>) {add = true}
      %dma_wait3A_65 = arith.constant 0 : i32
      %dma_wait3A_66 = tpu.memref_slice %arg8[%run_scoped3A_51, %dma_wait3A_65] : memref<80x256xi32, #tpu.memory_space<vmem>> -> memref<1x256xi32, #tpu.memory_space<vmem>>
      %dma_wait3A_67 = tpu.memref_squeeze %dma_wait3A_66 : memref<1x256xi32, #tpu.memory_space<vmem>> -> memref<256xi32, #tpu.memory_space<vmem>>
      %dma_wait3A_68 = arith.constant 0 : i32
      %dma_wait3A_69 = arith.constant 0 : i32
      %dma_wait3A_70 = tpu.memref_slice %arg12[%dma_wait3A_68, %dma_wait3A_69] : memref<10240x64xf32, #tpu.memory_space<vmem_shared>> -> memref<10240x64xf32, #tpu.memory_space<vmem_shared>>
      tpu.wait_indirect_dma semaphore(%run_scoped3A_58 : memref<!tpu.dma_semaphore, #tpu.memory_space<semaphore_mem>>) src(%arg10 : memref<256x64xf32, #tpu.memory_space<vmem>>) dst(%dma_wait3A_70 : memref<10240x64xf32, #tpu.memory_space<vmem_shared>>)
      tpu.yield
    }) : () -> ()
    %barrier3A_52 = arith.constant 0 : index
    tpu.barrier barrier_id(%barrier3A_52)
    %scan3A_53 = arith.constant 0 : i32
    %scan3A_54 = arith.constant 4 : i32
    %scan3A_55 = arith.addi %scan3A_53, %scan3A_54 : i32
    %scan3A_56 = arith.constant 1 : i32
    scf.for %scan3A_58 = %scan3A_53 to %scan3A_55 step %scan3A_56  : i32 {
      %mul3A = arith.constant 1 : i32
      %mul3A_59 = arith.muli %scan3A_58, %mul3A : i32
      %add3A = arith.constant 0 : i32
      %add3A_60 = arith.addi %add3A, %mul3A_59 : i32
      %mul3A_61 = arith.constant 640 : i32
      %mul3A_62 = arith.muli %arg1, %mul3A_61 : i32
      %mul3A_63 = arith.constant 160 : i32
      %mul3A_64 = arith.muli %add3A_60, %mul3A_63 : i32
      %add3A_65 = arith.addi %mul3A_62, %mul3A_64 : i32
      "tpu.region"() ({
        %run_scoped3A_66 = tpu.sem_alloc : memref<!tpu.dma_semaphore, #tpu.memory_space<semaphore_mem>>
        %dma_start3A_67 = arith.constant 0 : i32
        %dma_start3A_68 = tpu.memref_slice %arg12[%add3A_65, %dma_start3A_67] : memref<10240x64xf32, #tpu.memory_space<vmem_shared>> -> memref<160x64xf32, #tpu.memory_space<vmem_shared>>
        %dma_start3A_69 = arith.constant 0 : i32
        %dma_start3A_70 = tpu.memref_slice %arg12[%add3A_65, %dma_start3A_69] : memref<10240x64xf32, #tpu.memory_space<vmem_shared>> -> memref<160x64xf32, #tpu.memory_space<vmem_shared>>
        tpu.enqueue_dma source(%dma_start3A_70 : memref<160x64xf32, #tpu.memory_space<vmem_shared>>) target(%arg11 : memref<160x64xf32, #tpu.memory_space<vmem>>) target_semaphore(%run_scoped3A_66 : memref<!tpu.dma_semaphore, #tpu.memory_space<semaphore_mem>>)
        %dma_wait3A_71 = arith.constant 0 : i32
        %dma_wait3A_72 = tpu.memref_slice %arg12[%add3A_65, %dma_wait3A_71] : memref<10240x64xf32, #tpu.memory_space<vmem_shared>> -> memref<160x64xf32, #tpu.memory_space<vmem_shared>>
        %dma_wait3A_73 = arith.constant 0 : i32
        %dma_wait3A_74 = tpu.memref_slice %arg12[%add3A_65, %dma_wait3A_73] : memref<10240x64xf32, #tpu.memory_space<vmem_shared>> -> memref<160x64xf32, #tpu.memory_space<vmem_shared>>
        tpu.wait_dma2 semaphore(%run_scoped3A_66 : memref<!tpu.dma_semaphore, #tpu.memory_space<semaphore_mem>>) src(%dma_wait3A_74 : memref<160x64xf32, #tpu.memory_space<vmem_shared>>) dst(%arg11 : memref<160x64xf32, #tpu.memory_space<vmem>>)
        tpu.yield
      }) : () -> ()
      "tpu.region"() ({
        %run_scoped3A_66 = tpu.sem_alloc : memref<!tpu.dma_semaphore, #tpu.memory_space<semaphore_mem>>
        %dma_start3A_67 = arith.constant 0 : i32
        %dma_start3A_68 = tpu.memref_slice %arg6[%arg0, %add3A_65, %dma_start3A_67] : memref<2x10240x64xf32, #tpu.memory_space<hbm>> -> memref<1x160x64xf32, #tpu.memory_space<hbm>>
        %dma_start3A_69 = tpu.memref_squeeze %dma_start3A_68 : memref<1x160x64xf32, #tpu.memory_space<hbm>> -> memref<160x64xf32, #tpu.memory_space<hbm>>
        %dma_start3A_70 = arith.constant 0 : i32
        %dma_start3A_71 = tpu.memref_slice %arg6[%arg0, %add3A_65, %dma_start3A_70] : memref<2x10240x64xf32, #tpu.memory_space<hbm>> -> memref<1x160x64xf32, #tpu.memory_space<hbm>>
        %dma_start3A_72 = tpu.memref_squeeze %dma_start3A_71 : memref<1x160x64xf32, #tpu.memory_space<hbm>> -> memref<160x64xf32, #tpu.memory_space<hbm>>
        tpu.enqueue_dma source(%arg11 : memref<160x64xf32, #tpu.memory_space<vmem>>) target(%dma_start3A_72 : memref<160x64xf32, #tpu.memory_space<hbm>>) target_semaphore(%run_scoped3A_66 : memref<!tpu.dma_semaphore, #tpu.memory_space<semaphore_mem>>)
        %dma_wait3A_73 = arith.constant 0 : i32
        %dma_wait3A_74 = tpu.memref_slice %arg6[%arg0, %add3A_65, %dma_wait3A_73] : memref<2x10240x64xf32, #tpu.memory_space<hbm>> -> memref<1x160x64xf32, #tpu.memory_space<hbm>>
        %dma_wait3A_75 = tpu.memref_squeeze %dma_wait3A_74 : memref<1x160x64xf32, #tpu.memory_space<hbm>> -> memref<160x64xf32, #tpu.memory_space<hbm>>
        %dma_wait3A_76 = arith.constant 0 : i32
        %dma_wait3A_77 = tpu.memref_slice %arg6[%arg0, %add3A_65, %dma_wait3A_76] : memref<2x10240x64xf32, #tpu.memory_space<hbm>> -> memref<1x160x64xf32, #tpu.memory_space<hbm>>
        %dma_wait3A_78 = tpu.memref_squeeze %dma_wait3A_77 : memref<1x160x64xf32, #tpu.memory_space<hbm>> -> memref<160x64xf32, #tpu.memory_space<hbm>>
        tpu.wait_dma2 semaphore(%run_scoped3A_66 : memref<!tpu.dma_semaphore, #tpu.memory_space<semaphore_mem>>) src(%arg11 : memref<160x64xf32, #tpu.memory_space<vmem>>) dst(%dma_wait3A_78 : memref<160x64xf32, #tpu.memory_space<hbm>>)
        tpu.yield
      }) : () -> ()
    }
    %scan3A_57 = arith.constant 4 : i32
    return
  }
}

#map = affine_map<(d0, d1) -> (0, 0, 0)>
#map1 = affine_map<(d0, d1) -> (0, 0)>
module attributes {stable_mosaic.version = 14 : i64} {
  func.func @prop(%arg0: i32, %arg1: i32, %arg2: memref<32x40x256xi32, #tpu.memory_space<hbm>>, %arg3: memref<32x40x256xi32, #tpu.memory_space<hbm>>, %arg4: memref<10240x16xf32, #tpu.memory_space<hbm>>, %arg5: memref<160x16xf32, #tpu.memory_space<hbm>>, %arg6: memref<2x10240x16xf32, #tpu.memory_space<hbm>>, %arg7: memref<40x256xi32, #tpu.memory_space<vmem>>, %arg8: memref<40x256xi32, #tpu.memory_space<vmem>>, %arg9: memref<256x16xf32, #tpu.memory_space<vmem>>, %arg10: memref<256x16xf32, #tpu.memory_space<vmem>>, %arg11: memref<160x16xf32, #tpu.memory_space<vmem>>, %arg12: memref<10240x16xf32, #tpu.memory_space<vmem_shared>>, %arg13: memref<!tpu.dma_semaphore, #tpu.memory_space<semaphore_mem>>, %arg14: memref<!tpu.dma_semaphore, #tpu.memory_space<semaphore_mem>>) attributes {dimension_semantics = [#tpu.dimension_semantics<core_parallel>, #tpu.dimension_semantics<subcore_parallel>], iteration_bounds = array<i64: 2, 16>, scalar_prefetch = 0 : i64, scratch_operands = 8 : i64, tpu.core_type = #tpu.core_type<sc_vector_subcore>, window_params = [{transform_indices = #map}, {transform_indices = #map}, {transform_indices = #map1}, {transform_indices = #map1}, {transform_indices = #map}]} {
    %mul3A = arith.constant 16 : i32
    %mul3A_0 = arith.muli %arg0, %mul3A : i32
    %add3A = arith.addi %mul3A_0, %arg1 : i32
    "tpu.region"() ({
      %run_scoped3A_43 = tpu.sem_alloc : memref<!tpu.dma_semaphore, #tpu.memory_space<semaphore_mem>>
      %dma_start3A_44 = arith.constant 0 : i32
      %dma_start3A_45 = arith.constant 0 : i32
      %dma_start3A_46 = tpu.memref_slice %arg2[%add3A, %dma_start3A_44, %dma_start3A_45] : memref<32x40x256xi32, #tpu.memory_space<hbm>> -> memref<1x40x256xi32, #tpu.memory_space<hbm>>
      %dma_start3A_47 = tpu.memref_squeeze %dma_start3A_46 : memref<1x40x256xi32, #tpu.memory_space<hbm>> -> memref<40x256xi32, #tpu.memory_space<hbm>>
      %dma_start3A_48 = arith.constant 0 : i32
      %dma_start3A_49 = arith.constant 0 : i32
      %dma_start3A_50 = tpu.memref_slice %arg2[%add3A, %dma_start3A_48, %dma_start3A_49] : memref<32x40x256xi32, #tpu.memory_space<hbm>> -> memref<1x40x256xi32, #tpu.memory_space<hbm>>
      %dma_start3A_51 = tpu.memref_squeeze %dma_start3A_50 : memref<1x40x256xi32, #tpu.memory_space<hbm>> -> memref<40x256xi32, #tpu.memory_space<hbm>>
      tpu.enqueue_dma source(%dma_start3A_51 : memref<40x256xi32, #tpu.memory_space<hbm>>) target(%arg7 : memref<40x256xi32, #tpu.memory_space<vmem>>) target_semaphore(%run_scoped3A_43 : memref<!tpu.dma_semaphore, #tpu.memory_space<semaphore_mem>>)
      %dma_wait3A_52 = arith.constant 0 : i32
      %dma_wait3A_53 = arith.constant 0 : i32
      %dma_wait3A_54 = tpu.memref_slice %arg2[%add3A, %dma_wait3A_52, %dma_wait3A_53] : memref<32x40x256xi32, #tpu.memory_space<hbm>> -> memref<1x40x256xi32, #tpu.memory_space<hbm>>
      %dma_wait3A_55 = tpu.memref_squeeze %dma_wait3A_54 : memref<1x40x256xi32, #tpu.memory_space<hbm>> -> memref<40x256xi32, #tpu.memory_space<hbm>>
      %dma_wait3A_56 = arith.constant 0 : i32
      %dma_wait3A_57 = arith.constant 0 : i32
      %dma_wait3A_58 = tpu.memref_slice %arg2[%add3A, %dma_wait3A_56, %dma_wait3A_57] : memref<32x40x256xi32, #tpu.memory_space<hbm>> -> memref<1x40x256xi32, #tpu.memory_space<hbm>>
      %dma_wait3A_59 = tpu.memref_squeeze %dma_wait3A_58 : memref<1x40x256xi32, #tpu.memory_space<hbm>> -> memref<40x256xi32, #tpu.memory_space<hbm>>
      tpu.wait_dma2 semaphore(%run_scoped3A_43 : memref<!tpu.dma_semaphore, #tpu.memory_space<semaphore_mem>>) src(%dma_wait3A_59 : memref<40x256xi32, #tpu.memory_space<hbm>>) dst(%arg7 : memref<40x256xi32, #tpu.memory_space<vmem>>)
      tpu.yield
    }) : () -> ()
    "tpu.region"() ({
      %run_scoped3A_43 = tpu.sem_alloc : memref<!tpu.dma_semaphore, #tpu.memory_space<semaphore_mem>>
      %dma_start3A_44 = arith.constant 0 : i32
      %dma_start3A_45 = arith.constant 0 : i32
      %dma_start3A_46 = tpu.memref_slice %arg3[%add3A, %dma_start3A_44, %dma_start3A_45] : memref<32x40x256xi32, #tpu.memory_space<hbm>> -> memref<1x40x256xi32, #tpu.memory_space<hbm>>
      %dma_start3A_47 = tpu.memref_squeeze %dma_start3A_46 : memref<1x40x256xi32, #tpu.memory_space<hbm>> -> memref<40x256xi32, #tpu.memory_space<hbm>>
      %dma_start3A_48 = arith.constant 0 : i32
      %dma_start3A_49 = arith.constant 0 : i32
      %dma_start3A_50 = tpu.memref_slice %arg3[%add3A, %dma_start3A_48, %dma_start3A_49] : memref<32x40x256xi32, #tpu.memory_space<hbm>> -> memref<1x40x256xi32, #tpu.memory_space<hbm>>
      %dma_start3A_51 = tpu.memref_squeeze %dma_start3A_50 : memref<1x40x256xi32, #tpu.memory_space<hbm>> -> memref<40x256xi32, #tpu.memory_space<hbm>>
      tpu.enqueue_dma source(%dma_start3A_51 : memref<40x256xi32, #tpu.memory_space<hbm>>) target(%arg8 : memref<40x256xi32, #tpu.memory_space<vmem>>) target_semaphore(%run_scoped3A_43 : memref<!tpu.dma_semaphore, #tpu.memory_space<semaphore_mem>>)
      %dma_wait3A_52 = arith.constant 0 : i32
      %dma_wait3A_53 = arith.constant 0 : i32
      %dma_wait3A_54 = tpu.memref_slice %arg3[%add3A, %dma_wait3A_52, %dma_wait3A_53] : memref<32x40x256xi32, #tpu.memory_space<hbm>> -> memref<1x40x256xi32, #tpu.memory_space<hbm>>
      %dma_wait3A_55 = tpu.memref_squeeze %dma_wait3A_54 : memref<1x40x256xi32, #tpu.memory_space<hbm>> -> memref<40x256xi32, #tpu.memory_space<hbm>>
      %dma_wait3A_56 = arith.constant 0 : i32
      %dma_wait3A_57 = arith.constant 0 : i32
      %dma_wait3A_58 = tpu.memref_slice %arg3[%add3A, %dma_wait3A_56, %dma_wait3A_57] : memref<32x40x256xi32, #tpu.memory_space<hbm>> -> memref<1x40x256xi32, #tpu.memory_space<hbm>>
      %dma_wait3A_59 = tpu.memref_squeeze %dma_wait3A_58 : memref<1x40x256xi32, #tpu.memory_space<hbm>> -> memref<40x256xi32, #tpu.memory_space<hbm>>
      tpu.wait_dma2 semaphore(%run_scoped3A_43 : memref<!tpu.dma_semaphore, #tpu.memory_space<semaphore_mem>>) src(%dma_wait3A_59 : memref<40x256xi32, #tpu.memory_space<hbm>>) dst(%arg8 : memref<40x256xi32, #tpu.memory_space<vmem>>)
      tpu.yield
    }) : () -> ()
    "tpu.region"() ({
      %run_scoped3A_43 = tpu.sem_alloc : memref<!tpu.dma_semaphore, #tpu.memory_space<semaphore_mem>>
      tpu.enqueue_dma source(%arg5 : memref<160x16xf32, #tpu.memory_space<hbm>>) target(%arg11 : memref<160x16xf32, #tpu.memory_space<vmem>>) target_semaphore(%run_scoped3A_43 : memref<!tpu.dma_semaphore, #tpu.memory_space<semaphore_mem>>)
      tpu.wait_dma2 semaphore(%run_scoped3A_43 : memref<!tpu.dma_semaphore, #tpu.memory_space<semaphore_mem>>) src(%arg5 : memref<160x16xf32, #tpu.memory_space<hbm>>) dst(%arg11 : memref<160x16xf32, #tpu.memory_space<vmem>>)
      tpu.yield
    }) : () -> ()
    %scan3A = arith.constant 0 : i32
    %scan3A_1 = arith.constant 4 : i32
    %scan3A_2 = arith.addi %scan3A, %scan3A_1 : i32
    %scan3A_3 = arith.constant 1 : i32
    scf.for %scan3A_43 = %scan3A to %scan3A_2 step %scan3A_3  : i32 {
      %mul3A_44 = arith.constant 1 : i32
      %mul3A_45 = arith.muli %scan3A_43, %mul3A_44 : i32
      %add3A_46 = arith.constant 0 : i32
      %add3A_47 = arith.addi %add3A_46, %mul3A_45 : i32
      %mul3A_48 = arith.constant 640 : i32
      %mul3A_49 = arith.muli %arg1, %mul3A_48 : i32
      %mul3A_50 = arith.constant 160 : i32
      %mul3A_51 = arith.muli %add3A_47, %mul3A_50 : i32
      %add3A_52 = arith.addi %mul3A_49, %mul3A_51 : i32
      "tpu.region"() ({
        %run_scoped3A_53 = tpu.sem_alloc : memref<!tpu.dma_semaphore, #tpu.memory_space<semaphore_mem>>
        %dma_start3A_54 = arith.constant 0 : i32
        %dma_start3A_55 = tpu.memref_slice %arg12[%add3A_52, %dma_start3A_54] : memref<10240x16xf32, #tpu.memory_space<vmem_shared>> -> memref<160x16xf32, #tpu.memory_space<vmem_shared>>
        %dma_start3A_56 = arith.constant 0 : i32
        %dma_start3A_57 = tpu.memref_slice %arg12[%add3A_52, %dma_start3A_56] : memref<10240x16xf32, #tpu.memory_space<vmem_shared>> -> memref<160x16xf32, #tpu.memory_space<vmem_shared>>
        tpu.enqueue_dma source(%arg11 : memref<160x16xf32, #tpu.memory_space<vmem>>) target(%dma_start3A_57 : memref<160x16xf32, #tpu.memory_space<vmem_shared>>) target_semaphore(%run_scoped3A_53 : memref<!tpu.dma_semaphore, #tpu.memory_space<semaphore_mem>>)
        %dma_wait3A_58 = arith.constant 0 : i32
        %dma_wait3A_59 = tpu.memref_slice %arg12[%add3A_52, %dma_wait3A_58] : memref<10240x16xf32, #tpu.memory_space<vmem_shared>> -> memref<160x16xf32, #tpu.memory_space<vmem_shared>>
        %dma_wait3A_60 = arith.constant 0 : i32
        %dma_wait3A_61 = tpu.memref_slice %arg12[%add3A_52, %dma_wait3A_60] : memref<10240x16xf32, #tpu.memory_space<vmem_shared>> -> memref<160x16xf32, #tpu.memory_space<vmem_shared>>
        tpu.wait_dma2 semaphore(%run_scoped3A_53 : memref<!tpu.dma_semaphore, #tpu.memory_space<semaphore_mem>>) src(%arg11 : memref<160x16xf32, #tpu.memory_space<vmem>>) dst(%dma_wait3A_61 : memref<160x16xf32, #tpu.memory_space<vmem_shared>>)
        tpu.yield
      }) : () -> ()
    }
    %scan3A_4 = arith.constant 4 : i32
    %barrier3A = arith.constant 0 : index
    tpu.barrier barrier_id(%barrier3A)
    %dma_start3A = arith.constant 0 : i32
    %dma_start3A_5 = arith.constant 0 : i32
    %dma_start3A_6 = tpu.memref_slice %arg7[%dma_start3A, %dma_start3A_5] : memref<40x256xi32, #tpu.memory_space<vmem>> -> memref<1x256xi32, #tpu.memory_space<vmem>>
    %dma_start3A_7 = tpu.memref_squeeze %dma_start3A_6 : memref<1x256xi32, #tpu.memory_space<vmem>> -> memref<256xi32, #tpu.memory_space<vmem>>
    %dma_start3A_8 = arith.constant 0 : i32
    %dma_start3A_9 = arith.constant 0 : i32
    %dma_start3A_10 = tpu.memref_slice %arg4[%dma_start3A_8, %dma_start3A_9] : memref<10240x16xf32, #tpu.memory_space<hbm>> -> memref<10240x16xf32, #tpu.memory_space<hbm>>
    tpu.enqueue_indirect_dma source(%dma_start3A_10 : memref<10240x16xf32, #tpu.memory_space<hbm>>) target(%arg9 : memref<256x16xf32, #tpu.memory_space<vmem>>) offsets(%dma_start3A_7 : memref<256xi32, #tpu.memory_space<vmem>>) semaphore(%arg13 : memref<!tpu.dma_semaphore, #tpu.memory_space<semaphore_mem>>)
    %scan3A_11 = arith.constant 0 : i32
    %scan3A_12 = arith.constant 19 : i32
    %scan3A_13 = arith.addi %scan3A_11, %scan3A_12 : i32
    %scan3A_14 = arith.constant 1 : i32
    scf.for %scan3A_43 = %scan3A_11 to %scan3A_13 step %scan3A_14  : i32 {
      %mul3A_44 = arith.constant 2 : i32
      %mul3A_45 = arith.muli %scan3A_43, %mul3A_44 : i32
      %add3A_46 = arith.constant 0 : i32
      %add3A_47 = arith.addi %add3A_46, %mul3A_45 : i32
      %add3A_48 = arith.constant 1 : i32
      %add3A_49 = arith.addi %add3A_47, %add3A_48 : i32
      %dma_start3A_50 = arith.constant 0 : i32
      %dma_start3A_51 = tpu.memref_slice %arg7[%add3A_49, %dma_start3A_50] : memref<40x256xi32, #tpu.memory_space<vmem>> -> memref<1x256xi32, #tpu.memory_space<vmem>>
      %dma_start3A_52 = tpu.memref_squeeze %dma_start3A_51 : memref<1x256xi32, #tpu.memory_space<vmem>> -> memref<256xi32, #tpu.memory_space<vmem>>
      %dma_start3A_53 = arith.constant 0 : i32
      %dma_start3A_54 = arith.constant 0 : i32
      %dma_start3A_55 = tpu.memref_slice %arg4[%dma_start3A_53, %dma_start3A_54] : memref<10240x16xf32, #tpu.memory_space<hbm>> -> memref<10240x16xf32, #tpu.memory_space<hbm>>
      tpu.enqueue_indirect_dma source(%dma_start3A_55 : memref<10240x16xf32, #tpu.memory_space<hbm>>) target(%arg10 : memref<256x16xf32, #tpu.memory_space<vmem>>) offsets(%dma_start3A_52 : memref<256xi32, #tpu.memory_space<vmem>>) semaphore(%arg14 : memref<!tpu.dma_semaphore, #tpu.memory_space<semaphore_mem>>)
      %dma_wait3A_56 = arith.constant 0 : i32
      %dma_wait3A_57 = tpu.memref_slice %arg7[%add3A_47, %dma_wait3A_56] : memref<40x256xi32, #tpu.memory_space<vmem>> -> memref<1x256xi32, #tpu.memory_space<vmem>>
      %dma_wait3A_58 = tpu.memref_squeeze %dma_wait3A_57 : memref<1x256xi32, #tpu.memory_space<vmem>> -> memref<256xi32, #tpu.memory_space<vmem>>
      %dma_wait3A_59 = arith.constant 0 : i32
      %dma_wait3A_60 = arith.constant 0 : i32
      %dma_wait3A_61 = tpu.memref_slice %arg4[%dma_wait3A_59, %dma_wait3A_60] : memref<10240x16xf32, #tpu.memory_space<hbm>> -> memref<10240x16xf32, #tpu.memory_space<hbm>>
      tpu.wait_indirect_dma semaphore(%arg13 : memref<!tpu.dma_semaphore, #tpu.memory_space<semaphore_mem>>) src(%dma_wait3A_61 : memref<10240x16xf32, #tpu.memory_space<hbm>>) dst(%arg9 : memref<256x16xf32, #tpu.memory_space<vmem>>)
      "tpu.region"() ({
        %run_scoped3A_80 = tpu.sem_alloc : memref<!tpu.dma_semaphore, #tpu.memory_space<semaphore_mem>>
        %dma_start3A_81 = arith.constant 0 : i32
        %dma_start3A_82 = tpu.memref_slice %arg8[%add3A_47, %dma_start3A_81] : memref<40x256xi32, #tpu.memory_space<vmem>> -> memref<1x256xi32, #tpu.memory_space<vmem>>
        %dma_start3A_83 = tpu.memref_squeeze %dma_start3A_82 : memref<1x256xi32, #tpu.memory_space<vmem>> -> memref<256xi32, #tpu.memory_space<vmem>>
        %dma_start3A_84 = arith.constant 0 : i32
        %dma_start3A_85 = arith.constant 0 : i32
        %dma_start3A_86 = tpu.memref_slice %arg12[%dma_start3A_84, %dma_start3A_85] : memref<10240x16xf32, #tpu.memory_space<vmem_shared>> -> memref<10240x16xf32, #tpu.memory_space<vmem_shared>>
        tpu.enqueue_indirect_dma source(%arg9 : memref<256x16xf32, #tpu.memory_space<vmem>>) target(%dma_start3A_86 : memref<10240x16xf32, #tpu.memory_space<vmem_shared>>) offsets(%dma_start3A_83 : memref<256xi32, #tpu.memory_space<vmem>>) semaphore(%run_scoped3A_80 : memref<!tpu.dma_semaphore, #tpu.memory_space<semaphore_mem>>) {add = true}
        %dma_wait3A_87 = arith.constant 0 : i32
        %dma_wait3A_88 = tpu.memref_slice %arg8[%add3A_47, %dma_wait3A_87] : memref<40x256xi32, #tpu.memory_space<vmem>> -> memref<1x256xi32, #tpu.memory_space<vmem>>
        %dma_wait3A_89 = tpu.memref_squeeze %dma_wait3A_88 : memref<1x256xi32, #tpu.memory_space<vmem>> -> memref<256xi32, #tpu.memory_space<vmem>>
        %dma_wait3A_90 = arith.constant 0 : i32
        %dma_wait3A_91 = arith.constant 0 : i32
        %dma_wait3A_92 = tpu.memref_slice %arg12[%dma_wait3A_90, %dma_wait3A_91] : memref<10240x16xf32, #tpu.memory_space<vmem_shared>> -> memref<10240x16xf32, #tpu.memory_space<vmem_shared>>
        tpu.wait_indirect_dma semaphore(%run_scoped3A_80 : memref<!tpu.dma_semaphore, #tpu.memory_space<semaphore_mem>>) src(%arg9 : memref<256x16xf32, #tpu.memory_space<vmem>>) dst(%dma_wait3A_92 : memref<10240x16xf32, #tpu.memory_space<vmem_shared>>)
        tpu.yield
      }) : () -> ()
      %add3A_62 = arith.constant 2 : i32
      %add3A_63 = arith.addi %add3A_47, %add3A_62 : i32
      %dma_start3A_64 = arith.constant 0 : i32
      %dma_start3A_65 = tpu.memref_slice %arg7[%add3A_63, %dma_start3A_64] : memref<40x256xi32, #tpu.memory_space<vmem>> -> memref<1x256xi32, #tpu.memory_space<vmem>>
      %dma_start3A_66 = tpu.memref_squeeze %dma_start3A_65 : memref<1x256xi32, #tpu.memory_space<vmem>> -> memref<256xi32, #tpu.memory_space<vmem>>
      %dma_start3A_67 = arith.constant 0 : i32
      %dma_start3A_68 = arith.constant 0 : i32
      %dma_start3A_69 = tpu.memref_slice %arg4[%dma_start3A_67, %dma_start3A_68] : memref<10240x16xf32, #tpu.memory_space<hbm>> -> memref<10240x16xf32, #tpu.memory_space<hbm>>
      tpu.enqueue_indirect_dma source(%dma_start3A_69 : memref<10240x16xf32, #tpu.memory_space<hbm>>) target(%arg9 : memref<256x16xf32, #tpu.memory_space<vmem>>) offsets(%dma_start3A_66 : memref<256xi32, #tpu.memory_space<vmem>>) semaphore(%arg13 : memref<!tpu.dma_semaphore, #tpu.memory_space<semaphore_mem>>)
      %add3A_70 = arith.constant 1 : i32
      %add3A_71 = arith.addi %add3A_47, %add3A_70 : i32
      %dma_wait3A_72 = arith.constant 0 : i32
      %dma_wait3A_73 = tpu.memref_slice %arg7[%add3A_71, %dma_wait3A_72] : memref<40x256xi32, #tpu.memory_space<vmem>> -> memref<1x256xi32, #tpu.memory_space<vmem>>
      %dma_wait3A_74 = tpu.memref_squeeze %dma_wait3A_73 : memref<1x256xi32, #tpu.memory_space<vmem>> -> memref<256xi32, #tpu.memory_space<vmem>>
      %dma_wait3A_75 = arith.constant 0 : i32
      %dma_wait3A_76 = arith.constant 0 : i32
      %dma_wait3A_77 = tpu.memref_slice %arg4[%dma_wait3A_75, %dma_wait3A_76] : memref<10240x16xf32, #tpu.memory_space<hbm>> -> memref<10240x16xf32, #tpu.memory_space<hbm>>
      tpu.wait_indirect_dma semaphore(%arg14 : memref<!tpu.dma_semaphore, #tpu.memory_space<semaphore_mem>>) src(%dma_wait3A_77 : memref<10240x16xf32, #tpu.memory_space<hbm>>) dst(%arg10 : memref<256x16xf32, #tpu.memory_space<vmem>>)
      %add3A_78 = arith.constant 1 : i32
      %add3A_79 = arith.addi %add3A_47, %add3A_78 : i32
      "tpu.region"() ({
        %run_scoped3A_80 = tpu.sem_alloc : memref<!tpu.dma_semaphore, #tpu.memory_space<semaphore_mem>>
        %dma_start3A_81 = arith.constant 0 : i32
        %dma_start3A_82 = tpu.memref_slice %arg8[%add3A_79, %dma_start3A_81] : memref<40x256xi32, #tpu.memory_space<vmem>> -> memref<1x256xi32, #tpu.memory_space<vmem>>
        %dma_start3A_83 = tpu.memref_squeeze %dma_start3A_82 : memref<1x256xi32, #tpu.memory_space<vmem>> -> memref<256xi32, #tpu.memory_space<vmem>>
        %dma_start3A_84 = arith.constant 0 : i32
        %dma_start3A_85 = arith.constant 0 : i32
        %dma_start3A_86 = tpu.memref_slice %arg12[%dma_start3A_84, %dma_start3A_85] : memref<10240x16xf32, #tpu.memory_space<vmem_shared>> -> memref<10240x16xf32, #tpu.memory_space<vmem_shared>>
        tpu.enqueue_indirect_dma source(%arg10 : memref<256x16xf32, #tpu.memory_space<vmem>>) target(%dma_start3A_86 : memref<10240x16xf32, #tpu.memory_space<vmem_shared>>) offsets(%dma_start3A_83 : memref<256xi32, #tpu.memory_space<vmem>>) semaphore(%run_scoped3A_80 : memref<!tpu.dma_semaphore, #tpu.memory_space<semaphore_mem>>) {add = true}
        %dma_wait3A_87 = arith.constant 0 : i32
        %dma_wait3A_88 = tpu.memref_slice %arg8[%add3A_79, %dma_wait3A_87] : memref<40x256xi32, #tpu.memory_space<vmem>> -> memref<1x256xi32, #tpu.memory_space<vmem>>
        %dma_wait3A_89 = tpu.memref_squeeze %dma_wait3A_88 : memref<1x256xi32, #tpu.memory_space<vmem>> -> memref<256xi32, #tpu.memory_space<vmem>>
        %dma_wait3A_90 = arith.constant 0 : i32
        %dma_wait3A_91 = arith.constant 0 : i32
        %dma_wait3A_92 = tpu.memref_slice %arg12[%dma_wait3A_90, %dma_wait3A_91] : memref<10240x16xf32, #tpu.memory_space<vmem_shared>> -> memref<10240x16xf32, #tpu.memory_space<vmem_shared>>
        tpu.wait_indirect_dma semaphore(%run_scoped3A_80 : memref<!tpu.dma_semaphore, #tpu.memory_space<semaphore_mem>>) src(%arg10 : memref<256x16xf32, #tpu.memory_space<vmem>>) dst(%dma_wait3A_92 : memref<10240x16xf32, #tpu.memory_space<vmem_shared>>)
        tpu.yield
      }) : () -> ()
    }
    %scan3A_15 = arith.constant 19 : i32
    %dma_start3A_16 = arith.constant 39 : i32
    %dma_start3A_17 = arith.constant 0 : i32
    %dma_start3A_18 = tpu.memref_slice %arg7[%dma_start3A_16, %dma_start3A_17] : memref<40x256xi32, #tpu.memory_space<vmem>> -> memref<1x256xi32, #tpu.memory_space<vmem>>
    %dma_start3A_19 = tpu.memref_squeeze %dma_start3A_18 : memref<1x256xi32, #tpu.memory_space<vmem>> -> memref<256xi32, #tpu.memory_space<vmem>>
    %dma_start3A_20 = arith.constant 0 : i32
    %dma_start3A_21 = arith.constant 0 : i32
    %dma_start3A_22 = tpu.memref_slice %arg4[%dma_start3A_20, %dma_start3A_21] : memref<10240x16xf32, #tpu.memory_space<hbm>> -> memref<10240x16xf32, #tpu.memory_space<hbm>>
    tpu.enqueue_indirect_dma source(%dma_start3A_22 : memref<10240x16xf32, #tpu.memory_space<hbm>>) target(%arg10 : memref<256x16xf32, #tpu.memory_space<vmem>>) offsets(%dma_start3A_19 : memref<256xi32, #tpu.memory_space<vmem>>) semaphore(%arg14 : memref<!tpu.dma_semaphore, #tpu.memory_space<semaphore_mem>>)
    %dma_wait3A = arith.constant 38 : i32
    %dma_wait3A_23 = arith.constant 0 : i32
    %dma_wait3A_24 = tpu.memref_slice %arg7[%dma_wait3A, %dma_wait3A_23] : memref<40x256xi32, #tpu.memory_space<vmem>> -> memref<1x256xi32, #tpu.memory_space<vmem>>
    %dma_wait3A_25 = tpu.memref_squeeze %dma_wait3A_24 : memref<1x256xi32, #tpu.memory_space<vmem>> -> memref<256xi32, #tpu.memory_space<vmem>>
    %dma_wait3A_26 = arith.constant 0 : i32
    %dma_wait3A_27 = arith.constant 0 : i32
    %dma_wait3A_28 = tpu.memref_slice %arg4[%dma_wait3A_26, %dma_wait3A_27] : memref<10240x16xf32, #tpu.memory_space<hbm>> -> memref<10240x16xf32, #tpu.memory_space<hbm>>
    tpu.wait_indirect_dma semaphore(%arg13 : memref<!tpu.dma_semaphore, #tpu.memory_space<semaphore_mem>>) src(%dma_wait3A_28 : memref<10240x16xf32, #tpu.memory_space<hbm>>) dst(%arg9 : memref<256x16xf32, #tpu.memory_space<vmem>>)
    %run_scoped3A = arith.constant 38 : i32
    "tpu.region"() ({
      %run_scoped3A_43 = tpu.sem_alloc : memref<!tpu.dma_semaphore, #tpu.memory_space<semaphore_mem>>
      %dma_start3A_44 = arith.constant 0 : i32
      %dma_start3A_45 = tpu.memref_slice %arg8[%run_scoped3A, %dma_start3A_44] : memref<40x256xi32, #tpu.memory_space<vmem>> -> memref<1x256xi32, #tpu.memory_space<vmem>>
      %dma_start3A_46 = tpu.memref_squeeze %dma_start3A_45 : memref<1x256xi32, #tpu.memory_space<vmem>> -> memref<256xi32, #tpu.memory_space<vmem>>
      %dma_start3A_47 = arith.constant 0 : i32
      %dma_start3A_48 = arith.constant 0 : i32
      %dma_start3A_49 = tpu.memref_slice %arg12[%dma_start3A_47, %dma_start3A_48] : memref<10240x16xf32, #tpu.memory_space<vmem_shared>> -> memref<10240x16xf32, #tpu.memory_space<vmem_shared>>
      tpu.enqueue_indirect_dma source(%arg9 : memref<256x16xf32, #tpu.memory_space<vmem>>) target(%dma_start3A_49 : memref<10240x16xf32, #tpu.memory_space<vmem_shared>>) offsets(%dma_start3A_46 : memref<256xi32, #tpu.memory_space<vmem>>) semaphore(%run_scoped3A_43 : memref<!tpu.dma_semaphore, #tpu.memory_space<semaphore_mem>>) {add = true}
      %dma_wait3A_50 = arith.constant 0 : i32
      %dma_wait3A_51 = tpu.memref_slice %arg8[%run_scoped3A, %dma_wait3A_50] : memref<40x256xi32, #tpu.memory_space<vmem>> -> memref<1x256xi32, #tpu.memory_space<vmem>>
      %dma_wait3A_52 = tpu.memref_squeeze %dma_wait3A_51 : memref<1x256xi32, #tpu.memory_space<vmem>> -> memref<256xi32, #tpu.memory_space<vmem>>
      %dma_wait3A_53 = arith.constant 0 : i32
      %dma_wait3A_54 = arith.constant 0 : i32
      %dma_wait3A_55 = tpu.memref_slice %arg12[%dma_wait3A_53, %dma_wait3A_54] : memref<10240x16xf32, #tpu.memory_space<vmem_shared>> -> memref<10240x16xf32, #tpu.memory_space<vmem_shared>>
      tpu.wait_indirect_dma semaphore(%run_scoped3A_43 : memref<!tpu.dma_semaphore, #tpu.memory_space<semaphore_mem>>) src(%arg9 : memref<256x16xf32, #tpu.memory_space<vmem>>) dst(%dma_wait3A_55 : memref<10240x16xf32, #tpu.memory_space<vmem_shared>>)
      tpu.yield
    }) : () -> ()
    %dma_wait3A_29 = arith.constant 39 : i32
    %dma_wait3A_30 = arith.constant 0 : i32
    %dma_wait3A_31 = tpu.memref_slice %arg7[%dma_wait3A_29, %dma_wait3A_30] : memref<40x256xi32, #tpu.memory_space<vmem>> -> memref<1x256xi32, #tpu.memory_space<vmem>>
    %dma_wait3A_32 = tpu.memref_squeeze %dma_wait3A_31 : memref<1x256xi32, #tpu.memory_space<vmem>> -> memref<256xi32, #tpu.memory_space<vmem>>
    %dma_wait3A_33 = arith.constant 0 : i32
    %dma_wait3A_34 = arith.constant 0 : i32
    %dma_wait3A_35 = tpu.memref_slice %arg4[%dma_wait3A_33, %dma_wait3A_34] : memref<10240x16xf32, #tpu.memory_space<hbm>> -> memref<10240x16xf32, #tpu.memory_space<hbm>>
    tpu.wait_indirect_dma semaphore(%arg14 : memref<!tpu.dma_semaphore, #tpu.memory_space<semaphore_mem>>) src(%dma_wait3A_35 : memref<10240x16xf32, #tpu.memory_space<hbm>>) dst(%arg10 : memref<256x16xf32, #tpu.memory_space<vmem>>)
    %run_scoped3A_36 = arith.constant 39 : i32
    "tpu.region"() ({
      %run_scoped3A_43 = tpu.sem_alloc : memref<!tpu.dma_semaphore, #tpu.memory_space<semaphore_mem>>
      %dma_start3A_44 = arith.constant 0 : i32
      %dma_start3A_45 = tpu.memref_slice %arg8[%run_scoped3A_36, %dma_start3A_44] : memref<40x256xi32, #tpu.memory_space<vmem>> -> memref<1x256xi32, #tpu.memory_space<vmem>>
      %dma_start3A_46 = tpu.memref_squeeze %dma_start3A_45 : memref<1x256xi32, #tpu.memory_space<vmem>> -> memref<256xi32, #tpu.memory_space<vmem>>
      %dma_start3A_47 = arith.constant 0 : i32
      %dma_start3A_48 = arith.constant 0 : i32
      %dma_start3A_49 = tpu.memref_slice %arg12[%dma_start3A_47, %dma_start3A_48] : memref<10240x16xf32, #tpu.memory_space<vmem_shared>> -> memref<10240x16xf32, #tpu.memory_space<vmem_shared>>
      tpu.enqueue_indirect_dma source(%arg10 : memref<256x16xf32, #tpu.memory_space<vmem>>) target(%dma_start3A_49 : memref<10240x16xf32, #tpu.memory_space<vmem_shared>>) offsets(%dma_start3A_46 : memref<256xi32, #tpu.memory_space<vmem>>) semaphore(%run_scoped3A_43 : memref<!tpu.dma_semaphore, #tpu.memory_space<semaphore_mem>>) {add = true}
      %dma_wait3A_50 = arith.constant 0 : i32
      %dma_wait3A_51 = tpu.memref_slice %arg8[%run_scoped3A_36, %dma_wait3A_50] : memref<40x256xi32, #tpu.memory_space<vmem>> -> memref<1x256xi32, #tpu.memory_space<vmem>>
      %dma_wait3A_52 = tpu.memref_squeeze %dma_wait3A_51 : memref<1x256xi32, #tpu.memory_space<vmem>> -> memref<256xi32, #tpu.memory_space<vmem>>
      %dma_wait3A_53 = arith.constant 0 : i32
      %dma_wait3A_54 = arith.constant 0 : i32
      %dma_wait3A_55 = tpu.memref_slice %arg12[%dma_wait3A_53, %dma_wait3A_54] : memref<10240x16xf32, #tpu.memory_space<vmem_shared>> -> memref<10240x16xf32, #tpu.memory_space<vmem_shared>>
      tpu.wait_indirect_dma semaphore(%run_scoped3A_43 : memref<!tpu.dma_semaphore, #tpu.memory_space<semaphore_mem>>) src(%arg10 : memref<256x16xf32, #tpu.memory_space<vmem>>) dst(%dma_wait3A_55 : memref<10240x16xf32, #tpu.memory_space<vmem_shared>>)
      tpu.yield
    }) : () -> ()
    %barrier3A_37 = arith.constant 0 : index
    tpu.barrier barrier_id(%barrier3A_37)
    %scan3A_38 = arith.constant 0 : i32
    %scan3A_39 = arith.constant 4 : i32
    %scan3A_40 = arith.addi %scan3A_38, %scan3A_39 : i32
    %scan3A_41 = arith.constant 1 : i32
    scf.for %scan3A_43 = %scan3A_38 to %scan3A_40 step %scan3A_41  : i32 {
      %mul3A_44 = arith.constant 1 : i32
      %mul3A_45 = arith.muli %scan3A_43, %mul3A_44 : i32
      %add3A_46 = arith.constant 0 : i32
      %add3A_47 = arith.addi %add3A_46, %mul3A_45 : i32
      %mul3A_48 = arith.constant 640 : i32
      %mul3A_49 = arith.muli %arg1, %mul3A_48 : i32
      %mul3A_50 = arith.constant 160 : i32
      %mul3A_51 = arith.muli %add3A_47, %mul3A_50 : i32
      %add3A_52 = arith.addi %mul3A_49, %mul3A_51 : i32
      "tpu.region"() ({
        %run_scoped3A_53 = tpu.sem_alloc : memref<!tpu.dma_semaphore, #tpu.memory_space<semaphore_mem>>
        %dma_start3A_54 = arith.constant 0 : i32
        %dma_start3A_55 = tpu.memref_slice %arg12[%add3A_52, %dma_start3A_54] : memref<10240x16xf32, #tpu.memory_space<vmem_shared>> -> memref<160x16xf32, #tpu.memory_space<vmem_shared>>
        %dma_start3A_56 = arith.constant 0 : i32
        %dma_start3A_57 = tpu.memref_slice %arg12[%add3A_52, %dma_start3A_56] : memref<10240x16xf32, #tpu.memory_space<vmem_shared>> -> memref<160x16xf32, #tpu.memory_space<vmem_shared>>
        tpu.enqueue_dma source(%dma_start3A_57 : memref<160x16xf32, #tpu.memory_space<vmem_shared>>) target(%arg11 : memref<160x16xf32, #tpu.memory_space<vmem>>) target_semaphore(%run_scoped3A_53 : memref<!tpu.dma_semaphore, #tpu.memory_space<semaphore_mem>>)
        %dma_wait3A_58 = arith.constant 0 : i32
        %dma_wait3A_59 = tpu.memref_slice %arg12[%add3A_52, %dma_wait3A_58] : memref<10240x16xf32, #tpu.memory_space<vmem_shared>> -> memref<160x16xf32, #tpu.memory_space<vmem_shared>>
        %dma_wait3A_60 = arith.constant 0 : i32
        %dma_wait3A_61 = tpu.memref_slice %arg12[%add3A_52, %dma_wait3A_60] : memref<10240x16xf32, #tpu.memory_space<vmem_shared>> -> memref<160x16xf32, #tpu.memory_space<vmem_shared>>
        tpu.wait_dma2 semaphore(%run_scoped3A_53 : memref<!tpu.dma_semaphore, #tpu.memory_space<semaphore_mem>>) src(%dma_wait3A_61 : memref<160x16xf32, #tpu.memory_space<vmem_shared>>) dst(%arg11 : memref<160x16xf32, #tpu.memory_space<vmem>>)
        tpu.yield
      }) : () -> ()
      "tpu.region"() ({
        %run_scoped3A_53 = tpu.sem_alloc : memref<!tpu.dma_semaphore, #tpu.memory_space<semaphore_mem>>
        %dma_start3A_54 = arith.constant 0 : i32
        %dma_start3A_55 = tpu.memref_slice %arg6[%arg0, %add3A_52, %dma_start3A_54] : memref<2x10240x16xf32, #tpu.memory_space<hbm>> -> memref<1x160x16xf32, #tpu.memory_space<hbm>>
        %dma_start3A_56 = tpu.memref_squeeze %dma_start3A_55 : memref<1x160x16xf32, #tpu.memory_space<hbm>> -> memref<160x16xf32, #tpu.memory_space<hbm>>
        %dma_start3A_57 = arith.constant 0 : i32
        %dma_start3A_58 = tpu.memref_slice %arg6[%arg0, %add3A_52, %dma_start3A_57] : memref<2x10240x16xf32, #tpu.memory_space<hbm>> -> memref<1x160x16xf32, #tpu.memory_space<hbm>>
        %dma_start3A_59 = tpu.memref_squeeze %dma_start3A_58 : memref<1x160x16xf32, #tpu.memory_space<hbm>> -> memref<160x16xf32, #tpu.memory_space<hbm>>
        tpu.enqueue_dma source(%arg11 : memref<160x16xf32, #tpu.memory_space<vmem>>) target(%dma_start3A_59 : memref<160x16xf32, #tpu.memory_space<hbm>>) target_semaphore(%run_scoped3A_53 : memref<!tpu.dma_semaphore, #tpu.memory_space<semaphore_mem>>)
        %dma_wait3A_60 = arith.constant 0 : i32
        %dma_wait3A_61 = tpu.memref_slice %arg6[%arg0, %add3A_52, %dma_wait3A_60] : memref<2x10240x16xf32, #tpu.memory_space<hbm>> -> memref<1x160x16xf32, #tpu.memory_space<hbm>>
        %dma_wait3A_62 = tpu.memref_squeeze %dma_wait3A_61 : memref<1x160x16xf32, #tpu.memory_space<hbm>> -> memref<160x16xf32, #tpu.memory_space<hbm>>
        %dma_wait3A_63 = arith.constant 0 : i32
        %dma_wait3A_64 = tpu.memref_slice %arg6[%arg0, %add3A_52, %dma_wait3A_63] : memref<2x10240x16xf32, #tpu.memory_space<hbm>> -> memref<1x160x16xf32, #tpu.memory_space<hbm>>
        %dma_wait3A_65 = tpu.memref_squeeze %dma_wait3A_64 : memref<1x160x16xf32, #tpu.memory_space<hbm>> -> memref<160x16xf32, #tpu.memory_space<hbm>>
        tpu.wait_dma2 semaphore(%run_scoped3A_53 : memref<!tpu.dma_semaphore, #tpu.memory_space<semaphore_mem>>) src(%arg11 : memref<160x16xf32, #tpu.memory_space<vmem>>) dst(%dma_wait3A_65 : memref<160x16xf32, #tpu.memory_space<hbm>>)
        tpu.yield
      }) : () -> ()
    }
    %scan3A_42 = arith.constant 4 : i32
    return
  }
}

module attributes {stable_mosaic.version = 14 : i64} {
  func.func @_tc_mm1(%arg0: memref<10240x128xf32, #tpu.memory_space<vmem>>, %arg1: memref<128x128xf32, #tpu.memory_space<vmem>>, %arg2: memref<10240x128xf32, #tpu.memory_space<vmem>>) attributes {dimension_semantics = [], scalar_prefetch = 0 : i64, scratch_operands = 0 : i64, tpu.core_type = #tpu.core_type<tc>} {
    %get3A = arith.constant 0 : index
    %get3A_0 = arith.constant 0 : index
    %get3A_1 = vector.load %arg0[%get3A, %get3A_0] : memref<10240x128xf32, #tpu.memory_space<vmem>>, vector<10240x128xf32>
    %get3A_2 = arith.constant 0 : index
    %get3A_3 = arith.constant 0 : index
    %get3A_4 = vector.load %arg1[%get3A_2, %get3A_3] : memref<128x128xf32, #tpu.memory_space<vmem>>, vector<128x128xf32>
    %dot_general3A = arith.constant dense<0.000000e+00> : vector<10240x128xf32>
    %dot_general3A_5 = tpu.matmul %get3A_1, %get3A_4, %dot_general3A {dimension_numbers = #tpu.dot_dimension_numbers<[1], [0], [0], [1], [0, 0, 1, 1], [], []>, transpose_lhs_hint = false} : vector<10240x128xf32>, vector<128x128xf32>, vector<10240x128xf32> -> vector<10240x128xf32>
    %swap3A = arith.constant 0 : index
    %swap3A_6 = arith.constant 0 : index
    %swap3A_7 = vector.load %arg2[%swap3A, %swap3A_6] : memref<10240x128xf32, #tpu.memory_space<vmem>>, vector<10240x128xf32>
    tpu.vector_store %arg2[%swap3A, %swap3A_6], %dot_general3A_5 {strides = array<i32>} : memref<10240x128xf32, #tpu.memory_space<vmem>>, vector<10240x128xf32>,
    return
  }
}

module attributes {stable_mosaic.version = 14 : i64} {
  func.func @_tc_first(%arg0: memref<2x10240x16xf32, #tpu.memory_space<vmem>>, %arg1: memref<10240x1xf32, #tpu.memory_space<vmem>>, %arg2: memref<10240x128xf32, #tpu.memory_space<vmem>>, %arg3: memref<10240x1xf32, #tpu.memory_space<vmem>>, %arg4: memref<2x10240x64xf32, #tpu.memory_space<vmem>>) attributes {dimension_semantics = [], scalar_prefetch = 0 : i64, scratch_operands = 0 : i64, tpu.core_type = #tpu.core_type<tc>} {
    %get3A = arith.constant 0 : index
    %get3A_0 = arith.constant 0 : index
    %get3A_1 = arith.constant 0 : index
    %get3A_2 = vector.load %arg0[%get3A, %get3A_0, %get3A_1] : memref<2x10240x16xf32, #tpu.memory_space<vmem>>, vector<1x10240x16xf32>
    %get3A_3 = vector.shape_cast %get3A_2 : vector<1x10240x16xf32> to vector<10240x16xf32>
    %slice3A = vector.extract_strided_slice %get3A_3 {offsets = [0, 0], sizes = [10240, 1], strides = [1, 1]} : vector<10240x16xf32> to vector<10240x1xf32>
    %get3A_4 = arith.constant 1 : index
    %get3A_5 = arith.constant 0 : index
    %get3A_6 = arith.constant 0 : index
    %get3A_7 = vector.load %arg0[%get3A_4, %get3A_5, %get3A_6] : memref<2x10240x16xf32, #tpu.memory_space<vmem>>, vector<1x10240x16xf32>
    %get3A_8 = vector.shape_cast %get3A_7 : vector<1x10240x16xf32> to vector<10240x16xf32>
    %slice3A_9 = vector.extract_strided_slice %get3A_8 {offsets = [0, 0], sizes = [10240, 1], strides = [1, 1]} : vector<10240x16xf32> to vector<10240x1xf32>
    %add3A = arith.addf %slice3A, %slice3A_9 : vector<10240x1xf32>
    %add3A_10 = arith.constant 1.000000e+00 : f32
    %add3A_11 = vector.broadcast %add3A_10 : f32 to vector<10240x1xf32>
    %add3A_12 = arith.addf %add3A, %add3A_11 : vector<10240x1xf32>
    %rsqrt3A = math.rsqrt %add3A_12 : vector<10240x1xf32>
    %get3A_13 = arith.constant 0 : index
    %get3A_14 = arith.constant 0 : index
    %get3A_15 = vector.load %arg1[%get3A_13, %get3A_14] : memref<10240x1xf32, #tpu.memory_space<vmem>>, vector<10240x1xf32>
    %mul3A = arith.mulf %rsqrt3A, %get3A_15 : vector<10240x1xf32>
    %swap3A = arith.constant 0 : index
    %swap3A_16 = arith.constant 0 : index
    %swap3A_17 = vector.load %arg3[%swap3A, %swap3A_16] : memref<10240x1xf32, #tpu.memory_space<vmem>>, vector<10240x1xf32>
    tpu.vector_store %arg3[%swap3A, %swap3A_16], %mul3A {strides = array<i32>} : memref<10240x1xf32, #tpu.memory_space<vmem>>, vector<10240x1xf32>,
    %get3A_18 = arith.constant 0 : index
    %get3A_19 = arith.constant 0 : index
    %get3A_20 = vector.load %arg2[%get3A_18, %get3A_19] : memref<10240x128xf32, #tpu.memory_space<vmem>>, vector<10240x128xf32>
    %mul3A_21 = vector.broadcast %mul3A : vector<10240x1xf32> to vector<10240x128xf32>
    %mul3A_22 = arith.mulf %mul3A_21, %get3A_20 : vector<10240x128xf32>
    %slice3A_23 = vector.extract_strided_slice %mul3A_22 {offsets = [0, 0], sizes = [10240, 64], strides = [1, 1]} : vector<10240x128xf32> to vector<10240x64xf32>
    %swap3A_24 = arith.constant 0 : index
    %swap3A_25 = arith.constant 0 : index
    %swap3A_26 = arith.constant 0 : index
    %swap3A_27 = vector.load %arg4[%swap3A_24, %swap3A_25, %swap3A_26] : memref<2x10240x64xf32, #tpu.memory_space<vmem>>, vector<1x10240x64xf32>
    %swap3A_28 = vector.shape_cast %swap3A_27 : vector<1x10240x64xf32> to vector<10240x64xf32>
    %swap3A_29 = vector.shape_cast %slice3A_23 : vector<10240x64xf32> to vector<1x10240x64xf32>
    tpu.vector_store %arg4[%swap3A_24, %swap3A_25, %swap3A_26], %swap3A_29 {strides = array<i32>} : memref<2x10240x64xf32, #tpu.memory_space<vmem>>, vector<1x10240x64xf32>,
    %slice3A_30 = vector.extract_strided_slice %mul3A_22 {offsets = [0, 64], sizes = [10240, 64], strides = [1, 1]} : vector<10240x128xf32> to vector<10240x64xf32>
    %swap3A_31 = arith.constant 1 : index
    %swap3A_32 = arith.constant 0 : index
    %swap3A_33 = arith.constant 0 : index
    %swap3A_34 = vector.load %arg4[%swap3A_31, %swap3A_32, %swap3A_33] : memref<2x10240x64xf32, #tpu.memory_space<vmem>>, vector<1x10240x64xf32>
    %swap3A_35 = vector.shape_cast %swap3A_34 : vector<1x10240x64xf32> to vector<10240x64xf32>
    %swap3A_36 = vector.shape_cast %slice3A_30 : vector<10240x64xf32> to vector<1x10240x64xf32>
    tpu.vector_store %arg4[%swap3A_31, %swap3A_32, %swap3A_33], %swap3A_36 {strides = array<i32>} : memref<2x10240x64xf32, #tpu.memory_space<vmem>>, vector<1x10240x64xf32>,
    return
  }
}

module attributes {stable_mosaic.version = 14 : i64} {
  func.func @_tc_mid(%arg0: memref<2x10240x64xf32, #tpu.memory_space<vmem>>, %arg1: memref<2x10240x64xf32, #tpu.memory_space<vmem>>, %arg2: memref<10240x1xf32, #tpu.memory_space<vmem>>, %arg3: memref<1x128xf32, #tpu.memory_space<vmem>>, %arg4: memref<128x128xf32, #tpu.memory_space<vmem>>, %arg5: memref<2x10240x64xf32, #tpu.memory_space<vmem>>) attributes {dimension_semantics = [], scalar_prefetch = 0 : i64, scratch_operands = 0 : i64, tpu.core_type = #tpu.core_type<tc>} {
    %get3A = arith.constant 0 : index
    %get3A_0 = arith.constant 0 : index
    %get3A_1 = vector.load %arg2[%get3A, %get3A_0] : memref<10240x1xf32, #tpu.memory_space<vmem>>, vector<10240x1xf32>
    %get3A_2 = arith.constant 0 : index
    %get3A_3 = arith.constant 0 : index
    %get3A_4 = arith.constant 0 : index
    %get3A_5 = vector.load %arg0[%get3A_2, %get3A_3, %get3A_4] : memref<2x10240x64xf32, #tpu.memory_space<vmem>>, vector<1x10240x64xf32>
    %get3A_6 = vector.shape_cast %get3A_5 : vector<1x10240x64xf32> to vector<10240x64xf32>
    %get3A_7 = arith.constant 0 : index
    %get3A_8 = arith.constant 0 : index
    %get3A_9 = arith.constant 0 : index
    %get3A_10 = vector.load %arg1[%get3A_7, %get3A_8, %get3A_9] : memref<2x10240x64xf32, #tpu.memory_space<vmem>>, vector<1x10240x64xf32>
    %get3A_11 = vector.shape_cast %get3A_10 : vector<1x10240x64xf32> to vector<10240x64xf32>
    %add3A = arith.addf %get3A_6, %get3A_11 : vector<10240x64xf32>
    %get3A_12 = arith.constant 1 : index
    %get3A_13 = arith.constant 0 : index
    %get3A_14 = arith.constant 0 : index
    %get3A_15 = vector.load %arg0[%get3A_12, %get3A_13, %get3A_14] : memref<2x10240x64xf32, #tpu.memory_space<vmem>>, vector<1x10240x64xf32>
    %get3A_16 = vector.shape_cast %get3A_15 : vector<1x10240x64xf32> to vector<10240x64xf32>
    %get3A_17 = arith.constant 1 : index
    %get3A_18 = arith.constant 0 : index
    %get3A_19 = arith.constant 0 : index
    %get3A_20 = vector.load %arg1[%get3A_17, %get3A_18, %get3A_19] : memref<2x10240x64xf32, #tpu.memory_space<vmem>>, vector<1x10240x64xf32>
    %get3A_21 = vector.shape_cast %get3A_20 : vector<1x10240x64xf32> to vector<10240x64xf32>
    %add3A_22 = arith.addf %get3A_16, %get3A_21 : vector<10240x64xf32>
    %concatenate3A = tpu.concatenate %add3A, %add3A_22 in 1 : vector<10240x64xf32>, vector<10240x64xf32> -> vector<10240x128xf32>
    %mul3A = vector.broadcast %get3A_1 : vector<10240x1xf32> to vector<10240x128xf32>
    %mul3A_23 = arith.mulf %mul3A, %concatenate3A : vector<10240x128xf32>
    %get3A_24 = arith.constant 0 : index
    %get3A_25 = arith.constant 0 : index
    %get3A_26 = vector.load %arg3[%get3A_24, %get3A_25] : memref<1x128xf32, #tpu.memory_space<vmem>>, vector<1x128xf32>
    %add3A_27 = vector.broadcast %get3A_26 : vector<1x128xf32> to vector<10240x128xf32>
    %add3A_28 = arith.addf %mul3A_23, %add3A_27 : vector<10240x128xf32>
    %max3A = arith.constant 0.000000e+00 : f32
    %max3A_29 = vector.broadcast %max3A : f32 to vector<10240x128xf32>
    %max3A_30 = arith.maximumf %add3A_28, %max3A_29 : vector<10240x128xf32>
    %get3A_31 = arith.constant 0 : index
    %get3A_32 = arith.constant 0 : index
    %get3A_33 = vector.load %arg4[%get3A_31, %get3A_32] : memref<128x128xf32, #tpu.memory_space<vmem>>, vector<128x128xf32>
    %dot_general3A = arith.constant dense<0.000000e+00> : vector<10240x128xf32>
    %dot_general3A_34 = tpu.matmul %max3A_30, %get3A_33, %dot_general3A {dimension_numbers = #tpu.dot_dimension_numbers<[1], [0], [0], [1], [0, 0, 1, 1], [], []>, transpose_lhs_hint = false} : vector<10240x128xf32>, vector<128x128xf32>, vector<10240x128xf32> -> vector<10240x128xf32>
    %mul3A_35 = vector.broadcast %get3A_1 : vector<10240x1xf32> to vector<10240x128xf32>
    %mul3A_36 = arith.mulf %mul3A_35, %dot_general3A_34 : vector<10240x128xf32>
    %slice3A = vector.extract_strided_slice %mul3A_36 {offsets = [0, 0], sizes = [10240, 64], strides = [1, 1]} : vector<10240x128xf32> to vector<10240x64xf32>
    %swap3A = arith.constant 0 : index
    %swap3A_37 = arith.constant 0 : index
    %swap3A_38 = arith.constant 0 : index
    %swap3A_39 = vector.load %arg5[%swap3A, %swap3A_37, %swap3A_38] : memref<2x10240x64xf32, #tpu.memory_space<vmem>>, vector<1x10240x64xf32>
    %swap3A_40 = vector.shape_cast %swap3A_39 : vector<1x10240x64xf32> to vector<10240x64xf32>
    %swap3A_41 = vector.shape_cast %slice3A : vector<10240x64xf32> to vector<1x10240x64xf32>
    tpu.vector_store %arg5[%swap3A, %swap3A_37, %swap3A_38], %swap3A_41 {strides = array<i32>} : memref<2x10240x64xf32, #tpu.memory_space<vmem>>, vector<1x10240x64xf32>,
    %slice3A_42 = vector.extract_strided_slice %mul3A_36 {offsets = [0, 64], sizes = [10240, 64], strides = [1, 1]} : vector<10240x128xf32> to vector<10240x64xf32>
    %swap3A_43 = arith.constant 1 : index
    %swap3A_44 = arith.constant 0 : index
    %swap3A_45 = arith.constant 0 : index
    %swap3A_46 = vector.load %arg5[%swap3A_43, %swap3A_44, %swap3A_45] : memref<2x10240x64xf32, #tpu.memory_space<vmem>>, vector<1x10240x64xf32>
    %swap3A_47 = vector.shape_cast %swap3A_46 : vector<1x10240x64xf32> to vector<10240x64xf32>
    %swap3A_48 = vector.shape_cast %slice3A_42 : vector<10240x64xf32> to vector<1x10240x64xf32>
    tpu.vector_store %arg5[%swap3A_43, %swap3A_44, %swap3A_45], %swap3A_48 {strides = array<i32>} : memref<2x10240x64xf32, #tpu.memory_space<vmem>>, vector<1x10240x64xf32>,
    return
  }
}

module attributes {stable_mosaic.version = 14 : i64} {
  func.func @_tc_last(%arg0: memref<2x10240x64xf32, #tpu.memory_space<vmem>>, %arg1: memref<2x10240x64xf32, #tpu.memory_space<vmem>>, %arg2: memref<10240x1xf32, #tpu.memory_space<vmem>>, %arg3: memref<1x128xf32, #tpu.memory_space<vmem>>, %arg4: memref<128x16xf32, #tpu.memory_space<vmem>>, %arg5: memref<10240x16xf32, #tpu.memory_space<vmem>>) attributes {dimension_semantics = [], scalar_prefetch = 0 : i64, scratch_operands = 0 : i64, tpu.core_type = #tpu.core_type<tc>} {
    %get3A = arith.constant 0 : index
    %get3A_0 = arith.constant 0 : index
    %get3A_1 = vector.load %arg2[%get3A, %get3A_0] : memref<10240x1xf32, #tpu.memory_space<vmem>>, vector<10240x1xf32>
    %get3A_2 = arith.constant 0 : index
    %get3A_3 = arith.constant 0 : index
    %get3A_4 = arith.constant 0 : index
    %get3A_5 = vector.load %arg0[%get3A_2, %get3A_3, %get3A_4] : memref<2x10240x64xf32, #tpu.memory_space<vmem>>, vector<1x10240x64xf32>
    %get3A_6 = vector.shape_cast %get3A_5 : vector<1x10240x64xf32> to vector<10240x64xf32>
    %get3A_7 = arith.constant 0 : index
    %get3A_8 = arith.constant 0 : index
    %get3A_9 = arith.constant 0 : index
    %get3A_10 = vector.load %arg1[%get3A_7, %get3A_8, %get3A_9] : memref<2x10240x64xf32, #tpu.memory_space<vmem>>, vector<1x10240x64xf32>
    %get3A_11 = vector.shape_cast %get3A_10 : vector<1x10240x64xf32> to vector<10240x64xf32>
    %add3A = arith.addf %get3A_6, %get3A_11 : vector<10240x64xf32>
    %get3A_12 = arith.constant 1 : index
    %get3A_13 = arith.constant 0 : index
    %get3A_14 = arith.constant 0 : index
    %get3A_15 = vector.load %arg0[%get3A_12, %get3A_13, %get3A_14] : memref<2x10240x64xf32, #tpu.memory_space<vmem>>, vector<1x10240x64xf32>
    %get3A_16 = vector.shape_cast %get3A_15 : vector<1x10240x64xf32> to vector<10240x64xf32>
    %get3A_17 = arith.constant 1 : index
    %get3A_18 = arith.constant 0 : index
    %get3A_19 = arith.constant 0 : index
    %get3A_20 = vector.load %arg1[%get3A_17, %get3A_18, %get3A_19] : memref<2x10240x64xf32, #tpu.memory_space<vmem>>, vector<1x10240x64xf32>
    %get3A_21 = vector.shape_cast %get3A_20 : vector<1x10240x64xf32> to vector<10240x64xf32>
    %add3A_22 = arith.addf %get3A_16, %get3A_21 : vector<10240x64xf32>
    %concatenate3A = tpu.concatenate %add3A, %add3A_22 in 1 : vector<10240x64xf32>, vector<10240x64xf32> -> vector<10240x128xf32>
    %mul3A = vector.broadcast %get3A_1 : vector<10240x1xf32> to vector<10240x128xf32>
    %mul3A_23 = arith.mulf %mul3A, %concatenate3A : vector<10240x128xf32>
    %get3A_24 = arith.constant 0 : index
    %get3A_25 = arith.constant 0 : index
    %get3A_26 = vector.load %arg3[%get3A_24, %get3A_25] : memref<1x128xf32, #tpu.memory_space<vmem>>, vector<1x128xf32>
    %add3A_27 = vector.broadcast %get3A_26 : vector<1x128xf32> to vector<10240x128xf32>
    %add3A_28 = arith.addf %mul3A_23, %add3A_27 : vector<10240x128xf32>
    %max3A = arith.constant 0.000000e+00 : f32
    %max3A_29 = vector.broadcast %max3A : f32 to vector<10240x128xf32>
    %max3A_30 = arith.maximumf %add3A_28, %max3A_29 : vector<10240x128xf32>
    %get3A_31 = arith.constant 0 : index
    %get3A_32 = arith.constant 0 : index
    %get3A_33 = vector.load %arg4[%get3A_31, %get3A_32] : memref<128x16xf32, #tpu.memory_space<vmem>>, vector<128x16xf32>
    %dot_general3A = arith.constant dense<0.000000e+00> : vector<10240x16xf32>
    %dot_general3A_34 = tpu.matmul %max3A_30, %get3A_33, %dot_general3A {dimension_numbers = #tpu.dot_dimension_numbers<[1], [0], [0], [1], [0, 0, 1, 1], [], []>, transpose_lhs_hint = false} : vector<10240x128xf32>, vector<128x16xf32>, vector<10240x16xf32> -> vector<10240x16xf32>
    %mul3A_35 = vector.broadcast %get3A_1 : vector<10240x1xf32> to vector<10240x16xf32>
    %mul3A_36 = arith.mulf %mul3A_35, %dot_general3A_34 : vector<10240x16xf32>
    %swap3A = arith.constant 0 : index
    %swap3A_37 = arith.constant 0 : index
    %swap3A_38 = vector.load %arg5[%swap3A, %swap3A_37] : memref<10240x16xf32, #tpu.memory_space<vmem>>, vector<10240x16xf32>
    tpu.vector_store %arg5[%swap3A, %swap3A_37], %mul3A_36 {strides = array<i32>} : memref<10240x16xf32, #tpu.memory_space<vmem>>, vector<10240x16xf32>,
    return
  }
}

module attributes {stable_mosaic.version = 14 : i64} {
  func.func @_tc_out(%arg0: memref<2x10240x16xf32, #tpu.memory_space<vmem>>, %arg1: memref<10240x16xf32, #tpu.memory_space<vmem>>, %arg2: memref<10240x1xf32, #tpu.memory_space<vmem>>, %arg3: memref<1x16xf32, #tpu.memory_space<vmem>>, %arg4: memref<10240x16xf32, #tpu.memory_space<vmem>>) attributes {dimension_semantics = [], scalar_prefetch = 0 : i64, scratch_operands = 0 : i64, tpu.core_type = #tpu.core_type<tc>} {
    %get3A = arith.constant 0 : index
    %get3A_0 = arith.constant 0 : index
    %get3A_1 = vector.load %arg2[%get3A, %get3A_0] : memref<10240x1xf32, #tpu.memory_space<vmem>>, vector<10240x1xf32>
    %get3A_2 = arith.constant 0 : index
    %get3A_3 = arith.constant 0 : index
    %get3A_4 = arith.constant 0 : index
    %get3A_5 = vector.load %arg0[%get3A_2, %get3A_3, %get3A_4] : memref<2x10240x16xf32, #tpu.memory_space<vmem>>, vector<1x10240x16xf32>
    %get3A_6 = vector.shape_cast %get3A_5 : vector<1x10240x16xf32> to vector<10240x16xf32>
    %get3A_7 = arith.constant 1 : index
    %get3A_8 = arith.constant 0 : index
    %get3A_9 = arith.constant 0 : index
    %get3A_10 = vector.load %arg0[%get3A_7, %get3A_8, %get3A_9] : memref<2x10240x16xf32, #tpu.memory_space<vmem>>, vector<1x10240x16xf32>
    %get3A_11 = vector.shape_cast %get3A_10 : vector<1x10240x16xf32> to vector<10240x16xf32>
    %add3A = arith.addf %get3A_6, %get3A_11 : vector<10240x16xf32>
    %get3A_12 = arith.constant 0 : index
    %get3A_13 = arith.constant 0 : index
    %get3A_14 = vector.load %arg1[%get3A_12, %get3A_13] : memref<10240x16xf32, #tpu.memory_space<vmem>>, vector<10240x16xf32>
    %add3A_15 = arith.addf %add3A, %get3A_14 : vector<10240x16xf32>
    %mul3A = vector.broadcast %get3A_1 : vector<10240x1xf32> to vector<10240x16xf32>
    %mul3A_16 = arith.mulf %mul3A, %add3A_15 : vector<10240x16xf32>
    %get3A_17 = arith.constant 0 : index
    %get3A_18 = arith.constant 0 : index
    %get3A_19 = vector.load %arg3[%get3A_17, %get3A_18] : memref<1x16xf32, #tpu.memory_space<vmem>>, vector<1x16xf32>
    %add3A_20 = vector.broadcast %get3A_19 : vector<1x16xf32> to vector<10240x16xf32>
    %add3A_21 = arith.addf %mul3A_16, %add3A_20 : vector<10240x16xf32>
    %swap3A = arith.constant 0 : index
    %swap3A_22 = arith.constant 0 : index
    %swap3A_23 = vector.load %arg4[%swap3A, %swap3A_22] : memref<10240x16xf32, #tpu.memory_space<vmem>>, vector<10240x16xf32>
    tpu.vector_store %arg4[%swap3A, %swap3A_22], %add3A_21 {strides = array<i32>} : memref<10240x16xf32, #tpu.memory_space<vmem>>, vector<10240x16xf32>,
    return
  }
}

</mosaic_0001>

<sc_bundles>
// kernel: kernel.17.cloned.1.call-start
scs
__scs_entry_jumppad:
0x0: {  	(pc) =	sbr.rel $0x88, $3  }
0x1: {  	(tag) =	ssettag $0x0;
	lr =	simm.s32 $0x1  }
0x2: {  	[smem:$0x3F93] =	sst lr;
	_ =	strace $0xD0000000  }
0x3: {  	_ = 	snop  }
0x4: {  	_ = 	snop  }
0x5: {  	_ = 	snop  }
0x6: {  	_ = 	snop  }
0x7: {  	_ = 	snop  }
__scs_overlays_trampoline_lowered:
0x8: {  	[smem:$0x3FA2] =	sst s0  }
0x9: {  	[smem:$0x3FA3] =	sst s1  }
0xa: {  	[smem:$0x3FA4] =	sst s2  }
0xb: {  	[smem:$0x3FA5] =	sst s3  }
0xc: {  	[smem:$0x3FA6] =	sst s4  }
0xd: {  	[smem:$0x3FA7] =	sst s5  }
0xe: {  	[smem:$0x3FA8] =	sst s6  }
0xf: {  	[smem:$0x3FA9] =	sst s7  }
0x10: {  	[smem:$0x3FAA] =	sst s8  }
0x11: {  	[smem:$0x3FAB] =	sst s9;
	s0 =	simm.s32 @!p0 $0x0  }
0x12: {  	s1 =	sld [smem:$0x3F91];
	s0 =	simm.s32 @p0 $0x1  }
0x13: {  	[smem:$0x3FAC] =	sst s0;
	s0 =	simm.s32 @!p1 $0x0  }
0x14: {  	s2 =	sld [smem:$0x3F90];
	s0 =	simm.s32 @p1 $0x1  }
0x15: {  	[smem:$0x3FAD] =	sst s0;
	s0 =	simm.s32 @!p2 $0x0  }
0x16: {  	s3 =	sld [smem:$0x3FDB];
	s0 =	simm.s32 @p2 $0x1  }
0x17: {  	s4 =	simm.s32 $0x1BF5;
	[smem:$0x3FAF] =	sst s0  }
0x18: {  	s0 =	sld [smem:$0x3F92];
	_ =	swait.ge [sflag:s4], $0x0  }
0x19: {  	s7 =	sld [smem:$0x3F93]  }
0x1a: {  	s8 =	sadd.s32 $0xFFFFE003, lr  }
0x1b: {  	s9 =	sadd.s32 $0xFFFFFEF7, lr;
	s5 =	simm.s32 $0xFFFFFFFF;
	p2 =	slt.u32 s8, $0xFFFFF086  }
0x1c: {  	p1 =	slt.u32 s9, $0xF7A;
	s5 =	simm.s32 @!p2 $0x0  }
0x1d: {  	s5 =	simm.s32 @p1 $0x1;
	p0 =	seq.s32 s7, s2  }
0x1e: {  	s7 =	smul.u32 @!p0 $0xF7A, s2;
	p2 =	seq.s32 @!p0 s5, $0x0  }
0x1f: {  	s9 =	smul.u32 $0xF7A, s1;
	s8 =	simm.s32 @!p0 $0x1BF5;
	p2 =	por !p2, p0  }
0x20: {  	[sflag:s8] =	ssyncset.s32 @!p0 $0xFFFFF086;
	s6 =	sadd.s32 @!p0 s3, s7;
	s7 =	simm.s32 @!p0 $0x108  }
0x21: {  	s3 =	sadd.s32 s3, s9;
	s6 =	sadd.s32 @!p0 $0x88, s6;
	s7 =	simm.s32 @p2 $0x1082  }
0x22: {  	[simem:s7], [sflag:s8] =	dma.local @!p0 [hbm:s6], $0xF7A  }
0x23: {  	s9 =	sor.u32 $0xD0000000, s2;
	s6 =	simm.s32 $0x108;
	_ =	swait.ge @!p0 [sflag:s8], $0x0  }
0x24: {  	s3 =	sadd.s32 $0x88, s3;
	s6 =	simm.s32 @!p1 $0x1082;
	[sflag:s4] =	ssyncset.s32 $0xFFFFF086  }
0x25: {  	[simem:s6], [sflag:s4] =	dma.local [hbm:s3], $0xF7A  }
0x26: {  	[smem:$0x3F93] =	sst s1;
	(tag) =	ssettag s2;
	_ =	strace s9  }
0x27: {  	s1 =	sld [smem:$0x3FA3]  }
0x28: {  	s2 =	sld [smem:$0x3FA4]  }
0x29: {  	s4 =	sld [smem:$0x3FA6]  }
0x2a: {  	p0 =	seq.s32 s5, $0x0;
	s5 =	sld [smem:$0x3FA7]  }
0x2b: {  	s6 =	sld [smem:$0x3FA8]  }
0x2c: {  	s7 =	sld [smem:$0x3FA9]  }
0x2d: {  	s3 =	simm.s32 $0x108;
	s8 =	sld [smem:$0x3FAA]  }
0x2e: {  	s3 =	simm.s32 @!p0 $0x1082;
	s9 =	sld [smem:$0x3FAB]  }
0x2f: {  	lr =	sadd.s32 s0, s3;
	s0 =	sld [smem:$0x3FA2]  }
0x30: {  	s3 =	sld [smem:$0x3FA5]  }
0x31: {  	[smem:$0x3FAE] =	sst s10  }
0x32: {  	s10 =	sld [smem:$0x3FAC];
	_ =	sdelay $0x3  }
0x33: {  	p0 =	seq.s32 s10, $0x1;
	s10 =	sld [smem:$0x3FAE];
	_ =	sdelay $0x3  }
0x34: {  	[smem:$0x3FAE] =	sst s10  }
0x35: {  	s10 =	sld [smem:$0x3FAD];
	_ =	sdelay $0x3  }
0x36: {  	p1 =	seq.s32 s10, $0x1;
	s10 =	sld [smem:$0x3FAE];
	_ =	sdelay $0x3  }
0x37: {  	[smem:$0x3FAE] =	sst s10  }
0x38: {  	s10 =	sld [smem:$0x3FAF]  }
0x39: {  	_ = 	snop;
	(pc) =	sbr.ind lr, $3  }
0x3a: {  	_ = 	snop  }
0x3b: {  	_ = 	snop  }
0x3c: {  	p2 =	seq.s32 s10, $0x1;
	s10 =	sld [smem:$0x3FAE]  }
0x3d: {  	_ =	shalt  }
0x3e: {  	_ =	shalt  }
0x3f: {  	_ =	shalt  }
0x40: {  	_ =	shalt  }
0x41: {  	_ =	shalt  }
0x42: {  	_ =	shalt  }
0x43: {  	_ =	shalt  }
0x44: {  	_ =	shalt  }
0x45: {  	_ =	shalt  }
0x46: {  	_ =	shalt  }
0x47: {  	_ =	shalt  }
0x48: {  	_ =	shalt  }
0x49: {  	_ =	shalt  }
0x4a: {  	_ =	shalt  }
0x4b: {  	_ =	shalt  }
0x4c: {  	_ =	shalt  }
0x4d: {  	_ =	shalt  }
0x4e: {  	_ =	shalt  }
0x4f: {  	_ =	shalt  }
0x50: {  	_ =	shalt  }
0x51: {  	_ =	shalt  }
0x52: {  	_ =	shalt  }
0x53: {  	_ =	shalt  }
0x54: {  	_ =	shalt  }
0x55: {  	_ =	shalt  }
0x56: {  	_ =	shalt  }
0x57: {  	_ =	shalt  }
0x58: {  	_ =	shalt  }
0x59: {  	_ =	shalt  }
0x5a: {  	_ =	shalt  }
0x5b: {  	_ =	shalt  }
0x5c: {  	_ =	shalt  }
0x5d: {  	_ =	shalt  }
0x5e: {  	_ =	shalt  }
0x5f: {  	_ =	shalt  }
0x60: {  	_ =	shalt  }
0x61: {  	_ =	shalt  }
0x62: {  	_ =	shalt  }
0x63: {  	_ =	shalt  }
0x64: {  	_ =	shalt  }
0x65: {  	_ =	shalt  }
0x66: {  	_ =	shalt  }
0x67: {  	_ =	shalt  }
0x68: {  	_ =	shalt  }
0x69: {  	_ =	shalt  }
0x6a: {  	_ =	shalt  }
0x6b: {  	_ =	shalt  }
0x6c: {  	_ =	shalt  }
0x6d: {  	_ =	shalt  }
0x6e: {  	_ =	shalt  }
0x6f: {  	_ =	shalt  }
0x70: {  	_ =	shalt  }
0x71: {  	_ =	shalt  }
0x72: {  	_ =	shalt  }
0x73: {  	_ =	shalt  }
0x74: {  	_ =	shalt  }
0x75: {  	_ =	shalt  }
0x76: {  	_ =	shalt  }
0x77: {  	_ =	shalt  }
0x78: {  	_ =	shalt  }
0x79: {  	_ =	shalt  }
0x7a: {  	_ =	shalt  }
0x7b: {  	_ =	shalt  }
0x7c: {  	_ =	shalt  }
0x7d: {  	_ =	shalt  }
0x7e: {  	_ =	shalt  }
0x7f: {  	_ =	shalt  }
0x80: {  	_ =	shalt  }
0x81: {  	_ =	shalt  }
0x82: {  	_ =	shalt  }
0x83: {  	_ =	shalt  }
0x84: {  	_ =	shalt  }
0x85: {  	_ =	shalt  }
0x86: {  	_ =	shalt  }
0x87: {  	_ =	shalt  }
.Lfunc_end0:
.L_simem_size_0:
called_computation_lowered:
.L_overlay_start_0:
0x88: {  	s2 =	sld [smem:$0x3FD9]  }
0x89: {  	s3 =	sld [smem:$0x3FFE];
	_ =	sdelay $0x1  }
0x8a: {  	s1 =	srdreg.scid  }
0x8b: {  	s0 =	sand.u32 $0x1, s1  }
0x8c: {  	s16 =	sshll.u32 s0, $0xA;
	s2 =	sadd.s32 s3, s2  }
0x8d: {  	s2 =	sadd.s32 s2, s16  }
0x8e: {  	[smem:$0x3FBA] =	sst s2  }
0x8f: {  	_ = 	snop  }
0x90: {  	(tm) =	ssettm $0x1  }
0x91: {  	s17 =	sld [smem:$0x3FFB];
	_ =	sdelay $0x3  }
0x92: {  	_ =	strace s17  }
0x93: {  	s2 =	sld [smem:$0x3FFC];
	_ =	sdelay $0x3  }
0x94: {  	_ =	strace s2  }
0x95: {  	s2 =	sld [smem:$0x3FFD];
	_ =	sdelay $0x3  }
0x96: {  	_ =	strace s2  }
0x97: {  	_ =	strace $0x8FFFFFFF  }
0x98: {  	s18 =	sld [smem:$0x3FDB];
	_ =	sdelay $0x1  }
0x99: {  	s19 =	simm.s32 $_scs_section_size  }
0x9a: {  	s4 =	simm.s32 $_size__tile_overlayer_lowered;
	s5 =	simm.s32 $_tile_overlayer_lowered  }
0x9b: {  	s22 =	simm.s32 $0x1BFF;
	s21 =	sshll.u32 s5, $0x1;
	s2 =	sadd.s32 s19, s18  }
0x9c: {  	s6 =	simm.s32 $0x0;
	s20 =	sshll.u32 s4, $0x1;
	s4 =	sadd.s32 s21, s2  }
0x9d: {  	[timem:s6], [sflag:s22] =	dma.local [hbm:s4], s20  }
0x9e: {  	_ =	swait.ge [sflag:s22], s20  }
0x9f: {  	s3 =	ssub.s32 $0x0, s20;
	[sflag:s22] =	ssyncset.done $0x0  }
0xa0: {  	[sflag:s22] =	ssyncadd.s32 s3;
	_ =	sdelay $0x1  }
0xa1: {  	s23 =	simm.s32 $0x1B8B  }
0xa2: {  	_ =	swait.ge [sflag:s23], $0x1  }
0xa3: {  	[sflag:s23] =	ssyncset.done $0x0  }
0xa4: {  	s25 =	simm.s32 $0x1B8E;
	s24 =	sld [smem:$0x3FFE];
	[sflag:s23] =	ssyncadd.s32 $0xFFFFFFFF  }
0xa5: {  	s26 =	simm.s32 $execute0_lowered;
	[smem:$0x3FD2] =	sst s25  }
0xa6: {  	s4 =	sshll.u32 s26, $0x1;
	_ =	strace $0x80000046;
	[dreg:$0x1] =	wrdreg $0xFFFFFFFF  }
0xa7: {  	s28 =	simm.s32 $_size_execute0_lowered;
	s2 =	sadd.s32 s2, s4;
	[dreg:$0x0] =	wrdreg $0x0  }
0xa8: {  	s4 =	sshll.u32 s28, $0x1;
	[dreg:$0x2] =	wrdreg s2  }
0xa9: {  	[dreg:$0x3] =	wrdreg s4  }
0xaa: {  	[dreg:$0x4] =	wrdreg $0xC0  }
0xab: {  	_ =	task [dreg:s6], $0x5FFFF  }
0xac: {  	[dreg:$0x1] =	wrdreg $0xFFFFFFFF  }
0xad: {  	[dreg:$0x0] =	wrdreg $0x60  }
0xae: {  	[dreg:$0x2] =	wrdreg s24  }
0xaf: {  	[dreg:$0x3] =	wrdreg $0x7A000  }
0xb0: {  	[dreg:$0x4] =	wrdreg $0x9  }
0xb1: {  	_ =	task.clear_ibuf [dreg:s6], $0x5FFFF;
	_ =	strace $0x90000046  }
0xb2: {  	s29 =	simm.s32 $0x9;
	_ =	strace $0x80000048  }
0xb3: {  	_ =	swait.ge [sflag:s29], $0x1  }
0xb4: {  	[sflag:s29] =	ssyncadd.s32 $0xFFFFFFFF  }
0xb5: {  	_ =	strace $0x90000048  }
0xb6: {  	_ =	sfence  }
0xb7: {  	s30 =	sld [smem:$0x0];
	_ =	sdelay $0x2  }
0xb8: {  	s31 =	sshll.u32 s1, $0xD;
	s1 =	sshrl.u32 s1, $0x2  }
0xb9: {  	s3 =	sand.u32 $0x4000, s31;
	s1 =	sadd.s32 s1, s30  }
0xba: {  	s0 =	sor.u32 s3, s0;
	s1 =	sshll.u32 s1, $0x11  }
0xbb: {  	s0 =	sor.u32 s1, s0  }
0xbc: {  	s0 =	sadd.s32 $0x8F2B, s0  }
0xbd: {  	[sflag:s0] =	ssyncadd.remote.s32 $0x1  }
0xbe: {  	_ =	sfence.sel $0xFFFF  }
0xbf: {  	[dreg:$0x0] =	wrdreg $0xFFFFFFFF;
	(pc) =	sbr.abs _section_cstart, $3  }
0xc0: {  	[dreg:$0x1] =	wrdreg $0xFFFFFFFF  }
0xc1: {  	_ =	task.clear_ibuf [dreg:s6], $0x2FFFF;
	_ =	strace $0x9FFFFFFF  }
0xc2: {  	(tm) =	ssettm $0x7FFFFFFF  }
0xc3: {  	_ =	shalt  }
tec
execute0_lowered:
.L_overlay_start_1:
0x0: {  	(tag) =	ssettag $0x1  }
0x1: {  	s0 =	srdreg.scid;
	s6 =	rddreg [dreg:$0x0]  }
0x2: {  	s26 =	stileid.u32;
	s2 =	rddreg [dreg:$0x1]  }
0x3: {  	s20 =	simm.s32 $0x7000;
	s21 =	simm.s32 $0x100;
	s22 =	simm.s32 $0x5000  }
0x4: {  	s23 =	simm.s32 $0x6000;
	s24 =	simm.s32 $0x1;
	s25 =	simm.s32 $0x2  }
0x5: {  	s28 =	simm.s32 $0x4E00;
	s29 =	simm.s32 $0x4F00;
	s30 =	simm.s32 $0x0  }
0x6: {  	s1 =	sand.u32 $0x1, s0;
	s5 =	sadd.s32 $0x1CA00, s6;
	s12 =	smul.u32 $0x2800, s26  }
0x7: {  	s17 =	sadd.s32 $0x1CC00, s6;
	s10 =	smul.u32 $0xA000, s26;
	s3 =	sshll.u32 s1, $0x4  }
0x8: {  	s8 =	ssub.s32 $0x2, s1;
	s1 =	smul.u32 $0x28000, s1;
	s4 =	sor.u32 s26, s3  }
0x9: {  	s3 =	simm.s32 $0x0;
	s31 =	sshrl.u32 s8, $0x1;
	s10 =	sshrl.u32 s10, $0x2  }
0xa: {  	s15 =	sadd.s32 $0xA00, s12;
	s16 =	sadd.s32 $0x1400, s12;
	s18 =	sadd.s32 $0x1E00, s12  }
0xb: {  	s4 =	smul.u32 $0x500, s4;
	[smem:$0x7FF] =	sst s3;
	s9 =	ssub.s32 s8, s31  }
0xc: {  	s8 =	sadd.s32 s12, s2;
	s10 =	sadd.s32 s10, s2;
	s11 =	sadd.s32 s15, s2  }
0xd: {  	s13 =	sadd.s32 s1, s12;
	s12 =	sadd.s32 s16, s2;
	s15 =	sadd.s32 s1, s15  }
0xe: {  	s16 =	sadd.s32 s1, s16;
	s1 =	sadd.s32 s1, s18;
	_ =	strace $0x80000047  }
0xf: {  	s9 =	smax.u32 s9, $0x1;
	s14 =	sshrl.u32 s13, $0x3;
	s13 =	sadd.s32 s18, s2  }
0x10: {  	s15 =	sshrl.u32 s15, $0x3;
	s16 =	sshrl.u32 s16, $0x3;
	s1 =	sshrl.u32 s1, $0x3  }
0x11: {  	s18 =	simm.s32 $0x3;
	s7 =	sadd.s32 s4, s6;
	s4 =	sadd.s32 $0x17A00, s6  }
0x12: {  	s14 =	sadd.s32 s17, s14;
	s15 =	sadd.s32 s17, s15;
	s16 =	sadd.s32 s17, s16  }
0x13: {  	s17 =	sadd.s32 s17, s1;
	s6 =	sadd.s32 $0xDA00, s7;
	s7 =	sadd.s32 $0x3A00, s7  }
.LBB2_1:
0x14: {  	[tilespmem:s3], [sflag:$0x3] =	stream.linear.gather [hbm4b:s6+s3], $0x2800, $0x38;
	[tilespmem:$0xA200] =	vst v63  }
0x15: {  	_ =	swait.ge [sflag:s18], $0x2800  }
0x16: {  	[sflag:s18] =	ssyncset.done $0x0  }
0x17: {  	s0 =	simm.s32 $0x2800;
	[sflag:s18] =	ssyncadd.s32 $0xFFFFD800  }
0x18: {  	[tilespmem:s0], [sflag:$0x3] =	stream.linear.gather [hbm4b:s7+s3], $0x2800, $0x38;
	[tilespmem:$0xA200] =	vst v63  }
0x19: {  	_ =	swait.ge [sflag:s18], $0x2800  }
0x1a: {  	[sflag:s18] =	ssyncset.done $0x0  }
0x1b: {  	[sflag:s18] =	ssyncadd.s32 $0xFFFFD800  }
0x1c: {  	[tilespmem:s20], [sflag:$0x3] =	stream.linear.gather [hbm4b:s5+s3], $0xA00, $0x38;
	[tilespmem:$0xA200] =	vst v63  }
0x1d: {  	_ =	swait.ge [sflag:s18], $0xA00  }
0x1e: {  	[sflag:s18] =	ssyncset.done $0x0  }
0x1f: {  	[sflag:s18] =	ssyncadd.s32 $0xFFFFF600  }
0x20: {  	[spmem:s10] =	stream.linear.scatter [tilespmem:s20], [sflag:$0x3], $0xA00, $0x38;
	[tilespmem:$0xA200] =	vst v63  }
0x21: {  	_ =	swait.ge [sflag:s18], $0xA00  }
0x22: {  	[sflag:s18] =	ssyncset.done $0x0  }
0x23: {  	[sflag:s18] =	ssyncadd.s32 $0xFFFFF600  }
0x24: {  	[spmem:s11] =	stream.linear.scatter [tilespmem:s20], [sflag:$0x3], $0xA00, $0x38;
	[tilespmem:$0xA200] =	vst v63  }
0x25: {  	_ =	swait.ge [sflag:s18], $0xA00  }
0x26: {  	[sflag:s18] =	ssyncset.done $0x0  }
0x27: {  	[sflag:s18] =	ssyncadd.s32 $0xFFFFF600  }
0x28: {  	[spmem:s12] =	stream.linear.scatter [tilespmem:s20], [sflag:$0x3], $0xA00, $0x38;
	[tilespmem:$0xA200] =	vst v63  }
0x29: {  	_ =	swait.ge [sflag:s18], $0xA00  }
0x2a: {  	[sflag:s18] =	ssyncset.done $0x0  }
0x2b: {  	[sflag:s18] =	ssyncadd.s32 $0xFFFFF600  }
0x2c: {  	[spmem:s13] =	stream.linear.scatter [tilespmem:s20], [sflag:$0x3], $0xA00, $0x38;
	[tilespmem:$0xA200] =	vst v63  }
0x2d: {  	_ =	swait.ge [sflag:s18], $0xA00  }
0x2e: {  	[sflag:s18] =	ssyncset.done $0x0  }
0x2f: {  	[sflag:s18] =	ssyncadd.s32 $0xFFFFF600  }
0x30: {  	[bflag:$0x0] =	sbarrier.arrive $0xFFFF  }
0x31: {  	[tilespmem:s22], [sflag:$0x1] =	stream.indirect.gather [hbm4b:s4+s21], $0x10, s3, s21, $0xb8;
	[tilespmem:$0xA200] =	vst v63  }
0x32: {  	s1 =	simm.s32 $0x100  }
0x33: {  	[tilespmem:s23], [sflag:$0x2] =	stream.indirect.gather [hbm4b:s4+s21], $0x10, s1, s21, $0xb8;
	[tilespmem:$0xA200] =	vst v63  }
0x34: {  	_ =	swait.ge [sflag:s24], $0x1000  }
0x35: {  	[sflag:s24] =	ssyncset.done $0x0  }
0x36: {  	s0 =	simm.s32 $0x2800;
	[sflag:s24] =	ssyncadd.s32 $0xFFFFF000  }
0x37: {  	[spmem:s2] =	stream.indirect.scatter.add.f32 [tilespmem:s22], [sflag:$0x3], $0x10, s0, s21, $0xb8;
	[tilespmem:$0xA200] =	vst v63  }
0x38: {  	_ =	swait.ge [sflag:s18], $0x1000  }
0x39: {  	[sflag:s18] =	ssyncset.done $0x0  }
0x3a: {  	s19 =	simm.s32 $0x200;
	[sflag:s18] =	ssyncadd.s32 $0xFFFFF000  }
0x3b: {  	[tilespmem:s22], [sflag:$0x1] =	stream.indirect.gather [hbm4b:s4+s21], $0x10, s19, s21, $0xb8;
	[tilespmem:$0xA200] =	vst v63  }
0x3c: {  	_ =	swait.ge [sflag:s25], $0x1000  }
0x3d: {  	[sflag:s25] =	ssyncset.done $0x0  }
0x3e: {  	s26 =	simm.s32 $0x2900;
	[sflag:s25] =	ssyncadd.s32 $0xFFFFF000  }
0x3f: {  	[spmem:s2] =	stream.indirect.scatter.add.f32 [tilespmem:s23], [sflag:$0x3], $0x10, s26, s21, $0xb8;
	[tilespmem:$0xA200] =	vst v63  }
0x40: {  	_ =	swait.ge [sflag:s18], $0x1000  }
0x41: {  	s31 =	simm.s32 $0x200;
	s1 =	simm.s32 $0x1000;
	[sflag:s18] =	ssyncset.done $0x0  }
.LBB2_2:
0x42: {  	s0 =	sadd.s32 $0x100, s31  }
0x43: {  	[sflag:s18] =	ssyncadd.s32 $0xFFFFF000;
	s19 =	smov.u32 s1;
	s26 =	sadd.s32 $0x800, s1  }
0x44: {  	[tilespmem:s23], [sflag:$0x2] =	stream.indirect.gather [hbm4b:s4+s21], $0x10, s0, s21, $0xb8;
	[tilespmem:$0xA200] =	vst v63  }
0x45: {  	p0 =	sne.s32 s1, $0x9000;
	_ =	swait.ge [sflag:s24], $0x1000  }
0x46: {  	[sflag:s24] =	ssyncset.done $0x0  }
0x47: {  	s0 =	sadd.s32 $0x2800, s31;
	[sflag:s24] =	ssyncadd.s32 $0xFFFFF000  }
0x48: {  	[spmem:s2] =	stream.indirect.scatter.add.f32 [tilespmem:s22], [sflag:$0x3], $0x10, s0, s21, $0xb8;
	[tilespmem:$0xA200] =	vst v63  }
0x49: {  	_ =	swait.ge [sflag:s18], $0x1000  }
0x4a: {  	[sflag:s18] =	ssyncset.done $0x0  }
0x4b: {  	s0 =	sadd.s32 $0x200, s31;
	[sflag:s18] =	ssyncadd.s32 $0xFFFFF000  }
0x4c: {  	[tilespmem:s22], [sflag:$0x1] =	stream.indirect.gather [hbm4b:s4+s21], $0x10, s0, s21, $0xb8;
	[tilespmem:$0xA200] =	vst v63  }
0x4d: {  	_ =	swait.ge [sflag:s25], $0x1000  }
.Ltmp0:
0x4e: {  	[sflag:s25] =	ssyncset.done $0x0;
	(pc) =	sbr.rel @p0 .LBB2_2-.Ltmp0, $4  }
0x4f: {  	s0 =	sadd.s32 $0x2900, s31;
	[sflag:s25] =	ssyncadd.s32 $0xFFFFF000  }
0x50: {  	[spmem:s2] =	stream.indirect.scatter.add.f32 [tilespmem:s23], [sflag:$0x3], $0x10, s0, s21, $0xb8;
	[tilespmem:$0xA200] =	vst v63  }
0x51: {  	_ =	swait.ge [sflag:s18], $0x1000  }
0x52: {  	s1 =	smov.u32 s26;
	s31 =	sshra.s32 s19, $0x2;
	[sflag:s18] =	ssyncset.done $0x0  }
0x53: {  	s0 =	sadd.s32 $0x100, s31;
	[sflag:s18] =	ssyncadd.s32 $0xFFFFF000  }
0x54: {  	[tilespmem:s23], [sflag:$0x2] =	stream.indirect.gather [hbm4b:s4+s21], $0x10, s0, s21, $0xb8;
	[tilespmem:$0xA200] =	vst v63  }
0x55: {  	_ =	swait.ge [sflag:s24], $0x1000  }
0x56: {  	[sflag:s24] =	ssyncset.done $0x0  }
0x57: {  	s1 =	sadd.s32 $0x2800, s31;
	[sflag:s24] =	ssyncadd.s32 $0xFFFFF000  }
0x58: {  	[spmem:s2] =	stream.indirect.scatter.add.f32 [tilespmem:s22], [sflag:$0x3], $0x10, s1, s21, $0xb8;
	[tilespmem:$0xA200] =	vst v63  }
0x59: {  	_ =	swait.ge [sflag:s18], $0x1000  }
0x5a: {  	[sflag:s18] =	ssyncset.done $0x0  }
0x5b: {  	s19 =	sadd.s32 $0x200, s31;
	[sflag:s18] =	ssyncadd.s32 $0xFFFFF000  }
0x5c: {  	[tilespmem:s22], [sflag:$0x1] =	stream.indirect.gather [hbm4b:s4+s21], $0x10, s19, s21, $0xb8;
	[tilespmem:$0xA200] =	vst v63  }
0x5d: {  	_ =	swait.ge [sflag:s25], $0x1000  }
0x5e: {  	[sflag:s25] =	ssyncset.done $0x0  }
0x5f: {  	s26 =	sadd.s32 $0x2900, s31;
	[sflag:s25] =	ssyncadd.s32 $0xFFFFF000  }
0x60: {  	[spmem:s2] =	stream.indirect.scatter.add.f32 [tilespmem:s23], [sflag:$0x3], $0x10, s26, s21, $0xb8;
	[tilespmem:$0xA200] =	vst v63  }
0x61: {  	_ =	swait.ge [sflag:s18], $0x1000  }
0x62: {  	[sflag:s18] =	ssyncset.done $0x0  }
0x63: {  	s31 =	simm.s32 $0x2700;
	[sflag:s18] =	ssyncadd.s32 $0xFFFFF000  }
0x64: {  	[tilespmem:s23], [sflag:$0x2] =	stream.indirect.gather [hbm4b:s4+s21], $0x10, s31, s21, $0xb8;
	[tilespmem:$0xA200] =	vst v63  }
0x65: {  	_ =	swait.ge [sflag:s24], $0x1000  }
0x66: {  	[sflag:s24] =	ssyncset.done $0x0  }
0x67: {  	[sflag:s24] =	ssyncadd.s32 $0xFFFFF000  }
0x68: {  	[spmem:s2] =	stream.indirect.scatter.add.f32 [tilespmem:s22], [sflag:$0x3], $0x10, s28, s21, $0xb8;
	[tilespmem:$0xA200] =	vst v63  }
0x69: {  	_ =	swait.ge [sflag:s18], $0x1000  }
0x6a: {  	[sflag:s18] =	ssyncset.done $0x0  }
0x6b: {  	[sflag:s18] =	ssyncadd.s32 $0xFFFFF000  }
0x6c: {  	_ =	swait.ge [sflag:s25], $0x1000  }
0x6d: {  	[sflag:s25] =	ssyncset.done $0x0  }
0x6e: {  	[sflag:s25] =	ssyncadd.s32 $0xFFFFF000  }
0x6f: {  	[spmem:s2] =	stream.indirect.scatter.add.f32 [tilespmem:s23], [sflag:$0x3], $0x10, s29, s21, $0xb8;
	[tilespmem:$0xA200] =	vst v63  }
0x70: {  	_ =	swait.ge [sflag:s18], $0x1000  }
0x71: {  	[sflag:s18] =	ssyncset.done $0x0  }
0x72: {  	[sflag:s18] =	ssyncadd.s32 $0xFFFFF000  }
0x73: {  	[bflag:$0x0] =	sbarrier.arrive $0xFFFF  }
0x74: {  	[tilespmem:s20], [sflag:$0x3] =	stream.linear.gather [spmem:s8], $0xA00, $0x38;
	[tilespmem:$0xA200] =	vst v63  }
0x75: {  	_ =	swait.ge [sflag:s18], $0xA00  }
0x76: {  	[sflag:s18] =	ssyncset.done $0x0  }
0x77: {  	[sflag:s18] =	ssyncadd.s32 $0xFFFFF600  }
0x78: {  	[hbm4b:s14+s3] =	stream.linear.scatter [tilespmem:s20], [sflag:$0x3], $0xA00, $0x38;
	[tilespmem:$0xA200] =	vst v63  }
0x79: {  	_ =	swait.ge [sflag:s18], $0xA00  }
0x7a: {  	[sflag:s18] =	ssyncset.done $0x0  }
0x7b: {  	[sflag:s18] =	ssyncadd.s32 $0xFFFFF600  }
0x7c: {  	[tilespmem:s20], [sflag:$0x3] =	stream.linear.gather [spmem:s11], $0xA00, $0x38;
	[tilespmem:$0xA200] =	vst v63  }
0x7d: {  	_ =	swait.ge [sflag:s18], $0xA00  }
0x7e: {  	[sflag:s18] =	ssyncset.done $0x0  }
0x7f: {  	[sflag:s18] =	ssyncadd.s32 $0xFFFFF600  }
0x80: {  	[hbm4b:s15+s3] =	stream.linear.scatter [tilespmem:s20], [sflag:$0x3], $0xA00, $0x38;
	[tilespmem:$0xA200] =	vst v63  }
0x81: {  	_ =	swait.ge [sflag:s18], $0xA00  }
0x82: {  	[sflag:s18] =	ssyncset.done $0x0  }
0x83: {  	[sflag:s18] =	ssyncadd.s32 $0xFFFFF600  }
0x84: {  	[tilespmem:s20], [sflag:$0x3] =	stream.linear.gather [spmem:s12], $0xA00, $0x38;
	[tilespmem:$0xA200] =	vst v63  }
0x85: {  	_ =	swait.ge [sflag:s18], $0xA00  }
0x86: {  	[sflag:s18] =	ssyncset.done $0x0  }
0x87: {  	[sflag:s18] =	ssyncadd.s32 $0xFFFFF600  }
0x88: {  	[hbm4b:s16+s3] =	stream.linear.scatter [tilespmem:s20], [sflag:$0x3], $0xA00, $0x38;
	[tilespmem:$0xA200] =	vst v63  }
0x89: {  	_ =	swait.ge [sflag:s18], $0xA00  }
0x8a: {  	[sflag:s18] =	ssyncset.done $0x0  }
0x8b: {  	[sflag:s18] =	ssyncadd.s32 $0xFFFFF600  }
0x8c: {  	[tilespmem:s20], [sflag:$0x3] =	stream.linear.gather [spmem:s13], $0xA00, $0x38;
	[tilespmem:$0xA200] =	vst v63  }
0x8d: {  	s30 =	sadd.s32 $0x1, s30;
	_ =	swait.ge [sflag:s18], $0xA00  }
0x8e: {  	p0 =	sne.s32 s30, s9;
	[sflag:s18] =	ssyncset.done $0x0  }
.Ltmp1:
0x8f: {  	[sflag:s18] =	ssyncadd.s32 $0xFFFFF600;
	(pc) =	sbr.rel @p0 .LBB2_1-.Ltmp1, $4  }
0x90: {  	[hbm4b:s17+s3] =	stream.linear.scatter [tilespmem:s20], [sflag:$0x3], $0xA00, $0x38;
	[tilespmem:$0xA200] =	vst v63  }
0x91: {  	_ =	swait.ge [sflag:s18], $0xA00  }
0x92: {  	[sflag:s18] =	ssyncset.done $0x0  }
0x93: {  	[sflag:s18] =	ssyncadd.s32 $0xFFFFF600  }
0x94: {  	_ =	sfence.sel $0x180000  }
0x95: {  	[bflag:$0x0] =	sbarrier.arrive $0xFFFF  }
0x96: {  	_ =	strace $0x90000047  }
0x97: {  	s0 =	stileid.u32;
	[bflag:$0x2] =	sbarrier.arrive $0xFFFF  }
0x98: {  	p0 =	sne.s32 s0, $0x0;
	s0 =	rddreg [dreg:$0x2]  }
0x99: {  	s0 =	sadd.s32 @!p0 $0x100000, s0  }
0x9a: {  	[sflag:s0] =	ssyncadd.tile.s32 @!p0 $0x1;
	_ =	shalt  }
.Lfunc_end2:
_tile_overlayer_lowered:
.L_overlay_start_2:
0x9b: {  	(tag) =	ssettag $0x2  }
0x9c: {  	s0 =	rddreg [dreg:$0x0];
	s2 =	stileid.u32  }
0x9d: {  	s1 =	rddreg [dreg:$0x1];
	p0 =	sne.s32 s2, $0x0  }
0x9e: {  	s3 =	rddreg [dreg:$0x2];
	[bflag:$0x3] =	sbarrier.arrive $0xFFFF;
	s2 =	simm.s32 @!p0 $0x1C03  }
0x9f: {  	[timem:s3], [sflag:s2] =	dma.local @!p0 [hbm:s0], s1  }
0xa0: {  	s0 =	simm.s32 @!p0 $0x3  }
0xa1: {  	_ =	swait.ge @!p0 [sflag:s0], s1  }
0xa2: {  	s1 =	ssub.s32 @!p0 $0x0, s1;
	[sflag:s0] =	ssyncset.done @!p0 $0x0  }
0xa3: {  	[sflag:s0] =	ssyncadd.s32 @!p0 s1  }
0xa4: {  	[bflag:$0x3] =	sbarrier.arrive $0xFFFF  }
0xa5: {  	_ =	shalt  }

// kernel: kernel.20.cloned.1.call-start
scs
__scs_entry_jumppad:
0x0: {  	(pc) =	sbr.rel $0x88, $3  }
0x1: {  	(tag) =	ssettag $0x0;
	lr =	simm.s32 $0x1  }
0x2: {  	[smem:$0x3F93] =	sst lr;
	_ =	strace $0xD0000000  }
0x3: {  	_ = 	snop  }
0x4: {  	_ = 	snop  }
0x5: {  	_ = 	snop  }
0x6: {  	_ = 	snop  }
0x7: {  	_ = 	snop  }
__scs_overlays_trampoline_lowered:
0x8: {  	[smem:$0x3FA2] =	sst s0  }
0x9: {  	[smem:$0x3FA3] =	sst s1  }
0xa: {  	[smem:$0x3FA4] =	sst s2  }
0xb: {  	[smem:$0x3FA5] =	sst s3  }
0xc: {  	[smem:$0x3FA6] =	sst s4  }
0xd: {  	[smem:$0x3FA7] =	sst s5  }
0xe: {  	[smem:$0x3FA8] =	sst s6  }
0xf: {  	[smem:$0x3FA9] =	sst s7  }
0x10: {  	[smem:$0x3FAA] =	sst s8  }
0x11: {  	[smem:$0x3FAB] =	sst s9;
	s0 =	simm.s32 @!p0 $0x0  }
0x12: {  	s1 =	sld [smem:$0x3F91];
	s0 =	simm.s32 @p0 $0x1  }
0x13: {  	[smem:$0x3FAC] =	sst s0;
	s0 =	simm.s32 @!p1 $0x0  }
0x14: {  	s2 =	sld [smem:$0x3F90];
	s0 =	simm.s32 @p1 $0x1  }
0x15: {  	[smem:$0x3FAD] =	sst s0;
	s0 =	simm.s32 @!p2 $0x0  }
0x16: {  	s3 =	sld [smem:$0x3FDB];
	s0 =	simm.s32 @p2 $0x1  }
0x17: {  	s4 =	simm.s32 $0x1BF5;
	[smem:$0x3FAF] =	sst s0  }
0x18: {  	s0 =	sld [smem:$0x3F92];
	_ =	swait.ge [sflag:s4], $0x0  }
0x19: {  	s7 =	sld [smem:$0x3F93]  }
0x1a: {  	s8 =	sadd.s32 $0xFFFFE003, lr  }
0x1b: {  	s9 =	sadd.s32 $0xFFFFFEF7, lr;
	s5 =	simm.s32 $0xFFFFFFFF;
	p2 =	slt.u32 s8, $0xFFFFF086  }
0x1c: {  	p1 =	slt.u32 s9, $0xF7A;
	s5 =	simm.s32 @!p2 $0x0  }
0x1d: {  	s5 =	simm.s32 @p1 $0x1;
	p0 =	seq.s32 s7, s2  }
0x1e: {  	s7 =	smul.u32 @!p0 $0xF7A, s2;
	p2 =	seq.s32 @!p0 s5, $0x0  }
0x1f: {  	s9 =	smul.u32 $0xF7A, s1;
	s8 =	simm.s32 @!p0 $0x1BF5;
	p2 =	por !p2, p0  }
0x20: {  	[sflag:s8] =	ssyncset.s32 @!p0 $0xFFFFF086;
	s6 =	sadd.s32 @!p0 s3, s7;
	s7 =	simm.s32 @!p0 $0x108  }
0x21: {  	s3 =	sadd.s32 s3, s9;
	s6 =	sadd.s32 @!p0 $0x88, s6;
	s7 =	simm.s32 @p2 $0x1082  }
0x22: {  	[simem:s7], [sflag:s8] =	dma.local @!p0 [hbm:s6], $0xF7A  }
0x23: {  	s9 =	sor.u32 $0xD0000000, s2;
	s6 =	simm.s32 $0x108;
	_ =	swait.ge @!p0 [sflag:s8], $0x0  }
0x24: {  	s3 =	sadd.s32 $0x88, s3;
	s6 =	simm.s32 @!p1 $0x1082;
	[sflag:s4] =	ssyncset.s32 $0xFFFFF086  }
0x25: {  	[simem:s6], [sflag:s4] =	dma.local [hbm:s3], $0xF7A  }
0x26: {  	[smem:$0x3F93] =	sst s1;
	(tag) =	ssettag s2;
	_ =	strace s9  }
0x27: {  	s1 =	sld [smem:$0x3FA3]  }
0x28: {  	s2 =	sld [smem:$0x3FA4]  }
0x29: {  	s4 =	sld [smem:$0x3FA6]  }
0x2a: {  	p0 =	seq.s32 s5, $0x0;
	s5 =	sld [smem:$0x3FA7]  }
0x2b: {  	s6 =	sld [smem:$0x3FA8]  }
0x2c: {  	s7 =	sld [smem:$0x3FA9]  }
0x2d: {  	s3 =	simm.s32 $0x108;
	s8 =	sld [smem:$0x3FAA]  }
0x2e: {  	s3 =	simm.s32 @!p0 $0x1082;
	s9 =	sld [smem:$0x3FAB]  }
0x2f: {  	lr =	sadd.s32 s0, s3;
	s0 =	sld [smem:$0x3FA2]  }
0x30: {  	s3 =	sld [smem:$0x3FA5]  }
0x31: {  	[smem:$0x3FAE] =	sst s10  }
0x32: {  	s10 =	sld [smem:$0x3FAC];
	_ =	sdelay $0x3  }
0x33: {  	p0 =	seq.s32 s10, $0x1;
	s10 =	sld [smem:$0x3FAE];
	_ =	sdelay $0x3  }
0x34: {  	[smem:$0x3FAE] =	sst s10  }
0x35: {  	s10 =	sld [smem:$0x3FAD];
	_ =	sdelay $0x3  }
0x36: {  	p1 =	seq.s32 s10, $0x1;
	s10 =	sld [smem:$0x3FAE];
	_ =	sdelay $0x3  }
0x37: {  	[smem:$0x3FAE] =	sst s10  }
0x38: {  	s10 =	sld [smem:$0x3FAF]  }
0x39: {  	_ = 	snop;
	(pc) =	sbr.ind lr, $3  }
0x3a: {  	_ = 	snop  }
0x3b: {  	_ = 	snop  }
0x3c: {  	p2 =	seq.s32 s10, $0x1;
	s10 =	sld [smem:$0x3FAE]  }
0x3d: {  	_ =	shalt  }
0x3e: {  	_ =	shalt  }
0x3f: {  	_ =	shalt  }
0x40: {  	_ =	shalt  }
0x41: {  	_ =	shalt  }
0x42: {  	_ =	shalt  }
0x43: {  	_ =	shalt  }
0x44: {  	_ =	shalt  }
0x45: {  	_ =	shalt  }
0x46: {  	_ =	shalt  }
0x47: {  	_ =	shalt  }
0x48: {  	_ =	shalt  }
0x49: {  	_ =	shalt  }
0x4a: {  	_ =	shalt  }
0x4b: {  	_ =	shalt  }
0x4c: {  	_ =	shalt  }
0x4d: {  	_ =	shalt  }
0x4e: {  	_ =	shalt  }
0x4f: {  	_ =	shalt  }
0x50: {  	_ =	shalt  }
0x51: {  	_ =	shalt  }
0x52: {  	_ =	shalt  }
0x53: {  	_ =	shalt  }
0x54: {  	_ =	shalt  }
0x55: {  	_ =	shalt  }
0x56: {  	_ =	shalt  }
0x57: {  	_ =	shalt  }
0x58: {  	_ =	shalt  }
0x59: {  	_ =	shalt  }
0x5a: {  	_ =	shalt  }
0x5b: {  	_ =	shalt  }
0x5c: {  	_ =	shalt  }
0x5d: {  	_ =	shalt  }
0x5e: {  	_ =	shalt  }
0x5f: {  	_ =	shalt  }
0x60: {  	_ =	shalt  }
0x61: {  	_ =	shalt  }
0x62: {  	_ =	shalt  }
0x63: {  	_ =	shalt  }
0x64: {  	_ =	shalt  }
0x65: {  	_ =	shalt  }
0x66: {  	_ =	shalt  }
0x67: {  	_ =	shalt  }
0x68: {  	_ =	shalt  }
0x69: {  	_ =	shalt  }
0x6a: {  	_ =	shalt  }
0x6b: {  	_ =	shalt  }
0x6c: {  	_ =	shalt  }
0x6d: {  	_ =	shalt  }
0x6e: {  	_ =	shalt  }
0x6f: {  	_ =	shalt  }
0x70: {  	_ =	shalt  }
0x71: {  	_ =	shalt  }
0x72: {  	_ =	shalt  }
0x73: {  	_ =	shalt  }
0x74: {  	_ =	shalt  }
0x75: {  	_ =	shalt  }
0x76: {  	_ =	shalt  }
0x77: {  	_ =	shalt  }
0x78: {  	_ =	shalt  }
0x79: {  	_ =	shalt  }
0x7a: {  	_ =	shalt  }
0x7b: {  	_ =	shalt  }
0x7c: {  	_ =	shalt  }
0x7d: {  	_ =	shalt  }
0x7e: {  	_ =	shalt  }
0x7f: {  	_ =	shalt  }
0x80: {  	_ =	shalt  }
0x81: {  	_ =	shalt  }
0x82: {  	_ =	shalt  }
0x83: {  	_ =	shalt  }
0x84: {  	_ =	shalt  }
0x85: {  	_ =	shalt  }
0x86: {  	_ =	shalt  }
0x87: {  	_ =	shalt  }
.Lfunc_end0:
.L_simem_size_0:
called_computation.1_lowered:
.L_overlay_start_0:
0x88: {  	s2 =	sld [smem:$0x3FD9]  }
0x89: {  	s3 =	sld [smem:$0x3FFE];
	_ =	sdelay $0x1  }
0x8a: {  	s1 =	srdreg.scid  }
0x8b: {  	s0 =	sand.u32 $0x1, s1  }
0x8c: {  	s17 =	sshll.u32 s0, $0xA;
	s2 =	sadd.s32 s3, s2  }
0x8d: {  	s2 =	sadd.s32 s2, s17  }
0x8e: {  	[smem:$0x3FBA] =	sst s2  }
0x8f: {  	_ = 	snop  }
0x90: {  	s2 =	sld [smem:$0x3FD0];
	(tm) =	ssettm $0x1  }
0x91: {  	s18 =	sld [smem:$0x3FFB];
	_ =	sdelay $0x3  }
0x92: {  	_ =	strace s18  }
0x93: {  	s3 =	sld [smem:$0x3FFC];
	_ =	sdelay $0x3  }
0x94: {  	_ =	strace s3  }
0x95: {  	s3 =	sld [smem:$0x3FFD];
	_ =	sdelay $0x3  }
0x96: {  	_ =	strace s3  }
0x97: {  	_ =	strace $0x8FFFFFFF  }
0x98: {  	s19 =	sld [smem:$0x3FDB];
	_ =	sdelay $0x1  }
0x99: {  	s4 =	simm.s32 $_scs_section_size  }
0x9a: {  	s5 =	simm.s32 $_size__tile_overlayer_lowered;
	s6 =	simm.s32 $_tile_overlayer_lowered  }
0x9b: {  	s22 =	simm.s32 $0x1BFF;
	s21 =	sshll.u32 s6, $0x1;
	s3 =	sadd.s32 s4, s19  }
0x9c: {  	s7 =	simm.s32 $0x0;
	s20 =	sshll.u32 s5, $0x1;
	s5 =	sadd.s32 s21, s3  }
0x9d: {  	[timem:s7], [sflag:s22] =	dma.local [hbm:s5], s20  }
0x9e: {  	_ =	swait.ge [sflag:s22], s20  }
0x9f: {  	s4 =	ssub.s32 $0x0, s20;
	[sflag:s22] =	ssyncset.done $0x0  }
0xa0: {  	[sflag:s22] =	ssyncadd.s32 s4;
	_ =	sdelay $0x1  }
0xa1: {  	s23 =	simm.s32 $0x1B8B  }
0xa2: {  	_ =	swait.ge [sflag:s23], $0x1  }
0xa3: {  	[sflag:s23] =	ssyncset.done $0x0  }
0xa4: {  	s25 =	simm.s32 $0x1B8E;
	s24 =	sld [smem:$0x3FFE];
	[sflag:s23] =	ssyncadd.s32 $0xFFFFFFFF  }
0xa5: {  	s26 =	simm.s32 $execute0_lowered;
	[smem:$0x3FD2] =	sst s25  }
0xa6: {  	s5 =	sshll.u32 s26, $0x1;
	_ =	strace $0x80000049;
	[dreg:$0x1] =	wrdreg $0xFFFFFFFF  }
0xa7: {  	s28 =	simm.s32 $_size_execute0_lowered;
	s3 =	sadd.s32 s3, s5;
	[dreg:$0x0] =	wrdreg $0x0  }
0xa8: {  	s5 =	sshll.u32 s28, $0x1;
	[dreg:$0x2] =	wrdreg s3  }
0xa9: {  	[dreg:$0x3] =	wrdreg s5  }
0xaa: {  	[dreg:$0x4] =	wrdreg $0xC0  }
0xab: {  	_ =	task [dreg:s7], $0x5FFFF  }
0xac: {  	[dreg:$0x1] =	wrdreg $0xFFFFFFFF  }
0xad: {  	[dreg:$0x0] =	wrdreg $0x60  }
0xae: {  	[dreg:$0x2] =	wrdreg s24  }
0xaf: {  	[dreg:$0x3] =	wrdreg s2  }
0xb0: {  	[dreg:$0x4] =	wrdreg $0x148000  }
0xb1: {  	[dreg:$0x5] =	wrdreg $0x9  }
0xb2: {  	_ =	task.clear_ibuf [dreg:s7], $0x6FFFF;
	_ =	strace $0x90000049  }
0xb3: {  	s29 =	simm.s32 $0x9;
	_ =	strace $0x8000004B  }
0xb4: {  	_ =	swait.ge [sflag:s29], $0x1  }
0xb5: {  	[sflag:s29] =	ssyncadd.s32 $0xFFFFFFFF  }
0xb6: {  	_ =	strace $0x9000004B  }
0xb7: {  	_ =	sfence  }
0xb8: {  	s30 =	sld [smem:$0x0];
	_ =	sdelay $0x2  }
0xb9: {  	s31 =	sshll.u32 s1, $0xD;
	s1 =	sshrl.u32 s1, $0x2  }
0xba: {  	s3 =	sand.u32 $0x4000, s31;
	s1 =	sadd.s32 s1, s30  }
0xbb: {  	s0 =	sor.u32 s3, s0;
	s1 =	sshll.u32 s1, $0x11  }
0xbc: {  	s0 =	sor.u32 s1, s0  }
0xbd: {  	s0 =	sadd.s32 $0x8F2B, s0  }
0xbe: {  	[sflag:s0] =	ssyncadd.remote.s32 $0x1  }
0xbf: {  	_ =	sfence.sel $0xFFFF  }
0xc0: {  	[dreg:$0x0] =	wrdreg $0xFFFFFFFF;
	(pc) =	sbr.abs _section_cstart, $3  }
0xc1: {  	[dreg:$0x1] =	wrdreg $0xFFFFFFFF  }
0xc2: {  	_ =	task.clear_ibuf [dreg:s7], $0x2FFFF;
	_ =	strace $0x9FFFFFFF  }
0xc3: {  	(tm) =	ssettm $0x7FFFFFFF  }
tec
execute0_lowered:
.L_overlay_start_1:
0x0: {  	(tag) =	ssettag $0x1  }
0x1: {  	s0 =	rddreg [dreg:$0x0]  }
0x2: {  	s2 =	rddreg [dreg:$0x2];
	s3 =	srdreg.scid;
	s4 =	simm.s32 $0x0  }
0x3: {  	s1 =	stileid.u32;
	s20 =	simm.s32 $0x12000;
	s21 =	simm.s32 $0x100  }
0x4: {  	s22 =	simm.s32 $0xA000;
	s23 =	simm.s32 $0xE000;
	s24 =	simm.s32 $0x1  }
0x5: {  	s25 =	simm.s32 $0x2;
	s26 =	simm.s32 $0x4F00;
	s6 =	smul.u32 $0xA00, s1  }
0x6: {  	s28 =	simm.s32 $0x9E00;
	s29 =	simm.s32 $0x9F00;
	s12 =	smul.u32 $0xA000, s1  }
0x7: {  	s30 =	simm.s32 $0x0;
	s5 =	sand.u32 $0x1, s3;
	s10 =	smul.u32 $0x28000, s1  }
0x8: {  	[smem:$0x7FF] =	sst s4;
	s15 =	smul.u32 $0xA0000, s5;
	s5 =	ssub.s32 $0x2, s5  }
0x9: {  	_ =	strace $0x8000004A;
	s6 =	sadd.s32 s6, s0;
	s8 =	sshrl.u32 s5, $0x1  }
0xa: {  	s10 =	sshrl.u32 s10, $0x2;
	s16 =	sadd.s32 $0x2800, s12;
	s17 =	sadd.s32 $0x5000, s12  }
0xb: {  	s18 =	sadd.s32 $0x7800, s12;
	s7 =	sshrl.u32 s15, $0x3;
	s9 =	ssub.s32 s5, s8  }
0xc: {  	s5 =	sadd.s32 $0xDA00, s6;
	s6 =	sadd.s32 $0x3A00, s6;
	s8 =	sadd.s32 s12, s2  }
0xd: {  	s10 =	sadd.s32 s10, s2;
	s11 =	sadd.s32 s16, s2;
	s13 =	sadd.s32 s15, s12  }
0xe: {  	s12 =	sadd.s32 s17, s2;
	s16 =	sadd.s32 s15, s16;
	s17 =	sadd.s32 s15, s17  }
0xf: {  	s15 =	sadd.s32 s15, s18;
	s7 =	sadd.s32 s7, s0;
	s0 =	sadd.s32 $0x44C00, s0  }
0x10: {  	s9 =	smax.u32 s9, $0x1;
	s14 =	sshrl.u32 s13, $0x3;
	s13 =	sadd.s32 s18, s2  }
0x11: {  	s16 =	sshrl.u32 s16, $0x3;
	s17 =	sshrl.u32 s17, $0x3;
	s18 =	sshrl.u32 s15, $0x3  }
0x12: {  	s7 =	sadd.s32 $0x1CC00, s7;
	s14 =	sadd.s32 s0, s14;
	s15 =	sadd.s32 s0, s16  }
0x13: {  	s16 =	sadd.s32 s0, s17;
	s17 =	sadd.s32 s0, s18;
	s18 =	simm.s32 $0x3  }
.LBB2_1:
0x14: {  	[tilespmem:s4], [sflag:$0x3] =	stream.linear.gather [hbm4b:s5+s4], $0x5000, $0x38;
	[tilespmem:$0x1E800] =	vst v63  }
0x15: {  	_ =	swait.ge [sflag:s18], $0x5000  }
0x16: {  	[sflag:s18] =	ssyncset.done $0x0  }
0x17: {  	s0 =	simm.s32 $0x5000;
	[sflag:s18] =	ssyncadd.s32 $0xFFFFB000  }
0x18: {  	[tilespmem:s0], [sflag:$0x3] =	stream.linear.gather [hbm4b:s6+s4], $0x5000, $0x38;
	[tilespmem:$0x1E800] =	vst v63  }
0x19: {  	_ =	swait.ge [sflag:s18], $0x5000  }
0x1a: {  	[sflag:s18] =	ssyncset.done $0x0  }
0x1b: {  	[sflag:s18] =	ssyncadd.s32 $0xFFFFB000  }
0x1c: {  	s3 =	rddreg [dreg:$0x1]  }
0x1d: {  	[tilespmem:s20], [sflag:$0x3] =	stream.linear.gather [hbm4b:s3+s4], $0x2800, $0x38;
	[tilespmem:$0x1E800] =	vst v63  }
0x1e: {  	_ =	swait.ge [sflag:s18], $0x2800  }
0x1f: {  	[sflag:s18] =	ssyncset.done $0x0  }
0x20: {  	[sflag:s18] =	ssyncadd.s32 $0xFFFFD800  }
0x21: {  	[spmem:s10] =	stream.linear.scatter [tilespmem:s20], [sflag:$0x3], $0x2800, $0x38;
	[tilespmem:$0x1E800] =	vst v63  }
0x22: {  	_ =	swait.ge [sflag:s18], $0x2800  }
0x23: {  	[sflag:s18] =	ssyncset.done $0x0  }
0x24: {  	[sflag:s18] =	ssyncadd.s32 $0xFFFFD800  }
0x25: {  	[spmem:s11] =	stream.linear.scatter [tilespmem:s20], [sflag:$0x3], $0x2800, $0x38;
	[tilespmem:$0x1E800] =	vst v63  }
0x26: {  	_ =	swait.ge [sflag:s18], $0x2800  }
0x27: {  	[sflag:s18] =	ssyncset.done $0x0  }
0x28: {  	[sflag:s18] =	ssyncadd.s32 $0xFFFFD800  }
0x29: {  	[spmem:s12] =	stream.linear.scatter [tilespmem:s20], [sflag:$0x3], $0x2800, $0x38;
	[tilespmem:$0x1E800] =	vst v63  }
0x2a: {  	_ =	swait.ge [sflag:s18], $0x2800  }
0x2b: {  	[sflag:s18] =	ssyncset.done $0x0  }
0x2c: {  	[sflag:s18] =	ssyncadd.s32 $0xFFFFD800  }
0x2d: {  	[spmem:s13] =	stream.linear.scatter [tilespmem:s20], [sflag:$0x3], $0x2800, $0x38;
	[tilespmem:$0x1E800] =	vst v63  }
0x2e: {  	_ =	swait.ge [sflag:s18], $0x2800  }
0x2f: {  	[sflag:s18] =	ssyncset.done $0x0  }
0x30: {  	[sflag:s18] =	ssyncadd.s32 $0xFFFFD800  }
0x31: {  	[bflag:$0x0] =	sbarrier.arrive $0xFFFF  }
0x32: {  	[tilespmem:s22], [sflag:$0x1] =	stream.indirect.gather [hbm4b:s7+s21], $0x40, s4, s21, $0xb8;
	[tilespmem:$0x1E800] =	vst v63  }
0x33: {  	s19 =	simm.s32 $0x100  }
0x34: {  	[tilespmem:s23], [sflag:$0x2] =	stream.indirect.gather [hbm4b:s7+s21], $0x40, s19, s21, $0xb8;
	[tilespmem:$0x1E800] =	vst v63  }
0x35: {  	_ =	swait.ge [sflag:s24], $0x4000  }
0x36: {  	[sflag:s24] =	ssyncset.done $0x0  }
0x37: {  	s1 =	simm.s32 $0x5000;
	[sflag:s24] =	ssyncadd.s32 $0xFFFFC000  }
0x38: {  	[spmem:s2] =	stream.indirect.scatter.add.f32 [tilespmem:s22], [sflag:$0x3], $0x40, s1, s21, $0xb8;
	[tilespmem:$0x1E800] =	vst v63  }
0x39: {  	_ =	swait.ge [sflag:s18], $0x4000  }
0x3a: {  	[sflag:s18] =	ssyncset.done $0x0  }
0x3b: {  	s3 =	simm.s32 $0x200;
	[sflag:s18] =	ssyncadd.s32 $0xFFFFC000  }
0x3c: {  	[tilespmem:s22], [sflag:$0x1] =	stream.indirect.gather [hbm4b:s7+s21], $0x40, s3, s21, $0xb8;
	[tilespmem:$0x1E800] =	vst v63  }
0x3d: {  	_ =	swait.ge [sflag:s25], $0x4000  }
0x3e: {  	[sflag:s25] =	ssyncset.done $0x0  }
0x3f: {  	s19 =	simm.s32 $0x5100;
	[sflag:s25] =	ssyncadd.s32 $0xFFFFC000  }
0x40: {  	[spmem:s2] =	stream.indirect.scatter.add.f32 [tilespmem:s23], [sflag:$0x3], $0x40, s19, s21, $0xb8;
	[tilespmem:$0x1E800] =	vst v63  }
0x41: {  	_ =	swait.ge [sflag:s18], $0x4000  }
0x42: {  	s31 =	simm.s32 $0x200;
	s0 =	simm.s32 $0x1000;
	[sflag:s18] =	ssyncset.done $0x0  }
.LBB2_2:
0x43: {  	s3 =	sadd.s32 $0x100, s31  }
0x44: {  	[sflag:s18] =	ssyncadd.s32 $0xFFFFC000;
	s1 =	smov.u32 s0;
	s19 =	sadd.s32 $0x800, s0  }
0x45: {  	[tilespmem:s23], [sflag:$0x2] =	stream.indirect.gather [hbm4b:s7+s21], $0x40, s3, s21, $0xb8;
	[tilespmem:$0x1E800] =	vst v63  }
0x46: {  	p0 =	sne.s32 s0, $0x13000;
	_ =	swait.ge [sflag:s24], $0x4000  }
0x47: {  	[sflag:s24] =	ssyncset.done $0x0  }
0x48: {  	s0 =	sadd.s32 $0x5000, s31;
	[sflag:s24] =	ssyncadd.s32 $0xFFFFC000  }
0x49: {  	[spmem:s2] =	stream.indirect.scatter.add.f32 [tilespmem:s22], [sflag:$0x3], $0x40, s0, s21, $0xb8;
	[tilespmem:$0x1E800] =	vst v63  }
0x4a: {  	_ =	swait.ge [sflag:s18], $0x4000  }
0x4b: {  	[sflag:s18] =	ssyncset.done $0x0  }
0x4c: {  	s0 =	sadd.s32 $0x200, s31;
	[sflag:s18] =	ssyncadd.s32 $0xFFFFC000  }
0x4d: {  	[tilespmem:s22], [sflag:$0x1] =	stream.indirect.gather [hbm4b:s7+s21], $0x40, s0, s21, $0xb8;
	[tilespmem:$0x1E800] =	vst v63  }
0x4e: {  	_ =	swait.ge [sflag:s25], $0x4000  }
.Ltmp0:
0x4f: {  	[sflag:s25] =	ssyncset.done $0x0;
	(pc) =	sbr.rel @p0 .LBB2_2-.Ltmp0, $4  }
0x50: {  	s0 =	sadd.s32 $0x5100, s31;
	[sflag:s25] =	ssyncadd.s32 $0xFFFFC000  }
0x51: {  	[spmem:s2] =	stream.indirect.scatter.add.f32 [tilespmem:s23], [sflag:$0x3], $0x40, s0, s21, $0xb8;
	[tilespmem:$0x1E800] =	vst v63  }
0x52: {  	_ =	swait.ge [sflag:s18], $0x4000  }
0x53: {  	s31 =	sshra.s32 s1, $0x2;
	s0 =	smov.u32 s19;
	[sflag:s18] =	ssyncset.done $0x0  }
0x54: {  	s0 =	sadd.s32 $0x100, s31;
	[sflag:s18] =	ssyncadd.s32 $0xFFFFC000  }
0x55: {  	[tilespmem:s23], [sflag:$0x2] =	stream.indirect.gather [hbm4b:s7+s21], $0x40, s0, s21, $0xb8;
	[tilespmem:$0x1E800] =	vst v63  }
0x56: {  	_ =	swait.ge [sflag:s24], $0x4000  }
0x57: {  	[sflag:s24] =	ssyncset.done $0x0  }
0x58: {  	s3 =	sadd.s32 $0x5000, s31;
	[sflag:s24] =	ssyncadd.s32 $0xFFFFC000  }
0x59: {  	[spmem:s2] =	stream.indirect.scatter.add.f32 [tilespmem:s22], [sflag:$0x3], $0x40, s3, s21, $0xb8;
	[tilespmem:$0x1E800] =	vst v63  }
0x5a: {  	_ =	swait.ge [sflag:s18], $0x4000  }
0x5b: {  	[sflag:s18] =	ssyncset.done $0x0  }
0x5c: {  	s19 =	sadd.s32 $0x200, s31;
	[sflag:s18] =	ssyncadd.s32 $0xFFFFC000  }
0x5d: {  	[tilespmem:s22], [sflag:$0x1] =	stream.indirect.gather [hbm4b:s7+s21], $0x40, s19, s21, $0xb8;
	[tilespmem:$0x1E800] =	vst v63  }
0x5e: {  	_ =	swait.ge [sflag:s25], $0x4000  }
0x5f: {  	[sflag:s25] =	ssyncset.done $0x0  }
0x60: {  	s31 =	sadd.s32 $0x5100, s31;
	[sflag:s25] =	ssyncadd.s32 $0xFFFFC000  }
0x61: {  	[spmem:s2] =	stream.indirect.scatter.add.f32 [tilespmem:s23], [sflag:$0x3], $0x40, s31, s21, $0xb8;
	[tilespmem:$0x1E800] =	vst v63  }
0x62: {  	_ =	swait.ge [sflag:s18], $0x4000  }
0x63: {  	[sflag:s18] =	ssyncset.done $0x0  }
0x64: {  	[sflag:s18] =	ssyncadd.s32 $0xFFFFC000  }
0x65: {  	[tilespmem:s23], [sflag:$0x2] =	stream.indirect.gather [hbm4b:s7+s21], $0x40, s26, s21, $0xb8;
	[tilespmem:$0x1E800] =	vst v63  }
0x66: {  	_ =	swait.ge [sflag:s24], $0x4000  }
0x67: {  	[sflag:s24] =	ssyncset.done $0x0  }
0x68: {  	[sflag:s24] =	ssyncadd.s32 $0xFFFFC000  }
0x69: {  	[spmem:s2] =	stream.indirect.scatter.add.f32 [tilespmem:s22], [sflag:$0x3], $0x40, s28, s21, $0xb8;
	[tilespmem:$0x1E800] =	vst v63  }
0x6a: {  	_ =	swait.ge [sflag:s18], $0x4000  }
0x6b: {  	[sflag:s18] =	ssyncset.done $0x0  }
0x6c: {  	[sflag:s18] =	ssyncadd.s32 $0xFFFFC000  }
0x6d: {  	_ =	swait.ge [sflag:s25], $0x4000  }
0x6e: {  	[sflag:s25] =	ssyncset.done $0x0  }
0x6f: {  	[sflag:s25] =	ssyncadd.s32 $0xFFFFC000  }
0x70: {  	[spmem:s2] =	stream.indirect.scatter.add.f32 [tilespmem:s23], [sflag:$0x3], $0x40, s29, s21, $0xb8;
	[tilespmem:$0x1E800] =	vst v63  }
0x71: {  	_ =	swait.ge [sflag:s18], $0x4000  }
0x72: {  	[sflag:s18] =	ssyncset.done $0x0  }
0x73: {  	[sflag:s18] =	ssyncadd.s32 $0xFFFFC000  }
0x74: {  	[bflag:$0x0] =	sbarrier.arrive $0xFFFF  }
0x75: {  	[tilespmem:s20], [sflag:$0x3] =	stream.linear.gather [spmem:s8], $0x2800, $0x38;
	[tilespmem:$0x1E800] =	vst v63  }
0x76: {  	_ =	swait.ge [sflag:s18], $0x2800  }
0x77: {  	[sflag:s18] =	ssyncset.done $0x0  }
0x78: {  	[sflag:s18] =	ssyncadd.s32 $0xFFFFD800  }
0x79: {  	[hbm4b:s14+s4] =	stream.linear.scatter [tilespmem:s20], [sflag:$0x3], $0x2800, $0x38;
	[tilespmem:$0x1E800] =	vst v63  }
0x7a: {  	_ =	swait.ge [sflag:s18], $0x2800  }
0x7b: {  	[sflag:s18] =	ssyncset.done $0x0  }
0x7c: {  	[sflag:s18] =	ssyncadd.s32 $0xFFFFD800  }
0x7d: {  	[tilespmem:s20], [sflag:$0x3] =	stream.linear.gather [spmem:s11], $0x2800, $0x38;
	[tilespmem:$0x1E800] =	vst v63  }
0x7e: {  	_ =	swait.ge [sflag:s18], $0x2800  }
0x7f: {  	[sflag:s18] =	ssyncset.done $0x0  }
0x80: {  	[sflag:s18] =	ssyncadd.s32 $0xFFFFD800  }
0x81: {  	[hbm4b:s15+s4] =	stream.linear.scatter [tilespmem:s20], [sflag:$0x3], $0x2800, $0x38;
	[tilespmem:$0x1E800] =	vst v63  }
0x82: {  	_ =	swait.ge [sflag:s18], $0x2800  }
0x83: {  	[sflag:s18] =	ssyncset.done $0x0  }
0x84: {  	[sflag:s18] =	ssyncadd.s32 $0xFFFFD800  }
0x85: {  	[tilespmem:s20], [sflag:$0x3] =	stream.linear.gather [spmem:s12], $0x2800, $0x38;
	[tilespmem:$0x1E800] =	vst v63  }
0x86: {  	_ =	swait.ge [sflag:s18], $0x2800  }
0x87: {  	[sflag:s18] =	ssyncset.done $0x0  }
0x88: {  	[sflag:s18] =	ssyncadd.s32 $0xFFFFD800  }
0x89: {  	[hbm4b:s16+s4] =	stream.linear.scatter [tilespmem:s20], [sflag:$0x3], $0x2800, $0x38;
	[tilespmem:$0x1E800] =	vst v63  }
0x8a: {  	_ =	swait.ge [sflag:s18], $0x2800  }
0x8b: {  	[sflag:s18] =	ssyncset.done $0x0  }
0x8c: {  	[sflag:s18] =	ssyncadd.s32 $0xFFFFD800  }
0x8d: {  	[tilespmem:s20], [sflag:$0x3] =	stream.linear.gather [spmem:s13], $0x2800, $0x38;
	[tilespmem:$0x1E800] =	vst v63  }
0x8e: {  	s30 =	sadd.s32 $0x1, s30;
	_ =	swait.ge [sflag:s18], $0x2800  }
0x8f: {  	p0 =	sne.s32 s30, s9;
	[sflag:s18] =	ssyncset.done $0x0  }
.Ltmp1:
0x90: {  	[sflag:s18] =	ssyncadd.s32 $0xFFFFD800;
	(pc) =	sbr.rel @p0 .LBB2_1-.Ltmp1, $4  }
0x91: {  	[hbm4b:s17+s4] =	stream.linear.scatter [tilespmem:s20], [sflag:$0x3], $0x2800, $0x38;
	[tilespmem:$0x1E800] =	vst v63  }
0x92: {  	_ =	swait.ge [sflag:s18], $0x2800  }
0x93: {  	[sflag:s18] =	ssyncset.done $0x0  }
0x94: {  	[sflag:s18] =	ssyncadd.s32 $0xFFFFD800  }
0x95: {  	_ =	sfence.sel $0x180000  }
0x96: {  	[bflag:$0x0] =	sbarrier.arrive $0xFFFF  }
0x97: {  	_ =	strace $0x9000004A  }
0x98: {  	s0 =	stileid.u32;
	[bflag:$0x2] =	sbarrier.arrive $0xFFFF  }
0x99: {  	p0 =	sne.s32 s0, $0x0;
	s0 =	rddreg [dreg:$0x3]  }
0x9a: {  	s0 =	sadd.s32 @!p0 $0x100000, s0  }
0x9b: {  	[sflag:s0] =	ssyncadd.tile.s32 @!p0 $0x1;
	_ =	shalt  }
.Lfunc_end2:
_tile_overlayer_lowered:
.L_overlay_start_2:
0x9c: {  	(tag) =	ssettag $0x2  }
0x9d: {  	s0 =	rddreg [dreg:$0x0];
	s2 =	stileid.u32  }
0x9e: {  	s1 =	rddreg [dreg:$0x1];
	p0 =	sne.s32 s2, $0x0  }
0x9f: {  	s3 =	rddreg [dreg:$0x2];
	[bflag:$0x3] =	sbarrier.arrive $0xFFFF;
	s2 =	simm.s32 @!p0 $0x1C03  }
0xa0: {  	[timem:s3], [sflag:s2] =	dma.local @!p0 [hbm:s0], s1  }
0xa1: {  	s0 =	simm.s32 @!p0 $0x3  }
0xa2: {  	_ =	swait.ge @!p0 [sflag:s0], s1  }
0xa3: {  	s1 =	ssub.s32 @!p0 $0x0, s1;
	[sflag:s0] =	ssyncset.done @!p0 $0x0  }
0xa4: {  	[sflag:s0] =	ssyncadd.s32 @!p0 s1  }
0xa5: {  	[bflag:$0x3] =	sbarrier.arrive $0xFFFF  }
0xa6: {  	_ =	shalt  }

// kernel: kernel.23.cloned.1.call-start
scs
__scs_entry_jumppad:
0x0: {  	(pc) =	sbr.rel $0x88, $3  }
0x1: {  	(tag) =	ssettag $0x0;
	lr =	simm.s32 $0x1  }
0x2: {  	[smem:$0x3F93] =	sst lr;
	_ =	strace $0xD0000000  }
0x3: {  	_ = 	snop  }
0x4: {  	_ = 	snop  }
0x5: {  	_ = 	snop  }
0x6: {  	_ = 	snop  }
0x7: {  	_ = 	snop  }
__scs_overlays_trampoline_lowered:
0x8: {  	[smem:$0x3FA2] =	sst s0  }
0x9: {  	[smem:$0x3FA3] =	sst s1  }
0xa: {  	[smem:$0x3FA4] =	sst s2  }
0xb: {  	[smem:$0x3FA5] =	sst s3  }
0xc: {  	[smem:$0x3FA6] =	sst s4  }
0xd: {  	[smem:$0x3FA7] =	sst s5  }
0xe: {  	[smem:$0x3FA8] =	sst s6  }
0xf: {  	[smem:$0x3FA9] =	sst s7  }
0x10: {  	[smem:$0x3FAA] =	sst s8  }
0x11: {  	[smem:$0x3FAB] =	sst s9;
	s0 =	simm.s32 @!p0 $0x0  }
0x12: {  	s1 =	sld [smem:$0x3F91];
	s0 =	simm.s32 @p0 $0x1  }
0x13: {  	[smem:$0x3FAC] =	sst s0;
	s0 =	simm.s32 @!p1 $0x0  }
0x14: {  	s2 =	sld [smem:$0x3F90];
	s0 =	simm.s32 @p1 $0x1  }
0x15: {  	[smem:$0x3FAD] =	sst s0;
	s0 =	simm.s32 @!p2 $0x0  }
0x16: {  	s3 =	sld [smem:$0x3FDB];
	s0 =	simm.s32 @p2 $0x1  }
0x17: {  	s4 =	simm.s32 $0x1BF5;
	[smem:$0x3FAF] =	sst s0  }
0x18: {  	s0 =	sld [smem:$0x3F92];
	_ =	swait.ge [sflag:s4], $0x0  }
0x19: {  	s7 =	sld [smem:$0x3F93]  }
0x1a: {  	s8 =	sadd.s32 $0xFFFFE003, lr  }
0x1b: {  	s9 =	sadd.s32 $0xFFFFFEF7, lr;
	s5 =	simm.s32 $0xFFFFFFFF;
	p2 =	slt.u32 s8, $0xFFFFF086  }
0x1c: {  	p1 =	slt.u32 s9, $0xF7A;
	s5 =	simm.s32 @!p2 $0x0  }
0x1d: {  	s5 =	simm.s32 @p1 $0x1;
	p0 =	seq.s32 s7, s2  }
0x1e: {  	s7 =	smul.u32 @!p0 $0xF7A, s2;
	p2 =	seq.s32 @!p0 s5, $0x0  }
0x1f: {  	s9 =	smul.u32 $0xF7A, s1;
	s8 =	simm.s32 @!p0 $0x1BF5;
	p2 =	por !p2, p0  }
0x20: {  	[sflag:s8] =	ssyncset.s32 @!p0 $0xFFFFF086;
	s6 =	sadd.s32 @!p0 s3, s7;
	s7 =	simm.s32 @!p0 $0x108  }
0x21: {  	s3 =	sadd.s32 s3, s9;
	s6 =	sadd.s32 @!p0 $0x88, s6;
	s7 =	simm.s32 @p2 $0x1082  }
0x22: {  	[simem:s7], [sflag:s8] =	dma.local @!p0 [hbm:s6], $0xF7A  }
0x23: {  	s9 =	sor.u32 $0xD0000000, s2;
	s6 =	simm.s32 $0x108;
	_ =	swait.ge @!p0 [sflag:s8], $0x0  }
0x24: {  	s3 =	sadd.s32 $0x88, s3;
	s6 =	simm.s32 @!p1 $0x1082;
	[sflag:s4] =	ssyncset.s32 $0xFFFFF086  }
0x25: {  	[simem:s6], [sflag:s4] =	dma.local [hbm:s3], $0xF7A  }
0x26: {  	[smem:$0x3F93] =	sst s1;
	(tag) =	ssettag s2;
	_ =	strace s9  }
0x27: {  	s1 =	sld [smem:$0x3FA3]  }
0x28: {  	s2 =	sld [smem:$0x3FA4]  }
0x29: {  	s4 =	sld [smem:$0x3FA6]  }
0x2a: {  	p0 =	seq.s32 s5, $0x0;
	s5 =	sld [smem:$0x3FA7]  }
0x2b: {  	s6 =	sld [smem:$0x3FA8]  }
0x2c: {  	s7 =	sld [smem:$0x3FA9]  }
0x2d: {  	s3 =	simm.s32 $0x108;
	s8 =	sld [smem:$0x3FAA]  }
0x2e: {  	s3 =	simm.s32 @!p0 $0x1082;
	s9 =	sld [smem:$0x3FAB]  }
0x2f: {  	lr =	sadd.s32 s0, s3;
	s0 =	sld [smem:$0x3FA2]  }
0x30: {  	s3 =	sld [smem:$0x3FA5]  }
0x31: {  	[smem:$0x3FAE] =	sst s10  }
0x32: {  	s10 =	sld [smem:$0x3FAC];
	_ =	sdelay $0x3  }
0x33: {  	p0 =	seq.s32 s10, $0x1;
	s10 =	sld [smem:$0x3FAE];
	_ =	sdelay $0x3  }
0x34: {  	[smem:$0x3FAE] =	sst s10  }
0x35: {  	s10 =	sld [smem:$0x3FAD];
	_ =	sdelay $0x3  }
0x36: {  	p1 =	seq.s32 s10, $0x1;
	s10 =	sld [smem:$0x3FAE];
	_ =	sdelay $0x3  }
0x37: {  	[smem:$0x3FAE] =	sst s10  }
0x38: {  	s10 =	sld [smem:$0x3FAF]  }
0x39: {  	_ = 	snop;
	(pc) =	sbr.ind lr, $3  }
0x3a: {  	_ = 	snop  }
0x3b: {  	_ = 	snop  }
0x3c: {  	p2 =	seq.s32 s10, $0x1;
	s10 =	sld [smem:$0x3FAE]  }
0x3d: {  	_ =	shalt  }
0x3e: {  	_ =	shalt  }
0x3f: {  	_ =	shalt  }
0x40: {  	_ =	shalt  }
0x41: {  	_ =	shalt  }
0x42: {  	_ =	shalt  }
0x43: {  	_ =	shalt  }
0x44: {  	_ =	shalt  }
0x45: {  	_ =	shalt  }
0x46: {  	_ =	shalt  }
0x47: {  	_ =	shalt  }
0x48: {  	_ =	shalt  }
0x49: {  	_ =	shalt  }
0x4a: {  	_ =	shalt  }
0x4b: {  	_ =	shalt  }
0x4c: {  	_ =	shalt  }
0x4d: {  	_ =	shalt  }
0x4e: {  	_ =	shalt  }
0x4f: {  	_ =	shalt  }
0x50: {  	_ =	shalt  }
0x51: {  	_ =	shalt  }
0x52: {  	_ =	shalt  }
0x53: {  	_ =	shalt  }
0x54: {  	_ =	shalt  }
0x55: {  	_ =	shalt  }
0x56: {  	_ =	shalt  }
0x57: {  	_ =	shalt  }
0x58: {  	_ =	shalt  }
0x59: {  	_ =	shalt  }
0x5a: {  	_ =	shalt  }
0x5b: {  	_ =	shalt  }
0x5c: {  	_ =	shalt  }
0x5d: {  	_ =	shalt  }
0x5e: {  	_ =	shalt  }
0x5f: {  	_ =	shalt  }
0x60: {  	_ =	shalt  }
0x61: {  	_ =	shalt  }
0x62: {  	_ =	shalt  }
0x63: {  	_ =	shalt  }
0x64: {  	_ =	shalt  }
0x65: {  	_ =	shalt  }
0x66: {  	_ =	shalt  }
0x67: {  	_ =	shalt  }
0x68: {  	_ =	shalt  }
0x69: {  	_ =	shalt  }
0x6a: {  	_ =	shalt  }
0x6b: {  	_ =	shalt  }
0x6c: {  	_ =	shalt  }
0x6d: {  	_ =	shalt  }
0x6e: {  	_ =	shalt  }
0x6f: {  	_ =	shalt  }
0x70: {  	_ =	shalt  }
0x71: {  	_ =	shalt  }
0x72: {  	_ =	shalt  }
0x73: {  	_ =	shalt  }
0x74: {  	_ =	shalt  }
0x75: {  	_ =	shalt  }
0x76: {  	_ =	shalt  }
0x77: {  	_ =	shalt  }
0x78: {  	_ =	shalt  }
0x79: {  	_ =	shalt  }
0x7a: {  	_ =	shalt  }
0x7b: {  	_ =	shalt  }
0x7c: {  	_ =	shalt  }
0x7d: {  	_ =	shalt  }
0x7e: {  	_ =	shalt  }
0x7f: {  	_ =	shalt  }
0x80: {  	_ =	shalt  }
0x81: {  	_ =	shalt  }
0x82: {  	_ =	shalt  }
0x83: {  	_ =	shalt  }
0x84: {  	_ =	shalt  }
0x85: {  	_ =	shalt  }
0x86: {  	_ =	shalt  }
0x87: {  	_ =	shalt  }
.Lfunc_end0:
.L_simem_size_0:
called_computation.2_lowered:
.L_overlay_start_0:
0x88: {  	s2 =	sld [smem:$0x3FD9]  }
0x89: {  	s3 =	sld [smem:$0x3FFE];
	_ =	sdelay $0x1  }
0x8a: {  	s1 =	srdreg.scid  }
0x8b: {  	s0 =	sand.u32 $0x1, s1  }
0x8c: {  	s17 =	sshll.u32 s0, $0xA;
	s2 =	sadd.s32 s3, s2  }
0x8d: {  	s2 =	sadd.s32 s2, s17  }
0x8e: {  	[smem:$0x3FBA] =	sst s2  }
0x8f: {  	_ = 	snop  }
0x90: {  	s2 =	sld [smem:$0x3FD0];
	(tm) =	ssettm $0x1  }
0x91: {  	s18 =	sld [smem:$0x3FFB];
	_ =	sdelay $0x3  }
0x92: {  	_ =	strace s18  }
0x93: {  	s3 =	sld [smem:$0x3FFC];
	_ =	sdelay $0x3  }
0x94: {  	_ =	strace s3  }
0x95: {  	s3 =	sld [smem:$0x3FFD];
	_ =	sdelay $0x3  }
0x96: {  	_ =	strace s3  }
0x97: {  	_ =	strace $0x8FFFFFFF  }
0x98: {  	s19 =	sld [smem:$0x3FDB];
	_ =	sdelay $0x1  }
0x99: {  	s4 =	simm.s32 $_scs_section_size  }
0x9a: {  	s5 =	simm.s32 $_size__tile_overlayer_lowered;
	s6 =	simm.s32 $_tile_overlayer_lowered  }
0x9b: {  	s22 =	simm.s32 $0x1BFF;
	s21 =	sshll.u32 s6, $0x1;
	s3 =	sadd.s32 s4, s19  }
0x9c: {  	s7 =	simm.s32 $0x0;
	s20 =	sshll.u32 s5, $0x1;
	s5 =	sadd.s32 s21, s3  }
0x9d: {  	[timem:s7], [sflag:s22] =	dma.local [hbm:s5], s20  }
0x9e: {  	_ =	swait.ge [sflag:s22], s20  }
0x9f: {  	s4 =	ssub.s32 $0x0, s20;
	[sflag:s22] =	ssyncset.done $0x0  }
0xa0: {  	[sflag:s22] =	ssyncadd.s32 s4;
	_ =	sdelay $0x1  }
0xa1: {  	s23 =	simm.s32 $0x1B8B  }
0xa2: {  	_ =	swait.ge [sflag:s23], $0x1  }
0xa3: {  	[sflag:s23] =	ssyncset.done $0x0  }
0xa4: {  	s25 =	simm.s32 $0x1B8E;
	s24 =	sld [smem:$0x3FFE];
	[sflag:s23] =	ssyncadd.s32 $0xFFFFFFFF  }
0xa5: {  	s26 =	simm.s32 $execute0_lowered;
	[smem:$0x3FD2] =	sst s25  }
0xa6: {  	s5 =	sshll.u32 s26, $0x1;
	_ =	strace $0x8000004C;
	[dreg:$0x1] =	wrdreg $0xFFFFFFFF  }
0xa7: {  	s28 =	simm.s32 $_size_execute0_lowered;
	s3 =	sadd.s32 s3, s5;
	[dreg:$0x0] =	wrdreg $0x0  }
0xa8: {  	s5 =	sshll.u32 s28, $0x1;
	[dreg:$0x2] =	wrdreg s3  }
0xa9: {  	[dreg:$0x3] =	wrdreg s5  }
0xaa: {  	[dreg:$0x4] =	wrdreg $0xC0  }
0xab: {  	_ =	task [dreg:s7], $0x5FFFF  }
0xac: {  	[dreg:$0x1] =	wrdreg $0xFFFFFFFF  }
0xad: {  	[dreg:$0x0] =	wrdreg $0x60  }
0xae: {  	[dreg:$0x2] =	wrdreg s24  }
0xaf: {  	[dreg:$0x3] =	wrdreg s2  }
0xb0: {  	[dreg:$0x4] =	wrdreg $0x148000  }
0xb1: {  	[dreg:$0x5] =	wrdreg $0x9  }
0xb2: {  	_ =	task.clear_ibuf [dreg:s7], $0x6FFFF;
	_ =	strace $0x9000004C  }
0xb3: {  	s29 =	simm.s32 $0x9;
	_ =	strace $0x8000004E  }
0xb4: {  	_ =	swait.ge [sflag:s29], $0x1  }
0xb5: {  	[sflag:s29] =	ssyncadd.s32 $0xFFFFFFFF  }
0xb6: {  	_ =	strace $0x9000004E  }
0xb7: {  	_ =	sfence  }
0xb8: {  	s30 =	sld [smem:$0x0];
	_ =	sdelay $0x2  }
0xb9: {  	s31 =	sshll.u32 s1, $0xD;
	s1 =	sshrl.u32 s1, $0x2  }
0xba: {  	s3 =	sand.u32 $0x4000, s31;
	s1 =	sadd.s32 s1, s30  }
0xbb: {  	s0 =	sor.u32 s3, s0;
	s1 =	sshll.u32 s1, $0x11  }
0xbc: {  	s0 =	sor.u32 s1, s0  }
0xbd: {  	s0 =	sadd.s32 $0x8F2B, s0  }
0xbe: {  	[sflag:s0] =	ssyncadd.remote.s32 $0x1  }
0xbf: {  	_ =	sfence.sel $0xFFFF  }
0xc0: {  	[dreg:$0x0] =	wrdreg $0xFFFFFFFF;
	(pc) =	sbr.abs _section_cstart, $3  }
0xc1: {  	[dreg:$0x1] =	wrdreg $0xFFFFFFFF  }
0xc2: {  	_ =	task.clear_ibuf [dreg:s7], $0x2FFFF;
	_ =	strace $0x9FFFFFFF  }
0xc3: {  	(tm) =	ssettm $0x7FFFFFFF  }
tec
execute0_lowered:
.L_overlay_start_1:
0x0: {  	(tag) =	ssettag $0x1  }
0x1: {  	s0 =	rddreg [dreg:$0x0]  }
0x2: {  	s2 =	rddreg [dreg:$0x2];
	s3 =	srdreg.scid;
	s4 =	simm.s32 $0x0  }
0x3: {  	s1 =	stileid.u32;
	s20 =	simm.s32 $0x12000;
	s21 =	simm.s32 $0x100  }
0x4: {  	s22 =	simm.s32 $0xA000;
	s23 =	simm.s32 $0xE000;
	s24 =	simm.s32 $0x1  }
0x5: {  	s25 =	simm.s32 $0x2;
	s26 =	simm.s32 $0x4F00;
	s6 =	smul.u32 $0xA00, s1  }
0x6: {  	s28 =	simm.s32 $0x9E00;
	s29 =	simm.s32 $0x9F00;
	s12 =	smul.u32 $0xA000, s1  }
0x7: {  	s30 =	simm.s32 $0x0;
	s5 =	sand.u32 $0x1, s3;
	s10 =	smul.u32 $0x28000, s1  }
0x8: {  	[smem:$0x7FF] =	sst s4;
	s15 =	smul.u32 $0xA0000, s5;
	s5 =	ssub.s32 $0x2, s5  }
0x9: {  	_ =	strace $0x8000004D;
	s6 =	sadd.s32 s6, s0;
	s8 =	sshrl.u32 s5, $0x1  }
0xa: {  	s10 =	sshrl.u32 s10, $0x2;
	s16 =	sadd.s32 $0x2800, s12;
	s17 =	sadd.s32 $0x5000, s12  }
0xb: {  	s18 =	sadd.s32 $0x7800, s12;
	s7 =	sshrl.u32 s15, $0x3;
	s9 =	ssub.s32 s5, s8  }
0xc: {  	s5 =	sadd.s32 $0xDA00, s6;
	s6 =	sadd.s32 $0x3A00, s6;
	s8 =	sadd.s32 s12, s2  }
0xd: {  	s10 =	sadd.s32 s10, s2;
	s11 =	sadd.s32 s16, s2;
	s13 =	sadd.s32 s15, s12  }
0xe: {  	s12 =	sadd.s32 s17, s2;
	s16 =	sadd.s32 s15, s16;
	s17 =	sadd.s32 s15, s17  }
0xf: {  	s15 =	sadd.s32 s15, s18;
	s7 =	sadd.s32 s7, s0;
	s0 =	sadd.s32 $0x94C00, s0  }
0x10: {  	s9 =	smax.u32 s9, $0x1;
	s14 =	sshrl.u32 s13, $0x3;
	s13 =	sadd.s32 s18, s2  }
0x11: {  	s16 =	sshrl.u32 s16, $0x3;
	s17 =	sshrl.u32 s17, $0x3;
	s18 =	sshrl.u32 s15, $0x3  }
0x12: {  	s7 =	sadd.s32 $0x6CC00, s7;
	s14 =	sadd.s32 s0, s14;
	s15 =	sadd.s32 s0, s16  }
0x13: {  	s16 =	sadd.s32 s0, s17;
	s17 =	sadd.s32 s0, s18;
	s18 =	simm.s32 $0x3  }
.LBB2_1:
0x14: {  	[tilespmem:s4], [sflag:$0x3] =	stream.linear.gather [hbm4b:s5+s4], $0x5000, $0x38;
	[tilespmem:$0x1E800] =	vst v63  }
0x15: {  	_ =	swait.ge [sflag:s18], $0x5000  }
0x16: {  	[sflag:s18] =	ssyncset.done $0x0  }
0x17: {  	s0 =	simm.s32 $0x5000;
	[sflag:s18] =	ssyncadd.s32 $0xFFFFB000  }
0x18: {  	[tilespmem:s0], [sflag:$0x3] =	stream.linear.gather [hbm4b:s6+s4], $0x5000, $0x38;
	[tilespmem:$0x1E800] =	vst v63  }
0x19: {  	_ =	swait.ge [sflag:s18], $0x5000  }
0x1a: {  	[sflag:s18] =	ssyncset.done $0x0  }
0x1b: {  	[sflag:s18] =	ssyncadd.s32 $0xFFFFB000  }
0x1c: {  	s3 =	rddreg [dreg:$0x1]  }
0x1d: {  	[tilespmem:s20], [sflag:$0x3] =	stream.linear.gather [hbm4b:s3+s4], $0x2800, $0x38;
	[tilespmem:$0x1E800] =	vst v63  }
0x1e: {  	_ =	swait.ge [sflag:s18], $0x2800  }
0x1f: {  	[sflag:s18] =	ssyncset.done $0x0  }
0x20: {  	[sflag:s18] =	ssyncadd.s32 $0xFFFFD800  }
0x21: {  	[spmem:s10] =	stream.linear.scatter [tilespmem:s20], [sflag:$0x3], $0x2800, $0x38;
	[tilespmem:$0x1E800] =	vst v63  }
0x22: {  	_ =	swait.ge [sflag:s18], $0x2800  }
0x23: {  	[sflag:s18] =	ssyncset.done $0x0  }
0x24: {  	[sflag:s18] =	ssyncadd.s32 $0xFFFFD800  }
0x25: {  	[spmem:s11] =	stream.linear.scatter [tilespmem:s20], [sflag:$0x3], $0x2800, $0x38;
	[tilespmem:$0x1E800] =	vst v63  }
0x26: {  	_ =	swait.ge [sflag:s18], $0x2800  }
0x27: {  	[sflag:s18] =	ssyncset.done $0x0  }
0x28: {  	[sflag:s18] =	ssyncadd.s32 $0xFFFFD800  }
0x29: {  	[spmem:s12] =	stream.linear.scatter [tilespmem:s20], [sflag:$0x3], $0x2800, $0x38;
	[tilespmem:$0x1E800] =	vst v63  }
0x2a: {  	_ =	swait.ge [sflag:s18], $0x2800  }
0x2b: {  	[sflag:s18] =	ssyncset.done $0x0  }
0x2c: {  	[sflag:s18] =	ssyncadd.s32 $0xFFFFD800  }
0x2d: {  	[spmem:s13] =	stream.linear.scatter [tilespmem:s20], [sflag:$0x3], $0x2800, $0x38;
	[tilespmem:$0x1E800] =	vst v63  }
0x2e: {  	_ =	swait.ge [sflag:s18], $0x2800  }
0x2f: {  	[sflag:s18] =	ssyncset.done $0x0  }
0x30: {  	[sflag:s18] =	ssyncadd.s32 $0xFFFFD800  }
0x31: {  	[bflag:$0x0] =	sbarrier.arrive $0xFFFF  }
0x32: {  	[tilespmem:s22], [sflag:$0x1] =	stream.indirect.gather [hbm4b:s7+s21], $0x40, s4, s21, $0xb8;
	[tilespmem:$0x1E800] =	vst v63  }
0x33: {  	s19 =	simm.s32 $0x100  }
0x34: {  	[tilespmem:s23], [sflag:$0x2] =	stream.indirect.gather [hbm4b:s7+s21], $0x40, s19, s21, $0xb8;
	[tilespmem:$0x1E800] =	vst v63  }
0x35: {  	_ =	swait.ge [sflag:s24], $0x4000  }
0x36: {  	[sflag:s24] =	ssyncset.done $0x0  }
0x37: {  	s1 =	simm.s32 $0x5000;
	[sflag:s24] =	ssyncadd.s32 $0xFFFFC000  }
0x38: {  	[spmem:s2] =	stream.indirect.scatter.add.f32 [tilespmem:s22], [sflag:$0x3], $0x40, s1, s21, $0xb8;
	[tilespmem:$0x1E800] =	vst v63  }
0x39: {  	_ =	swait.ge [sflag:s18], $0x4000  }
0x3a: {  	[sflag:s18] =	ssyncset.done $0x0  }
0x3b: {  	s3 =	simm.s32 $0x200;
	[sflag:s18] =	ssyncadd.s32 $0xFFFFC000  }
0x3c: {  	[tilespmem:s22], [sflag:$0x1] =	stream.indirect.gather [hbm4b:s7+s21], $0x40, s3, s21, $0xb8;
	[tilespmem:$0x1E800] =	vst v63  }
0x3d: {  	_ =	swait.ge [sflag:s25], $0x4000  }
0x3e: {  	[sflag:s25] =	ssyncset.done $0x0  }
0x3f: {  	s19 =	simm.s32 $0x5100;
	[sflag:s25] =	ssyncadd.s32 $0xFFFFC000  }
0x40: {  	[spmem:s2] =	stream.indirect.scatter.add.f32 [tilespmem:s23], [sflag:$0x3], $0x40, s19, s21, $0xb8;
	[tilespmem:$0x1E800] =	vst v63  }
0x41: {  	_ =	swait.ge [sflag:s18], $0x4000  }
0x42: {  	s31 =	simm.s32 $0x200;
	s0 =	simm.s32 $0x1000;
	[sflag:s18] =	ssyncset.done $0x0  }
.LBB2_2:
0x43: {  	s3 =	sadd.s32 $0x100, s31  }
0x44: {  	[sflag:s18] =	ssyncadd.s32 $0xFFFFC000;
	s1 =	smov.u32 s0;
	s19 =	sadd.s32 $0x800, s0  }
0x45: {  	[tilespmem:s23], [sflag:$0x2] =	stream.indirect.gather [hbm4b:s7+s21], $0x40, s3, s21, $0xb8;
	[tilespmem:$0x1E800] =	vst v63  }
0x46: {  	p0 =	sne.s32 s0, $0x13000;
	_ =	swait.ge [sflag:s24], $0x4000  }
0x47: {  	[sflag:s24] =	ssyncset.done $0x0  }
0x48: {  	s0 =	sadd.s32 $0x5000, s31;
	[sflag:s24] =	ssyncadd.s32 $0xFFFFC000  }
0x49: {  	[spmem:s2] =	stream.indirect.scatter.add.f32 [tilespmem:s22], [sflag:$0x3], $0x40, s0, s21, $0xb8;
	[tilespmem:$0x1E800] =	vst v63  }
0x4a: {  	_ =	swait.ge [sflag:s18], $0x4000  }
0x4b: {  	[sflag:s18] =	ssyncset.done $0x0  }
0x4c: {  	s0 =	sadd.s32 $0x200, s31;
	[sflag:s18] =	ssyncadd.s32 $0xFFFFC000  }
0x4d: {  	[tilespmem:s22], [sflag:$0x1] =	stream.indirect.gather [hbm4b:s7+s21], $0x40, s0, s21, $0xb8;
	[tilespmem:$0x1E800] =	vst v63  }
0x4e: {  	_ =	swait.ge [sflag:s25], $0x4000  }
.Ltmp0:
0x4f: {  	[sflag:s25] =	ssyncset.done $0x0;
	(pc) =	sbr.rel @p0 .LBB2_2-.Ltmp0, $4  }
0x50: {  	s0 =	sadd.s32 $0x5100, s31;
	[sflag:s25] =	ssyncadd.s32 $0xFFFFC000  }
0x51: {  	[spmem:s2] =	stream.indirect.scatter.add.f32 [tilespmem:s23], [sflag:$0x3], $0x40, s0, s21, $0xb8;
	[tilespmem:$0x1E800] =	vst v63  }
0x52: {  	_ =	swait.ge [sflag:s18], $0x4000  }
0x53: {  	s31 =	sshra.s32 s1, $0x2;
	s0 =	smov.u32 s19;
	[sflag:s18] =	ssyncset.done $0x0  }
0x54: {  	s0 =	sadd.s32 $0x100, s31;
	[sflag:s18] =	ssyncadd.s32 $0xFFFFC000  }
0x55: {  	[tilespmem:s23], [sflag:$0x2] =	stream.indirect.gather [hbm4b:s7+s21], $0x40, s0, s21, $0xb8;
	[tilespmem:$0x1E800] =	vst v63  }
0x56: {  	_ =	swait.ge [sflag:s24], $0x4000  }
0x57: {  	[sflag:s24] =	ssyncset.done $0x0  }
0x58: {  	s3 =	sadd.s32 $0x5000, s31;
	[sflag:s24] =	ssyncadd.s32 $0xFFFFC000  }
0x59: {  	[spmem:s2] =	stream.indirect.scatter.add.f32 [tilespmem:s22], [sflag:$0x3], $0x40, s3, s21, $0xb8;
	[tilespmem:$0x1E800] =	vst v63  }
0x5a: {  	_ =	swait.ge [sflag:s18], $0x4000  }
0x5b: {  	[sflag:s18] =	ssyncset.done $0x0  }
0x5c: {  	s19 =	sadd.s32 $0x200, s31;
	[sflag:s18] =	ssyncadd.s32 $0xFFFFC000  }
0x5d: {  	[tilespmem:s22], [sflag:$0x1] =	stream.indirect.gather [hbm4b:s7+s21], $0x40, s19, s21, $0xb8;
	[tilespmem:$0x1E800] =	vst v63  }
0x5e: {  	_ =	swait.ge [sflag:s25], $0x4000  }
0x5f: {  	[sflag:s25] =	ssyncset.done $0x0  }
0x60: {  	s31 =	sadd.s32 $0x5100, s31;
	[sflag:s25] =	ssyncadd.s32 $0xFFFFC000  }
0x61: {  	[spmem:s2] =	stream.indirect.scatter.add.f32 [tilespmem:s23], [sflag:$0x3], $0x40, s31, s21, $0xb8;
	[tilespmem:$0x1E800] =	vst v63  }
0x62: {  	_ =	swait.ge [sflag:s18], $0x4000  }
0x63: {  	[sflag:s18] =	ssyncset.done $0x0  }
0x64: {  	[sflag:s18] =	ssyncadd.s32 $0xFFFFC000  }
0x65: {  	[tilespmem:s23], [sflag:$0x2] =	stream.indirect.gather [hbm4b:s7+s21], $0x40, s26, s21, $0xb8;
	[tilespmem:$0x1E800] =	vst v63  }
0x66: {  	_ =	swait.ge [sflag:s24], $0x4000  }
0x67: {  	[sflag:s24] =	ssyncset.done $0x0  }
0x68: {  	[sflag:s24] =	ssyncadd.s32 $0xFFFFC000  }
0x69: {  	[spmem:s2] =	stream.indirect.scatter.add.f32 [tilespmem:s22], [sflag:$0x3], $0x40, s28, s21, $0xb8;
	[tilespmem:$0x1E800] =	vst v63  }
0x6a: {  	_ =	swait.ge [sflag:s18], $0x4000  }
0x6b: {  	[sflag:s18] =	ssyncset.done $0x0  }
0x6c: {  	[sflag:s18] =	ssyncadd.s32 $0xFFFFC000  }
0x6d: {  	_ =	swait.ge [sflag:s25], $0x4000  }
0x6e: {  	[sflag:s25] =	ssyncset.done $0x0  }
0x6f: {  	[sflag:s25] =	ssyncadd.s32 $0xFFFFC000  }
0x70: {  	[spmem:s2] =	stream.indirect.scatter.add.f32 [tilespmem:s23], [sflag:$0x3], $0x40, s29, s21, $0xb8;
	[tilespmem:$0x1E800] =	vst v63  }
0x71: {  	_ =	swait.ge [sflag:s18], $0x4000  }
0x72: {  	[sflag:s18] =	ssyncset.done $0x0  }
0x73: {  	[sflag:s18] =	ssyncadd.s32 $0xFFFFC000  }
0x74: {  	[bflag:$0x0] =	sbarrier.arrive $0xFFFF  }
0x75: {  	[tilespmem:s20], [sflag:$0x3] =	stream.linear.gather [spmem:s8], $0x2800, $0x38;
	[tilespmem:$0x1E800] =	vst v63  }
0x76: {  	_ =	swait.ge [sflag:s18], $0x2800  }
0x77: {  	[sflag:s18] =	ssyncset.done $0x0  }
0x78: {  	[sflag:s18] =	ssyncadd.s32 $0xFFFFD800  }
0x79: {  	[hbm4b:s14+s4] =	stream.linear.scatter [tilespmem:s20], [sflag:$0x3], $0x2800, $0x38;
	[tilespmem:$0x1E800] =	vst v63  }
0x7a: {  	_ =	swait.ge [sflag:s18], $0x2800  }
0x7b: {  	[sflag:s18] =	ssyncset.done $0x0  }
0x7c: {  	[sflag:s18] =	ssyncadd.s32 $0xFFFFD800  }
0x7d: {  	[tilespmem:s20], [sflag:$0x3] =	stream.linear.gather [spmem:s11], $0x2800, $0x38;
	[tilespmem:$0x1E800] =	vst v63  }
0x7e: {  	_ =	swait.ge [sflag:s18], $0x2800  }
0x7f: {  	[sflag:s18] =	ssyncset.done $0x0  }
0x80: {  	[sflag:s18] =	ssyncadd.s32 $0xFFFFD800  }
0x81: {  	[hbm4b:s15+s4] =	stream.linear.scatter [tilespmem:s20], [sflag:$0x3], $0x2800, $0x38;
	[tilespmem:$0x1E800] =	vst v63  }
0x82: {  	_ =	swait.ge [sflag:s18], $0x2800  }
0x83: {  	[sflag:s18] =	ssyncset.done $0x0  }
0x84: {  	[sflag:s18] =	ssyncadd.s32 $0xFFFFD800  }
0x85: {  	[tilespmem:s20], [sflag:$0x3] =	stream.linear.gather [spmem:s12], $0x2800, $0x38;
	[tilespmem:$0x1E800] =	vst v63  }
0x86: {  	_ =	swait.ge [sflag:s18], $0x2800  }
0x87: {  	[sflag:s18] =	ssyncset.done $0x0  }
0x88: {  	[sflag:s18] =	ssyncadd.s32 $0xFFFFD800  }
0x89: {  	[hbm4b:s16+s4] =	stream.linear.scatter [tilespmem:s20], [sflag:$0x3], $0x2800, $0x38;
	[tilespmem:$0x1E800] =	vst v63  }
0x8a: {  	_ =	swait.ge [sflag:s18], $0x2800  }
0x8b: {  	[sflag:s18] =	ssyncset.done $0x0  }
0x8c: {  	[sflag:s18] =	ssyncadd.s32 $0xFFFFD800  }
0x8d: {  	[tilespmem:s20], [sflag:$0x3] =	stream.linear.gather [spmem:s13], $0x2800, $0x38;
	[tilespmem:$0x1E800] =	vst v63  }
0x8e: {  	s30 =	sadd.s32 $0x1, s30;
	_ =	swait.ge [sflag:s18], $0x2800  }
0x8f: {  	p0 =	sne.s32 s30, s9;
	[sflag:s18] =	ssyncset.done $0x0  }
.Ltmp1:
0x90: {  	[sflag:s18] =	ssyncadd.s32 $0xFFFFD800;
	(pc) =	sbr.rel @p0 .LBB2_1-.Ltmp1, $4  }
0x91: {  	[hbm4b:s17+s4] =	stream.linear.scatter [tilespmem:s20], [sflag:$0x3], $0x2800, $0x38;
	[tilespmem:$0x1E800] =	vst v63  }
0x92: {  	_ =	swait.ge [sflag:s18], $0x2800  }
0x93: {  	[sflag:s18] =	ssyncset.done $0x0  }
0x94: {  	[sflag:s18] =	ssyncadd.s32 $0xFFFFD800  }
0x95: {  	_ =	sfence.sel $0x180000  }
0x96: {  	[bflag:$0x0] =	sbarrier.arrive $0xFFFF  }
0x97: {  	_ =	strace $0x9000004D  }
0x98: {  	s0 =	stileid.u32;
	[bflag:$0x2] =	sbarrier.arrive $0xFFFF  }
0x99: {  	p0 =	sne.s32 s0, $0x0;
	s0 =	rddreg [dreg:$0x3]  }
0x9a: {  	s0 =	sadd.s32 @!p0 $0x100000, s0  }
0x9b: {  	[sflag:s0] =	ssyncadd.tile.s32 @!p0 $0x1;
	_ =	shalt  }
.Lfunc_end2:
_tile_overlayer_lowered:
.L_overlay_start_2:
0x9c: {  	(tag) =	ssettag $0x2  }
0x9d: {  	s0 =	rddreg [dreg:$0x0];
	s2 =	stileid.u32  }
0x9e: {  	s1 =	rddreg [dreg:$0x1];
	p0 =	sne.s32 s2, $0x0  }
0x9f: {  	s3 =	rddreg [dreg:$0x2];
	[bflag:$0x3] =	sbarrier.arrive $0xFFFF;
	s2 =	simm.s32 @!p0 $0x1C03  }
0xa0: {  	[timem:s3], [sflag:s2] =	dma.local @!p0 [hbm:s0], s1  }
0xa1: {  	s0 =	simm.s32 @!p0 $0x3  }
0xa2: {  	_ =	swait.ge @!p0 [sflag:s0], s1  }
0xa3: {  	s1 =	ssub.s32 @!p0 $0x0, s1;
	[sflag:s0] =	ssyncset.done @!p0 $0x0  }
0xa4: {  	[sflag:s0] =	ssyncadd.s32 @!p0 s1  }
0xa5: {  	[bflag:$0x3] =	sbarrier.arrive $0xFFFF  }
0xa6: {  	_ =	shalt  }

// kernel: kernel.26.cloned.1.call-start
scs
__scs_entry_jumppad:
0x0: {  	(pc) =	sbr.rel $0x88, $3  }
0x1: {  	(tag) =	ssettag $0x0;
	lr =	simm.s32 $0x1  }
0x2: {  	[smem:$0x3F93] =	sst lr;
	_ =	strace $0xD0000000  }
0x3: {  	_ = 	snop  }
0x4: {  	_ = 	snop  }
0x5: {  	_ = 	snop  }
0x6: {  	_ = 	snop  }
0x7: {  	_ = 	snop  }
__scs_overlays_trampoline_lowered:
0x8: {  	[smem:$0x3FA2] =	sst s0  }
0x9: {  	[smem:$0x3FA3] =	sst s1  }
0xa: {  	[smem:$0x3FA4] =	sst s2  }
0xb: {  	[smem:$0x3FA5] =	sst s3  }
0xc: {  	[smem:$0x3FA6] =	sst s4  }
0xd: {  	[smem:$0x3FA7] =	sst s5  }
0xe: {  	[smem:$0x3FA8] =	sst s6  }
0xf: {  	[smem:$0x3FA9] =	sst s7  }
0x10: {  	[smem:$0x3FAA] =	sst s8  }
0x11: {  	[smem:$0x3FAB] =	sst s9;
	s0 =	simm.s32 @!p0 $0x0  }
0x12: {  	s1 =	sld [smem:$0x3F91];
	s0 =	simm.s32 @p0 $0x1  }
0x13: {  	[smem:$0x3FAC] =	sst s0;
	s0 =	simm.s32 @!p1 $0x0  }
0x14: {  	s2 =	sld [smem:$0x3F90];
	s0 =	simm.s32 @p1 $0x1  }
0x15: {  	[smem:$0x3FAD] =	sst s0;
	s0 =	simm.s32 @!p2 $0x0  }
0x16: {  	s3 =	sld [smem:$0x3FDB];
	s0 =	simm.s32 @p2 $0x1  }
0x17: {  	s4 =	simm.s32 $0x1BF5;
	[smem:$0x3FAF] =	sst s0  }
0x18: {  	s0 =	sld [smem:$0x3F92];
	_ =	swait.ge [sflag:s4], $0x0  }
0x19: {  	s7 =	sld [smem:$0x3F93]  }
0x1a: {  	s8 =	sadd.s32 $0xFFFFE003, lr  }
0x1b: {  	s9 =	sadd.s32 $0xFFFFFEF7, lr;
	s5 =	simm.s32 $0xFFFFFFFF;
	p2 =	slt.u32 s8, $0xFFFFF086  }
0x1c: {  	p1 =	slt.u32 s9, $0xF7A;
	s5 =	simm.s32 @!p2 $0x0  }
0x1d: {  	s5 =	simm.s32 @p1 $0x1;
	p0 =	seq.s32 s7, s2  }
0x1e: {  	s7 =	smul.u32 @!p0 $0xF7A, s2;
	p2 =	seq.s32 @!p0 s5, $0x0  }
0x1f: {  	s9 =	smul.u32 $0xF7A, s1;
	s8 =	simm.s32 @!p0 $0x1BF5;
	p2 =	por !p2, p0  }
0x20: {  	[sflag:s8] =	ssyncset.s32 @!p0 $0xFFFFF086;
	s6 =	sadd.s32 @!p0 s3, s7;
	s7 =	simm.s32 @!p0 $0x108  }
0x21: {  	s3 =	sadd.s32 s3, s9;
	s6 =	sadd.s32 @!p0 $0x88, s6;
	s7 =	simm.s32 @p2 $0x1082  }
0x22: {  	[simem:s7], [sflag:s8] =	dma.local @!p0 [hbm:s6], $0xF7A  }
0x23: {  	s9 =	sor.u32 $0xD0000000, s2;
	s6 =	simm.s32 $0x108;
	_ =	swait.ge @!p0 [sflag:s8], $0x0  }
0x24: {  	s3 =	sadd.s32 $0x88, s3;
	s6 =	simm.s32 @!p1 $0x1082;
	[sflag:s4] =	ssyncset.s32 $0xFFFFF086  }
0x25: {  	[simem:s6], [sflag:s4] =	dma.local [hbm:s3], $0xF7A  }
0x26: {  	[smem:$0x3F93] =	sst s1;
	(tag) =	ssettag s2;
	_ =	strace s9  }
0x27: {  	s1 =	sld [smem:$0x3FA3]  }
0x28: {  	s2 =	sld [smem:$0x3FA4]  }
0x29: {  	s4 =	sld [smem:$0x3FA6]  }
0x2a: {  	p0 =	seq.s32 s5, $0x0;
	s5 =	sld [smem:$0x3FA7]  }
0x2b: {  	s6 =	sld [smem:$0x3FA8]  }
0x2c: {  	s7 =	sld [smem:$0x3FA9]  }
0x2d: {  	s3 =	simm.s32 $0x108;
	s8 =	sld [smem:$0x3FAA]  }
0x2e: {  	s3 =	simm.s32 @!p0 $0x1082;
	s9 =	sld [smem:$0x3FAB]  }
0x2f: {  	lr =	sadd.s32 s0, s3;
	s0 =	sld [smem:$0x3FA2]  }
0x30: {  	s3 =	sld [smem:$0x3FA5]  }
0x31: {  	[smem:$0x3FAE] =	sst s10  }
0x32: {  	s10 =	sld [smem:$0x3FAC];
	_ =	sdelay $0x3  }
0x33: {  	p0 =	seq.s32 s10, $0x1;
	s10 =	sld [smem:$0x3FAE];
	_ =	sdelay $0x3  }
0x34: {  	[smem:$0x3FAE] =	sst s10  }
0x35: {  	s10 =	sld [smem:$0x3FAD];
	_ =	sdelay $0x3  }
0x36: {  	p1 =	seq.s32 s10, $0x1;
	s10 =	sld [smem:$0x3FAE];
	_ =	sdelay $0x3  }
0x37: {  	[smem:$0x3FAE] =	sst s10  }
0x38: {  	s10 =	sld [smem:$0x3FAF]  }
0x39: {  	_ = 	snop;
	(pc) =	sbr.ind lr, $3  }
0x3a: {  	_ = 	snop  }
0x3b: {  	_ = 	snop  }
0x3c: {  	p2 =	seq.s32 s10, $0x1;
	s10 =	sld [smem:$0x3FAE]  }
0x3d: {  	_ =	shalt  }
0x3e: {  	_ =	shalt  }
0x3f: {  	_ =	shalt  }
0x40: {  	_ =	shalt  }
0x41: {  	_ =	shalt  }
0x42: {  	_ =	shalt  }
0x43: {  	_ =	shalt  }
0x44: {  	_ =	shalt  }
0x45: {  	_ =	shalt  }
0x46: {  	_ =	shalt  }
0x47: {  	_ =	shalt  }
0x48: {  	_ =	shalt  }
0x49: {  	_ =	shalt  }
0x4a: {  	_ =	shalt  }
0x4b: {  	_ =	shalt  }
0x4c: {  	_ =	shalt  }
0x4d: {  	_ =	shalt  }
0x4e: {  	_ =	shalt  }
0x4f: {  	_ =	shalt  }
0x50: {  	_ =	shalt  }
0x51: {  	_ =	shalt  }
0x52: {  	_ =	shalt  }
0x53: {  	_ =	shalt  }
0x54: {  	_ =	shalt  }
0x55: {  	_ =	shalt  }
0x56: {  	_ =	shalt  }
0x57: {  	_ =	shalt  }
0x58: {  	_ =	shalt  }
0x59: {  	_ =	shalt  }
0x5a: {  	_ =	shalt  }
0x5b: {  	_ =	shalt  }
0x5c: {  	_ =	shalt  }
0x5d: {  	_ =	shalt  }
0x5e: {  	_ =	shalt  }
0x5f: {  	_ =	shalt  }
0x60: {  	_ =	shalt  }
0x61: {  	_ =	shalt  }
0x62: {  	_ =	shalt  }
0x63: {  	_ =	shalt  }
0x64: {  	_ =	shalt  }
0x65: {  	_ =	shalt  }
0x66: {  	_ =	shalt  }
0x67: {  	_ =	shalt  }
0x68: {  	_ =	shalt  }
0x69: {  	_ =	shalt  }
0x6a: {  	_ =	shalt  }
0x6b: {  	_ =	shalt  }
0x6c: {  	_ =	shalt  }
0x6d: {  	_ =	shalt  }
0x6e: {  	_ =	shalt  }
0x6f: {  	_ =	shalt  }
0x70: {  	_ =	shalt  }
0x71: {  	_ =	shalt  }
0x72: {  	_ =	shalt  }
0x73: {  	_ =	shalt  }
0x74: {  	_ =	shalt  }
0x75: {  	_ =	shalt  }
0x76: {  	_ =	shalt  }
0x77: {  	_ =	shalt  }
0x78: {  	_ =	shalt  }
0x79: {  	_ =	shalt  }
0x7a: {  	_ =	shalt  }
0x7b: {  	_ =	shalt  }
0x7c: {  	_ =	shalt  }
0x7d: {  	_ =	shalt  }
0x7e: {  	_ =	shalt  }
0x7f: {  	_ =	shalt  }
0x80: {  	_ =	shalt  }
0x81: {  	_ =	shalt  }
0x82: {  	_ =	shalt  }
0x83: {  	_ =	shalt  }
0x84: {  	_ =	shalt  }
0x85: {  	_ =	shalt  }
0x86: {  	_ =	shalt  }
0x87: {  	_ =	shalt  }
.Lfunc_end0:
.L_simem_size_0:
called_computation.3_lowered:
.L_overlay_start_0:
0x88: {  	s2 =	sld [smem:$0x3FD9]  }
0x89: {  	s3 =	sld [smem:$0x3FFE];
	_ =	sdelay $0x1  }
0x8a: {  	s1 =	srdreg.scid  }
0x8b: {  	s0 =	sand.u32 $0x1, s1  }
0x8c: {  	s17 =	sshll.u32 s0, $0xA;
	s2 =	sadd.s32 s3, s2  }
0x8d: {  	s2 =	sadd.s32 s2, s17  }
0x8e: {  	[smem:$0x3FBA] =	sst s2  }
0x8f: {  	_ = 	snop  }
0x90: {  	s2 =	sld [smem:$0x3FD0];
	(tm) =	ssettm $0x1  }
0x91: {  	s18 =	sld [smem:$0x3FFB];
	_ =	sdelay $0x3  }
0x92: {  	_ =	strace s18  }
0x93: {  	s3 =	sld [smem:$0x3FFC];
	_ =	sdelay $0x3  }
0x94: {  	_ =	strace s3  }
0x95: {  	s3 =	sld [smem:$0x3FFD];
	_ =	sdelay $0x3  }
0x96: {  	_ =	strace s3  }
0x97: {  	_ =	strace $0x8FFFFFFF  }
0x98: {  	s19 =	sld [smem:$0x3FDB];
	_ =	sdelay $0x1  }
0x99: {  	s4 =	simm.s32 $_scs_section_size  }
0x9a: {  	s5 =	simm.s32 $_size__tile_overlayer_lowered;
	s6 =	simm.s32 $_tile_overlayer_lowered  }
0x9b: {  	s22 =	simm.s32 $0x1BFF;
	s21 =	sshll.u32 s6, $0x1;
	s3 =	sadd.s32 s4, s19  }
0x9c: {  	s7 =	simm.s32 $0x0;
	s20 =	sshll.u32 s5, $0x1;
	s5 =	sadd.s32 s21, s3  }
0x9d: {  	[timem:s7], [sflag:s22] =	dma.local [hbm:s5], s20  }
0x9e: {  	_ =	swait.ge [sflag:s22], s20  }
0x9f: {  	s4 =	ssub.s32 $0x0, s20;
	[sflag:s22] =	ssyncset.done $0x0  }
0xa0: {  	[sflag:s22] =	ssyncadd.s32 s4;
	_ =	sdelay $0x1  }
0xa1: {  	s23 =	simm.s32 $0x1B8B  }
0xa2: {  	_ =	swait.ge [sflag:s23], $0x1  }
0xa3: {  	[sflag:s23] =	ssyncset.done $0x0  }
0xa4: {  	s25 =	simm.s32 $0x1B8E;
	s24 =	sld [smem:$0x3FFE];
	[sflag:s23] =	ssyncadd.s32 $0xFFFFFFFF  }
0xa5: {  	s26 =	simm.s32 $execute0_lowered;
	[smem:$0x3FD2] =	sst s25  }
0xa6: {  	s5 =	sshll.u32 s26, $0x1;
	_ =	strace $0x8000004F;
	[dreg:$0x1] =	wrdreg $0xFFFFFFFF  }
0xa7: {  	s28 =	simm.s32 $_size_execute0_lowered;
	s3 =	sadd.s32 s3, s5;
	[dreg:$0x0] =	wrdreg $0x0  }
0xa8: {  	s5 =	sshll.u32 s28, $0x1;
	[dreg:$0x2] =	wrdreg s3  }
0xa9: {  	[dreg:$0x3] =	wrdreg s5  }
0xaa: {  	[dreg:$0x4] =	wrdreg $0xC0  }
0xab: {  	_ =	task [dreg:s7], $0x5FFFF  }
0xac: {  	[dreg:$0x1] =	wrdreg $0xFFFFFFFF  }
0xad: {  	[dreg:$0x0] =	wrdreg $0x60  }
0xae: {  	[dreg:$0x2] =	wrdreg s24  }
0xaf: {  	[dreg:$0x3] =	wrdreg s2  }
0xb0: {  	[dreg:$0x4] =	wrdreg $0x148000  }
0xb1: {  	[dreg:$0x5] =	wrdreg $0x9  }
0xb2: {  	_ =	task.clear_ibuf [dreg:s7], $0x6FFFF;
	_ =	strace $0x9000004F  }
0xb3: {  	s29 =	simm.s32 $0x9;
	_ =	strace $0x80000051  }
0xb4: {  	_ =	swait.ge [sflag:s29], $0x1  }
0xb5: {  	[sflag:s29] =	ssyncadd.s32 $0xFFFFFFFF  }
0xb6: {  	_ =	strace $0x90000051  }
0xb7: {  	_ =	sfence  }
0xb8: {  	s30 =	sld [smem:$0x0];
	_ =	sdelay $0x2  }
0xb9: {  	s31 =	sshll.u32 s1, $0xD;
	s1 =	sshrl.u32 s1, $0x2  }
0xba: {  	s3 =	sand.u32 $0x4000, s31;
	s1 =	sadd.s32 s1, s30  }
0xbb: {  	s0 =	sor.u32 s3, s0;
	s1 =	sshll.u32 s1, $0x11  }
0xbc: {  	s0 =	sor.u32 s1, s0  }
0xbd: {  	s0 =	sadd.s32 $0x8F2B, s0  }
0xbe: {  	[sflag:s0] =	ssyncadd.remote.s32 $0x1  }
0xbf: {  	_ =	sfence.sel $0xFFFF  }
0xc0: {  	[dreg:$0x0] =	wrdreg $0xFFFFFFFF;
	(pc) =	sbr.abs _section_cstart, $3  }
0xc1: {  	[dreg:$0x1] =	wrdreg $0xFFFFFFFF  }
0xc2: {  	_ =	task.clear_ibuf [dreg:s7], $0x2FFFF;
	_ =	strace $0x9FFFFFFF  }
0xc3: {  	(tm) =	ssettm $0x7FFFFFFF  }
tec
execute0_lowered:
.L_overlay_start_1:
0x0: {  	(tag) =	ssettag $0x1  }
0x1: {  	s0 =	rddreg [dreg:$0x0]  }
0x2: {  	s2 =	rddreg [dreg:$0x2];
	s3 =	srdreg.scid;
	s4 =	simm.s32 $0x0  }
0x3: {  	s1 =	stileid.u32;
	s20 =	simm.s32 $0x12000;
	s21 =	simm.s32 $0x100  }
0x4: {  	s22 =	simm.s32 $0xA000;
	s23 =	simm.s32 $0xE000;
	s24 =	simm.s32 $0x1  }
0x5: {  	s25 =	simm.s32 $0x2;
	s26 =	simm.s32 $0x4F00;
	s6 =	smul.u32 $0xA00, s1  }
0x6: {  	s28 =	simm.s32 $0x9E00;
	s29 =	simm.s32 $0x9F00;
	s12 =	smul.u32 $0xA000, s1  }
0x7: {  	s30 =	simm.s32 $0x0;
	s5 =	sand.u32 $0x1, s3;
	s10 =	smul.u32 $0x28000, s1  }
0x8: {  	[smem:$0x7FF] =	sst s4;
	s15 =	smul.u32 $0xA0000, s5;
	s5 =	ssub.s32 $0x2, s5  }
0x9: {  	_ =	strace $0x80000050;
	s6 =	sadd.s32 s6, s0;
	s8 =	sshrl.u32 s5, $0x1  }
0xa: {  	s10 =	sshrl.u32 s10, $0x2;
	s16 =	sadd.s32 $0x2800, s12;
	s17 =	sadd.s32 $0x5000, s12  }
0xb: {  	s18 =	sadd.s32 $0x7800, s12;
	s7 =	sshrl.u32 s15, $0x3;
	s9 =	ssub.s32 s5, s8  }
0xc: {  	s5 =	sadd.s32 $0xDA00, s6;
	s6 =	sadd.s32 $0x3A00, s6;
	s8 =	sadd.s32 s12, s2  }
0xd: {  	s10 =	sadd.s32 s10, s2;
	s11 =	sadd.s32 s16, s2;
	s13 =	sadd.s32 s15, s12  }
0xe: {  	s12 =	sadd.s32 s17, s2;
	s16 =	sadd.s32 s15, s16;
	s17 =	sadd.s32 s15, s17  }
0xf: {  	s15 =	sadd.s32 s15, s18;
	s7 =	sadd.s32 s7, s0;
	s0 =	sadd.s32 $0x94C00, s0  }
0x10: {  	s9 =	smax.u32 s9, $0x1;
	s14 =	sshrl.u32 s13, $0x3;
	s13 =	sadd.s32 s18, s2  }
0x11: {  	s16 =	sshrl.u32 s16, $0x3;
	s17 =	sshrl.u32 s17, $0x3;
	s18 =	sshrl.u32 s15, $0x3  }
0x12: {  	s7 =	sadd.s32 $0x6CC00, s7;
	s14 =	sadd.s32 s0, s14;
	s15 =	sadd.s32 s0, s16  }
0x13: {  	s16 =	sadd.s32 s0, s17;
	s17 =	sadd.s32 s0, s18;
	s18 =	simm.s32 $0x3  }
.LBB2_1:
0x14: {  	[tilespmem:s4], [sflag:$0x3] =	stream.linear.gather [hbm4b:s5+s4], $0x5000, $0x38;
	[tilespmem:$0x1E800] =	vst v63  }
0x15: {  	_ =	swait.ge [sflag:s18], $0x5000  }
0x16: {  	[sflag:s18] =	ssyncset.done $0x0  }
0x17: {  	s0 =	simm.s32 $0x5000;
	[sflag:s18] =	ssyncadd.s32 $0xFFFFB000  }
0x18: {  	[tilespmem:s0], [sflag:$0x3] =	stream.linear.gather [hbm4b:s6+s4], $0x5000, $0x38;
	[tilespmem:$0x1E800] =	vst v63  }
0x19: {  	_ =	swait.ge [sflag:s18], $0x5000  }
0x1a: {  	[sflag:s18] =	ssyncset.done $0x0  }
0x1b: {  	[sflag:s18] =	ssyncadd.s32 $0xFFFFB000  }
0x1c: {  	s3 =	rddreg [dreg:$0x1]  }
0x1d: {  	[tilespmem:s20], [sflag:$0x3] =	stream.linear.gather [hbm4b:s3+s4], $0x2800, $0x38;
	[tilespmem:$0x1E800] =	vst v63  }
0x1e: {  	_ =	swait.ge [sflag:s18], $0x2800  }
0x1f: {  	[sflag:s18] =	ssyncset.done $0x0  }
0x20: {  	[sflag:s18] =	ssyncadd.s32 $0xFFFFD800  }
0x21: {  	[spmem:s10] =	stream.linear.scatter [tilespmem:s20], [sflag:$0x3], $0x2800, $0x38;
	[tilespmem:$0x1E800] =	vst v63  }
0x22: {  	_ =	swait.ge [sflag:s18], $0x2800  }
0x23: {  	[sflag:s18] =	ssyncset.done $0x0  }
0x24: {  	[sflag:s18] =	ssyncadd.s32 $0xFFFFD800  }
0x25: {  	[spmem:s11] =	stream.linear.scatter [tilespmem:s20], [sflag:$0x3], $0x2800, $0x38;
	[tilespmem:$0x1E800] =	vst v63  }
0x26: {  	_ =	swait.ge [sflag:s18], $0x2800  }
0x27: {  	[sflag:s18] =	ssyncset.done $0x0  }
0x28: {  	[sflag:s18] =	ssyncadd.s32 $0xFFFFD800  }
0x29: {  	[spmem:s12] =	stream.linear.scatter [tilespmem:s20], [sflag:$0x3], $0x2800, $0x38;
	[tilespmem:$0x1E800] =	vst v63  }
0x2a: {  	_ =	swait.ge [sflag:s18], $0x2800  }
0x2b: {  	[sflag:s18] =	ssyncset.done $0x0  }
0x2c: {  	[sflag:s18] =	ssyncadd.s32 $0xFFFFD800  }
0x2d: {  	[spmem:s13] =	stream.linear.scatter [tilespmem:s20], [sflag:$0x3], $0x2800, $0x38;
	[tilespmem:$0x1E800] =	vst v63  }
0x2e: {  	_ =	swait.ge [sflag:s18], $0x2800  }
0x2f: {  	[sflag:s18] =	ssyncset.done $0x0  }
0x30: {  	[sflag:s18] =	ssyncadd.s32 $0xFFFFD800  }
0x31: {  	[bflag:$0x0] =	sbarrier.arrive $0xFFFF  }
0x32: {  	[tilespmem:s22], [sflag:$0x1] =	stream.indirect.gather [hbm4b:s7+s21], $0x40, s4, s21, $0xb8;
	[tilespmem:$0x1E800] =	vst v63  }
0x33: {  	s19 =	simm.s32 $0x100  }
0x34: {  	[tilespmem:s23], [sflag:$0x2] =	stream.indirect.gather [hbm4b:s7+s21], $0x40, s19, s21, $0xb8;
	[tilespmem:$0x1E800] =	vst v63  }
0x35: {  	_ =	swait.ge [sflag:s24], $0x4000  }
0x36: {  	[sflag:s24] =	ssyncset.done $0x0  }
0x37: {  	s1 =	simm.s32 $0x5000;
	[sflag:s24] =	ssyncadd.s32 $0xFFFFC000  }
0x38: {  	[spmem:s2] =	stream.indirect.scatter.add.f32 [tilespmem:s22], [sflag:$0x3], $0x40, s1, s21, $0xb8;
	[tilespmem:$0x1E800] =	vst v63  }
0x39: {  	_ =	swait.ge [sflag:s18], $0x4000  }
0x3a: {  	[sflag:s18] =	ssyncset.done $0x0  }
0x3b: {  	s3 =	simm.s32 $0x200;
	[sflag:s18] =	ssyncadd.s32 $0xFFFFC000  }
0x3c: {  	[tilespmem:s22], [sflag:$0x1] =	stream.indirect.gather [hbm4b:s7+s21], $0x40, s3, s21, $0xb8;
	[tilespmem:$0x1E800] =	vst v63  }
0x3d: {  	_ =	swait.ge [sflag:s25], $0x4000  }
0x3e: {  	[sflag:s25] =	ssyncset.done $0x0  }
0x3f: {  	s19 =	simm.s32 $0x5100;
	[sflag:s25] =	ssyncadd.s32 $0xFFFFC000  }
0x40: {  	[spmem:s2] =	stream.indirect.scatter.add.f32 [tilespmem:s23], [sflag:$0x3], $0x40, s19, s21, $0xb8;
	[tilespmem:$0x1E800] =	vst v63  }
0x41: {  	_ =	swait.ge [sflag:s18], $0x4000  }
0x42: {  	s31 =	simm.s32 $0x200;
	s0 =	simm.s32 $0x1000;
	[sflag:s18] =	ssyncset.done $0x0  }
.LBB2_2:
0x43: {  	s3 =	sadd.s32 $0x100, s31  }
0x44: {  	[sflag:s18] =	ssyncadd.s32 $0xFFFFC000;
	s1 =	smov.u32 s0;
	s19 =	sadd.s32 $0x800, s0  }
0x45: {  	[tilespmem:s23], [sflag:$0x2] =	stream.indirect.gather [hbm4b:s7+s21], $0x40, s3, s21, $0xb8;
	[tilespmem:$0x1E800] =	vst v63  }
0x46: {  	p0 =	sne.s32 s0, $0x13000;
	_ =	swait.ge [sflag:s24], $0x4000  }
0x47: {  	[sflag:s24] =	ssyncset.done $0x0  }
0x48: {  	s0 =	sadd.s32 $0x5000, s31;
	[sflag:s24] =	ssyncadd.s32 $0xFFFFC000  }
0x49: {  	[spmem:s2] =	stream.indirect.scatter.add.f32 [tilespmem:s22], [sflag:$0x3], $0x40, s0, s21, $0xb8;
	[tilespmem:$0x1E800] =	vst v63  }
0x4a: {  	_ =	swait.ge [sflag:s18], $0x4000  }
0x4b: {  	[sflag:s18] =	ssyncset.done $0x0  }
0x4c: {  	s0 =	sadd.s32 $0x200, s31;
	[sflag:s18] =	ssyncadd.s32 $0xFFFFC000  }
0x4d: {  	[tilespmem:s22], [sflag:$0x1] =	stream.indirect.gather [hbm4b:s7+s21], $0x40, s0, s21, $0xb8;
	[tilespmem:$0x1E800] =	vst v63  }
0x4e: {  	_ =	swait.ge [sflag:s25], $0x4000  }
.Ltmp0:
0x4f: {  	[sflag:s25] =	ssyncset.done $0x0;
	(pc) =	sbr.rel @p0 .LBB2_2-.Ltmp0, $4  }
0x50: {  	s0 =	sadd.s32 $0x5100, s31;
	[sflag:s25] =	ssyncadd.s32 $0xFFFFC000  }
0x51: {  	[spmem:s2] =	stream.indirect.scatter.add.f32 [tilespmem:s23], [sflag:$0x3], $0x40, s0, s21, $0xb8;
	[tilespmem:$0x1E800] =	vst v63  }
0x52: {  	_ =	swait.ge [sflag:s18], $0x4000  }
0x53: {  	s31 =	sshra.s32 s1, $0x2;
	s0 =	smov.u32 s19;
	[sflag:s18] =	ssyncset.done $0x0  }
0x54: {  	s0 =	sadd.s32 $0x100, s31;
	[sflag:s18] =	ssyncadd.s32 $0xFFFFC000  }
0x55: {  	[tilespmem:s23], [sflag:$0x2] =	stream.indirect.gather [hbm4b:s7+s21], $0x40, s0, s21, $0xb8;
	[tilespmem:$0x1E800] =	vst v63  }
0x56: {  	_ =	swait.ge [sflag:s24], $0x4000  }
0x57: {  	[sflag:s24] =	ssyncset.done $0x0  }
0x58: {  	s3 =	sadd.s32 $0x5000, s31;
	[sflag:s24] =	ssyncadd.s32 $0xFFFFC000  }
0x59: {  	[spmem:s2] =	stream.indirect.scatter.add.f32 [tilespmem:s22], [sflag:$0x3], $0x40, s3, s21, $0xb8;
	[tilespmem:$0x1E800] =	vst v63  }
0x5a: {  	_ =	swait.ge [sflag:s18], $0x4000  }
0x5b: {  	[sflag:s18] =	ssyncset.done $0x0  }
0x5c: {  	s19 =	sadd.s32 $0x200, s31;
	[sflag:s18] =	ssyncadd.s32 $0xFFFFC000  }
0x5d: {  	[tilespmem:s22], [sflag:$0x1] =	stream.indirect.gather [hbm4b:s7+s21], $0x40, s19, s21, $0xb8;
	[tilespmem:$0x1E800] =	vst v63  }
0x5e: {  	_ =	swait.ge [sflag:s25], $0x4000  }
0x5f: {  	[sflag:s25] =	ssyncset.done $0x0  }
0x60: {  	s31 =	sadd.s32 $0x5100, s31;
	[sflag:s25] =	ssyncadd.s32 $0xFFFFC000  }
0x61: {  	[spmem:s2] =	stream.indirect.scatter.add.f32 [tilespmem:s23], [sflag:$0x3], $0x40, s31, s21, $0xb8;
	[tilespmem:$0x1E800] =	vst v63  }
0x62: {  	_ =	swait.ge [sflag:s18], $0x4000  }
0x63: {  	[sflag:s18] =	ssyncset.done $0x0  }
0x64: {  	[sflag:s18] =	ssyncadd.s32 $0xFFFFC000  }
0x65: {  	[tilespmem:s23], [sflag:$0x2] =	stream.indirect.gather [hbm4b:s7+s21], $0x40, s26, s21, $0xb8;
	[tilespmem:$0x1E800] =	vst v63  }
0x66: {  	_ =	swait.ge [sflag:s24], $0x4000  }
0x67: {  	[sflag:s24] =	ssyncset.done $0x0  }
0x68: {  	[sflag:s24] =	ssyncadd.s32 $0xFFFFC000  }
0x69: {  	[spmem:s2] =	stream.indirect.scatter.add.f32 [tilespmem:s22], [sflag:$0x3], $0x40, s28, s21, $0xb8;
	[tilespmem:$0x1E800] =	vst v63  }
0x6a: {  	_ =	swait.ge [sflag:s18], $0x4000  }
0x6b: {  	[sflag:s18] =	ssyncset.done $0x0  }
0x6c: {  	[sflag:s18] =	ssyncadd.s32 $0xFFFFC000  }
0x6d: {  	_ =	swait.ge [sflag:s25], $0x4000  }
0x6e: {  	[sflag:s25] =	ssyncset.done $0x0  }
0x6f: {  	[sflag:s25] =	ssyncadd.s32 $0xFFFFC000  }
0x70: {  	[spmem:s2] =	stream.indirect.scatter.add.f32 [tilespmem:s23], [sflag:$0x3], $0x40, s29, s21, $0xb8;
	[tilespmem:$0x1E800] =	vst v63  }
0x71: {  	_ =	swait.ge [sflag:s18], $0x4000  }
0x72: {  	[sflag:s18] =	ssyncset.done $0x0  }
0x73: {  	[sflag:s18] =	ssyncadd.s32 $0xFFFFC000  }
0x74: {  	[bflag:$0x0] =	sbarrier.arrive $0xFFFF  }
0x75: {  	[tilespmem:s20], [sflag:$0x3] =	stream.linear.gather [spmem:s8], $0x2800, $0x38;
	[tilespmem:$0x1E800] =	vst v63  }
0x76: {  	_ =	swait.ge [sflag:s18], $0x2800  }
0x77: {  	[sflag:s18] =	ssyncset.done $0x0  }
0x78: {  	[sflag:s18] =	ssyncadd.s32 $0xFFFFD800  }
0x79: {  	[hbm4b:s14+s4] =	stream.linear.scatter [tilespmem:s20], [sflag:$0x3], $0x2800, $0x38;
	[tilespmem:$0x1E800] =	vst v63  }
0x7a: {  	_ =	swait.ge [sflag:s18], $0x2800  }
0x7b: {  	[sflag:s18] =	ssyncset.done $0x0  }
0x7c: {  	[sflag:s18] =	ssyncadd.s32 $0xFFFFD800  }
0x7d: {  	[tilespmem:s20], [sflag:$0x3] =	stream.linear.gather [spmem:s11], $0x2800, $0x38;
	[tilespmem:$0x1E800] =	vst v63  }
0x7e: {  	_ =	swait.ge [sflag:s18], $0x2800  }
0x7f: {  	[sflag:s18] =	ssyncset.done $0x0  }
0x80: {  	[sflag:s18] =	ssyncadd.s32 $0xFFFFD800  }
0x81: {  	[hbm4b:s15+s4] =	stream.linear.scatter [tilespmem:s20], [sflag:$0x3], $0x2800, $0x38;
	[tilespmem:$0x1E800] =	vst v63  }
0x82: {  	_ =	swait.ge [sflag:s18], $0x2800  }
0x83: {  	[sflag:s18] =	ssyncset.done $0x0  }
0x84: {  	[sflag:s18] =	ssyncadd.s32 $0xFFFFD800  }
0x85: {  	[tilespmem:s20], [sflag:$0x3] =	stream.linear.gather [spmem:s12], $0x2800, $0x38;
	[tilespmem:$0x1E800] =	vst v63  }
0x86: {  	_ =	swait.ge [sflag:s18], $0x2800  }
0x87: {  	[sflag:s18] =	ssyncset.done $0x0  }
0x88: {  	[sflag:s18] =	ssyncadd.s32 $0xFFFFD800  }
0x89: {  	[hbm4b:s16+s4] =	stream.linear.scatter [tilespmem:s20], [sflag:$0x3], $0x2800, $0x38;
	[tilespmem:$0x1E800] =	vst v63  }
0x8a: {  	_ =	swait.ge [sflag:s18], $0x2800  }
0x8b: {  	[sflag:s18] =	ssyncset.done $0x0  }
0x8c: {  	[sflag:s18] =	ssyncadd.s32 $0xFFFFD800  }
0x8d: {  	[tilespmem:s20], [sflag:$0x3] =	stream.linear.gather [spmem:s13], $0x2800, $0x38;
	[tilespmem:$0x1E800] =	vst v63  }
0x8e: {  	s30 =	sadd.s32 $0x1, s30;
	_ =	swait.ge [sflag:s18], $0x2800  }
0x8f: {  	p0 =	sne.s32 s30, s9;
	[sflag:s18] =	ssyncset.done $0x0  }
.Ltmp1:
0x90: {  	[sflag:s18] =	ssyncadd.s32 $0xFFFFD800;
	(pc) =	sbr.rel @p0 .LBB2_1-.Ltmp1, $4  }
0x91: {  	[hbm4b:s17+s4] =	stream.linear.scatter [tilespmem:s20], [sflag:$0x3], $0x2800, $0x38;
	[tilespmem:$0x1E800] =	vst v63  }
0x92: {  	_ =	swait.ge [sflag:s18], $0x2800  }
0x93: {  	[sflag:s18] =	ssyncset.done $0x0  }
0x94: {  	[sflag:s18] =	ssyncadd.s32 $0xFFFFD800  }
0x95: {  	_ =	sfence.sel $0x180000  }
0x96: {  	[bflag:$0x0] =	sbarrier.arrive $0xFFFF  }
0x97: {  	_ =	strace $0x90000050  }
0x98: {  	s0 =	stileid.u32;
	[bflag:$0x2] =	sbarrier.arrive $0xFFFF  }
0x99: {  	p0 =	sne.s32 s0, $0x0;
	s0 =	rddreg [dreg:$0x3]  }
0x9a: {  	s0 =	sadd.s32 @!p0 $0x100000, s0  }
0x9b: {  	[sflag:s0] =	ssyncadd.tile.s32 @!p0 $0x1;
	_ =	shalt  }
.Lfunc_end2:
_tile_overlayer_lowered:
.L_overlay_start_2:
0x9c: {  	(tag) =	ssettag $0x2  }
0x9d: {  	s0 =	rddreg [dreg:$0x0];
	s2 =	stileid.u32  }
0x9e: {  	s1 =	rddreg [dreg:$0x1];
	p0 =	sne.s32 s2, $0x0  }
0x9f: {  	s3 =	rddreg [dreg:$0x2];
	[bflag:$0x3] =	sbarrier.arrive $0xFFFF;
	s2 =	simm.s32 @!p0 $0x1C03  }
0xa0: {  	[timem:s3], [sflag:s2] =	dma.local @!p0 [hbm:s0], s1  }
0xa1: {  	s0 =	simm.s32 @!p0 $0x3  }
0xa2: {  	_ =	swait.ge @!p0 [sflag:s0], s1  }
0xa3: {  	s1 =	ssub.s32 @!p0 $0x0, s1;
	[sflag:s0] =	ssyncset.done @!p0 $0x0  }
0xa4: {  	[sflag:s0] =	ssyncadd.s32 @!p0 s1  }
0xa5: {  	[bflag:$0x3] =	sbarrier.arrive $0xFFFF  }
0xa6: {  	_ =	shalt  }

// kernel: kernel.29.cloned.1.call-start
scs
__scs_entry_jumppad:
0x0: {  	(pc) =	sbr.rel $0x88, $3  }
0x1: {  	(tag) =	ssettag $0x0;
	lr =	simm.s32 $0x1  }
0x2: {  	[smem:$0x3F93] =	sst lr;
	_ =	strace $0xD0000000  }
0x3: {  	_ = 	snop  }
0x4: {  	_ = 	snop  }
0x5: {  	_ = 	snop  }
0x6: {  	_ = 	snop  }
0x7: {  	_ = 	snop  }
__scs_overlays_trampoline_lowered:
0x8: {  	[smem:$0x3FA2] =	sst s0  }
0x9: {  	[smem:$0x3FA3] =	sst s1  }
0xa: {  	[smem:$0x3FA4] =	sst s2  }
0xb: {  	[smem:$0x3FA5] =	sst s3  }
0xc: {  	[smem:$0x3FA6] =	sst s4  }
0xd: {  	[smem:$0x3FA7] =	sst s5  }
0xe: {  	[smem:$0x3FA8] =	sst s6  }
0xf: {  	[smem:$0x3FA9] =	sst s7  }
0x10: {  	[smem:$0x3FAA] =	sst s8  }
0x11: {  	[smem:$0x3FAB] =	sst s9;
	s0 =	simm.s32 @!p0 $0x0  }
0x12: {  	s1 =	sld [smem:$0x3F91];
	s0 =	simm.s32 @p0 $0x1  }
0x13: {  	[smem:$0x3FAC] =	sst s0;
	s0 =	simm.s32 @!p1 $0x0  }
0x14: {  	s2 =	sld [smem:$0x3F90];
	s0 =	simm.s32 @p1 $0x1  }
0x15: {  	[smem:$0x3FAD] =	sst s0;
	s0 =	simm.s32 @!p2 $0x0  }
0x16: {  	s3 =	sld [smem:$0x3FDB];
	s0 =	simm.s32 @p2 $0x1  }
0x17: {  	s4 =	simm.s32 $0x1BF5;
	[smem:$0x3FAF] =	sst s0  }
0x18: {  	s0 =	sld [smem:$0x3F92];
	_ =	swait.ge [sflag:s4], $0x0  }
0x19: {  	s7 =	sld [smem:$0x3F93]  }
0x1a: {  	s8 =	sadd.s32 $0xFFFFE003, lr  }
0x1b: {  	s9 =	sadd.s32 $0xFFFFFEF7, lr;
	s5 =	simm.s32 $0xFFFFFFFF;
	p2 =	slt.u32 s8, $0xFFFFF086  }
0x1c: {  	p1 =	slt.u32 s9, $0xF7A;
	s5 =	simm.s32 @!p2 $0x0  }
0x1d: {  	s5 =	simm.s32 @p1 $0x1;
	p0 =	seq.s32 s7, s2  }
0x1e: {  	s7 =	smul.u32 @!p0 $0xF7A, s2;
	p2 =	seq.s32 @!p0 s5, $0x0  }
0x1f: {  	s9 =	smul.u32 $0xF7A, s1;
	s8 =	simm.s32 @!p0 $0x1BF5;
	p2 =	por !p2, p0  }
0x20: {  	[sflag:s8] =	ssyncset.s32 @!p0 $0xFFFFF086;
	s6 =	sadd.s32 @!p0 s3, s7;
	s7 =	simm.s32 @!p0 $0x108  }
0x21: {  	s3 =	sadd.s32 s3, s9;
	s6 =	sadd.s32 @!p0 $0x88, s6;
	s7 =	simm.s32 @p2 $0x1082  }
0x22: {  	[simem:s7], [sflag:s8] =	dma.local @!p0 [hbm:s6], $0xF7A  }
0x23: {  	s9 =	sor.u32 $0xD0000000, s2;
	s6 =	simm.s32 $0x108;
	_ =	swait.ge @!p0 [sflag:s8], $0x0  }
0x24: {  	s3 =	sadd.s32 $0x88, s3;
	s6 =	simm.s32 @!p1 $0x1082;
	[sflag:s4] =	ssyncset.s32 $0xFFFFF086  }
0x25: {  	[simem:s6], [sflag:s4] =	dma.local [hbm:s3], $0xF7A  }
0x26: {  	[smem:$0x3F93] =	sst s1;
	(tag) =	ssettag s2;
	_ =	strace s9  }
0x27: {  	s1 =	sld [smem:$0x3FA3]  }
0x28: {  	s2 =	sld [smem:$0x3FA4]  }
0x29: {  	s4 =	sld [smem:$0x3FA6]  }
0x2a: {  	p0 =	seq.s32 s5, $0x0;
	s5 =	sld [smem:$0x3FA7]  }
0x2b: {  	s6 =	sld [smem:$0x3FA8]  }
0x2c: {  	s7 =	sld [smem:$0x3FA9]  }
0x2d: {  	s3 =	simm.s32 $0x108;
	s8 =	sld [smem:$0x3FAA]  }
0x2e: {  	s3 =	simm.s32 @!p0 $0x1082;
	s9 =	sld [smem:$0x3FAB]  }
0x2f: {  	lr =	sadd.s32 s0, s3;
	s0 =	sld [smem:$0x3FA2]  }
0x30: {  	s3 =	sld [smem:$0x3FA5]  }
0x31: {  	[smem:$0x3FAE] =	sst s10  }
0x32: {  	s10 =	sld [smem:$0x3FAC];
	_ =	sdelay $0x3  }
0x33: {  	p0 =	seq.s32 s10, $0x1;
	s10 =	sld [smem:$0x3FAE];
	_ =	sdelay $0x3  }
0x34: {  	[smem:$0x3FAE] =	sst s10  }
0x35: {  	s10 =	sld [smem:$0x3FAD];
	_ =	sdelay $0x3  }
0x36: {  	p1 =	seq.s32 s10, $0x1;
	s10 =	sld [smem:$0x3FAE];
	_ =	sdelay $0x3  }
0x37: {  	[smem:$0x3FAE] =	sst s10  }
0x38: {  	s10 =	sld [smem:$0x3FAF]  }
0x39: {  	_ = 	snop;
	(pc) =	sbr.ind lr, $3  }
0x3a: {  	_ = 	snop  }
0x3b: {  	_ = 	snop  }
0x3c: {  	p2 =	seq.s32 s10, $0x1;
	s10 =	sld [smem:$0x3FAE]  }
0x3d: {  	_ =	shalt  }
0x3e: {  	_ =	shalt  }
0x3f: {  	_ =	shalt  }
0x40: {  	_ =	shalt  }
0x41: {  	_ =	shalt  }
0x42: {  	_ =	shalt  }
0x43: {  	_ =	shalt  }
0x44: {  	_ =	shalt  }
0x45: {  	_ =	shalt  }
0x46: {  	_ =	shalt  }
0x47: {  	_ =	shalt  }
0x48: {  	_ =	shalt  }
0x49: {  	_ =	shalt  }
0x4a: {  	_ =	shalt  }
0x4b: {  	_ =	shalt  }
0x4c: {  	_ =	shalt  }
0x4d: {  	_ =	shalt  }
0x4e: {  	_ =	shalt  }
0x4f: {  	_ =	shalt  }
0x50: {  	_ =	shalt  }
0x51: {  	_ =	shalt  }
0x52: {  	_ =	shalt  }
0x53: {  	_ =	shalt  }
0x54: {  	_ =	shalt  }
0x55: {  	_ =	shalt  }
0x56: {  	_ =	shalt  }
0x57: {  	_ =	shalt  }
0x58: {  	_ =	shalt  }
0x59: {  	_ =	shalt  }
0x5a: {  	_ =	shalt  }
0x5b: {  	_ =	shalt  }
0x5c: {  	_ =	shalt  }
0x5d: {  	_ =	shalt  }
0x5e: {  	_ =	shalt  }
0x5f: {  	_ =	shalt  }
0x60: {  	_ =	shalt  }
0x61: {  	_ =	shalt  }
0x62: {  	_ =	shalt  }
0x63: {  	_ =	shalt  }
0x64: {  	_ =	shalt  }
0x65: {  	_ =	shalt  }
0x66: {  	_ =	shalt  }
0x67: {  	_ =	shalt  }
0x68: {  	_ =	shalt  }
0x69: {  	_ =	shalt  }
0x6a: {  	_ =	shalt  }
0x6b: {  	_ =	shalt  }
0x6c: {  	_ =	shalt  }
0x6d: {  	_ =	shalt  }
0x6e: {  	_ =	shalt  }
0x6f: {  	_ =	shalt  }
0x70: {  	_ =	shalt  }
0x71: {  	_ =	shalt  }
0x72: {  	_ =	shalt  }
0x73: {  	_ =	shalt  }
0x74: {  	_ =	shalt  }
0x75: {  	_ =	shalt  }
0x76: {  	_ =	shalt  }
0x77: {  	_ =	shalt  }
0x78: {  	_ =	shalt  }
0x79: {  	_ =	shalt  }
0x7a: {  	_ =	shalt  }
0x7b: {  	_ =	shalt  }
0x7c: {  	_ =	shalt  }
0x7d: {  	_ =	shalt  }
0x7e: {  	_ =	shalt  }
0x7f: {  	_ =	shalt  }
0x80: {  	_ =	shalt  }
0x81: {  	_ =	shalt  }
0x82: {  	_ =	shalt  }
0x83: {  	_ =	shalt  }
0x84: {  	_ =	shalt  }
0x85: {  	_ =	shalt  }
0x86: {  	_ =	shalt  }
0x87: {  	_ =	shalt  }
.Lfunc_end0:
.L_simem_size_0:
called_computation.4_lowered:
.L_overlay_start_0:
0x88: {  	s2 =	sld [smem:$0x3FD9]  }
0x89: {  	s3 =	sld [smem:$0x3FFE];
	_ =	sdelay $0x1  }
0x8a: {  	s1 =	srdreg.scid  }
0x8b: {  	s0 =	sand.u32 $0x1, s1  }
0x8c: {  	s17 =	sshll.u32 s0, $0xA;
	s2 =	sadd.s32 s3, s2  }
0x8d: {  	s2 =	sadd.s32 s2, s17  }
0x8e: {  	[smem:$0x3FBA] =	sst s2  }
0x8f: {  	_ = 	snop  }
0x90: {  	s2 =	sld [smem:$0x3FD0];
	(tm) =	ssettm $0x1  }
0x91: {  	s18 =	sld [smem:$0x3FFB];
	_ =	sdelay $0x3  }
0x92: {  	_ =	strace s18  }
0x93: {  	s3 =	sld [smem:$0x3FFC];
	_ =	sdelay $0x3  }
0x94: {  	_ =	strace s3  }
0x95: {  	s3 =	sld [smem:$0x3FFD];
	_ =	sdelay $0x3  }
0x96: {  	_ =	strace s3  }
0x97: {  	_ =	strace $0x8FFFFFFF  }
0x98: {  	s19 =	sld [smem:$0x3FDB];
	_ =	sdelay $0x1  }
0x99: {  	s4 =	simm.s32 $_scs_section_size  }
0x9a: {  	s5 =	simm.s32 $_size__tile_overlayer_lowered;
	s6 =	simm.s32 $_tile_overlayer_lowered  }
0x9b: {  	s22 =	simm.s32 $0x1BFF;
	s21 =	sshll.u32 s6, $0x1;
	s3 =	sadd.s32 s4, s19  }
0x9c: {  	s7 =	simm.s32 $0x0;
	s20 =	sshll.u32 s5, $0x1;
	s5 =	sadd.s32 s21, s3  }
0x9d: {  	[timem:s7], [sflag:s22] =	dma.local [hbm:s5], s20  }
0x9e: {  	_ =	swait.ge [sflag:s22], s20  }
0x9f: {  	s4 =	ssub.s32 $0x0, s20;
	[sflag:s22] =	ssyncset.done $0x0  }
0xa0: {  	[sflag:s22] =	ssyncadd.s32 s4;
	_ =	sdelay $0x1  }
0xa1: {  	s23 =	simm.s32 $0x1B8B  }
0xa2: {  	_ =	swait.ge [sflag:s23], $0x1  }
0xa3: {  	[sflag:s23] =	ssyncset.done $0x0  }
0xa4: {  	s25 =	simm.s32 $0x1B8E;
	s24 =	sld [smem:$0x3FFE];
	[sflag:s23] =	ssyncadd.s32 $0xFFFFFFFF  }
0xa5: {  	s26 =	simm.s32 $execute0_lowered;
	[smem:$0x3FD2] =	sst s25  }
0xa6: {  	s5 =	sshll.u32 s26, $0x1;
	_ =	strace $0x80000052;
	[dreg:$0x1] =	wrdreg $0xFFFFFFFF  }
0xa7: {  	s28 =	simm.s32 $_size_execute0_lowered;
	s3 =	sadd.s32 s3, s5;
	[dreg:$0x0] =	wrdreg $0x0  }
0xa8: {  	s5 =	sshll.u32 s28, $0x1;
	[dreg:$0x2] =	wrdreg s3  }
0xa9: {  	[dreg:$0x3] =	wrdreg s5  }
0xaa: {  	[dreg:$0x4] =	wrdreg $0xC0  }
0xab: {  	_ =	task [dreg:s7], $0x5FFFF  }
0xac: {  	[dreg:$0x1] =	wrdreg $0xFFFFFFFF  }
0xad: {  	[dreg:$0x0] =	wrdreg $0x60  }
0xae: {  	[dreg:$0x2] =	wrdreg s24  }
0xaf: {  	[dreg:$0x3] =	wrdreg s2  }
0xb0: {  	[dreg:$0x4] =	wrdreg $0x148000  }
0xb1: {  	[dreg:$0x5] =	wrdreg $0x9  }
0xb2: {  	_ =	task.clear_ibuf [dreg:s7], $0x6FFFF;
	_ =	strace $0x90000052  }
0xb3: {  	s29 =	simm.s32 $0x9;
	_ =	strace $0x80000054  }
0xb4: {  	_ =	swait.ge [sflag:s29], $0x1  }
0xb5: {  	[sflag:s29] =	ssyncadd.s32 $0xFFFFFFFF  }
0xb6: {  	_ =	strace $0x90000054  }
0xb7: {  	_ =	sfence  }
0xb8: {  	s30 =	sld [smem:$0x0];
	_ =	sdelay $0x2  }
0xb9: {  	s31 =	sshll.u32 s1, $0xD;
	s1 =	sshrl.u32 s1, $0x2  }
0xba: {  	s3 =	sand.u32 $0x4000, s31;
	s1 =	sadd.s32 s1, s30  }
0xbb: {  	s0 =	sor.u32 s3, s0;
	s1 =	sshll.u32 s1, $0x11  }
0xbc: {  	s0 =	sor.u32 s1, s0  }
0xbd: {  	s0 =	sadd.s32 $0x8F2B, s0  }
0xbe: {  	[sflag:s0] =	ssyncadd.remote.s32 $0x1  }
0xbf: {  	_ =	sfence.sel $0xFFFF  }
0xc0: {  	[dreg:$0x0] =	wrdreg $0xFFFFFFFF;
	(pc) =	sbr.abs _section_cstart, $3  }
0xc1: {  	[dreg:$0x1] =	wrdreg $0xFFFFFFFF  }
0xc2: {  	_ =	task.clear_ibuf [dreg:s7], $0x2FFFF;
	_ =	strace $0x9FFFFFFF  }
0xc3: {  	(tm) =	ssettm $0x7FFFFFFF  }
tec
execute0_lowered:
.L_overlay_start_1:
0x0: {  	(tag) =	ssettag $0x1  }
0x1: {  	s0 =	rddreg [dreg:$0x0]  }
0x2: {  	s2 =	rddreg [dreg:$0x2];
	s3 =	srdreg.scid;
	s4 =	simm.s32 $0x0  }
0x3: {  	s1 =	stileid.u32;
	s20 =	simm.s32 $0x12000;
	s21 =	simm.s32 $0x100  }
0x4: {  	s22 =	simm.s32 $0xA000;
	s23 =	simm.s32 $0xE000;
	s24 =	simm.s32 $0x1  }
0x5: {  	s25 =	simm.s32 $0x2;
	s26 =	simm.s32 $0x4F00;
	s6 =	smul.u32 $0xA00, s1  }
0x6: {  	s28 =	simm.s32 $0x9E00;
	s29 =	simm.s32 $0x9F00;
	s12 =	smul.u32 $0xA000, s1  }
0x7: {  	s30 =	simm.s32 $0x0;
	s5 =	sand.u32 $0x1, s3;
	s10 =	smul.u32 $0x28000, s1  }
0x8: {  	[smem:$0x7FF] =	sst s4;
	s15 =	smul.u32 $0xA0000, s5;
	s5 =	ssub.s32 $0x2, s5  }
0x9: {  	_ =	strace $0x80000053;
	s6 =	sadd.s32 s6, s0;
	s8 =	sshrl.u32 s5, $0x1  }
0xa: {  	s10 =	sshrl.u32 s10, $0x2;
	s16 =	sadd.s32 $0x2800, s12;
	s17 =	sadd.s32 $0x5000, s12  }
0xb: {  	s18 =	sadd.s32 $0x7800, s12;
	s7 =	sshrl.u32 s15, $0x3;
	s9 =	ssub.s32 s5, s8  }
0xc: {  	s5 =	sadd.s32 $0xDA00, s6;
	s6 =	sadd.s32 $0x3A00, s6;
	s8 =	sadd.s32 s12, s2  }
0xd: {  	s10 =	sadd.s32 s10, s2;
	s11 =	sadd.s32 s16, s2;
	s13 =	sadd.s32 s15, s12  }
0xe: {  	s12 =	sadd.s32 s17, s2;
	s16 =	sadd.s32 s15, s16;
	s17 =	sadd.s32 s15, s17  }
0xf: {  	s15 =	sadd.s32 s15, s18;
	s7 =	sadd.s32 s7, s0;
	s0 =	sadd.s32 $0x94C00, s0  }
0x10: {  	s9 =	smax.u32 s9, $0x1;
	s14 =	sshrl.u32 s13, $0x3;
	s13 =	sadd.s32 s18, s2  }
0x11: {  	s16 =	sshrl.u32 s16, $0x3;
	s17 =	sshrl.u32 s17, $0x3;
	s18 =	sshrl.u32 s15, $0x3  }
0x12: {  	s7 =	sadd.s32 $0x6CC00, s7;
	s14 =	sadd.s32 s0, s14;
	s15 =	sadd.s32 s0, s16  }
0x13: {  	s16 =	sadd.s32 s0, s17;
	s17 =	sadd.s32 s0, s18;
	s18 =	simm.s32 $0x3  }
.LBB2_1:
0x14: {  	[tilespmem:s4], [sflag:$0x3] =	stream.linear.gather [hbm4b:s5+s4], $0x5000, $0x38;
	[tilespmem:$0x1E800] =	vst v63  }
0x15: {  	_ =	swait.ge [sflag:s18], $0x5000  }
0x16: {  	[sflag:s18] =	ssyncset.done $0x0  }
0x17: {  	s0 =	simm.s32 $0x5000;
	[sflag:s18] =	ssyncadd.s32 $0xFFFFB000  }
0x18: {  	[tilespmem:s0], [sflag:$0x3] =	stream.linear.gather [hbm4b:s6+s4], $0x5000, $0x38;
	[tilespmem:$0x1E800] =	vst v63  }
0x19: {  	_ =	swait.ge [sflag:s18], $0x5000  }
0x1a: {  	[sflag:s18] =	ssyncset.done $0x0  }
0x1b: {  	[sflag:s18] =	ssyncadd.s32 $0xFFFFB000  }
0x1c: {  	s3 =	rddreg [dreg:$0x1]  }
0x1d: {  	[tilespmem:s20], [sflag:$0x3] =	stream.linear.gather [hbm4b:s3+s4], $0x2800, $0x38;
	[tilespmem:$0x1E800] =	vst v63  }
0x1e: {  	_ =	swait.ge [sflag:s18], $0x2800  }
0x1f: {  	[sflag:s18] =	ssyncset.done $0x0  }
0x20: {  	[sflag:s18] =	ssyncadd.s32 $0xFFFFD800  }
0x21: {  	[spmem:s10] =	stream.linear.scatter [tilespmem:s20], [sflag:$0x3], $0x2800, $0x38;
	[tilespmem:$0x1E800] =	vst v63  }
0x22: {  	_ =	swait.ge [sflag:s18], $0x2800  }
0x23: {  	[sflag:s18] =	ssyncset.done $0x0  }
0x24: {  	[sflag:s18] =	ssyncadd.s32 $0xFFFFD800  }
0x25: {  	[spmem:s11] =	stream.linear.scatter [tilespmem:s20], [sflag:$0x3], $0x2800, $0x38;
	[tilespmem:$0x1E800] =	vst v63  }
0x26: {  	_ =	swait.ge [sflag:s18], $0x2800  }
0x27: {  	[sflag:s18] =	ssyncset.done $0x0  }
0x28: {  	[sflag:s18] =	ssyncadd.s32 $0xFFFFD800  }
0x29: {  	[spmem:s12] =	stream.linear.scatter [tilespmem:s20], [sflag:$0x3], $0x2800, $0x38;
	[tilespmem:$0x1E800] =	vst v63  }
0x2a: {  	_ =	swait.ge [sflag:s18], $0x2800  }
0x2b: {  	[sflag:s18] =	ssyncset.done $0x0  }
0x2c: {  	[sflag:s18] =	ssyncadd.s32 $0xFFFFD800  }
0x2d: {  	[spmem:s13] =	stream.linear.scatter [tilespmem:s20], [sflag:$0x3], $0x2800, $0x38;
	[tilespmem:$0x1E800] =	vst v63  }
0x2e: {  	_ =	swait.ge [sflag:s18], $0x2800  }
0x2f: {  	[sflag:s18] =	ssyncset.done $0x0  }
0x30: {  	[sflag:s18] =	ssyncadd.s32 $0xFFFFD800  }
0x31: {  	[bflag:$0x0] =	sbarrier.arrive $0xFFFF  }
0x32: {  	[tilespmem:s22], [sflag:$0x1] =	stream.indirect.gather [hbm4b:s7+s21], $0x40, s4, s21, $0xb8;
	[tilespmem:$0x1E800] =	vst v63  }
0x33: {  	s19 =	simm.s32 $0x100  }
0x34: {  	[tilespmem:s23], [sflag:$0x2] =	stream.indirect.gather [hbm4b:s7+s21], $0x40, s19, s21, $0xb8;
	[tilespmem:$0x1E800] =	vst v63  }
0x35: {  	_ =	swait.ge [sflag:s24], $0x4000  }
0x36: {  	[sflag:s24] =	ssyncset.done $0x0  }
0x37: {  	s1 =	simm.s32 $0x5000;
	[sflag:s24] =	ssyncadd.s32 $0xFFFFC000  }
0x38: {  	[spmem:s2] =	stream.indirect.scatter.add.f32 [tilespmem:s22], [sflag:$0x3], $0x40, s1, s21, $0xb8;
	[tilespmem:$0x1E800] =	vst v63  }
0x39: {  	_ =	swait.ge [sflag:s18], $0x4000  }
0x3a: {  	[sflag:s18] =	ssyncset.done $0x0  }
0x3b: {  	s3 =	simm.s32 $0x200;
	[sflag:s18] =	ssyncadd.s32 $0xFFFFC000  }
0x3c: {  	[tilespmem:s22], [sflag:$0x1] =	stream.indirect.gather [hbm4b:s7+s21], $0x40, s3, s21, $0xb8;
	[tilespmem:$0x1E800] =	vst v63  }
0x3d: {  	_ =	swait.ge [sflag:s25], $0x4000  }
0x3e: {  	[sflag:s25] =	ssyncset.done $0x0  }
0x3f: {  	s19 =	simm.s32 $0x5100;
	[sflag:s25] =	ssyncadd.s32 $0xFFFFC000  }
0x40: {  	[spmem:s2] =	stream.indirect.scatter.add.f32 [tilespmem:s23], [sflag:$0x3], $0x40, s19, s21, $0xb8;
	[tilespmem:$0x1E800] =	vst v63  }
0x41: {  	_ =	swait.ge [sflag:s18], $0x4000  }
0x42: {  	s31 =	simm.s32 $0x200;
	s0 =	simm.s32 $0x1000;
	[sflag:s18] =	ssyncset.done $0x0  }
.LBB2_2:
0x43: {  	s3 =	sadd.s32 $0x100, s31  }
0x44: {  	[sflag:s18] =	ssyncadd.s32 $0xFFFFC000;
	s1 =	smov.u32 s0;
	s19 =	sadd.s32 $0x800, s0  }
0x45: {  	[tilespmem:s23], [sflag:$0x2] =	stream.indirect.gather [hbm4b:s7+s21], $0x40, s3, s21, $0xb8;
	[tilespmem:$0x1E800] =	vst v63  }
0x46: {  	p0 =	sne.s32 s0, $0x13000;
	_ =	swait.ge [sflag:s24], $0x4000  }
0x47: {  	[sflag:s24] =	ssyncset.done $0x0  }
0x48: {  	s0 =	sadd.s32 $0x5000, s31;
	[sflag:s24] =	ssyncadd.s32 $0xFFFFC000  }
0x49: {  	[spmem:s2] =	stream.indirect.scatter.add.f32 [tilespmem:s22], [sflag:$0x3], $0x40, s0, s21, $0xb8;
	[tilespmem:$0x1E800] =	vst v63  }
0x4a: {  	_ =	swait.ge [sflag:s18], $0x4000  }
0x4b: {  	[sflag:s18] =	ssyncset.done $0x0  }
0x4c: {  	s0 =	sadd.s32 $0x200, s31;
	[sflag:s18] =	ssyncadd.s32 $0xFFFFC000  }
0x4d: {  	[tilespmem:s22], [sflag:$0x1] =	stream.indirect.gather [hbm4b:s7+s21], $0x40, s0, s21, $0xb8;
	[tilespmem:$0x1E800] =	vst v63  }
0x4e: {  	_ =	swait.ge [sflag:s25], $0x4000  }
.Ltmp0:
0x4f: {  	[sflag:s25] =	ssyncset.done $0x0;
	(pc) =	sbr.rel @p0 .LBB2_2-.Ltmp0, $4  }
0x50: {  	s0 =	sadd.s32 $0x5100, s31;
	[sflag:s25] =	ssyncadd.s32 $0xFFFFC000  }
0x51: {  	[spmem:s2] =	stream.indirect.scatter.add.f32 [tilespmem:s23], [sflag:$0x3], $0x40, s0, s21, $0xb8;
	[tilespmem:$0x1E800] =	vst v63  }
0x52: {  	_ =	swait.ge [sflag:s18], $0x4000  }
0x53: {  	s31 =	sshra.s32 s1, $0x2;
	s0 =	smov.u32 s19;
	[sflag:s18] =	ssyncset.done $0x0  }
0x54: {  	s0 =	sadd.s32 $0x100, s31;
	[sflag:s18] =	ssyncadd.s32 $0xFFFFC000  }
0x55: {  	[tilespmem:s23], [sflag:$0x2] =	stream.indirect.gather [hbm4b:s7+s21], $0x40, s0, s21, $0xb8;
	[tilespmem:$0x1E800] =	vst v63  }
0x56: {  	_ =	swait.ge [sflag:s24], $0x4000  }
0x57: {  	[sflag:s24] =	ssyncset.done $0x0  }
0x58: {  	s3 =	sadd.s32 $0x5000, s31;
	[sflag:s24] =	ssyncadd.s32 $0xFFFFC000  }
0x59: {  	[spmem:s2] =	stream.indirect.scatter.add.f32 [tilespmem:s22], [sflag:$0x3], $0x40, s3, s21, $0xb8;
	[tilespmem:$0x1E800] =	vst v63  }
0x5a: {  	_ =	swait.ge [sflag:s18], $0x4000  }
0x5b: {  	[sflag:s18] =	ssyncset.done $0x0  }
0x5c: {  	s19 =	sadd.s32 $0x200, s31;
	[sflag:s18] =	ssyncadd.s32 $0xFFFFC000  }
0x5d: {  	[tilespmem:s22], [sflag:$0x1] =	stream.indirect.gather [hbm4b:s7+s21], $0x40, s19, s21, $0xb8;
	[tilespmem:$0x1E800] =	vst v63  }
0x5e: {  	_ =	swait.ge [sflag:s25], $0x4000  }
0x5f: {  	[sflag:s25] =	ssyncset.done $0x0  }
0x60: {  	s31 =	sadd.s32 $0x5100, s31;
	[sflag:s25] =	ssyncadd.s32 $0xFFFFC000  }
0x61: {  	[spmem:s2] =	stream.indirect.scatter.add.f32 [tilespmem:s23], [sflag:$0x3], $0x40, s31, s21, $0xb8;
	[tilespmem:$0x1E800] =	vst v63  }
0x62: {  	_ =	swait.ge [sflag:s18], $0x4000  }
0x63: {  	[sflag:s18] =	ssyncset.done $0x0  }
0x64: {  	[sflag:s18] =	ssyncadd.s32 $0xFFFFC000  }
0x65: {  	[tilespmem:s23], [sflag:$0x2] =	stream.indirect.gather [hbm4b:s7+s21], $0x40, s26, s21, $0xb8;
	[tilespmem:$0x1E800] =	vst v63  }
0x66: {  	_ =	swait.ge [sflag:s24], $0x4000  }
0x67: {  	[sflag:s24] =	ssyncset.done $0x0  }
0x68: {  	[sflag:s24] =	ssyncadd.s32 $0xFFFFC000  }
0x69: {  	[spmem:s2] =	stream.indirect.scatter.add.f32 [tilespmem:s22], [sflag:$0x3], $0x40, s28, s21, $0xb8;
	[tilespmem:$0x1E800] =	vst v63  }
0x6a: {  	_ =	swait.ge [sflag:s18], $0x4000  }
0x6b: {  	[sflag:s18] =	ssyncset.done $0x0  }
0x6c: {  	[sflag:s18] =	ssyncadd.s32 $0xFFFFC000  }
0x6d: {  	_ =	swait.ge [sflag:s25], $0x4000  }
0x6e: {  	[sflag:s25] =	ssyncset.done $0x0  }
0x6f: {  	[sflag:s25] =	ssyncadd.s32 $0xFFFFC000  }
0x70: {  	[spmem:s2] =	stream.indirect.scatter.add.f32 [tilespmem:s23], [sflag:$0x3], $0x40, s29, s21, $0xb8;
	[tilespmem:$0x1E800] =	vst v63  }
0x71: {  	_ =	swait.ge [sflag:s18], $0x4000  }
0x72: {  	[sflag:s18] =	ssyncset.done $0x0  }
0x73: {  	[sflag:s18] =	ssyncadd.s32 $0xFFFFC000  }
0x74: {  	[bflag:$0x0] =	sbarrier.arrive $0xFFFF  }
0x75: {  	[tilespmem:s20], [sflag:$0x3] =	stream.linear.gather [spmem:s8], $0x2800, $0x38;
	[tilespmem:$0x1E800] =	vst v63  }
0x76: {  	_ =	swait.ge [sflag:s18], $0x2800  }
0x77: {  	[sflag:s18] =	ssyncset.done $0x0  }
0x78: {  	[sflag:s18] =	ssyncadd.s32 $0xFFFFD800  }
0x79: {  	[hbm4b:s14+s4] =	stream.linear.scatter [tilespmem:s20], [sflag:$0x3], $0x2800, $0x38;
	[tilespmem:$0x1E800] =	vst v63  }
0x7a: {  	_ =	swait.ge [sflag:s18], $0x2800  }
0x7b: {  	[sflag:s18] =	ssyncset.done $0x0  }
0x7c: {  	[sflag:s18] =	ssyncadd.s32 $0xFFFFD800  }
0x7d: {  	[tilespmem:s20], [sflag:$0x3] =	stream.linear.gather [spmem:s11], $0x2800, $0x38;
	[tilespmem:$0x1E800] =	vst v63  }
0x7e: {  	_ =	swait.ge [sflag:s18], $0x2800  }
0x7f: {  	[sflag:s18] =	ssyncset.done $0x0  }
0x80: {  	[sflag:s18] =	ssyncadd.s32 $0xFFFFD800  }
0x81: {  	[hbm4b:s15+s4] =	stream.linear.scatter [tilespmem:s20], [sflag:$0x3], $0x2800, $0x38;
	[tilespmem:$0x1E800] =	vst v63  }
0x82: {  	_ =	swait.ge [sflag:s18], $0x2800  }
0x83: {  	[sflag:s18] =	ssyncset.done $0x0  }
0x84: {  	[sflag:s18] =	ssyncadd.s32 $0xFFFFD800  }
0x85: {  	[tilespmem:s20], [sflag:$0x3] =	stream.linear.gather [spmem:s12], $0x2800, $0x38;
	[tilespmem:$0x1E800] =	vst v63  }
0x86: {  	_ =	swait.ge [sflag:s18], $0x2800  }
0x87: {  	[sflag:s18] =	ssyncset.done $0x0  }
0x88: {  	[sflag:s18] =	ssyncadd.s32 $0xFFFFD800  }
0x89: {  	[hbm4b:s16+s4] =	stream.linear.scatter [tilespmem:s20], [sflag:$0x3], $0x2800, $0x38;
	[tilespmem:$0x1E800] =	vst v63  }
0x8a: {  	_ =	swait.ge [sflag:s18], $0x2800  }
0x8b: {  	[sflag:s18] =	ssyncset.done $0x0  }
0x8c: {  	[sflag:s18] =	ssyncadd.s32 $0xFFFFD800  }
0x8d: {  	[tilespmem:s20], [sflag:$0x3] =	stream.linear.gather [spmem:s13], $0x2800, $0x38;
	[tilespmem:$0x1E800] =	vst v63  }
0x8e: {  	s30 =	sadd.s32 $0x1, s30;
	_ =	swait.ge [sflag:s18], $0x2800  }
0x8f: {  	p0 =	sne.s32 s30, s9;
	[sflag:s18] =	ssyncset.done $0x0  }
.Ltmp1:
0x90: {  	[sflag:s18] =	ssyncadd.s32 $0xFFFFD800;
	(pc) =	sbr.rel @p0 .LBB2_1-.Ltmp1, $4  }
0x91: {  	[hbm4b:s17+s4] =	stream.linear.scatter [tilespmem:s20], [sflag:$0x3], $0x2800, $0x38;
	[tilespmem:$0x1E800] =	vst v63  }
0x92: {  	_ =	swait.ge [sflag:s18], $0x2800  }
0x93: {  	[sflag:s18] =	ssyncset.done $0x0  }
0x94: {  	[sflag:s18] =	ssyncadd.s32 $0xFFFFD800  }
0x95: {  	_ =	sfence.sel $0x180000  }
0x96: {  	[bflag:$0x0] =	sbarrier.arrive $0xFFFF  }
0x97: {  	_ =	strace $0x90000053  }
0x98: {  	s0 =	stileid.u32;
	[bflag:$0x2] =	sbarrier.arrive $0xFFFF  }
0x99: {  	p0 =	sne.s32 s0, $0x0;
	s0 =	rddreg [dreg:$0x3]  }
0x9a: {  	s0 =	sadd.s32 @!p0 $0x100000, s0  }
0x9b: {  	[sflag:s0] =	ssyncadd.tile.s32 @!p0 $0x1;
	_ =	shalt  }
.Lfunc_end2:
_tile_overlayer_lowered:
.L_overlay_start_2:
0x9c: {  	(tag) =	ssettag $0x2  }
0x9d: {  	s0 =	rddreg [dreg:$0x0];
	s2 =	stileid.u32  }
0x9e: {  	s1 =	rddreg [dreg:$0x1];
	p0 =	sne.s32 s2, $0x0  }
0x9f: {  	s3 =	rddreg [dreg:$0x2];
	[bflag:$0x3] =	sbarrier.arrive $0xFFFF;
	s2 =	simm.s32 @!p0 $0x1C03  }
0xa0: {  	[timem:s3], [sflag:s2] =	dma.local @!p0 [hbm:s0], s1  }
0xa1: {  	s0 =	simm.s32 @!p0 $0x3  }
0xa2: {  	_ =	swait.ge @!p0 [sflag:s0], s1  }
0xa3: {  	s1 =	ssub.s32 @!p0 $0x0, s1;
	[sflag:s0] =	ssyncset.done @!p0 $0x0  }
0xa4: {  	[sflag:s0] =	ssyncadd.s32 @!p0 s1  }
0xa5: {  	[bflag:$0x3] =	sbarrier.arrive $0xFFFF  }
0xa6: {  	_ =	shalt  }

// kernel: kernel.32.cloned.1.call-start
scs
__scs_entry_jumppad:
0x0: {  	(pc) =	sbr.rel $0x88, $3  }
0x1: {  	(tag) =	ssettag $0x0;
	lr =	simm.s32 $0x1  }
0x2: {  	[smem:$0x3F93] =	sst lr;
	_ =	strace $0xD0000000  }
0x3: {  	_ = 	snop  }
0x4: {  	_ = 	snop  }
0x5: {  	_ = 	snop  }
0x6: {  	_ = 	snop  }
0x7: {  	_ = 	snop  }
__scs_overlays_trampoline_lowered:
0x8: {  	[smem:$0x3FA2] =	sst s0  }
0x9: {  	[smem:$0x3FA3] =	sst s1  }
0xa: {  	[smem:$0x3FA4] =	sst s2  }
0xb: {  	[smem:$0x3FA5] =	sst s3  }
0xc: {  	[smem:$0x3FA6] =	sst s4  }
0xd: {  	[smem:$0x3FA7] =	sst s5  }
0xe: {  	[smem:$0x3FA8] =	sst s6  }
0xf: {  	[smem:$0x3FA9] =	sst s7  }
0x10: {  	[smem:$0x3FAA] =	sst s8  }
0x11: {  	[smem:$0x3FAB] =	sst s9;
	s0 =	simm.s32 @!p0 $0x0  }
0x12: {  	s1 =	sld [smem:$0x3F91];
	s0 =	simm.s32 @p0 $0x1  }
0x13: {  	[smem:$0x3FAC] =	sst s0;
	s0 =	simm.s32 @!p1 $0x0  }
0x14: {  	s2 =	sld [smem:$0x3F90];
	s0 =	simm.s32 @p1 $0x1  }
0x15: {  	[smem:$0x3FAD] =	sst s0;
	s0 =	simm.s32 @!p2 $0x0  }
0x16: {  	s3 =	sld [smem:$0x3FDB];
	s0 =	simm.s32 @p2 $0x1  }
0x17: {  	s4 =	simm.s32 $0x1BF5;
	[smem:$0x3FAF] =	sst s0  }
0x18: {  	s0 =	sld [smem:$0x3F92];
	_ =	swait.ge [sflag:s4], $0x0  }
0x19: {  	s7 =	sld [smem:$0x3F93]  }
0x1a: {  	s8 =	sadd.s32 $0xFFFFE003, lr  }
0x1b: {  	s9 =	sadd.s32 $0xFFFFFEF7, lr;
	s5 =	simm.s32 $0xFFFFFFFF;
	p2 =	slt.u32 s8, $0xFFFFF086  }
0x1c: {  	p1 =	slt.u32 s9, $0xF7A;
	s5 =	simm.s32 @!p2 $0x0  }
0x1d: {  	s5 =	simm.s32 @p1 $0x1;
	p0 =	seq.s32 s7, s2  }
0x1e: {  	s7 =	smul.u32 @!p0 $0xF7A, s2;
	p2 =	seq.s32 @!p0 s5, $0x0  }
0x1f: {  	s9 =	smul.u32 $0xF7A, s1;
	s8 =	simm.s32 @!p0 $0x1BF5;
	p2 =	por !p2, p0  }
0x20: {  	[sflag:s8] =	ssyncset.s32 @!p0 $0xFFFFF086;
	s6 =	sadd.s32 @!p0 s3, s7;
	s7 =	simm.s32 @!p0 $0x108  }
0x21: {  	s3 =	sadd.s32 s3, s9;
	s6 =	sadd.s32 @!p0 $0x88, s6;
	s7 =	simm.s32 @p2 $0x1082  }
0x22: {  	[simem:s7], [sflag:s8] =	dma.local @!p0 [hbm:s6], $0xF7A  }
0x23: {  	s9 =	sor.u32 $0xD0000000, s2;
	s6 =	simm.s32 $0x108;
	_ =	swait.ge @!p0 [sflag:s8], $0x0  }
0x24: {  	s3 =	sadd.s32 $0x88, s3;
	s6 =	simm.s32 @!p1 $0x1082;
	[sflag:s4] =	ssyncset.s32 $0xFFFFF086  }
0x25: {  	[simem:s6], [sflag:s4] =	dma.local [hbm:s3], $0xF7A  }
0x26: {  	[smem:$0x3F93] =	sst s1;
	(tag) =	ssettag s2;
	_ =	strace s9  }
0x27: {  	s1 =	sld [smem:$0x3FA3]  }
0x28: {  	s2 =	sld [smem:$0x3FA4]  }
0x29: {  	s4 =	sld [smem:$0x3FA6]  }
0x2a: {  	p0 =	seq.s32 s5, $0x0;
	s5 =	sld [smem:$0x3FA7]  }
0x2b: {  	s6 =	sld [smem:$0x3FA8]  }
0x2c: {  	s7 =	sld [smem:$0x3FA9]  }
0x2d: {  	s3 =	simm.s32 $0x108;
	s8 =	sld [smem:$0x3FAA]  }
0x2e: {  	s3 =	simm.s32 @!p0 $0x1082;
	s9 =	sld [smem:$0x3FAB]  }
0x2f: {  	lr =	sadd.s32 s0, s3;
	s0 =	sld [smem:$0x3FA2]  }
0x30: {  	s3 =	sld [smem:$0x3FA5]  }
0x31: {  	[smem:$0x3FAE] =	sst s10  }
0x32: {  	s10 =	sld [smem:$0x3FAC];
	_ =	sdelay $0x3  }
0x33: {  	p0 =	seq.s32 s10, $0x1;
	s10 =	sld [smem:$0x3FAE];
	_ =	sdelay $0x3  }
0x34: {  	[smem:$0x3FAE] =	sst s10  }
0x35: {  	s10 =	sld [smem:$0x3FAD];
	_ =	sdelay $0x3  }
0x36: {  	p1 =	seq.s32 s10, $0x1;
	s10 =	sld [smem:$0x3FAE];
	_ =	sdelay $0x3  }
0x37: {  	[smem:$0x3FAE] =	sst s10  }
0x38: {  	s10 =	sld [smem:$0x3FAF]  }
0x39: {  	_ = 	snop;
	(pc) =	sbr.ind lr, $3  }
0x3a: {  	_ = 	snop  }
0x3b: {  	_ = 	snop  }
0x3c: {  	p2 =	seq.s32 s10, $0x1;
	s10 =	sld [smem:$0x3FAE]  }
0x3d: {  	_ =	shalt  }
0x3e: {  	_ =	shalt  }
0x3f: {  	_ =	shalt  }
0x40: {  	_ =	shalt  }
0x41: {  	_ =	shalt  }
0x42: {  	_ =	shalt  }
0x43: {  	_ =	shalt  }
0x44: {  	_ =	shalt  }
0x45: {  	_ =	shalt  }
0x46: {  	_ =	shalt  }
0x47: {  	_ =	shalt  }
0x48: {  	_ =	shalt  }
0x49: {  	_ =	shalt  }
0x4a: {  	_ =	shalt  }
0x4b: {  	_ =	shalt  }
0x4c: {  	_ =	shalt  }
0x4d: {  	_ =	shalt  }
0x4e: {  	_ =	shalt  }
0x4f: {  	_ =	shalt  }
0x50: {  	_ =	shalt  }
0x51: {  	_ =	shalt  }
0x52: {  	_ =	shalt  }
0x53: {  	_ =	shalt  }
0x54: {  	_ =	shalt  }
0x55: {  	_ =	shalt  }
0x56: {  	_ =	shalt  }
0x57: {  	_ =	shalt  }
0x58: {  	_ =	shalt  }
0x59: {  	_ =	shalt  }
0x5a: {  	_ =	shalt  }
0x5b: {  	_ =	shalt  }
0x5c: {  	_ =	shalt  }
0x5d: {  	_ =	shalt  }
0x5e: {  	_ =	shalt  }
0x5f: {  	_ =	shalt  }
0x60: {  	_ =	shalt  }
0x61: {  	_ =	shalt  }
0x62: {  	_ =	shalt  }
0x63: {  	_ =	shalt  }
0x64: {  	_ =	shalt  }
0x65: {  	_ =	shalt  }
0x66: {  	_ =	shalt  }
0x67: {  	_ =	shalt  }
0x68: {  	_ =	shalt  }
0x69: {  	_ =	shalt  }
0x6a: {  	_ =	shalt  }
0x6b: {  	_ =	shalt  }
0x6c: {  	_ =	shalt  }
0x6d: {  	_ =	shalt  }
0x6e: {  	_ =	shalt  }
0x6f: {  	_ =	shalt  }
0x70: {  	_ =	shalt  }
0x71: {  	_ =	shalt  }
0x72: {  	_ =	shalt  }
0x73: {  	_ =	shalt  }
0x74: {  	_ =	shalt  }
0x75: {  	_ =	shalt  }
0x76: {  	_ =	shalt  }
0x77: {  	_ =	shalt  }
0x78: {  	_ =	shalt  }
0x79: {  	_ =	shalt  }
0x7a: {  	_ =	shalt  }
0x7b: {  	_ =	shalt  }
0x7c: {  	_ =	shalt  }
0x7d: {  	_ =	shalt  }
0x7e: {  	_ =	shalt  }
0x7f: {  	_ =	shalt  }
0x80: {  	_ =	shalt  }
0x81: {  	_ =	shalt  }
0x82: {  	_ =	shalt  }
0x83: {  	_ =	shalt  }
0x84: {  	_ =	shalt  }
0x85: {  	_ =	shalt  }
0x86: {  	_ =	shalt  }
0x87: {  	_ =	shalt  }
.Lfunc_end0:
.L_simem_size_0:
called_computation.5_lowered:
.L_overlay_start_0:
0x88: {  	s2 =	sld [smem:$0x3FD9]  }
0x89: {  	s3 =	sld [smem:$0x3FFE];
	_ =	sdelay $0x1  }
0x8a: {  	s1 =	srdreg.scid  }
0x8b: {  	s0 =	sand.u32 $0x1, s1  }
0x8c: {  	s17 =	sshll.u32 s0, $0xA;
	s2 =	sadd.s32 s3, s2  }
0x8d: {  	s2 =	sadd.s32 s2, s17  }
0x8e: {  	[smem:$0x3FBA] =	sst s2  }
0x8f: {  	_ = 	snop  }
0x90: {  	s2 =	sld [smem:$0x3FD0];
	(tm) =	ssettm $0x1  }
0x91: {  	s18 =	sld [smem:$0x3FFB];
	_ =	sdelay $0x3  }
0x92: {  	_ =	strace s18  }
0x93: {  	s3 =	sld [smem:$0x3FFC];
	_ =	sdelay $0x3  }
0x94: {  	_ =	strace s3  }
0x95: {  	s3 =	sld [smem:$0x3FFD];
	_ =	sdelay $0x3  }
0x96: {  	_ =	strace s3  }
0x97: {  	_ =	strace $0x8FFFFFFF  }
0x98: {  	s19 =	sld [smem:$0x3FDB];
	_ =	sdelay $0x1  }
0x99: {  	s4 =	simm.s32 $_scs_section_size  }
0x9a: {  	s5 =	simm.s32 $_size__tile_overlayer_lowered;
	s6 =	simm.s32 $_tile_overlayer_lowered  }
0x9b: {  	s22 =	simm.s32 $0x1BFF;
	s21 =	sshll.u32 s6, $0x1;
	s3 =	sadd.s32 s4, s19  }
0x9c: {  	s7 =	simm.s32 $0x0;
	s20 =	sshll.u32 s5, $0x1;
	s5 =	sadd.s32 s21, s3  }
0x9d: {  	[timem:s7], [sflag:s22] =	dma.local [hbm:s5], s20  }
0x9e: {  	_ =	swait.ge [sflag:s22], s20  }
0x9f: {  	s4 =	ssub.s32 $0x0, s20;
	[sflag:s22] =	ssyncset.done $0x0  }
0xa0: {  	[sflag:s22] =	ssyncadd.s32 s4;
	_ =	sdelay $0x1  }
0xa1: {  	s23 =	simm.s32 $0x1B8B  }
0xa2: {  	_ =	swait.ge [sflag:s23], $0x1  }
0xa3: {  	[sflag:s23] =	ssyncset.done $0x0  }
0xa4: {  	s25 =	simm.s32 $0x1B8E;
	s24 =	sld [smem:$0x3FFE];
	[sflag:s23] =	ssyncadd.s32 $0xFFFFFFFF  }
0xa5: {  	s26 =	simm.s32 $execute0_lowered;
	[smem:$0x3FD2] =	sst s25  }
0xa6: {  	s5 =	sshll.u32 s26, $0x1;
	_ =	strace $0x80000055;
	[dreg:$0x1] =	wrdreg $0xFFFFFFFF  }
0xa7: {  	s28 =	simm.s32 $_size_execute0_lowered;
	s3 =	sadd.s32 s3, s5;
	[dreg:$0x0] =	wrdreg $0x0  }
0xa8: {  	s5 =	sshll.u32 s28, $0x1;
	[dreg:$0x2] =	wrdreg s3  }
0xa9: {  	[dreg:$0x3] =	wrdreg s5  }
0xaa: {  	[dreg:$0x4] =	wrdreg $0xC0  }
0xab: {  	_ =	task [dreg:s7], $0x5FFFF  }
0xac: {  	[dreg:$0x1] =	wrdreg $0xFFFFFFFF  }
0xad: {  	[dreg:$0x0] =	wrdreg $0x60  }
0xae: {  	[dreg:$0x2] =	wrdreg s24  }
0xaf: {  	[dreg:$0x3] =	wrdreg s2  }
0xb0: {  	[dreg:$0x4] =	wrdreg $0x148000  }
0xb1: {  	[dreg:$0x5] =	wrdreg $0x9  }
0xb2: {  	_ =	task.clear_ibuf [dreg:s7], $0x6FFFF;
	_ =	strace $0x90000055  }
0xb3: {  	s29 =	simm.s32 $0x9;
	_ =	strace $0x80000057  }
0xb4: {  	_ =	swait.ge [sflag:s29], $0x1  }
0xb5: {  	[sflag:s29] =	ssyncadd.s32 $0xFFFFFFFF  }
0xb6: {  	_ =	strace $0x90000057  }
0xb7: {  	_ =	sfence  }
0xb8: {  	s30 =	sld [smem:$0x0];
	_ =	sdelay $0x2  }
0xb9: {  	s31 =	sshll.u32 s1, $0xD;
	s1 =	sshrl.u32 s1, $0x2  }
0xba: {  	s3 =	sand.u32 $0x4000, s31;
	s1 =	sadd.s32 s1, s30  }
0xbb: {  	s0 =	sor.u32 s3, s0;
	s1 =	sshll.u32 s1, $0x11  }
0xbc: {  	s0 =	sor.u32 s1, s0  }
0xbd: {  	s0 =	sadd.s32 $0x8F2B, s0  }
0xbe: {  	[sflag:s0] =	ssyncadd.remote.s32 $0x1  }
0xbf: {  	_ =	sfence.sel $0xFFFF  }
0xc0: {  	[dreg:$0x0] =	wrdreg $0xFFFFFFFF;
	(pc) =	sbr.abs _section_cstart, $3  }
0xc1: {  	[dreg:$0x1] =	wrdreg $0xFFFFFFFF  }
0xc2: {  	_ =	task.clear_ibuf [dreg:s7], $0x2FFFF;
	_ =	strace $0x9FFFFFFF  }
0xc3: {  	(tm) =	ssettm $0x7FFFFFFF  }
tec
execute0_lowered:
.L_overlay_start_1:
0x0: {  	(tag) =	ssettag $0x1  }
0x1: {  	s0 =	rddreg [dreg:$0x0]  }
0x2: {  	s2 =	rddreg [dreg:$0x2];
	s3 =	srdreg.scid;
	s4 =	simm.s32 $0x0  }
0x3: {  	s1 =	stileid.u32;
	s20 =	simm.s32 $0x12000;
	s21 =	simm.s32 $0x100  }
0x4: {  	s22 =	simm.s32 $0xA000;
	s23 =	simm.s32 $0xE000;
	s24 =	simm.s32 $0x1  }
0x5: {  	s25 =	simm.s32 $0x2;
	s26 =	simm.s32 $0x4F00;
	s6 =	smul.u32 $0xA00, s1  }
0x6: {  	s28 =	simm.s32 $0x9E00;
	s29 =	simm.s32 $0x9F00;
	s12 =	smul.u32 $0xA000, s1  }
0x7: {  	s30 =	simm.s32 $0x0;
	s5 =	sand.u32 $0x1, s3;
	s10 =	smul.u32 $0x28000, s1  }
0x8: {  	[smem:$0x7FF] =	sst s4;
	s15 =	smul.u32 $0xA0000, s5;
	s5 =	ssub.s32 $0x2, s5  }
0x9: {  	_ =	strace $0x80000056;
	s6 =	sadd.s32 s6, s0;
	s8 =	sshrl.u32 s5, $0x1  }
0xa: {  	s10 =	sshrl.u32 s10, $0x2;
	s16 =	sadd.s32 $0x2800, s12;
	s17 =	sadd.s32 $0x5000, s12  }
0xb: {  	s18 =	sadd.s32 $0x7800, s12;
	s7 =	sshrl.u32 s15, $0x3;
	s9 =	ssub.s32 s5, s8  }
0xc: {  	s5 =	sadd.s32 $0xDA00, s6;
	s6 =	sadd.s32 $0x3A00, s6;
	s8 =	sadd.s32 s12, s2  }
0xd: {  	s10 =	sadd.s32 s10, s2;
	s11 =	sadd.s32 s16, s2;
	s13 =	sadd.s32 s15, s12  }
0xe: {  	s12 =	sadd.s32 s17, s2;
	s16 =	sadd.s32 s15, s16;
	s17 =	sadd.s32 s15, s17  }
0xf: {  	s15 =	sadd.s32 s15, s18;
	s7 =	sadd.s32 s7, s0;
	s0 =	sadd.s32 $0x94C00, s0  }
0x10: {  	s9 =	smax.u32 s9, $0x1;
	s14 =	sshrl.u32 s13, $0x3;
	s13 =	sadd.s32 s18, s2  }
0x11: {  	s16 =	sshrl.u32 s16, $0x3;
	s17 =	sshrl.u32 s17, $0x3;
	s18 =	sshrl.u32 s15, $0x3  }
0x12: {  	s7 =	sadd.s32 $0x6CC00, s7;
	s14 =	sadd.s32 s0, s14;
	s15 =	sadd.s32 s0, s16  }
0x13: {  	s16 =	sadd.s32 s0, s17;
	s17 =	sadd.s32 s0, s18;
	s18 =	simm.s32 $0x3  }
.LBB2_1:
0x14: {  	[tilespmem:s4], [sflag:$0x3] =	stream.linear.gather [hbm4b:s5+s4], $0x5000, $0x38;
	[tilespmem:$0x1E800] =	vst v63  }
0x15: {  	_ =	swait.ge [sflag:s18], $0x5000  }
0x16: {  	[sflag:s18] =	ssyncset.done $0x0  }
0x17: {  	s0 =	simm.s32 $0x5000;
	[sflag:s18] =	ssyncadd.s32 $0xFFFFB000  }
0x18: {  	[tilespmem:s0], [sflag:$0x3] =	stream.linear.gather [hbm4b:s6+s4], $0x5000, $0x38;
	[tilespmem:$0x1E800] =	vst v63  }
0x19: {  	_ =	swait.ge [sflag:s18], $0x5000  }
0x1a: {  	[sflag:s18] =	ssyncset.done $0x0  }
0x1b: {  	[sflag:s18] =	ssyncadd.s32 $0xFFFFB000  }
0x1c: {  	s3 =	rddreg [dreg:$0x1]  }
0x1d: {  	[tilespmem:s20], [sflag:$0x3] =	stream.linear.gather [hbm4b:s3+s4], $0x2800, $0x38;
	[tilespmem:$0x1E800] =	vst v63  }
0x1e: {  	_ =	swait.ge [sflag:s18], $0x2800  }
0x1f: {  	[sflag:s18] =	ssyncset.done $0x0  }
0x20: {  	[sflag:s18] =	ssyncadd.s32 $0xFFFFD800  }
0x21: {  	[spmem:s10] =	stream.linear.scatter [tilespmem:s20], [sflag:$0x3], $0x2800, $0x38;
	[tilespmem:$0x1E800] =	vst v63  }
0x22: {  	_ =	swait.ge [sflag:s18], $0x2800  }
0x23: {  	[sflag:s18] =	ssyncset.done $0x0  }
0x24: {  	[sflag:s18] =	ssyncadd.s32 $0xFFFFD800  }
0x25: {  	[spmem:s11] =	stream.linear.scatter [tilespmem:s20], [sflag:$0x3], $0x2800, $0x38;
	[tilespmem:$0x1E800] =	vst v63  }
0x26: {  	_ =	swait.ge [sflag:s18], $0x2800  }
0x27: {  	[sflag:s18] =	ssyncset.done $0x0  }
0x28: {  	[sflag:s18] =	ssyncadd.s32 $0xFFFFD800  }
0x29: {  	[spmem:s12] =	stream.linear.scatter [tilespmem:s20], [sflag:$0x3], $0x2800, $0x38;
	[tilespmem:$0x1E800] =	vst v63  }
0x2a: {  	_ =	swait.ge [sflag:s18], $0x2800  }
0x2b: {  	[sflag:s18] =	ssyncset.done $0x0  }
0x2c: {  	[sflag:s18] =	ssyncadd.s32 $0xFFFFD800  }
0x2d: {  	[spmem:s13] =	stream.linear.scatter [tilespmem:s20], [sflag:$0x3], $0x2800, $0x38;
	[tilespmem:$0x1E800] =	vst v63  }
0x2e: {  	_ =	swait.ge [sflag:s18], $0x2800  }
0x2f: {  	[sflag:s18] =	ssyncset.done $0x0  }
0x30: {  	[sflag:s18] =	ssyncadd.s32 $0xFFFFD800  }
0x31: {  	[bflag:$0x0] =	sbarrier.arrive $0xFFFF  }
0x32: {  	[tilespmem:s22], [sflag:$0x1] =	stream.indirect.gather [hbm4b:s7+s21], $0x40, s4, s21, $0xb8;
	[tilespmem:$0x1E800] =	vst v63  }
0x33: {  	s19 =	simm.s32 $0x100  }
0x34: {  	[tilespmem:s23], [sflag:$0x2] =	stream.indirect.gather [hbm4b:s7+s21], $0x40, s19, s21, $0xb8;
	[tilespmem:$0x1E800] =	vst v63  }
0x35: {  	_ =	swait.ge [sflag:s24], $0x4000  }
0x36: {  	[sflag:s24] =	ssyncset.done $0x0  }
0x37: {  	s1 =	simm.s32 $0x5000;
	[sflag:s24] =	ssyncadd.s32 $0xFFFFC000  }
0x38: {  	[spmem:s2] =	stream.indirect.scatter.add.f32 [tilespmem:s22], [sflag:$0x3], $0x40, s1, s21, $0xb8;
	[tilespmem:$0x1E800] =	vst v63  }
0x39: {  	_ =	swait.ge [sflag:s18], $0x4000  }
0x3a: {  	[sflag:s18] =	ssyncset.done $0x0  }
0x3b: {  	s3 =	simm.s32 $0x200;
	[sflag:s18] =	ssyncadd.s32 $0xFFFFC000  }
0x3c: {  	[tilespmem:s22], [sflag:$0x1] =	stream.indirect.gather [hbm4b:s7+s21], $0x40, s3, s21, $0xb8;
	[tilespmem:$0x1E800] =	vst v63  }
0x3d: {  	_ =	swait.ge [sflag:s25], $0x4000  }
0x3e: {  	[sflag:s25] =	ssyncset.done $0x0  }
0x3f: {  	s19 =	simm.s32 $0x5100;
	[sflag:s25] =	ssyncadd.s32 $0xFFFFC000  }
0x40: {  	[spmem:s2] =	stream.indirect.scatter.add.f32 [tilespmem:s23], [sflag:$0x3], $0x40, s19, s21, $0xb8;
	[tilespmem:$0x1E800] =	vst v63  }
0x41: {  	_ =	swait.ge [sflag:s18], $0x4000  }
0x42: {  	s31 =	simm.s32 $0x200;
	s0 =	simm.s32 $0x1000;
	[sflag:s18] =	ssyncset.done $0x0  }
.LBB2_2:
0x43: {  	s3 =	sadd.s32 $0x100, s31  }
0x44: {  	[sflag:s18] =	ssyncadd.s32 $0xFFFFC000;
	s1 =	smov.u32 s0;
	s19 =	sadd.s32 $0x800, s0  }
0x45: {  	[tilespmem:s23], [sflag:$0x2] =	stream.indirect.gather [hbm4b:s7+s21], $0x40, s3, s21, $0xb8;
	[tilespmem:$0x1E800] =	vst v63  }
0x46: {  	p0 =	sne.s32 s0, $0x13000;
	_ =	swait.ge [sflag:s24], $0x4000  }
0x47: {  	[sflag:s24] =	ssyncset.done $0x0  }
0x48: {  	s0 =	sadd.s32 $0x5000, s31;
	[sflag:s24] =	ssyncadd.s32 $0xFFFFC000  }
0x49: {  	[spmem:s2] =	stream.indirect.scatter.add.f32 [tilespmem:s22], [sflag:$0x3], $0x40, s0, s21, $0xb8;
	[tilespmem:$0x1E800] =	vst v63  }
0x4a: {  	_ =	swait.ge [sflag:s18], $0x4000  }
0x4b: {  	[sflag:s18] =	ssyncset.done $0x0  }
0x4c: {  	s0 =	sadd.s32 $0x200, s31;
	[sflag:s18] =	ssyncadd.s32 $0xFFFFC000  }
0x4d: {  	[tilespmem:s22], [sflag:$0x1] =	stream.indirect.gather [hbm4b:s7+s21], $0x40, s0, s21, $0xb8;
	[tilespmem:$0x1E800] =	vst v63  }
0x4e: {  	_ =	swait.ge [sflag:s25], $0x4000  }
.Ltmp0:
0x4f: {  	[sflag:s25] =	ssyncset.done $0x0;
	(pc) =	sbr.rel @p0 .LBB2_2-.Ltmp0, $4  }
0x50: {  	s0 =	sadd.s32 $0x5100, s31;
	[sflag:s25] =	ssyncadd.s32 $0xFFFFC000  }
0x51: {  	[spmem:s2] =	stream.indirect.scatter.add.f32 [tilespmem:s23], [sflag:$0x3], $0x40, s0, s21, $0xb8;
	[tilespmem:$0x1E800] =	vst v63  }
0x52: {  	_ =	swait.ge [sflag:s18], $0x4000  }
0x53: {  	s31 =	sshra.s32 s1, $0x2;
	s0 =	smov.u32 s19;
	[sflag:s18] =	ssyncset.done $0x0  }
0x54: {  	s0 =	sadd.s32 $0x100, s31;
	[sflag:s18] =	ssyncadd.s32 $0xFFFFC000  }
0x55: {  	[tilespmem:s23], [sflag:$0x2] =	stream.indirect.gather [hbm4b:s7+s21], $0x40, s0, s21, $0xb8;
	[tilespmem:$0x1E800] =	vst v63  }
0x56: {  	_ =	swait.ge [sflag:s24], $0x4000  }
0x57: {  	[sflag:s24] =	ssyncset.done $0x0  }
0x58: {  	s3 =	sadd.s32 $0x5000, s31;
	[sflag:s24] =	ssyncadd.s32 $0xFFFFC000  }
0x59: {  	[spmem:s2] =	stream.indirect.scatter.add.f32 [tilespmem:s22], [sflag:$0x3], $0x40, s3, s21, $0xb8;
	[tilespmem:$0x1E800] =	vst v63  }
0x5a: {  	_ =	swait.ge [sflag:s18], $0x4000  }
0x5b: {  	[sflag:s18] =	ssyncset.done $0x0  }
0x5c: {  	s19 =	sadd.s32 $0x200, s31;
	[sflag:s18] =	ssyncadd.s32 $0xFFFFC000  }
0x5d: {  	[tilespmem:s22], [sflag:$0x1] =	stream.indirect.gather [hbm4b:s7+s21], $0x40, s19, s21, $0xb8;
	[tilespmem:$0x1E800] =	vst v63  }
0x5e: {  	_ =	swait.ge [sflag:s25], $0x4000  }
0x5f: {  	[sflag:s25] =	ssyncset.done $0x0  }
0x60: {  	s31 =	sadd.s32 $0x5100, s31;
	[sflag:s25] =	ssyncadd.s32 $0xFFFFC000  }
0x61: {  	[spmem:s2] =	stream.indirect.scatter.add.f32 [tilespmem:s23], [sflag:$0x3], $0x40, s31, s21, $0xb8;
	[tilespmem:$0x1E800] =	vst v63  }
0x62: {  	_ =	swait.ge [sflag:s18], $0x4000  }
0x63: {  	[sflag:s18] =	ssyncset.done $0x0  }
0x64: {  	[sflag:s18] =	ssyncadd.s32 $0xFFFFC000  }
0x65: {  	[tilespmem:s23], [sflag:$0x2] =	stream.indirect.gather [hbm4b:s7+s21], $0x40, s26, s21, $0xb8;
	[tilespmem:$0x1E800] =	vst v63  }
0x66: {  	_ =	swait.ge [sflag:s24], $0x4000  }
0x67: {  	[sflag:s24] =	ssyncset.done $0x0  }
0x68: {  	[sflag:s24] =	ssyncadd.s32 $0xFFFFC000  }
0x69: {  	[spmem:s2] =	stream.indirect.scatter.add.f32 [tilespmem:s22], [sflag:$0x3], $0x40, s28, s21, $0xb8;
	[tilespmem:$0x1E800] =	vst v63  }
0x6a: {  	_ =	swait.ge [sflag:s18], $0x4000  }
0x6b: {  	[sflag:s18] =	ssyncset.done $0x0  }
0x6c: {  	[sflag:s18] =	ssyncadd.s32 $0xFFFFC000  }
0x6d: {  	_ =	swait.ge [sflag:s25], $0x4000  }
0x6e: {  	[sflag:s25] =	ssyncset.done $0x0  }
0x6f: {  	[sflag:s25] =	ssyncadd.s32 $0xFFFFC000  }
0x70: {  	[spmem:s2] =	stream.indirect.scatter.add.f32 [tilespmem:s23], [sflag:$0x3], $0x40, s29, s21, $0xb8;
	[tilespmem:$0x1E800] =	vst v63  }
0x71: {  	_ =	swait.ge [sflag:s18], $0x4000  }
0x72: {  	[sflag:s18] =	ssyncset.done $0x0  }
0x73: {  	[sflag:s18] =	ssyncadd.s32 $0xFFFFC000  }
0x74: {  	[bflag:$0x0] =	sbarrier.arrive $0xFFFF  }
0x75: {  	[tilespmem:s20], [sflag:$0x3] =	stream.linear.gather [spmem:s8], $0x2800, $0x38;
	[tilespmem:$0x1E800] =	vst v63  }
0x76: {  	_ =	swait.ge [sflag:s18], $0x2800  }
0x77: {  	[sflag:s18] =	ssyncset.done $0x0  }
0x78: {  	[sflag:s18] =	ssyncadd.s32 $0xFFFFD800  }
0x79: {  	[hbm4b:s14+s4] =	stream.linear.scatter [tilespmem:s20], [sflag:$0x3], $0x2800, $0x38;
	[tilespmem:$0x1E800] =	vst v63  }
0x7a: {  	_ =	swait.ge [sflag:s18], $0x2800  }
0x7b: {  	[sflag:s18] =	ssyncset.done $0x0  }
0x7c: {  	[sflag:s18] =	ssyncadd.s32 $0xFFFFD800  }
0x7d: {  	[tilespmem:s20], [sflag:$0x3] =	stream.linear.gather [spmem:s11], $0x2800, $0x38;
	[tilespmem:$0x1E800] =	vst v63  }
0x7e: {  	_ =	swait.ge [sflag:s18], $0x2800  }
0x7f: {  	[sflag:s18] =	ssyncset.done $0x0  }
0x80: {  	[sflag:s18] =	ssyncadd.s32 $0xFFFFD800  }
0x81: {  	[hbm4b:s15+s4] =	stream.linear.scatter [tilespmem:s20], [sflag:$0x3], $0x2800, $0x38;
	[tilespmem:$0x1E800] =	vst v63  }
0x82: {  	_ =	swait.ge [sflag:s18], $0x2800  }
0x83: {  	[sflag:s18] =	ssyncset.done $0x0  }
0x84: {  	[sflag:s18] =	ssyncadd.s32 $0xFFFFD800  }
0x85: {  	[tilespmem:s20], [sflag:$0x3] =	stream.linear.gather [spmem:s12], $0x2800, $0x38;
	[tilespmem:$0x1E800] =	vst v63  }
0x86: {  	_ =	swait.ge [sflag:s18], $0x2800  }
0x87: {  	[sflag:s18] =	ssyncset.done $0x0  }
0x88: {  	[sflag:s18] =	ssyncadd.s32 $0xFFFFD800  }
0x89: {  	[hbm4b:s16+s4] =	stream.linear.scatter [tilespmem:s20], [sflag:$0x3], $0x2800, $0x38;
	[tilespmem:$0x1E800] =	vst v63  }
0x8a: {  	_ =	swait.ge [sflag:s18], $0x2800  }
0x8b: {  	[sflag:s18] =	ssyncset.done $0x0  }
0x8c: {  	[sflag:s18] =	ssyncadd.s32 $0xFFFFD800  }
0x8d: {  	[tilespmem:s20], [sflag:$0x3] =	stream.linear.gather [spmem:s13], $0x2800, $0x38;
	[tilespmem:$0x1E800] =	vst v63  }
0x8e: {  	s30 =	sadd.s32 $0x1, s30;
	_ =	swait.ge [sflag:s18], $0x2800  }
0x8f: {  	p0 =	sne.s32 s30, s9;
	[sflag:s18] =	ssyncset.done $0x0  }
.Ltmp1:
0x90: {  	[sflag:s18] =	ssyncadd.s32 $0xFFFFD800;
	(pc) =	sbr.rel @p0 .LBB2_1-.Ltmp1, $4  }
0x91: {  	[hbm4b:s17+s4] =	stream.linear.scatter [tilespmem:s20], [sflag:$0x3], $0x2800, $0x38;
	[tilespmem:$0x1E800] =	vst v63  }
0x92: {  	_ =	swait.ge [sflag:s18], $0x2800  }
0x93: {  	[sflag:s18] =	ssyncset.done $0x0  }
0x94: {  	[sflag:s18] =	ssyncadd.s32 $0xFFFFD800  }
0x95: {  	_ =	sfence.sel $0x180000  }
0x96: {  	[bflag:$0x0] =	sbarrier.arrive $0xFFFF  }
0x97: {  	_ =	strace $0x90000056  }
0x98: {  	s0 =	stileid.u32;
	[bflag:$0x2] =	sbarrier.arrive $0xFFFF  }
0x99: {  	p0 =	sne.s32 s0, $0x0;
	s0 =	rddreg [dreg:$0x3]  }
0x9a: {  	s0 =	sadd.s32 @!p0 $0x100000, s0  }
0x9b: {  	[sflag:s0] =	ssyncadd.tile.s32 @!p0 $0x1;
	_ =	shalt  }
.Lfunc_end2:
_tile_overlayer_lowered:
.L_overlay_start_2:
0x9c: {  	(tag) =	ssettag $0x2  }
0x9d: {  	s0 =	rddreg [dreg:$0x0];
	s2 =	stileid.u32  }
0x9e: {  	s1 =	rddreg [dreg:$0x1];
	p0 =	sne.s32 s2, $0x0  }
0x9f: {  	s3 =	rddreg [dreg:$0x2];
	[bflag:$0x3] =	sbarrier.arrive $0xFFFF;
	s2 =	simm.s32 @!p0 $0x1C03  }
0xa0: {  	[timem:s3], [sflag:s2] =	dma.local @!p0 [hbm:s0], s1  }
0xa1: {  	s0 =	simm.s32 @!p0 $0x3  }
0xa2: {  	_ =	swait.ge @!p0 [sflag:s0], s1  }
0xa3: {  	s1 =	ssub.s32 @!p0 $0x0, s1;
	[sflag:s0] =	ssyncset.done @!p0 $0x0  }
0xa4: {  	[sflag:s0] =	ssyncadd.s32 @!p0 s1  }
0xa5: {  	[bflag:$0x3] =	sbarrier.arrive $0xFFFF  }
0xa6: {  	_ =	shalt  }

// kernel: kernel.35.cloned.1.call-start
scs
__scs_entry_jumppad:
0x0: {  	(pc) =	sbr.rel $0x88, $3  }
0x1: {  	(tag) =	ssettag $0x0;
	lr =	simm.s32 $0x1  }
0x2: {  	[smem:$0x3F93] =	sst lr;
	_ =	strace $0xD0000000  }
0x3: {  	_ = 	snop  }
0x4: {  	_ = 	snop  }
0x5: {  	_ = 	snop  }
0x6: {  	_ = 	snop  }
0x7: {  	_ = 	snop  }
__scs_overlays_trampoline_lowered:
0x8: {  	[smem:$0x3FA2] =	sst s0  }
0x9: {  	[smem:$0x3FA3] =	sst s1  }
0xa: {  	[smem:$0x3FA4] =	sst s2  }
0xb: {  	[smem:$0x3FA5] =	sst s3  }
0xc: {  	[smem:$0x3FA6] =	sst s4  }
0xd: {  	[smem:$0x3FA7] =	sst s5  }
0xe: {  	[smem:$0x3FA8] =	sst s6  }
0xf: {  	[smem:$0x3FA9] =	sst s7  }
0x10: {  	[smem:$0x3FAA] =	sst s8  }
0x11: {  	[smem:$0x3FAB] =	sst s9;
	s0 =	simm.s32 @!p0 $0x0  }
0x12: {  	s1 =	sld [smem:$0x3F91];
	s0 =	simm.s32 @p0 $0x1  }
0x13: {  	[smem:$0x3FAC] =	sst s0;
	s0 =	simm.s32 @!p1 $0x0  }
0x14: {  	s2 =	sld [smem:$0x3F90];
	s0 =	simm.s32 @p1 $0x1  }
0x15: {  	[smem:$0x3FAD] =	sst s0;
	s0 =	simm.s32 @!p2 $0x0  }
0x16: {  	s3 =	sld [smem:$0x3FDB];
	s0 =	simm.s32 @p2 $0x1  }
0x17: {  	s4 =	simm.s32 $0x1BF5;
	[smem:$0x3FAF] =	sst s0  }
0x18: {  	s0 =	sld [smem:$0x3F92];
	_ =	swait.ge [sflag:s4], $0x0  }
0x19: {  	s7 =	sld [smem:$0x3F93]  }
0x1a: {  	s8 =	sadd.s32 $0xFFFFE003, lr  }
0x1b: {  	s9 =	sadd.s32 $0xFFFFFEF7, lr;
	s5 =	simm.s32 $0xFFFFFFFF;
	p2 =	slt.u32 s8, $0xFFFFF086  }
0x1c: {  	p1 =	slt.u32 s9, $0xF7A;
	s5 =	simm.s32 @!p2 $0x0  }
0x1d: {  	s5 =	simm.s32 @p1 $0x1;
	p0 =	seq.s32 s7, s2  }
0x1e: {  	s7 =	smul.u32 @!p0 $0xF7A, s2;
	p2 =	seq.s32 @!p0 s5, $0x0  }
0x1f: {  	s9 =	smul.u32 $0xF7A, s1;
	s8 =	simm.s32 @!p0 $0x1BF5;
	p2 =	por !p2, p0  }
0x20: {  	[sflag:s8] =	ssyncset.s32 @!p0 $0xFFFFF086;
	s6 =	sadd.s32 @!p0 s3, s7;
	s7 =	simm.s32 @!p0 $0x108  }
0x21: {  	s3 =	sadd.s32 s3, s9;
	s6 =	sadd.s32 @!p0 $0x88, s6;
	s7 =	simm.s32 @p2 $0x1082  }
0x22: {  	[simem:s7], [sflag:s8] =	dma.local @!p0 [hbm:s6], $0xF7A  }
0x23: {  	s9 =	sor.u32 $0xD0000000, s2;
	s6 =	simm.s32 $0x108;
	_ =	swait.ge @!p0 [sflag:s8], $0x0  }
0x24: {  	s3 =	sadd.s32 $0x88, s3;
	s6 =	simm.s32 @!p1 $0x1082;
	[sflag:s4] =	ssyncset.s32 $0xFFFFF086  }
0x25: {  	[simem:s6], [sflag:s4] =	dma.local [hbm:s3], $0xF7A  }
0x26: {  	[smem:$0x3F93] =	sst s1;
	(tag) =	ssettag s2;
	_ =	strace s9  }
0x27: {  	s1 =	sld [smem:$0x3FA3]  }
0x28: {  	s2 =	sld [smem:$0x3FA4]  }
0x29: {  	s4 =	sld [smem:$0x3FA6]  }
0x2a: {  	p0 =	seq.s32 s5, $0x0;
	s5 =	sld [smem:$0x3FA7]  }
0x2b: {  	s6 =	sld [smem:$0x3FA8]  }
0x2c: {  	s7 =	sld [smem:$0x3FA9]  }
0x2d: {  	s3 =	simm.s32 $0x108;
	s8 =	sld [smem:$0x3FAA]  }
0x2e: {  	s3 =	simm.s32 @!p0 $0x1082;
	s9 =	sld [smem:$0x3FAB]  }
0x2f: {  	lr =	sadd.s32 s0, s3;
	s0 =	sld [smem:$0x3FA2]  }
0x30: {  	s3 =	sld [smem:$0x3FA5]  }
0x31: {  	[smem:$0x3FAE] =	sst s10  }
0x32: {  	s10 =	sld [smem:$0x3FAC];
	_ =	sdelay $0x3  }
0x33: {  	p0 =	seq.s32 s10, $0x1;
	s10 =	sld [smem:$0x3FAE];
	_ =	sdelay $0x3  }
0x34: {  	[smem:$0x3FAE] =	sst s10  }
0x35: {  	s10 =	sld [smem:$0x3FAD];
	_ =	sdelay $0x3  }
0x36: {  	p1 =	seq.s32 s10, $0x1;
	s10 =	sld [smem:$0x3FAE];
	_ =	sdelay $0x3  }
0x37: {  	[smem:$0x3FAE] =	sst s10  }
0x38: {  	s10 =	sld [smem:$0x3FAF]  }
0x39: {  	_ = 	snop;
	(pc) =	sbr.ind lr, $3  }
0x3a: {  	_ = 	snop  }
0x3b: {  	_ = 	snop  }
0x3c: {  	p2 =	seq.s32 s10, $0x1;
	s10 =	sld [smem:$0x3FAE]  }
0x3d: {  	_ =	shalt  }
0x3e: {  	_ =	shalt  }
0x3f: {  	_ =	shalt  }
0x40: {  	_ =	shalt  }
0x41: {  	_ =	shalt  }
0x42: {  	_ =	shalt  }
0x43: {  	_ =	shalt  }
0x44: {  	_ =	shalt  }
0x45: {  	_ =	shalt  }
0x46: {  	_ =	shalt  }
0x47: {  	_ =	shalt  }
0x48: {  	_ =	shalt  }
0x49: {  	_ =	shalt  }
0x4a: {  	_ =	shalt  }
0x4b: {  	_ =	shalt  }
0x4c: {  	_ =	shalt  }
0x4d: {  	_ =	shalt  }
0x4e: {  	_ =	shalt  }
0x4f: {  	_ =	shalt  }
0x50: {  	_ =	shalt  }
0x51: {  	_ =	shalt  }
0x52: {  	_ =	shalt  }
0x53: {  	_ =	shalt  }
0x54: {  	_ =	shalt  }
0x55: {  	_ =	shalt  }
0x56: {  	_ =	shalt  }
0x57: {  	_ =	shalt  }
0x58: {  	_ =	shalt  }
0x59: {  	_ =	shalt  }
0x5a: {  	_ =	shalt  }
0x5b: {  	_ =	shalt  }
0x5c: {  	_ =	shalt  }
0x5d: {  	_ =	shalt  }
0x5e: {  	_ =	shalt  }
0x5f: {  	_ =	shalt  }
0x60: {  	_ =	shalt  }
0x61: {  	_ =	shalt  }
0x62: {  	_ =	shalt  }
0x63: {  	_ =	shalt  }
0x64: {  	_ =	shalt  }
0x65: {  	_ =	shalt  }
0x66: {  	_ =	shalt  }
0x67: {  	_ =	shalt  }
0x68: {  	_ =	shalt  }
0x69: {  	_ =	shalt  }
0x6a: {  	_ =	shalt  }
0x6b: {  	_ =	shalt  }
0x6c: {  	_ =	shalt  }
0x6d: {  	_ =	shalt  }
0x6e: {  	_ =	shalt  }
0x6f: {  	_ =	shalt  }
0x70: {  	_ =	shalt  }
0x71: {  	_ =	shalt  }
0x72: {  	_ =	shalt  }
0x73: {  	_ =	shalt  }
0x74: {  	_ =	shalt  }
0x75: {  	_ =	shalt  }
0x76: {  	_ =	shalt  }
0x77: {  	_ =	shalt  }
0x78: {  	_ =	shalt  }
0x79: {  	_ =	shalt  }
0x7a: {  	_ =	shalt  }
0x7b: {  	_ =	shalt  }
0x7c: {  	_ =	shalt  }
0x7d: {  	_ =	shalt  }
0x7e: {  	_ =	shalt  }
0x7f: {  	_ =	shalt  }
0x80: {  	_ =	shalt  }
0x81: {  	_ =	shalt  }
0x82: {  	_ =	shalt  }
0x83: {  	_ =	shalt  }
0x84: {  	_ =	shalt  }
0x85: {  	_ =	shalt  }
0x86: {  	_ =	shalt  }
0x87: {  	_ =	shalt  }
.Lfunc_end0:
.L_simem_size_0:
called_computation.6_lowered:
.L_overlay_start_0:
0x88: {  	s2 =	sld [smem:$0x3FD9]  }
0x89: {  	s3 =	sld [smem:$0x3FFE];
	_ =	sdelay $0x1  }
0x8a: {  	s1 =	srdreg.scid  }
0x8b: {  	s0 =	sand.u32 $0x1, s1  }
0x8c: {  	s16 =	sshll.u32 s0, $0xA;
	s2 =	sadd.s32 s3, s2  }
0x8d: {  	s2 =	sadd.s32 s2, s16  }
0x8e: {  	[smem:$0x3FBA] =	sst s2  }
0x8f: {  	_ = 	snop  }
0x90: {  	(tm) =	ssettm $0x1  }
0x91: {  	s17 =	sld [smem:$0x3FFB];
	_ =	sdelay $0x3  }
0x92: {  	_ =	strace s17  }
0x93: {  	s2 =	sld [smem:$0x3FFC];
	_ =	sdelay $0x3  }
0x94: {  	_ =	strace s2  }
0x95: {  	s2 =	sld [smem:$0x3FFD];
	_ =	sdelay $0x3  }
0x96: {  	_ =	strace s2  }
0x97: {  	_ =	strace $0x8FFFFFFF  }
0x98: {  	s18 =	sld [smem:$0x3FDB];
	_ =	sdelay $0x1  }
0x99: {  	s19 =	simm.s32 $_scs_section_size  }
0x9a: {  	s4 =	simm.s32 $_size__tile_overlayer_lowered;
	s5 =	simm.s32 $_tile_overlayer_lowered  }
0x9b: {  	s22 =	simm.s32 $0x1BFF;
	s21 =	sshll.u32 s5, $0x1;
	s2 =	sadd.s32 s19, s18  }
0x9c: {  	s6 =	simm.s32 $0x0;
	s20 =	sshll.u32 s4, $0x1;
	s4 =	sadd.s32 s21, s2  }
0x9d: {  	[timem:s6], [sflag:s22] =	dma.local [hbm:s4], s20  }
0x9e: {  	_ =	swait.ge [sflag:s22], s20  }
0x9f: {  	s3 =	ssub.s32 $0x0, s20;
	[sflag:s22] =	ssyncset.done $0x0  }
0xa0: {  	[sflag:s22] =	ssyncadd.s32 s3;
	_ =	sdelay $0x1  }
0xa1: {  	s23 =	simm.s32 $0x1B8B  }
0xa2: {  	_ =	swait.ge [sflag:s23], $0x1  }
0xa3: {  	[sflag:s23] =	ssyncset.done $0x0  }
0xa4: {  	s25 =	simm.s32 $0x1B8E;
	s24 =	sld [smem:$0x3FFE];
	[sflag:s23] =	ssyncadd.s32 $0xFFFFFFFF  }
0xa5: {  	s26 =	simm.s32 $execute0_lowered;
	[smem:$0x3FD2] =	sst s25  }
0xa6: {  	s4 =	sshll.u32 s26, $0x1;
	_ =	strace $0x80000058;
	[dreg:$0x1] =	wrdreg $0xFFFFFFFF  }
0xa7: {  	s28 =	simm.s32 $_size_execute0_lowered;
	s2 =	sadd.s32 s2, s4;
	[dreg:$0x0] =	wrdreg $0x0  }
0xa8: {  	s4 =	sshll.u32 s28, $0x1;
	[dreg:$0x2] =	wrdreg s2  }
0xa9: {  	[dreg:$0x3] =	wrdreg s4  }
0xaa: {  	[dreg:$0x4] =	wrdreg $0xC0  }
0xab: {  	_ =	task [dreg:s6], $0x5FFFF  }
0xac: {  	[dreg:$0x1] =	wrdreg $0xFFFFFFFF  }
0xad: {  	[dreg:$0x0] =	wrdreg $0x60  }
0xae: {  	[dreg:$0x2] =	wrdreg s24  }
0xaf: {  	[dreg:$0x3] =	wrdreg $0x7A000  }
0xb0: {  	[dreg:$0x4] =	wrdreg $0x9  }
0xb1: {  	_ =	task.clear_ibuf [dreg:s6], $0x5FFFF;
	_ =	strace $0x90000058  }
0xb2: {  	s29 =	simm.s32 $0x9;
	_ =	strace $0x8000005A  }
0xb3: {  	_ =	swait.ge [sflag:s29], $0x1  }
0xb4: {  	[sflag:s29] =	ssyncadd.s32 $0xFFFFFFFF  }
0xb5: {  	_ =	strace $0x9000005A  }
0xb6: {  	_ =	sfence  }
0xb7: {  	s30 =	sld [smem:$0x0];
	_ =	sdelay $0x2  }
0xb8: {  	s31 =	sshll.u32 s1, $0xD;
	s1 =	sshrl.u32 s1, $0x2  }
0xb9: {  	s3 =	sand.u32 $0x4000, s31;
	s1 =	sadd.s32 s1, s30  }
0xba: {  	s0 =	sor.u32 s3, s0;
	s1 =	sshll.u32 s1, $0x11  }
0xbb: {  	s0 =	sor.u32 s1, s0  }
0xbc: {  	s0 =	sadd.s32 $0x8F2B, s0  }
0xbd: {  	[sflag:s0] =	ssyncadd.remote.s32 $0x1  }
0xbe: {  	_ =	sfence.sel $0xFFFF  }
0xbf: {  	[dreg:$0x0] =	wrdreg $0xFFFFFFFF;
	(pc) =	sbr.abs _section_cstart, $3  }
0xc0: {  	[dreg:$0x1] =	wrdreg $0xFFFFFFFF  }
0xc1: {  	_ =	task.clear_ibuf [dreg:s6], $0x2FFFF;
	_ =	strace $0x9FFFFFFF  }
0xc2: {  	(tm) =	ssettm $0x7FFFFFFF  }
0xc3: {  	_ =	shalt  }
tec
execute0_lowered:
.L_overlay_start_1:
0x0: {  	(tag) =	ssettag $0x1  }
0x1: {  	s0 =	srdreg.scid;
	s6 =	rddreg [dreg:$0x0]  }
0x2: {  	s26 =	stileid.u32;
	s2 =	rddreg [dreg:$0x1]  }
0x3: {  	s20 =	simm.s32 $0x7000;
	s21 =	simm.s32 $0x100;
	s22 =	simm.s32 $0x5000  }
0x4: {  	s23 =	simm.s32 $0x6000;
	s24 =	simm.s32 $0x1;
	s25 =	simm.s32 $0x2  }
0x5: {  	s28 =	simm.s32 $0x4E00;
	s29 =	simm.s32 $0x4F00;
	s30 =	simm.s32 $0x0  }
0x6: {  	s1 =	sand.u32 $0x1, s0;
	s5 =	sadd.s32 $0x1CA00, s6;
	s12 =	smul.u32 $0x2800, s26  }
0x7: {  	s17 =	sadd.s32 $0x1CC00, s6;
	s10 =	smul.u32 $0xA000, s26;
	s3 =	sshll.u32 s1, $0x4  }
0x8: {  	s8 =	ssub.s32 $0x2, s1;
	s1 =	smul.u32 $0x28000, s1;
	s4 =	sor.u32 s26, s3  }
0x9: {  	s3 =	simm.s32 $0x0;
	s31 =	sshrl.u32 s8, $0x1;
	s10 =	sshrl.u32 s10, $0x2  }
0xa: {  	s15 =	sadd.s32 $0xA00, s12;
	s16 =	sadd.s32 $0x1400, s12;
	s18 =	sadd.s32 $0x1E00, s12  }
0xb: {  	s4 =	smul.u32 $0x500, s4;
	[smem:$0x7FF] =	sst s3;
	s9 =	ssub.s32 s8, s31  }
0xc: {  	s8 =	sadd.s32 s12, s2;
	s10 =	sadd.s32 s10, s2;
	s11 =	sadd.s32 s15, s2  }
0xd: {  	s13 =	sadd.s32 s1, s12;
	s12 =	sadd.s32 s16, s2;
	s15 =	sadd.s32 s1, s15  }
0xe: {  	s16 =	sadd.s32 s1, s16;
	s1 =	sadd.s32 s1, s18;
	_ =	strace $0x80000059  }
0xf: {  	s9 =	smax.u32 s9, $0x1;
	s14 =	sshrl.u32 s13, $0x3;
	s13 =	sadd.s32 s18, s2  }
0x10: {  	s15 =	sshrl.u32 s15, $0x3;
	s16 =	sshrl.u32 s16, $0x3;
	s1 =	sshrl.u32 s1, $0x3  }
0x11: {  	s18 =	simm.s32 $0x3;
	s7 =	sadd.s32 s4, s6;
	s4 =	sadd.s32 $0x17A00, s6  }
0x12: {  	s14 =	sadd.s32 s17, s14;
	s15 =	sadd.s32 s17, s15;
	s16 =	sadd.s32 s17, s16  }
0x13: {  	s17 =	sadd.s32 s17, s1;
	s6 =	sadd.s32 $0xDA00, s7;
	s7 =	sadd.s32 $0x3A00, s7  }
.LBB2_1:
0x14: {  	[tilespmem:s3], [sflag:$0x3] =	stream.linear.gather [hbm4b:s6+s3], $0x2800, $0x38;
	[tilespmem:$0xA200] =	vst v63  }
0x15: {  	_ =	swait.ge [sflag:s18], $0x2800  }
0x16: {  	[sflag:s18] =	ssyncset.done $0x0  }
0x17: {  	s0 =	simm.s32 $0x2800;
	[sflag:s18] =	ssyncadd.s32 $0xFFFFD800  }
0x18: {  	[tilespmem:s0], [sflag:$0x3] =	stream.linear.gather [hbm4b:s7+s3], $0x2800, $0x38;
	[tilespmem:$0xA200] =	vst v63  }
0x19: {  	_ =	swait.ge [sflag:s18], $0x2800  }
0x1a: {  	[sflag:s18] =	ssyncset.done $0x0  }
0x1b: {  	[sflag:s18] =	ssyncadd.s32 $0xFFFFD800  }
0x1c: {  	[tilespmem:s20], [sflag:$0x3] =	stream.linear.gather [hbm4b:s5+s3], $0xA00, $0x38;
	[tilespmem:$0xA200] =	vst v63  }
0x1d: {  	_ =	swait.ge [sflag:s18], $0xA00  }
0x1e: {  	[sflag:s18] =	ssyncset.done $0x0  }
0x1f: {  	[sflag:s18] =	ssyncadd.s32 $0xFFFFF600  }
0x20: {  	[spmem:s10] =	stream.linear.scatter [tilespmem:s20], [sflag:$0x3], $0xA00, $0x38;
	[tilespmem:$0xA200] =	vst v63  }
0x21: {  	_ =	swait.ge [sflag:s18], $0xA00  }
0x22: {  	[sflag:s18] =	ssyncset.done $0x0  }
0x23: {  	[sflag:s18] =	ssyncadd.s32 $0xFFFFF600  }
0x24: {  	[spmem:s11] =	stream.linear.scatter [tilespmem:s20], [sflag:$0x3], $0xA00, $0x38;
	[tilespmem:$0xA200] =	vst v63  }
0x25: {  	_ =	swait.ge [sflag:s18], $0xA00  }
0x26: {  	[sflag:s18] =	ssyncset.done $0x0  }
0x27: {  	[sflag:s18] =	ssyncadd.s32 $0xFFFFF600  }
0x28: {  	[spmem:s12] =	stream.linear.scatter [tilespmem:s20], [sflag:$0x3], $0xA00, $0x38;
	[tilespmem:$0xA200] =	vst v63  }
0x29: {  	_ =	swait.ge [sflag:s18], $0xA00  }
0x2a: {  	[sflag:s18] =	ssyncset.done $0x0  }
0x2b: {  	[sflag:s18] =	ssyncadd.s32 $0xFFFFF600  }
0x2c: {  	[spmem:s13] =	stream.linear.scatter [tilespmem:s20], [sflag:$0x3], $0xA00, $0x38;
	[tilespmem:$0xA200] =	vst v63  }
0x2d: {  	_ =	swait.ge [sflag:s18], $0xA00  }
0x2e: {  	[sflag:s18] =	ssyncset.done $0x0  }
0x2f: {  	[sflag:s18] =	ssyncadd.s32 $0xFFFFF600  }
0x30: {  	[bflag:$0x0] =	sbarrier.arrive $0xFFFF  }
0x31: {  	[tilespmem:s22], [sflag:$0x1] =	stream.indirect.gather [hbm4b:s4+s21], $0x10, s3, s21, $0xb8;
	[tilespmem:$0xA200] =	vst v63  }
0x32: {  	s1 =	simm.s32 $0x100  }
0x33: {  	[tilespmem:s23], [sflag:$0x2] =	stream.indirect.gather [hbm4b:s4+s21], $0x10, s1, s21, $0xb8;
	[tilespmem:$0xA200] =	vst v63  }
0x34: {  	_ =	swait.ge [sflag:s24], $0x1000  }
0x35: {  	[sflag:s24] =	ssyncset.done $0x0  }
0x36: {  	s0 =	simm.s32 $0x2800;
	[sflag:s24] =	ssyncadd.s32 $0xFFFFF000  }
0x37: {  	[spmem:s2] =	stream.indirect.scatter.add.f32 [tilespmem:s22], [sflag:$0x3], $0x10, s0, s21, $0xb8;
	[tilespmem:$0xA200] =	vst v63  }
0x38: {  	_ =	swait.ge [sflag:s18], $0x1000  }
0x39: {  	[sflag:s18] =	ssyncset.done $0x0  }
0x3a: {  	s19 =	simm.s32 $0x200;
	[sflag:s18] =	ssyncadd.s32 $0xFFFFF000  }
0x3b: {  	[tilespmem:s22], [sflag:$0x1] =	stream.indirect.gather [hbm4b:s4+s21], $0x10, s19, s21, $0xb8;
	[tilespmem:$0xA200] =	vst v63  }
0x3c: {  	_ =	swait.ge [sflag:s25], $0x1000  }
0x3d: {  	[sflag:s25] =	ssyncset.done $0x0  }
0x3e: {  	s26 =	simm.s32 $0x2900;
	[sflag:s25] =	ssyncadd.s32 $0xFFFFF000  }
0x3f: {  	[spmem:s2] =	stream.indirect.scatter.add.f32 [tilespmem:s23], [sflag:$0x3], $0x10, s26, s21, $0xb8;
	[tilespmem:$0xA200] =	vst v63  }
0x40: {  	_ =	swait.ge [sflag:s18], $0x1000  }
0x41: {  	s31 =	simm.s32 $0x200;
	s1 =	simm.s32 $0x1000;
	[sflag:s18] =	ssyncset.done $0x0  }
.LBB2_2:
0x42: {  	s0 =	sadd.s32 $0x100, s31  }
0x43: {  	[sflag:s18] =	ssyncadd.s32 $0xFFFFF000;
	s19 =	smov.u32 s1;
	s26 =	sadd.s32 $0x800, s1  }
0x44: {  	[tilespmem:s23], [sflag:$0x2] =	stream.indirect.gather [hbm4b:s4+s21], $0x10, s0, s21, $0xb8;
	[tilespmem:$0xA200] =	vst v63  }
0x45: {  	p0 =	sne.s32 s1, $0x9000;
	_ =	swait.ge [sflag:s24], $0x1000  }
0x46: {  	[sflag:s24] =	ssyncset.done $0x0  }
0x47: {  	s0 =	sadd.s32 $0x2800, s31;
	[sflag:s24] =	ssyncadd.s32 $0xFFFFF000  }
0x48: {  	[spmem:s2] =	stream.indirect.scatter.add.f32 [tilespmem:s22], [sflag:$0x3], $0x10, s0, s21, $0xb8;
	[tilespmem:$0xA200] =	vst v63  }
0x49: {  	_ =	swait.ge [sflag:s18], $0x1000  }
0x4a: {  	[sflag:s18] =	ssyncset.done $0x0  }
0x4b: {  	s0 =	sadd.s32 $0x200, s31;
	[sflag:s18] =	ssyncadd.s32 $0xFFFFF000  }
0x4c: {  	[tilespmem:s22], [sflag:$0x1] =	stream.indirect.gather [hbm4b:s4+s21], $0x10, s0, s21, $0xb8;
	[tilespmem:$0xA200] =	vst v63  }
0x4d: {  	_ =	swait.ge [sflag:s25], $0x1000  }
.Ltmp0:
0x4e: {  	[sflag:s25] =	ssyncset.done $0x0;
	(pc) =	sbr.rel @p0 .LBB2_2-.Ltmp0, $4  }
0x4f: {  	s0 =	sadd.s32 $0x2900, s31;
	[sflag:s25] =	ssyncadd.s32 $0xFFFFF000  }
0x50: {  	[spmem:s2] =	stream.indirect.scatter.add.f32 [tilespmem:s23], [sflag:$0x3], $0x10, s0, s21, $0xb8;
	[tilespmem:$0xA200] =	vst v63  }
0x51: {  	_ =	swait.ge [sflag:s18], $0x1000  }
0x52: {  	s1 =	smov.u32 s26;
	s31 =	sshra.s32 s19, $0x2;
	[sflag:s18] =	ssyncset.done $0x0  }
0x53: {  	s0 =	sadd.s32 $0x100, s31;
	[sflag:s18] =	ssyncadd.s32 $0xFFFFF000  }
0x54: {  	[tilespmem:s23], [sflag:$0x2] =	stream.indirect.gather [hbm4b:s4+s21], $0x10, s0, s21, $0xb8;
	[tilespmem:$0xA200] =	vst v63  }
0x55: {  	_ =	swait.ge [sflag:s24], $0x1000  }
0x56: {  	[sflag:s24] =	ssyncset.done $0x0  }
0x57: {  	s1 =	sadd.s32 $0x2800, s31;
	[sflag:s24] =	ssyncadd.s32 $0xFFFFF000  }
0x58: {  	[spmem:s2] =	stream.indirect.scatter.add.f32 [tilespmem:s22], [sflag:$0x3], $0x10, s1, s21, $0xb8;
	[tilespmem:$0xA200] =	vst v63  }
0x59: {  	_ =	swait.ge [sflag:s18], $0x1000  }
0x5a: {  	[sflag:s18] =	ssyncset.done $0x0  }
0x5b: {  	s19 =	sadd.s32 $0x200, s31;
	[sflag:s18] =	ssyncadd.s32 $0xFFFFF000  }
0x5c: {  	[tilespmem:s22], [sflag:$0x1] =	stream.indirect.gather [hbm4b:s4+s21], $0x10, s19, s21, $0xb8;
	[tilespmem:$0xA200] =	vst v63  }
0x5d: {  	_ =	swait.ge [sflag:s25], $0x1000  }
0x5e: {  	[sflag:s25] =	ssyncset.done $0x0  }
0x5f: {  	s26 =	sadd.s32 $0x2900, s31;
	[sflag:s25] =	ssyncadd.s32 $0xFFFFF000  }
0x60: {  	[spmem:s2] =	stream.indirect.scatter.add.f32 [tilespmem:s23], [sflag:$0x3], $0x10, s26, s21, $0xb8;
	[tilespmem:$0xA200] =	vst v63  }
0x61: {  	_ =	swait.ge [sflag:s18], $0x1000  }
0x62: {  	[sflag:s18] =	ssyncset.done $0x0  }
0x63: {  	s31 =	simm.s32 $0x2700;
	[sflag:s18] =	ssyncadd.s32 $0xFFFFF000  }
0x64: {  	[tilespmem:s23], [sflag:$0x2] =	stream.indirect.gather [hbm4b:s4+s21], $0x10, s31, s21, $0xb8;
	[tilespmem:$0xA200] =	vst v63  }
0x65: {  	_ =	swait.ge [sflag:s24], $0x1000  }
0x66: {  	[sflag:s24] =	ssyncset.done $0x0  }
0x67: {  	[sflag:s24] =	ssyncadd.s32 $0xFFFFF000  }
0x68: {  	[spmem:s2] =	stream.indirect.scatter.add.f32 [tilespmem:s22], [sflag:$0x3], $0x10, s28, s21, $0xb8;
	[tilespmem:$0xA200] =	vst v63  }
0x69: {  	_ =	swait.ge [sflag:s18], $0x1000  }
0x6a: {  	[sflag:s18] =	ssyncset.done $0x0  }
0x6b: {  	[sflag:s18] =	ssyncadd.s32 $0xFFFFF000  }
0x6c: {  	_ =	swait.ge [sflag:s25], $0x1000  }
0x6d: {  	[sflag:s25] =	ssyncset.done $0x0  }
0x6e: {  	[sflag:s25] =	ssyncadd.s32 $0xFFFFF000  }
0x6f: {  	[spmem:s2] =	stream.indirect.scatter.add.f32 [tilespmem:s23], [sflag:$0x3], $0x10, s29, s21, $0xb8;
	[tilespmem:$0xA200] =	vst v63  }
0x70: {  	_ =	swait.ge [sflag:s18], $0x1000  }
0x71: {  	[sflag:s18] =	ssyncset.done $0x0  }
0x72: {  	[sflag:s18] =	ssyncadd.s32 $0xFFFFF000  }
0x73: {  	[bflag:$0x0] =	sbarrier.arrive $0xFFFF  }
0x74: {  	[tilespmem:s20], [sflag:$0x3] =	stream.linear.gather [spmem:s8], $0xA00, $0x38;
	[tilespmem:$0xA200] =	vst v63  }
0x75: {  	_ =	swait.ge [sflag:s18], $0xA00  }
0x76: {  	[sflag:s18] =	ssyncset.done $0x0  }
0x77: {  	[sflag:s18] =	ssyncadd.s32 $0xFFFFF600  }
0x78: {  	[hbm4b:s14+s3] =	stream.linear.scatter [tilespmem:s20], [sflag:$0x3], $0xA00, $0x38;
	[tilespmem:$0xA200] =	vst v63  }
0x79: {  	_ =	swait.ge [sflag:s18], $0xA00  }
0x7a: {  	[sflag:s18] =	ssyncset.done $0x0  }
0x7b: {  	[sflag:s18] =	ssyncadd.s32 $0xFFFFF600  }
0x7c: {  	[tilespmem:s20], [sflag:$0x3] =	stream.linear.gather [spmem:s11], $0xA00, $0x38;
	[tilespmem:$0xA200] =	vst v63  }
0x7d: {  	_ =	swait.ge [sflag:s18], $0xA00  }
0x7e: {  	[sflag:s18] =	ssyncset.done $0x0  }
0x7f: {  	[sflag:s18] =	ssyncadd.s32 $0xFFFFF600  }
0x80: {  	[hbm4b:s15+s3] =	stream.linear.scatter [tilespmem:s20], [sflag:$0x3], $0xA00, $0x38;
	[tilespmem:$0xA200] =	vst v63  }
0x81: {  	_ =	swait.ge [sflag:s18], $0xA00  }
0x82: {  	[sflag:s18] =	ssyncset.done $0x0  }
0x83: {  	[sflag:s18] =	ssyncadd.s32 $0xFFFFF600  }
0x84: {  	[tilespmem:s20], [sflag:$0x3] =	stream.linear.gather [spmem:s12], $0xA00, $0x38;
	[tilespmem:$0xA200] =	vst v63  }
0x85: {  	_ =	swait.ge [sflag:s18], $0xA00  }
0x86: {  	[sflag:s18] =	ssyncset.done $0x0  }
0x87: {  	[sflag:s18] =	ssyncadd.s32 $0xFFFFF600  }
0x88: {  	[hbm4b:s16+s3] =	stream.linear.scatter [tilespmem:s20], [sflag:$0x3], $0xA00, $0x38;
	[tilespmem:$0xA200] =	vst v63  }
0x89: {  	_ =	swait.ge [sflag:s18], $0xA00  }
0x8a: {  	[sflag:s18] =	ssyncset.done $0x0  }
0x8b: {  	[sflag:s18] =	ssyncadd.s32 $0xFFFFF600  }
0x8c: {  	[tilespmem:s20], [sflag:$0x3] =	stream.linear.gather [spmem:s13], $0xA00, $0x38;
	[tilespmem:$0xA200] =	vst v63  }
0x8d: {  	s30 =	sadd.s32 $0x1, s30;
	_ =	swait.ge [sflag:s18], $0xA00  }
0x8e: {  	p0 =	sne.s32 s30, s9;
	[sflag:s18] =	ssyncset.done $0x0  }
.Ltmp1:
0x8f: {  	[sflag:s18] =	ssyncadd.s32 $0xFFFFF600;
	(pc) =	sbr.rel @p0 .LBB2_1-.Ltmp1, $4  }
0x90: {  	[hbm4b:s17+s3] =	stream.linear.scatter [tilespmem:s20], [sflag:$0x3], $0xA00, $0x38;
	[tilespmem:$0xA200] =	vst v63  }
0x91: {  	_ =	swait.ge [sflag:s18], $0xA00  }
0x92: {  	[sflag:s18] =	ssyncset.done $0x0  }
0x93: {  	[sflag:s18] =	ssyncadd.s32 $0xFFFFF600  }
0x94: {  	_ =	sfence.sel $0x180000  }
0x95: {  	[bflag:$0x0] =	sbarrier.arrive $0xFFFF  }
0x96: {  	_ =	strace $0x90000059  }
0x97: {  	s0 =	stileid.u32;
	[bflag:$0x2] =	sbarrier.arrive $0xFFFF  }
0x98: {  	p0 =	sne.s32 s0, $0x0;
	s0 =	rddreg [dreg:$0x2]  }
0x99: {  	s0 =	sadd.s32 @!p0 $0x100000, s0  }
0x9a: {  	[sflag:s0] =	ssyncadd.tile.s32 @!p0 $0x1;
	_ =	shalt  }
.Lfunc_end2:
_tile_overlayer_lowered:
.L_overlay_start_2:
0x9b: {  	(tag) =	ssettag $0x2  }
0x9c: {  	s0 =	rddreg [dreg:$0x0];
	s2 =	stileid.u32  }
0x9d: {  	s1 =	rddreg [dreg:$0x1];
	p0 =	sne.s32 s2, $0x0  }
0x9e: {  	s3 =	rddreg [dreg:$0x2];
	[bflag:$0x3] =	sbarrier.arrive $0xFFFF;
	s2 =	simm.s32 @!p0 $0x1C03  }
0x9f: {  	[timem:s3], [sflag:s2] =	dma.local @!p0 [hbm:s0], s1  }
0xa0: {  	s0 =	simm.s32 @!p0 $0x3  }
0xa1: {  	_ =	swait.ge @!p0 [sflag:s0], s1  }
0xa2: {  	s1 =	ssub.s32 @!p0 $0x0, s1;
	[sflag:s0] =	ssyncset.done @!p0 $0x0  }
0xa3: {  	[sflag:s0] =	ssyncadd.s32 @!p0 s1  }
0xa4: {  	[bflag:$0x3] =	sbarrier.arrive $0xFFFF  }
0xa5: {  	_ =	shalt  }

</sc_bundles>
